<compile_context>
chip_gen: v7x
topology: tpu7x:2x2x1
jax: 0.10.2.dev20260603
libtpu: 0.0.44.dev20260713+nightly
codegen_flags: <defaults>
</compile_context>

<pallas_src>
import functools

import jax
import jax.numpy as jnp
from jax import lax
from jax.experimental import pallas as pl
from jax.experimental.pallas import tpu as pltpu
from jax.experimental.pallas import tpu_sc as plsc

N = 10000
E = 320000
R = 16
B = 4096

NC = 2
NS = 16
LN = 16
NPS = N // NS
K = 80

_MESH = plsc.VectorSubcoreMesh(
    core_axis_name="c", subcore_axis_name="s", num_cores=NC, num_subcores=NS)
_SC_PARAMS = pltpu.CompilerParams(use_tc_tiling_on_sc=False,
                                  needs_layout_passes=False)

_ZERO16 = functools.partial(jnp.zeros, (LN,), jnp.float32)


def _zero_accum(zbuf, accum, sid):
    def zb(i, _):
        for j in range(8):
            zbuf[i, pl.ds(j * LN, LN)] = _ZERO16()
        return _
    lax.fori_loop(0, K, zb, None)
    for t in range(NPS // K):
        pltpu.sync_copy(zbuf, accum.at[pl.ds(sid * NPS + t * K, K)])
    rem = NPS % K
    if rem:
        pltpu.sync_copy(zbuf.at[pl.ds(0, rem)],
                        accum.at[pl.ds(sid * NPS + (NPS // K) * K, rem)])


_NIX = 5


def _cnt_body(dst_hbm, et_hbm, out0_hbm, out1_hbm, dv, ev,
              ix0, ix1, ix2, ix3, ix4, ones, zbuf, accum,
              sem0, sem1, sem2, sem3, sem4):
    cid = lax.axis_index("c")
    sid = lax.axis_index("s")
    sps = (N * R) // NS
    ixs = (ix0, ix1, ix2, ix3, ix4)
    sems = (sem0, sem1, sem2, sem3, sem4)

    def zb(i, _):
        zbuf[pl.ds(i * LN, LN)] = _ZERO16()
        return _
    lax.fori_loop(0, sps // LN, zb, None)
    pltpu.sync_copy(zbuf, accum.at[pl.ds(sid * sps, sps)])
    for z in range(K // LN):
        ones[pl.ds(z * LN, LN)] = jnp.ones((LN,), jnp.float32)

    epw = E // (NC * NS)
    wid = cid * NS + sid
    nblk = epw // K
    pltpu.sync_copy(dst_hbm.at[pl.ds(wid * epw, epw)], dv)
    pltpu.sync_copy(et_hbm.at[pl.ds(wid * epw, epw)], ev)
    plsc.subcore_barrier()

    def fire(b, i):
        for z in range(K // LN):
            sl = pl.ds(z * LN, LN)
            dsl = pl.ds(b * K + z * LN, LN)
            ixs[i][sl] = dv[dsl] * R + ev[dsl]
        pltpu.make_async_copy(ones, accum.at[ixs[i]], sems[i]).start(add=True)

    def drain(i):
        pltpu.make_async_copy(ones, accum.at[ixs[i]], sems[i]).wait()

    for i in range(_NIX):
        fire(i, i)

    def grp(g, _):
        b = _NIX * g
        for i in range(_NIX):
            drain(i)
            fire(b + i, i)
        return _
    lax.fori_loop(1, nblk // _NIX, grp, None)
    for i in range(_NIX):
        drain(i)

    plsc.subcore_barrier()

    @pl.when(cid == 0)
    def _():
        pltpu.sync_copy(accum.at[pl.ds(sid * sps, sps)],
                        out0_hbm.at[pl.ds(sid * sps, sps)])

    @pl.when(cid == 1)
    def _():
        pltpu.sync_copy(accum.at[pl.ds(sid * sps, sps)],
                        out1_hbm.at[pl.ds(sid * sps, sps)])


def _count_edges(dst, et):
    epw = E // (NC * NS)
    k = pl.kernel(
        _cnt_body,
        out_type=(jax.ShapeDtypeStruct((N * R,), jnp.float32),
                  jax.ShapeDtypeStruct((N * R,), jnp.float32)),
        mesh=_MESH,
        compiler_params=_SC_PARAMS,
        scratch_types=(
            [pltpu.VMEM((epw,), jnp.int32)] * 2
            + [pltpu.VMEM((K,), jnp.int32)] * _NIX
            + [pltpu.VMEM((K,), jnp.float32),
               pltpu.VMEM(((N * R) // NS,), jnp.float32),
               pltpu.VMEM_SHARED((N * R,), jnp.float32)]
            + [pltpu.SemaphoreType.DMA] * _NIX
        ),
    )
    return k(dst, et)


def _inv_kernel(c0_ref, c1_ref, o_ref):
    o_ref[...] = 1.0 / jnp.maximum(c0_ref[...] + c1_ref[...], 1.0)


def _inv_flat(cnt0, cnt1):
    shp = jax.ShapeDtypeStruct((N * R // 128, 128), jnp.float32)
    return pl.pallas_call(_inv_kernel, out_shape=shp)(
        cnt0.reshape(N * R // 128, 128), cnt1.reshape(N * R // 128, 128))


EPS = E // NS
NBLK = EPS // K


def _agg_body(y_hbm, src_hbm, dst_hbm, et_hbm, inv_hbm, out_hbm,
              sv0, sv1, dv0, dv1, ev0, ev1, gx0, gx1, ix0, ix1, ds0, ds1,
              iscl0, iscl1, rows0, rows1, accum,
              semx0, semx1, semr0, semr1, semi0, semi1, sems0, sems1):
    cid = lax.axis_index("c")
    sid = lax.axis_index("s")
    bufs = ((sv0, dv0, ev0, gx0, ix0, ds0, iscl0, rows0,
             semx0, semr0, semi0, sems0),
            (sv1, dv1, ev1, gx1, ix1, ds1, iscl1, rows1,
             semx1, semr1, semi1, sems1))
    base = sid * EPS
    _zero_accum(rows0, accum, sid)
    plsc.subcore_barrier()

    def idx_copies(b, buf):
        svb, dvb, evb = buf[0], buf[1], buf[2]
        semx = buf[8]
        off = base + b * K
        return (pltpu.make_async_copy(src_hbm.at[pl.ds(off, K)], svb, semx),
                pltpu.make_async_copy(dst_hbm.at[pl.ds(off, K)], dvb, semx),
                pltpu.make_async_copy(et_hbm.at[pl.ds(off, K)], evb, semx))

    def fire_idx(b, buf):
        for cp in idx_copies(b, buf):
            cp.start()

    def scat_copy(buf):
        dsb, rowsb, sems = buf[5], buf[7], buf[11]
        return pltpu.make_async_copy(rowsb, accum.at[dsb], sems)

    def fire_gather(b, buf):
        svb, dvb, evb, gxb, ixb, dsb, isclb, rowsb = buf[:8]
        semr, semi = buf[9], buf[10]
        for cp in idx_copies(b, buf):
            cp.wait()

        @pl.when(b >= 2)
        def _():
            scat_copy(buf).wait()
        for z in range(K // LN):
            sl = pl.ds(z * LN, LN)
            s16 = svb[sl]
            e16 = evb[sl]
            d16 = dvb[sl]
            gxb[sl] = (e16 * 2 + cid) * N + s16
            ixb[sl] = d16 * R + e16
            dsb[sl] = d16
        pltpu.make_async_copy(y_hbm.at[gxb], rowsb, semr).start()
        pltpu.make_async_copy(inv_hbm.at[ixb], isclb, semi).start()

    def finish(b, buf):
        gxb, ixb, dsb, isclb, rowsb = buf[3:8]
        semr, semi = buf[9], buf[10]
        pltpu.make_async_copy(y_hbm.at[gxb], rowsb, semr).wait()
        pltpu.make_async_copy(inv_hbm.at[ixb], isclb, semi).wait()

        def scale(g, _):
            eb = g * LN
            for eo in range(LN):
                e = eb + eo
                sp = plsc.load_gather(isclb, [jnp.broadcast_to(e, (LN,))])
                for j in range(8):
                    sl = pl.ds(j * LN, LN)
                    rowsb[e, sl] = rowsb[e, sl] * sp
            return _
        scat_copy(buf).start(add=True)

    fire_idx(0, bufs[0])
    fire_idx(1, bufs[1])
    fire_gather(0, bufs[0])

    def pair(g, _):
        b = 2 * g
        for i in range(2):
            bi = b + i
            nxt = bufs[(i + 1) % 2]

            @pl.when(bi + 1 < NBLK)
            def _():
                fire_gather(bi + 1, nxt)
            finish(bi, bufs[i])

            @pl.when(bi + 2 < NBLK)
            def _():
                fire_idx(bi + 2, bufs[i])
        return _
    lax.fori_loop(0, NBLK // 2, pair, None)

    for i in range(2):
        scat_copy(bufs[i]).wait()
    plsc.subcore_barrier()
    pltpu.sync_copy(accum.at[pl.ds(sid * NPS, NPS)],
                    out_hbm.at[cid, pl.ds(sid * NPS, NPS), :])


def _aggregate(y2d, src, dst, et, invf):
    k = pl.kernel(
        _agg_body,
        out_type=jax.ShapeDtypeStruct((NC, N, 128), jnp.float32),
        mesh=_MESH,
        compiler_params=_SC_PARAMS,
        scratch_types=(
            [pltpu.VMEM((K,), jnp.int32)] * 12
            + [pltpu.VMEM((K,), jnp.float32)] * 2
            + [pltpu.VMEM((K, 128), jnp.float32)] * 2
            + [pltpu.VMEM_SHARED((N, 128), jnp.float32)]
            + [pltpu.SemaphoreType.DMA] * 8
        ),
    )
    return k(y2d, src, dst, et, invf)


def _mm_kernel(x_ref, w_ref, o_ref):
    r = jnp.dot(x_ref[...], w_ref[...], preferred_element_type=jnp.float32)
    for c in range(o_ref.shape[0]):
        o_ref[c] = r[:, c * 128:(c + 1) * 128]


def _matmul(x, w):
    n, d = x.shape
    m = w.shape[1]
    g = m // 128
    BN = 1000
    return pl.pallas_call(
        _mm_kernel,
        grid=(n // BN,),
        in_specs=[pl.BlockSpec((BN, d), lambda i: (i, 0)),
                  pl.BlockSpec((d, m), lambda i: (0, 0))],
        out_specs=pl.BlockSpec((g, BN, 128), lambda i: (0, i, 0)),
        out_shape=jax.ShapeDtypeStruct((g, n, 128), jnp.float32),
    )(x, w)


def _fin_kernel(a_ref, x_ref, w_ref, b_ref, o_ref, *, res):
    a = jnp.concatenate([a_ref[0], a_ref[1]], axis=-1)
    h = jax.nn.relu(a + jnp.dot(x_ref[...], w_ref[...],
                                preferred_element_type=jnp.float32) + b_ref[...])
    if res:
        h = h + x_ref[...]
    o_ref[...] = h


def _finish(a2, x, w_self, bias, res):
    d = x.shape[1]
    BN = 1000
    return pl.pallas_call(
        functools.partial(_fin_kernel, res=res),
        grid=(N // BN,),
        in_specs=[pl.BlockSpec((NC, BN, 128), lambda i: (0, i, 0)),
                  pl.BlockSpec((BN, d), lambda i: (i, 0)),
                  pl.BlockSpec((d, 256), lambda i: (0, 0)),
                  pl.BlockSpec((1, 256), lambda i: (0, 0))],
        out_specs=pl.BlockSpec((BN, 256), lambda i: (i, 0)),
        out_shape=jax.ShapeDtypeStruct((N, 256), jnp.float32),
    )(a2, x, w_self, bias)


def _gath_body(emb_hbm, ctab_hbm, i1_hbm, i2_hbm, i3_hbm,
               d1a_hbm, d1b_hbm, d2a_hbm, d2b_hbm, cc_hbm,
               iv, gx, r1, sem1):
    cid = lax.axis_index("c")
    sid = lax.axis_index("s")
    wid = cid * NS + sid
    q = B // (NC * NS)
    base = wid * q

    def emb_gather(idx_hbm, half, out_hbm):
        pltpu.sync_copy(idx_hbm.at[pl.ds(base, q)], iv)
        for z in range(q // LN):
            sl = pl.ds(z * LN, LN)
            gx[sl] = iv[sl] * 2 + half
        pltpu.async_copy(emb_hbm.at[gx], r1, sem1).wait()
        pltpu.sync_copy(r1, out_hbm.at[pl.ds(base, q)])

    emb_gather(i1_hbm, 0, d1a_hbm)
    emb_gather(i1_hbm, 1, d1b_hbm)
    emb_gather(i2_hbm, 0, d2a_hbm)
    emb_gather(i2_hbm, 1, d2b_hbm)
    pltpu.sync_copy(i3_hbm.at[pl.ds(base, q)], iv)
    pltpu.async_copy(ctab_hbm.at[iv], r1, sem1).wait()
    pltpu.sync_copy(r1, cc_hbm.at[pl.ds(base, q)])


def _head_gather(emb2, ctab, i1, i2, i3):
    q = B // (NC * NS)
    out = jax.ShapeDtypeStruct((B, 128), jnp.float32)
    k = pl.kernel(
        _gath_body,
        out_type=(out,) * 5,
        mesh=_MESH,
        compiler_params=_SC_PARAMS,
        scratch_types=[
            pltpu.VMEM((q,), jnp.int32),
            pltpu.VMEM((q,), jnp.int32),
            pltpu.VMEM((q, 128), jnp.float32),
            pltpu.SemaphoreType.DMA,
        ],
    )
    return k(emb2, ctab, i1, i2, i3)


def _head_kernel(d1a_ref, d1b_ref, d2a_ref, d2b_ref, cc_ref,
                 wa1_ref, wa2_ref, wb1_ref, wb2_ref, wc_ref, b1_ref,
                 w2_ref, b2_ref, o_ref):
    dot = functools.partial(jnp.dot, preferred_element_type=jnp.float32)
    hid = jax.nn.relu(
        dot(d1a_ref[...], wa1_ref[...]) + dot(d1b_ref[...], wa2_ref[...])
        + dot(d2a_ref[...], wb1_ref[...]) + dot(d2b_ref[...], wb2_ref[...])
        + dot(cc_ref[...], wc_ref[...]) + b1_ref[...])
    o_ref[...] = jnp.sum(hid * w2_ref[...], axis=1, keepdims=True) + b2_ref[...]


def _head(d1a, d1b, d2a, d2b, cc, wm1, bm1, wm2, bm2):
    wc = jnp.pad(wm1[512:], ((0, 64), (0, 0)))
    return pl.pallas_call(
        _head_kernel,
        out_shape=jax.ShapeDtypeStruct((B, 1), jnp.float32),
    )(d1a, d1b, d2a, d2b, cc, wm1[:128], wm1[128:256], wm1[256:384],
      wm1[384:512], wc, bm1.reshape(1, 512), wm2.reshape(1, 512),
      bm2.reshape(1, 1))


def kernel(inputs, node_feature, edge_index, edge_type, W_rel1, W_self1, br1,
           W_rel2, W_self2, br2, ctx_table, Wm1, bm1, Wm2, bm2):
    src = edge_index[0]
    dst = edge_index[1]
    et = edge_type

    cnt0, cnt1 = _count_edges(dst, et)
    invf = _inv_flat(cnt0, cnt1).reshape(N * R)

    Wt1 = W_rel1.reshape(R, 128, 256).transpose(1, 0, 2).reshape(128, R * 256)
    y1 = _matmul(node_feature, Wt1)
    a1 = _aggregate(y1.reshape(N * R * 2, 128), src, dst, et, invf)
    h1 = _finish(a1, node_feature, W_self1, br1.reshape(1, 256), res=False)

    Wt2 = W_rel2.reshape(R, 256, 256).transpose(1, 0, 2).reshape(256, R * 256)
    y2 = _matmul(h1, Wt2)
    a2 = _aggregate(y2.reshape(N * R * 2, 128), src, dst, et, invf)
    h2 = _finish(a2, h1, W_self2, br2.reshape(1, 256), res=True)

    ctab = jnp.pad(ctx_table, ((0, 0), (0, 64)))
    d1a, d1b, d2a, d2b, cc = _head_gather(
        h2.reshape(2 * N, 128), ctab,
        inputs[:, 0], inputs[:, 1], inputs[:, 2])
    out = _head(d1a, d1b, d2a, d2b, cc, Wm1, bm1, Wm2, bm2)
    return out.reshape(B)

# --- scband reference (transcript-rebuilt; emitter-appended) ---
"""Pipeline reference for scband-gnn-4123168604940 (READ-ONLY COPY).

The authoritative reference and input builder live on the scoring server;
editing this copy changes nothing except your own understanding.
"""

import jax, jax.numpy as jnp
import numpy as np

N = 10000
E = 320000
R = 16
D_IN = 128
H1 = 256
H2 = 256
N_CTX = 128
CTX_DIM = 64
MLP_HID = 512
B = 4096


def rgcn_layer(x, src, dst, edge_type, W_rel, W_self, b):
    # torchdrug-style RelationalGraphConv: mean-aggregate messages per (dst, relation)
    msg = x[src]                                    # gather  [E, d_in]
    seg = dst * R + edge_type                       # segment id per (dst, relation)
    agg = jax.ops.segment_sum(msg, seg, num_segments=N * R)
    cnt = jax.ops.segment_sum(jnp.ones((msg.shape[0], 1), x.dtype), seg, num_segments=N * R)
    agg = agg / jnp.maximum(cnt, 1.0)               # mean aggregation
    agg = agg.reshape(N, R * x.shape[1])            # [N, R*d_in]
    return jax.nn.relu(agg @ W_rel + x @ W_self + b)


def setup_inputs(seed: int = 0) -> dict:
    key = jax.random.key(seed)
    ks = jax.random.split(key, 20)
    drug1 = jax.random.randint(ks[0], (B,), 0, N, dtype=jnp.int32)
    drug2 = jax.random.randint(ks[1], (B,), 0, N, dtype=jnp.int32)
    ctx = jax.random.randint(ks[2], (B,), 0, N_CTX, dtype=jnp.int32)
    inputs = jnp.stack([drug1, drug2, ctx], axis=1)
    node_feature = jax.random.normal(ks[3], (N, D_IN), dtype=jnp.float32)
    edge_index = jax.random.randint(ks[4], (2, E), 0, N, dtype=jnp.int32)
    edge_type = jax.random.randint(ks[5], (E,), 0, R, dtype=jnp.int32)
    params = {
        "W_rel1": jax.random.normal(ks[6], (R * D_IN, H1), dtype=jnp.float32) * (1.0 / np.sqrt(R * D_IN)),
        "W_self1": jax.random.normal(ks[7], (D_IN, H1), dtype=jnp.float32) * (1.0 / np.sqrt(D_IN)),
        "br1": jnp.zeros((H1,), jnp.float32),
        "W_rel2": jax.random.normal(ks[8], (R * H1, H2), dtype=jnp.float32) * (1.0 / np.sqrt(R * H1)),
        "W_self2": jax.random.normal(ks[9], (H1, H2), dtype=jnp.float32) * (1.0 / np.sqrt(H1)),
        "br2": jnp.zeros((H2,), jnp.float32),
        "ctx_table": jax.random.normal(ks[10], (N_CTX, CTX_DIM), dtype=jnp.float32) * 0.02,
        "Wm1": jax.random.normal(ks[11], (2 * H2 + CTX_DIM, MLP_HID), dtype=jnp.float32) * (1.0 / np.sqrt(2 * H2 + CTX_DIM)),
        "bm1": jnp.zeros((MLP_HID,), jnp.float32),
        "Wm2": jax.random.normal(ks[12], (MLP_HID, 1), dtype=jnp.float32) * (1.0 / np.sqrt(MLP_HID)),
        "bm2": jnp.zeros((1,), jnp.float32),
    }
    return {"inputs": inputs, "node_feature": node_feature, "edge_index": edge_index, "edge_type": edge_type, **params}


def reference(inputs, node_feature, edge_index, edge_type, W_rel1, W_self1, br1, W_rel2, W_self2, br2, ctx_table, Wm1, bm1, Wm2, bm2):
    src, dst = edge_index[0], edge_index[1]
    # encode(): two RGCN layers, short_cut residual when shapes match
    h1 = rgcn_layer(node_feature, src, dst, edge_type, W_rel1, W_self1, br1)
    h2 = rgcn_layer(h1, src, dst, edge_type, W_rel2, W_self2, br2)
    h2 = h2 + h1  # short_cut=True, shapes match for layer 2
    node_emb = h2  # concat_hidden=False -> last hidden
    # forward(): split inputs into drug1/drug2/context ids, gather embeddings
    d1 = node_emb[inputs[:, 0]]
    d2 = node_emb[inputs[:, 1]]
    c = ctx_table[inputs[:, 2]]
    # MLP prediction head over (d1, d2, context embedding)
    feat = jnp.concatenate([d1, d2, c], axis=-1)
    hid = jax.nn.relu(feat @ Wm1 + bm1)
    out = (hid @ Wm2 + bm2).squeeze(-1)
    return out

if __name__ == "__main__":
    import jax
    _d = setup_inputs()
    print(jax.jit(kernel)(*tuple(_d.values())))

</pallas_src>

<mosaic_0001>
#map = affine_map<(d0, d1) -> (0)>
module attributes {stable_mosaic.version = 14 : i64} {
  func.func @_cnt_body(%arg0: i32, %arg1: i32, %arg2: memref<320000xi32, #tpu.memory_space<hbm>>, %arg3: memref<320000xi32, #tpu.memory_space<hbm>>, %arg4: memref<160000xf32, #tpu.memory_space<hbm>>, %arg5: memref<160000xf32, #tpu.memory_space<hbm>>, %arg6: memref<10000xi32, #tpu.memory_space<vmem>>, %arg7: memref<10000xi32, #tpu.memory_space<vmem>>, %arg8: memref<80xi32, #tpu.memory_space<vmem>>, %arg9: memref<80xi32, #tpu.memory_space<vmem>>, %arg10: memref<80xi32, #tpu.memory_space<vmem>>, %arg11: memref<80xi32, #tpu.memory_space<vmem>>, %arg12: memref<80xi32, #tpu.memory_space<vmem>>, %arg13: memref<80xf32, #tpu.memory_space<vmem>>, %arg14: memref<10000xf32, #tpu.memory_space<vmem>>, %arg15: memref<160000xf32, #tpu.memory_space<vmem_shared>>, %arg16: memref<!tpu.dma_semaphore, #tpu.memory_space<semaphore_mem>>, %arg17: memref<!tpu.dma_semaphore, #tpu.memory_space<semaphore_mem>>, %arg18: memref<!tpu.dma_semaphore, #tpu.memory_space<semaphore_mem>>, %arg19: memref<!tpu.dma_semaphore, #tpu.memory_space<semaphore_mem>>, %arg20: memref<!tpu.dma_semaphore, #tpu.memory_space<semaphore_mem>>) attributes {dimension_semantics = [#tpu.dimension_semantics<core_parallel>, #tpu.dimension_semantics<subcore_parallel>], iteration_bounds = array<i64: 2, 16>, scalar_prefetch = 0 : i64, scratch_operands = 15 : i64, tpu.core_type = #tpu.core_type<sc_vector_subcore>, window_params = [{transform_indices = #map}, {transform_indices = #map}, {transform_indices = #map}, {transform_indices = #map}]} {
    %scan3A = arith.constant 0 : i32
    %scan3A_0 = arith.constant 625 : i32
    %scan3A_1 = arith.addi %scan3A, %scan3A_0 : i32
    %scan3A_2 = arith.constant 1 : i32
    scf.for %scan3A_309 = %scan3A to %scan3A_1 step %scan3A_2  : i32 {
      %broadcast_in_dim3A_310 = arith.constant 0.000000e+00 : f32
      %broadcast_in_dim3A_311 = vector.broadcast %broadcast_in_dim3A_310 : f32 to vector<16xf32>
      %mul3A_312 = arith.constant 16 : i32
      %mul3A_313 = arith.muli %scan3A_309, %mul3A_312 : i32
      %swap3A_314 = arith.index_cast %mul3A_313 : i32 to index
      %swap3A_315 = tpu.vector_load %arg14[%swap3A_314] {strides = array<i32>} : memref<10000xf32, #tpu.memory_space<vmem>>, vector<16xf32>,
      tpu.vector_store %arg14[%swap3A_314], %broadcast_in_dim3A_311 {strides = array<i32>} : memref<10000xf32, #tpu.memory_space<vmem>>, vector<16xf32>,
    }
    %scan3A_3 = arith.constant 625 : i32
    %mul3A = arith.constant 10000 : i32
    %mul3A_4 = arith.muli %arg1, %mul3A : i32
    "tpu.region"() ({
      %run_scoped3A = tpu.sem_alloc : memref<!tpu.dma_semaphore, #tpu.memory_space<semaphore_mem>>
      %dma_start3A_309 = tpu.memref_slice %arg15[%mul3A_4] : memref<160000xf32, #tpu.memory_space<vmem_shared>> -> memref<10000xf32, #tpu.memory_space<vmem_shared>>
      %dma_start3A_310 = tpu.memref_slice %arg15[%mul3A_4] : memref<160000xf32, #tpu.memory_space<vmem_shared>> -> memref<10000xf32, #tpu.memory_space<vmem_shared>>
      tpu.enqueue_dma source(%arg14 : memref<10000xf32, #tpu.memory_space<vmem>>) target(%dma_start3A_310 : memref<10000xf32, #tpu.memory_space<vmem_shared>>) target_semaphore(%run_scoped3A : memref<!tpu.dma_semaphore, #tpu.memory_space<semaphore_mem>>)
      %dma_wait3A_311 = tpu.memref_slice %arg15[%mul3A_4] : memref<160000xf32, #tpu.memory_space<vmem_shared>> -> memref<10000xf32, #tpu.memory_space<vmem_shared>>
      %dma_wait3A_312 = tpu.memref_slice %arg15[%mul3A_4] : memref<160000xf32, #tpu.memory_space<vmem_shared>> -> memref<10000xf32, #tpu.memory_space<vmem_shared>>
      tpu.wait_dma2 semaphore(%run_scoped3A : memref<!tpu.dma_semaphore, #tpu.memory_space<semaphore_mem>>) src(%arg14 : memref<10000xf32, #tpu.memory_space<vmem>>) dst(%dma_wait3A_312 : memref<10000xf32, #tpu.memory_space<vmem_shared>>)
      tpu.yield
    }) : () -> ()
    %broadcast_in_dim3A = arith.constant 1.000000e+00 : f32
    %broadcast_in_dim3A_5 = vector.broadcast %broadcast_in_dim3A : f32 to vector<16xf32>
    %swap3A = arith.constant 0 : index
    %swap3A_6 = tpu.vector_load %arg13[%swap3A] {strides = array<i32>} : memref<80xf32, #tpu.memory_space<vmem>>, vector<16xf32>,
    tpu.vector_store %arg13[%swap3A], %broadcast_in_dim3A_5 {strides = array<i32>} : memref<80xf32, #tpu.memory_space<vmem>>, vector<16xf32>,
    %broadcast_in_dim3A_7 = arith.constant 1.000000e+00 : f32
    %broadcast_in_dim3A_8 = vector.broadcast %broadcast_in_dim3A_7 : f32 to vector<16xf32>
    %swap3A_9 = arith.constant 16 : index
    %swap3A_10 = tpu.vector_load %arg13[%swap3A_9] {strides = array<i32>} : memref<80xf32, #tpu.memory_space<vmem>>, vector<16xf32>,
    tpu.vector_store %arg13[%swap3A_9], %broadcast_in_dim3A_8 {strides = array<i32>} : memref<80xf32, #tpu.memory_space<vmem>>, vector<16xf32>,
    %broadcast_in_dim3A_11 = arith.constant 1.000000e+00 : f32
    %broadcast_in_dim3A_12 = vector.broadcast %broadcast_in_dim3A_11 : f32 to vector<16xf32>
    %swap3A_13 = arith.constant 32 : index
    %swap3A_14 = tpu.vector_load %arg13[%swap3A_13] {strides = array<i32>} : memref<80xf32, #tpu.memory_space<vmem>>, vector<16xf32>,
    tpu.vector_store %arg13[%swap3A_13], %broadcast_in_dim3A_12 {strides = array<i32>} : memref<80xf32, #tpu.memory_space<vmem>>, vector<16xf32>,
    %broadcast_in_dim3A_15 = arith.constant 1.000000e+00 : f32
    %broadcast_in_dim3A_16 = vector.broadcast %broadcast_in_dim3A_15 : f32 to vector<16xf32>
    %swap3A_17 = arith.constant 48 : index
    %swap3A_18 = tpu.vector_load %arg13[%swap3A_17] {strides = array<i32>} : memref<80xf32, #tpu.memory_space<vmem>>, vector<16xf32>,
    tpu.vector_store %arg13[%swap3A_17], %broadcast_in_dim3A_16 {strides = array<i32>} : memref<80xf32, #tpu.memory_space<vmem>>, vector<16xf32>,
    %broadcast_in_dim3A_19 = arith.constant 1.000000e+00 : f32
    %broadcast_in_dim3A_20 = vector.broadcast %broadcast_in_dim3A_19 : f32 to vector<16xf32>
    %swap3A_21 = arith.constant 64 : index
    %swap3A_22 = tpu.vector_load %arg13[%swap3A_21] {strides = array<i32>} : memref<80xf32, #tpu.memory_space<vmem>>, vector<16xf32>,
    tpu.vector_store %arg13[%swap3A_21], %broadcast_in_dim3A_20 {strides = array<i32>} : memref<80xf32, #tpu.memory_space<vmem>>, vector<16xf32>,
    %mul3A_23 = arith.constant 16 : i32
    %mul3A_24 = arith.muli %arg0, %mul3A_23 : i32
    %add3A = arith.addi %mul3A_24, %arg1 : i32
    %mul3A_25 = arith.constant 10000 : i32
    %mul3A_26 = arith.muli %add3A, %mul3A_25 : i32
    "tpu.region"() ({
      %run_scoped3A = tpu.sem_alloc : memref<!tpu.dma_semaphore, #tpu.memory_space<semaphore_mem>>
      %dma_start3A_309 = tpu.memref_slice %arg2[%mul3A_26] : memref<320000xi32, #tpu.memory_space<hbm>> -> memref<10000xi32, #tpu.memory_space<hbm>>
      %dma_start3A_310 = tpu.memref_slice %arg2[%mul3A_26] : memref<320000xi32, #tpu.memory_space<hbm>> -> memref<10000xi32, #tpu.memory_space<hbm>>
      tpu.enqueue_dma source(%dma_start3A_310 : memref<10000xi32, #tpu.memory_space<hbm>>) target(%arg6 : memref<10000xi32, #tpu.memory_space<vmem>>) target_semaphore(%run_scoped3A : memref<!tpu.dma_semaphore, #tpu.memory_space<semaphore_mem>>)
      %dma_wait3A_311 = tpu.memref_slice %arg2[%mul3A_26] : memref<320000xi32, #tpu.memory_space<hbm>> -> memref<10000xi32, #tpu.memory_space<hbm>>
      %dma_wait3A_312 = tpu.memref_slice %arg2[%mul3A_26] : memref<320000xi32, #tpu.memory_space<hbm>> -> memref<10000xi32, #tpu.memory_space<hbm>>
      tpu.wait_dma2 semaphore(%run_scoped3A : memref<!tpu.dma_semaphore, #tpu.memory_space<semaphore_mem>>) src(%dma_wait3A_312 : memref<10000xi32, #tpu.memory_space<hbm>>) dst(%arg6 : memref<10000xi32, #tpu.memory_space<vmem>>)
      tpu.yield
    }) : () -> ()
    %mul3A_27 = arith.constant 10000 : i32
    %mul3A_28 = arith.muli %add3A, %mul3A_27 : i32
    "tpu.region"() ({
      %run_scoped3A = tpu.sem_alloc : memref<!tpu.dma_semaphore, #tpu.memory_space<semaphore_mem>>
      %dma_start3A_309 = tpu.memref_slice %arg3[%mul3A_28] : memref<320000xi32, #tpu.memory_space<hbm>> -> memref<10000xi32, #tpu.memory_space<hbm>>
      %dma_start3A_310 = tpu.memref_slice %arg3[%mul3A_28] : memref<320000xi32, #tpu.memory_space<hbm>> -> memref<10000xi32, #tpu.memory_space<hbm>>
      tpu.enqueue_dma source(%dma_start3A_310 : memref<10000xi32, #tpu.memory_space<hbm>>) target(%arg7 : memref<10000xi32, #tpu.memory_space<vmem>>) target_semaphore(%run_scoped3A : memref<!tpu.dma_semaphore, #tpu.memory_space<semaphore_mem>>)
      %dma_wait3A_311 = tpu.memref_slice %arg3[%mul3A_28] : memref<320000xi32, #tpu.memory_space<hbm>> -> memref<10000xi32, #tpu.memory_space<hbm>>
      %dma_wait3A_312 = tpu.memref_slice %arg3[%mul3A_28] : memref<320000xi32, #tpu.memory_space<hbm>> -> memref<10000xi32, #tpu.memory_space<hbm>>
      tpu.wait_dma2 semaphore(%run_scoped3A : memref<!tpu.dma_semaphore, #tpu.memory_space<semaphore_mem>>) src(%dma_wait3A_312 : memref<10000xi32, #tpu.memory_space<hbm>>) dst(%arg7 : memref<10000xi32, #tpu.memory_space<vmem>>)
      tpu.yield
    }) : () -> ()
    %barrier3A = arith.constant 0 : index
    tpu.barrier barrier_id(%barrier3A)
    %get3A = arith.constant 0 : index
    %get3A_29 = tpu.vector_load %arg6[%get3A] {strides = array<i32>} : memref<10000xi32, #tpu.memory_space<vmem>>, vector<16xi32>,
    %mul3A_30 = arith.constant 16 : i32
    %mul3A_31 = vector.broadcast %mul3A_30 : i32 to vector<16xi32>
    %mul3A_32 = arith.muli %get3A_29, %mul3A_31 : vector<16xi32>
    %get3A_33 = arith.constant 0 : index
    %get3A_34 = tpu.vector_load %arg7[%get3A_33] {strides = array<i32>} : memref<10000xi32, #tpu.memory_space<vmem>>, vector<16xi32>,
    %add3A_35 = arith.addi %mul3A_32, %get3A_34 : vector<16xi32>
    %swap3A_36 = arith.constant 0 : index
    %swap3A_37 = tpu.vector_load %arg8[%swap3A_36] {strides = array<i32>} : memref<80xi32, #tpu.memory_space<vmem>>, vector<16xi32>,
    tpu.vector_store %arg8[%swap3A_36], %add3A_35 {strides = array<i32>} : memref<80xi32, #tpu.memory_space<vmem>>, vector<16xi32>,
    %get3A_38 = arith.constant 16 : index
    %get3A_39 = tpu.vector_load %arg6[%get3A_38] {strides = array<i32>} : memref<10000xi32, #tpu.memory_space<vmem>>, vector<16xi32>,
    %mul3A_40 = arith.constant 16 : i32
    %mul3A_41 = vector.broadcast %mul3A_40 : i32 to vector<16xi32>
    %mul3A_42 = arith.muli %get3A_39, %mul3A_41 : vector<16xi32>
    %get3A_43 = arith.constant 16 : index
    %get3A_44 = tpu.vector_load %arg7[%get3A_43] {strides = array<i32>} : memref<10000xi32, #tpu.memory_space<vmem>>, vector<16xi32>,
    %add3A_45 = arith.addi %mul3A_42, %get3A_44 : vector<16xi32>
    %swap3A_46 = arith.constant 16 : index
    %swap3A_47 = tpu.vector_load %arg8[%swap3A_46] {strides = array<i32>} : memref<80xi32, #tpu.memory_space<vmem>>, vector<16xi32>,
    tpu.vector_store %arg8[%swap3A_46], %add3A_45 {strides = array<i32>} : memref<80xi32, #tpu.memory_space<vmem>>, vector<16xi32>,
    %get3A_48 = arith.constant 32 : index
    %get3A_49 = tpu.vector_load %arg6[%get3A_48] {strides = array<i32>} : memref<10000xi32, #tpu.memory_space<vmem>>, vector<16xi32>,
    %mul3A_50 = arith.constant 16 : i32
    %mul3A_51 = vector.broadcast %mul3A_50 : i32 to vector<16xi32>
    %mul3A_52 = arith.muli %get3A_49, %mul3A_51 : vector<16xi32>
    %get3A_53 = arith.constant 32 : index
    %get3A_54 = tpu.vector_load %arg7[%get3A_53] {strides = array<i32>} : memref<10000xi32, #tpu.memory_space<vmem>>, vector<16xi32>,
    %add3A_55 = arith.addi %mul3A_52, %get3A_54 : vector<16xi32>
    %swap3A_56 = arith.constant 32 : index
    %swap3A_57 = tpu.vector_load %arg8[%swap3A_56] {strides = array<i32>} : memref<80xi32, #tpu.memory_space<vmem>>, vector<16xi32>,
    tpu.vector_store %arg8[%swap3A_56], %add3A_55 {strides = array<i32>} : memref<80xi32, #tpu.memory_space<vmem>>, vector<16xi32>,
    %get3A_58 = arith.constant 48 : index
    %get3A_59 = tpu.vector_load %arg6[%get3A_58] {strides = array<i32>} : memref<10000xi32, #tpu.memory_space<vmem>>, vector<16xi32>,
    %mul3A_60 = arith.constant 16 : i32
    %mul3A_61 = vector.broadcast %mul3A_60 : i32 to vector<16xi32>
    %mul3A_62 = arith.muli %get3A_59, %mul3A_61 : vector<16xi32>
    %get3A_63 = arith.constant 48 : index
    %get3A_64 = tpu.vector_load %arg7[%get3A_63] {strides = array<i32>} : memref<10000xi32, #tpu.memory_space<vmem>>, vector<16xi32>,
    %add3A_65 = arith.addi %mul3A_62, %get3A_64 : vector<16xi32>
    %swap3A_66 = arith.constant 48 : index
    %swap3A_67 = tpu.vector_load %arg8[%swap3A_66] {strides = array<i32>} : memref<80xi32, #tpu.memory_space<vmem>>, vector<16xi32>,
    tpu.vector_store %arg8[%swap3A_66], %add3A_65 {strides = array<i32>} : memref<80xi32, #tpu.memory_space<vmem>>, vector<16xi32>,
    %get3A_68 = arith.constant 64 : index
    %get3A_69 = tpu.vector_load %arg6[%get3A_68] {strides = array<i32>} : memref<10000xi32, #tpu.memory_space<vmem>>, vector<16xi32>,
    %mul3A_70 = arith.constant 16 : i32
    %mul3A_71 = vector.broadcast %mul3A_70 : i32 to vector<16xi32>
    %mul3A_72 = arith.muli %get3A_69, %mul3A_71 : vector<16xi32>
    %get3A_73 = arith.constant 64 : index
    %get3A_74 = tpu.vector_load %arg7[%get3A_73] {strides = array<i32>} : memref<10000xi32, #tpu.memory_space<vmem>>, vector<16xi32>,
    %add3A_75 = arith.addi %mul3A_72, %get3A_74 : vector<16xi32>
    %swap3A_76 = arith.constant 64 : index
    %swap3A_77 = tpu.vector_load %arg8[%swap3A_76] {strides = array<i32>} : memref<80xi32, #tpu.memory_space<vmem>>, vector<16xi32>,
    tpu.vector_store %arg8[%swap3A_76], %add3A_75 {strides = array<i32>} : memref<80xi32, #tpu.memory_space<vmem>>, vector<16xi32>,
    %dma_start3A = arith.constant 0 : i32
    %dma_start3A_78 = tpu.memref_slice %arg15[%dma_start3A] : memref<160000xf32, #tpu.memory_space<vmem_shared>> -> memref<160000xf32, #tpu.memory_space<vmem_shared>>
    tpu.enqueue_indirect_dma source(%arg13 : memref<80xf32, #tpu.memory_space<vmem>>) target(%dma_start3A_78 : memref<160000xf32, #tpu.memory_space<vmem_shared>>) offsets(%arg8 : memref<80xi32, #tpu.memory_space<vmem>>) semaphore(%arg16 : memref<!tpu.dma_semaphore, #tpu.memory_space<semaphore_mem>>) {add = true}
    %get3A_79 = arith.constant 80 : index
    %get3A_80 = tpu.vector_load %arg6[%get3A_79] {strides = array<i32>} : memref<10000xi32, #tpu.memory_space<vmem>>, vector<16xi32>,
    %mul3A_81 = arith.constant 16 : i32
    %mul3A_82 = vector.broadcast %mul3A_81 : i32 to vector<16xi32>
    %mul3A_83 = arith.muli %get3A_80, %mul3A_82 : vector<16xi32>
    %get3A_84 = arith.constant 80 : index
    %get3A_85 = tpu.vector_load %arg7[%get3A_84] {strides = array<i32>} : memref<10000xi32, #tpu.memory_space<vmem>>, vector<16xi32>,
    %add3A_86 = arith.addi %mul3A_83, %get3A_85 : vector<16xi32>
    %swap3A_87 = arith.constant 0 : index
    %swap3A_88 = tpu.vector_load %arg9[%swap3A_87] {strides = array<i32>} : memref<80xi32, #tpu.memory_space<vmem>>, vector<16xi32>,
    tpu.vector_store %arg9[%swap3A_87], %add3A_86 {strides = array<i32>} : memref<80xi32, #tpu.memory_space<vmem>>, vector<16xi32>,
    %get3A_89 = arith.constant 96 : index
    %get3A_90 = tpu.vector_load %arg6[%get3A_89] {strides = array<i32>} : memref<10000xi32, #tpu.memory_space<vmem>>, vector<16xi32>,
    %mul3A_91 = arith.constant 16 : i32
    %mul3A_92 = vector.broadcast %mul3A_91 : i32 to vector<16xi32>
    %mul3A_93 = arith.muli %get3A_90, %mul3A_92 : vector<16xi32>
    %get3A_94 = arith.constant 96 : index
    %get3A_95 = tpu.vector_load %arg7[%get3A_94] {strides = array<i32>} : memref<10000xi32, #tpu.memory_space<vmem>>, vector<16xi32>,
    %add3A_96 = arith.addi %mul3A_93, %get3A_95 : vector<16xi32>
    %swap3A_97 = arith.constant 16 : index
    %swap3A_98 = tpu.vector_load %arg9[%swap3A_97] {strides = array<i32>} : memref<80xi32, #tpu.memory_space<vmem>>, vector<16xi32>,
    tpu.vector_store %arg9[%swap3A_97], %add3A_96 {strides = array<i32>} : memref<80xi32, #tpu.memory_space<vmem>>, vector<16xi32>,
    %get3A_99 = arith.constant 112 : index
    %get3A_100 = tpu.vector_load %arg6[%get3A_99] {strides = array<i32>} : memref<10000xi32, #tpu.memory_space<vmem>>, vector<16xi32>,
    %mul3A_101 = arith.constant 16 : i32
    %mul3A_102 = vector.broadcast %mul3A_101 : i32 to vector<16xi32>
    %mul3A_103 = arith.muli %get3A_100, %mul3A_102 : vector<16xi32>
    %get3A_104 = arith.constant 112 : index
    %get3A_105 = tpu.vector_load %arg7[%get3A_104] {strides = array<i32>} : memref<10000xi32, #tpu.memory_space<vmem>>, vector<16xi32>,
    %add3A_106 = arith.addi %mul3A_103, %get3A_105 : vector<16xi32>
    %swap3A_107 = arith.constant 32 : index
    %swap3A_108 = tpu.vector_load %arg9[%swap3A_107] {strides = array<i32>} : memref<80xi32, #tpu.memory_space<vmem>>, vector<16xi32>,
    tpu.vector_store %arg9[%swap3A_107], %add3A_106 {strides = array<i32>} : memref<80xi32, #tpu.memory_space<vmem>>, vector<16xi32>,
    %get3A_109 = arith.constant 128 : index
    %get3A_110 = tpu.vector_load %arg6[%get3A_109] {strides = array<i32>} : memref<10000xi32, #tpu.memory_space<vmem>>, vector<16xi32>,
    %mul3A_111 = arith.constant 16 : i32
    %mul3A_112 = vector.broadcast %mul3A_111 : i32 to vector<16xi32>
    %mul3A_113 = arith.muli %get3A_110, %mul3A_112 : vector<16xi32>
    %get3A_114 = arith.constant 128 : index
    %get3A_115 = tpu.vector_load %arg7[%get3A_114] {strides = array<i32>} : memref<10000xi32, #tpu.memory_space<vmem>>, vector<16xi32>,
    %add3A_116 = arith.addi %mul3A_113, %get3A_115 : vector<16xi32>
    %swap3A_117 = arith.constant 48 : index
    %swap3A_118 = tpu.vector_load %arg9[%swap3A_117] {strides = array<i32>} : memref<80xi32, #tpu.memory_space<vmem>>, vector<16xi32>,
    tpu.vector_store %arg9[%swap3A_117], %add3A_116 {strides = array<i32>} : memref<80xi32, #tpu.memory_space<vmem>>, vector<16xi32>,
    %get3A_119 = arith.constant 144 : index
    %get3A_120 = tpu.vector_load %arg6[%get3A_119] {strides = array<i32>} : memref<10000xi32, #tpu.memory_space<vmem>>, vector<16xi32>,
    %mul3A_121 = arith.constant 16 : i32
    %mul3A_122 = vector.broadcast %mul3A_121 : i32 to vector<16xi32>
    %mul3A_123 = arith.muli %get3A_120, %mul3A_122 : vector<16xi32>
    %get3A_124 = arith.constant 144 : index
    %get3A_125 = tpu.vector_load %arg7[%get3A_124] {strides = array<i32>} : memref<10000xi32, #tpu.memory_space<vmem>>, vector<16xi32>,
    %add3A_126 = arith.addi %mul3A_123, %get3A_125 : vector<16xi32>
    %swap3A_127 = arith.constant 64 : index
    %swap3A_128 = tpu.vector_load %arg9[%swap3A_127] {strides = array<i32>} : memref<80xi32, #tpu.memory_space<vmem>>, vector<16xi32>,
    tpu.vector_store %arg9[%swap3A_127], %add3A_126 {strides = array<i32>} : memref<80xi32, #tpu.memory_space<vmem>>, vector<16xi32>,
    %dma_start3A_129 = arith.constant 0 : i32
    %dma_start3A_130 = tpu.memref_slice %arg15[%dma_start3A_129] : memref<160000xf32, #tpu.memory_space<vmem_shared>> -> memref<160000xf32, #tpu.memory_space<vmem_shared>>
    tpu.enqueue_indirect_dma source(%arg13 : memref<80xf32, #tpu.memory_space<vmem>>) target(%dma_start3A_130 : memref<160000xf32, #tpu.memory_space<vmem_shared>>) offsets(%arg9 : memref<80xi32, #tpu.memory_space<vmem>>) semaphore(%arg17 : memref<!tpu.dma_semaphore, #tpu.memory_space<semaphore_mem>>) {add = true}
    %get3A_131 = arith.constant 160 : index
    %get3A_132 = tpu.vector_load %arg6[%get3A_131] {strides = array<i32>} : memref<10000xi32, #tpu.memory_space<vmem>>, vector<16xi32>,
    %mul3A_133 = arith.constant 16 : i32
    %mul3A_134 = vector.broadcast %mul3A_133 : i32 to vector<16xi32>
    %mul3A_135 = arith.muli %get3A_132, %mul3A_134 : vector<16xi32>
    %get3A_136 = arith.constant 160 : index
    %get3A_137 = tpu.vector_load %arg7[%get3A_136] {strides = array<i32>} : memref<10000xi32, #tpu.memory_space<vmem>>, vector<16xi32>,
    %add3A_138 = arith.addi %mul3A_135, %get3A_137 : vector<16xi32>
    %swap3A_139 = arith.constant 0 : index
    %swap3A_140 = tpu.vector_load %arg10[%swap3A_139] {strides = array<i32>} : memref<80xi32, #tpu.memory_space<vmem>>, vector<16xi32>,
    tpu.vector_store %arg10[%swap3A_139], %add3A_138 {strides = array<i32>} : memref<80xi32, #tpu.memory_space<vmem>>, vector<16xi32>,
    %get3A_141 = arith.constant 176 : index
    %get3A_142 = tpu.vector_load %arg6[%get3A_141] {strides = array<i32>} : memref<10000xi32, #tpu.memory_space<vmem>>, vector<16xi32>,
    %mul3A_143 = arith.constant 16 : i32
    %mul3A_144 = vector.broadcast %mul3A_143 : i32 to vector<16xi32>
    %mul3A_145 = arith.muli %get3A_142, %mul3A_144 : vector<16xi32>
    %get3A_146 = arith.constant 176 : index
    %get3A_147 = tpu.vector_load %arg7[%get3A_146] {strides = array<i32>} : memref<10000xi32, #tpu.memory_space<vmem>>, vector<16xi32>,
    %add3A_148 = arith.addi %mul3A_145, %get3A_147 : vector<16xi32>
    %swap3A_149 = arith.constant 16 : index
    %swap3A_150 = tpu.vector_load %arg10[%swap3A_149] {strides = array<i32>} : memref<80xi32, #tpu.memory_space<vmem>>, vector<16xi32>,
    tpu.vector_store %arg10[%swap3A_149], %add3A_148 {strides = array<i32>} : memref<80xi32, #tpu.memory_space<vmem>>, vector<16xi32>,
    %get3A_151 = arith.constant 192 : index
    %get3A_152 = tpu.vector_load %arg6[%get3A_151] {strides = array<i32>} : memref<10000xi32, #tpu.memory_space<vmem>>, vector<16xi32>,
    %mul3A_153 = arith.constant 16 : i32
    %mul3A_154 = vector.broadcast %mul3A_153 : i32 to vector<16xi32>
    %mul3A_155 = arith.muli %get3A_152, %mul3A_154 : vector<16xi32>
    %get3A_156 = arith.constant 192 : index
    %get3A_157 = tpu.vector_load %arg7[%get3A_156] {strides = array<i32>} : memref<10000xi32, #tpu.memory_space<vmem>>, vector<16xi32>,
    %add3A_158 = arith.addi %mul3A_155, %get3A_157 : vector<16xi32>
    %swap3A_159 = arith.constant 32 : index
    %swap3A_160 = tpu.vector_load %arg10[%swap3A_159] {strides = array<i32>} : memref<80xi32, #tpu.memory_space<vmem>>, vector<16xi32>,
    tpu.vector_store %arg10[%swap3A_159], %add3A_158 {strides = array<i32>} : memref<80xi32, #tpu.memory_space<vmem>>, vector<16xi32>,
    %get3A_161 = arith.constant 208 : index
    %get3A_162 = tpu.vector_load %arg6[%get3A_161] {strides = array<i32>} : memref<10000xi32, #tpu.memory_space<vmem>>, vector<16xi32>,
    %mul3A_163 = arith.constant 16 : i32
    %mul3A_164 = vector.broadcast %mul3A_163 : i32 to vector<16xi32>
    %mul3A_165 = arith.muli %get3A_162, %mul3A_164 : vector<16xi32>
    %get3A_166 = arith.constant 208 : index
    %get3A_167 = tpu.vector_load %arg7[%get3A_166] {strides = array<i32>} : memref<10000xi32, #tpu.memory_space<vmem>>, vector<16xi32>,
    %add3A_168 = arith.addi %mul3A_165, %get3A_167 : vector<16xi32>
    %swap3A_169 = arith.constant 48 : index
    %swap3A_170 = tpu.vector_load %arg10[%swap3A_169] {strides = array<i32>} : memref<80xi32, #tpu.memory_space<vmem>>, vector<16xi32>,
    tpu.vector_store %arg10[%swap3A_169], %add3A_168 {strides = array<i32>} : memref<80xi32, #tpu.memory_space<vmem>>, vector<16xi32>,
    %get3A_171 = arith.constant 224 : index
    %get3A_172 = tpu.vector_load %arg6[%get3A_171] {strides = array<i32>} : memref<10000xi32, #tpu.memory_space<vmem>>, vector<16xi32>,
    %mul3A_173 = arith.constant 16 : i32
    %mul3A_174 = vector.broadcast %mul3A_173 : i32 to vector<16xi32>
    %mul3A_175 = arith.muli %get3A_172, %mul3A_174 : vector<16xi32>
    %get3A_176 = arith.constant 224 : index
    %get3A_177 = tpu.vector_load %arg7[%get3A_176] {strides = array<i32>} : memref<10000xi32, #tpu.memory_space<vmem>>, vector<16xi32>,
    %add3A_178 = arith.addi %mul3A_175, %get3A_177 : vector<16xi32>
    %swap3A_179 = arith.constant 64 : index
    %swap3A_180 = tpu.vector_load %arg10[%swap3A_179] {strides = array<i32>} : memref<80xi32, #tpu.memory_space<vmem>>, vector<16xi32>,
    tpu.vector_store %arg10[%swap3A_179], %add3A_178 {strides = array<i32>} : memref<80xi32, #tpu.memory_space<vmem>>, vector<16xi32>,
    %dma_start3A_181 = arith.constant 0 : i32
    %dma_start3A_182 = tpu.memref_slice %arg15[%dma_start3A_181] : memref<160000xf32, #tpu.memory_space<vmem_shared>> -> memref<160000xf32, #tpu.memory_space<vmem_shared>>
    tpu.enqueue_indirect_dma source(%arg13 : memref<80xf32, #tpu.memory_space<vmem>>) target(%dma_start3A_182 : memref<160000xf32, #tpu.memory_space<vmem_shared>>) offsets(%arg10 : memref<80xi32, #tpu.memory_space<vmem>>) semaphore(%arg18 : memref<!tpu.dma_semaphore, #tpu.memory_space<semaphore_mem>>) {add = true}
    %get3A_183 = arith.constant 240 : index
    %get3A_184 = tpu.vector_load %arg6[%get3A_183] {strides = array<i32>} : memref<10000xi32, #tpu.memory_space<vmem>>, vector<16xi32>,
    %mul3A_185 = arith.constant 16 : i32
    %mul3A_186 = vector.broadcast %mul3A_185 : i32 to vector<16xi32>
    %mul3A_187 = arith.muli %get3A_184, %mul3A_186 : vector<16xi32>
    %get3A_188 = arith.constant 240 : index
    %get3A_189 = tpu.vector_load %arg7[%get3A_188] {strides = array<i32>} : memref<10000xi32, #tpu.memory_space<vmem>>, vector<16xi32>,
    %add3A_190 = arith.addi %mul3A_187, %get3A_189 : vector<16xi32>
    %swap3A_191 = arith.constant 0 : index
    %swap3A_192 = tpu.vector_load %arg11[%swap3A_191] {strides = array<i32>} : memref<80xi32, #tpu.memory_space<vmem>>, vector<16xi32>,
    tpu.vector_store %arg11[%swap3A_191], %add3A_190 {strides = array<i32>} : memref<80xi32, #tpu.memory_space<vmem>>, vector<16xi32>,
    %get3A_193 = arith.constant 256 : index
    %get3A_194 = tpu.vector_load %arg6[%get3A_193] {strides = array<i32>} : memref<10000xi32, #tpu.memory_space<vmem>>, vector<16xi32>,
    %mul3A_195 = arith.constant 16 : i32
    %mul3A_196 = vector.broadcast %mul3A_195 : i32 to vector<16xi32>
    %mul3A_197 = arith.muli %get3A_194, %mul3A_196 : vector<16xi32>
    %get3A_198 = arith.constant 256 : index
    %get3A_199 = tpu.vector_load %arg7[%get3A_198] {strides = array<i32>} : memref<10000xi32, #tpu.memory_space<vmem>>, vector<16xi32>,
    %add3A_200 = arith.addi %mul3A_197, %get3A_199 : vector<16xi32>
    %swap3A_201 = arith.constant 16 : index
    %swap3A_202 = tpu.vector_load %arg11[%swap3A_201] {strides = array<i32>} : memref<80xi32, #tpu.memory_space<vmem>>, vector<16xi32>,
    tpu.vector_store %arg11[%swap3A_201], %add3A_200 {strides = array<i32>} : memref<80xi32, #tpu.memory_space<vmem>>, vector<16xi32>,
    %get3A_203 = arith.constant 272 : index
    %get3A_204 = tpu.vector_load %arg6[%get3A_203] {strides = array<i32>} : memref<10000xi32, #tpu.memory_space<vmem>>, vector<16xi32>,
    %mul3A_205 = arith.constant 16 : i32
    %mul3A_206 = vector.broadcast %mul3A_205 : i32 to vector<16xi32>
    %mul3A_207 = arith.muli %get3A_204, %mul3A_206 : vector<16xi32>
    %get3A_208 = arith.constant 272 : index
    %get3A_209 = tpu.vector_load %arg7[%get3A_208] {strides = array<i32>} : memref<10000xi32, #tpu.memory_space<vmem>>, vector<16xi32>,
    %add3A_210 = arith.addi %mul3A_207, %get3A_209 : vector<16xi32>
    %swap3A_211 = arith.constant 32 : index
    %swap3A_212 = tpu.vector_load %arg11[%swap3A_211] {strides = array<i32>} : memref<80xi32, #tpu.memory_space<vmem>>, vector<16xi32>,
    tpu.vector_store %arg11[%swap3A_211], %add3A_210 {strides = array<i32>} : memref<80xi32, #tpu.memory_space<vmem>>, vector<16xi32>,
    %get3A_213 = arith.constant 288 : index
    %get3A_214 = tpu.vector_load %arg6[%get3A_213] {strides = array<i32>} : memref<10000xi32, #tpu.memory_space<vmem>>, vector<16xi32>,
    %mul3A_215 = arith.constant 16 : i32
    %mul3A_216 = vector.broadcast %mul3A_215 : i32 to vector<16xi32>
    %mul3A_217 = arith.muli %get3A_214, %mul3A_216 : vector<16xi32>
    %get3A_218 = arith.constant 288 : index
    %get3A_219 = tpu.vector_load %arg7[%get3A_218] {strides = array<i32>} : memref<10000xi32, #tpu.memory_space<vmem>>, vector<16xi32>,
    %add3A_220 = arith.addi %mul3A_217, %get3A_219 : vector<16xi32>
    %swap3A_221 = arith.constant 48 : index
    %swap3A_222 = tpu.vector_load %arg11[%swap3A_221] {strides = array<i32>} : memref<80xi32, #tpu.memory_space<vmem>>, vector<16xi32>,
    tpu.vector_store %arg11[%swap3A_221], %add3A_220 {strides = array<i32>} : memref<80xi32, #tpu.memory_space<vmem>>, vector<16xi32>,
    %get3A_223 = arith.constant 304 : index
    %get3A_224 = tpu.vector_load %arg6[%get3A_223] {strides = array<i32>} : memref<10000xi32, #tpu.memory_space<vmem>>, vector<16xi32>,
    %mul3A_225 = arith.constant 16 : i32
    %mul3A_226 = vector.broadcast %mul3A_225 : i32 to vector<16xi32>
    %mul3A_227 = arith.muli %get3A_224, %mul3A_226 : vector<16xi32>
    %get3A_228 = arith.constant 304 : index
    %get3A_229 = tpu.vector_load %arg7[%get3A_228] {strides = array<i32>} : memref<10000xi32, #tpu.memory_space<vmem>>, vector<16xi32>,
    %add3A_230 = arith.addi %mul3A_227, %get3A_229 : vector<16xi32>
    %swap3A_231 = arith.constant 64 : index
    %swap3A_232 = tpu.vector_load %arg11[%swap3A_231] {strides = array<i32>} : memref<80xi32, #tpu.memory_space<vmem>>, vector<16xi32>,
    tpu.vector_store %arg11[%swap3A_231], %add3A_230 {strides = array<i32>} : memref<80xi32, #tpu.memory_space<vmem>>, vector<16xi32>,
    %dma_start3A_233 = arith.constant 0 : i32
    %dma_start3A_234 = tpu.memref_slice %arg15[%dma_start3A_233] : memref<160000xf32, #tpu.memory_space<vmem_shared>> -> memref<160000xf32, #tpu.memory_space<vmem_shared>>
    tpu.enqueue_indirect_dma source(%arg13 : memref<80xf32, #tpu.memory_space<vmem>>) target(%dma_start3A_234 : memref<160000xf32, #tpu.memory_space<vmem_shared>>) offsets(%arg11 : memref<80xi32, #tpu.memory_space<vmem>>) semaphore(%arg19 : memref<!tpu.dma_semaphore, #tpu.memory_space<semaphore_mem>>) {add = true}
    %get3A_235 = arith.constant 320 : index
    %get3A_236 = tpu.vector_load %arg6[%get3A_235] {strides = array<i32>} : memref<10000xi32, #tpu.memory_space<vmem>>, vector<16xi32>,
    %mul3A_237 = arith.constant 16 : i32
    %mul3A_238 = vector.broadcast %mul3A_237 : i32 to vector<16xi32>
    %mul3A_239 = arith.muli %get3A_236, %mul3A_238 : vector<16xi32>
    %get3A_240 = arith.constant 320 : index
    %get3A_241 = tpu.vector_load %arg7[%get3A_240] {strides = array<i32>} : memref<10000xi32, #tpu.memory_space<vmem>>, vector<16xi32>,
    %add3A_242 = arith.addi %mul3A_239, %get3A_241 : vector<16xi32>
    %swap3A_243 = arith.constant 0 : index
    %swap3A_244 = tpu.vector_load %arg12[%swap3A_243] {strides = array<i32>} : memref<80xi32, #tpu.memory_space<vmem>>, vector<16xi32>,
    tpu.vector_store %arg12[%swap3A_243], %add3A_242 {strides = array<i32>} : memref<80xi32, #tpu.memory_space<vmem>>, vector<16xi32>,
    %get3A_245 = arith.constant 336 : index
    %get3A_246 = tpu.vector_load %arg6[%get3A_245] {strides = array<i32>} : memref<10000xi32, #tpu.memory_space<vmem>>, vector<16xi32>,
    %mul3A_247 = arith.constant 16 : i32
    %mul3A_248 = vector.broadcast %mul3A_247 : i32 to vector<16xi32>
    %mul3A_249 = arith.muli %get3A_246, %mul3A_248 : vector<16xi32>
    %get3A_250 = arith.constant 336 : index
    %get3A_251 = tpu.vector_load %arg7[%get3A_250] {strides = array<i32>} : memref<10000xi32, #tpu.memory_space<vmem>>, vector<16xi32>,
    %add3A_252 = arith.addi %mul3A_249, %get3A_251 : vector<16xi32>
    %swap3A_253 = arith.constant 16 : index
    %swap3A_254 = tpu.vector_load %arg12[%swap3A_253] {strides = array<i32>} : memref<80xi32, #tpu.memory_space<vmem>>, vector<16xi32>,
    tpu.vector_store %arg12[%swap3A_253], %add3A_252 {strides = array<i32>} : memref<80xi32, #tpu.memory_space<vmem>>, vector<16xi32>,
    %get3A_255 = arith.constant 352 : index
    %get3A_256 = tpu.vector_load %arg6[%get3A_255] {strides = array<i32>} : memref<10000xi32, #tpu.memory_space<vmem>>, vector<16xi32>,
    %mul3A_257 = arith.constant 16 : i32
    %mul3A_258 = vector.broadcast %mul3A_257 : i32 to vector<16xi32>
    %mul3A_259 = arith.muli %get3A_256, %mul3A_258 : vector<16xi32>
    %get3A_260 = arith.constant 352 : index
    %get3A_261 = tpu.vector_load %arg7[%get3A_260] {strides = array<i32>} : memref<10000xi32, #tpu.memory_space<vmem>>, vector<16xi32>,
    %add3A_262 = arith.addi %mul3A_259, %get3A_261 : vector<16xi32>
    %swap3A_263 = arith.constant 32 : index
    %swap3A_264 = tpu.vector_load %arg12[%swap3A_263] {strides = array<i32>} : memref<80xi32, #tpu.memory_space<vmem>>, vector<16xi32>,
    tpu.vector_store %arg12[%swap3A_263], %add3A_262 {strides = array<i32>} : memref<80xi32, #tpu.memory_space<vmem>>, vector<16xi32>,
    %get3A_265 = arith.constant 368 : index
    %get3A_266 = tpu.vector_load %arg6[%get3A_265] {strides = array<i32>} : memref<10000xi32, #tpu.memory_space<vmem>>, vector<16xi32>,
    %mul3A_267 = arith.constant 16 : i32
    %mul3A_268 = vector.broadcast %mul3A_267 : i32 to vector<16xi32>
    %mul3A_269 = arith.muli %get3A_266, %mul3A_268 : vector<16xi32>
    %get3A_270 = arith.constant 368 : index
    %get3A_271 = tpu.vector_load %arg7[%get3A_270] {strides = array<i32>} : memref<10000xi32, #tpu.memory_space<vmem>>, vector<16xi32>,
    %add3A_272 = arith.addi %mul3A_269, %get3A_271 : vector<16xi32>
    %swap3A_273 = arith.constant 48 : index
    %swap3A_274 = tpu.vector_load %arg12[%swap3A_273] {strides = array<i32>} : memref<80xi32, #tpu.memory_space<vmem>>, vector<16xi32>,
    tpu.vector_store %arg12[%swap3A_273], %add3A_272 {strides = array<i32>} : memref<80xi32, #tpu.memory_space<vmem>>, vector<16xi32>,
    %get3A_275 = arith.constant 384 : index
    %get3A_276 = tpu.vector_load %arg6[%get3A_275] {strides = array<i32>} : memref<10000xi32, #tpu.memory_space<vmem>>, vector<16xi32>,
    %mul3A_277 = arith.constant 16 : i32
    %mul3A_278 = vector.broadcast %mul3A_277 : i32 to vector<16xi32>
    %mul3A_279 = arith.muli %get3A_276, %mul3A_278 : vector<16xi32>
    %get3A_280 = arith.constant 384 : index
    %get3A_281 = tpu.vector_load %arg7[%get3A_280] {strides = array<i32>} : memref<10000xi32, #tpu.memory_space<vmem>>, vector<16xi32>,
    %add3A_282 = arith.addi %mul3A_279, %get3A_281 : vector<16xi32>
    %swap3A_283 = arith.constant 64 : index
    %swap3A_284 = tpu.vector_load %arg12[%swap3A_283] {strides = array<i32>} : memref<80xi32, #tpu.memory_space<vmem>>, vector<16xi32>,
    tpu.vector_store %arg12[%swap3A_283], %add3A_282 {strides = array<i32>} : memref<80xi32, #tpu.memory_space<vmem>>, vector<16xi32>,
    %dma_start3A_285 = arith.constant 0 : i32
    %dma_start3A_286 = tpu.memref_slice %arg15[%dma_start3A_285] : memref<160000xf32, #tpu.memory_space<vmem_shared>> -> memref<160000xf32, #tpu.memory_space<vmem_shared>>
    tpu.enqueue_indirect_dma source(%arg13 : memref<80xf32, #tpu.memory_space<vmem>>) target(%dma_start3A_286 : memref<160000xf32, #tpu.memory_space<vmem_shared>>) offsets(%arg12 : memref<80xi32, #tpu.memory_space<vmem>>) semaphore(%arg20 : memref<!tpu.dma_semaphore, #tpu.memory_space<semaphore_mem>>) {add = true}
    %scan3A_287 = arith.constant 1 : i32
    %scan3A_288 = arith.constant 24 : i32
    %scan3A_289 = arith.addi %scan3A_287, %scan3A_288 : i32
    %scan3A_290 = arith.constant 1 : i32
    scf.for %scan3A_309 = %scan3A_287 to %scan3A_289 step %scan3A_290  : i32 {
      %mul3A_310 = arith.constant 5 : i32
      %mul3A_311 = arith.muli %mul3A_310, %scan3A_309 : i32
      %dma_wait3A_312 = arith.constant 0 : i32
      %dma_wait3A_313 = tpu.memref_slice %arg15[%dma_wait3A_312] : memref<160000xf32, #tpu.memory_space<vmem_shared>> -> memref<160000xf32, #tpu.memory_space<vmem_shared>>
      tpu.wait_indirect_dma semaphore(%arg16 : memref<!tpu.dma_semaphore, #tpu.memory_space<semaphore_mem>>) src(%arg13 : memref<80xf32, #tpu.memory_space<vmem>>) dst(%dma_wait3A_313 : memref<160000xf32, #tpu.memory_space<vmem_shared>>)
      %add3A_314 = arith.constant 0 : i32
      %add3A_315 = arith.addi %mul3A_311, %add3A_314 : i32
      %mul3A_316 = arith.constant 80 : i32
      %mul3A_317 = arith.muli %add3A_315, %mul3A_316 : i32
      %add3A_318 = arith.constant 0 : i32
      %add3A_319 = arith.addi %mul3A_317, %add3A_318 : i32
      %get3A_320 = arith.index_cast %add3A_319 : i32 to index
      %get3A_321 = tpu.vector_load %arg6[%get3A_320] {strides = array<i32>} : memref<10000xi32, #tpu.memory_space<vmem>>, vector<16xi32>,
      %mul3A_322 = arith.constant 16 : i32
      %mul3A_323 = vector.broadcast %mul3A_322 : i32 to vector<16xi32>
      %mul3A_324 = arith.muli %get3A_321, %mul3A_323 : vector<16xi32>
      %get3A_325 = arith.index_cast %add3A_319 : i32 to index
      %get3A_326 = tpu.vector_load %arg7[%get3A_325] {strides = array<i32>} : memref<10000xi32, #tpu.memory_space<vmem>>, vector<16xi32>,
      %add3A_327 = arith.addi %mul3A_324, %get3A_326 : vector<16xi32>
      %swap3A_328 = arith.constant 0 : index
      %swap3A_329 = tpu.vector_load %arg8[%swap3A_328] {strides = array<i32>} : memref<80xi32, #tpu.memory_space<vmem>>, vector<16xi32>,
      tpu.vector_store %arg8[%swap3A_328], %add3A_327 {strides = array<i32>} : memref<80xi32, #tpu.memory_space<vmem>>, vector<16xi32>,
      %mul3A_330 = arith.constant 80 : i32
      %mul3A_331 = arith.muli %add3A_315, %mul3A_330 : i32
      %add3A_332 = arith.constant 16 : i32
      %add3A_333 = arith.addi %mul3A_331, %add3A_332 : i32
      %get3A_334 = arith.index_cast %add3A_333 : i32 to index
      %get3A_335 = tpu.vector_load %arg6[%get3A_334] {strides = array<i32>} : memref<10000xi32, #tpu.memory_space<vmem>>, vector<16xi32>,
      %mul3A_336 = arith.constant 16 : i32
      %mul3A_337 = vector.broadcast %mul3A_336 : i32 to vector<16xi32>
      %mul3A_338 = arith.muli %get3A_335, %mul3A_337 : vector<16xi32>
      %get3A_339 = arith.index_cast %add3A_333 : i32 to index
      %get3A_340 = tpu.vector_load %arg7[%get3A_339] {strides = array<i32>} : memref<10000xi32, #tpu.memory_space<vmem>>, vector<16xi32>,
      %add3A_341 = arith.addi %mul3A_338, %get3A_340 : vector<16xi32>
      %swap3A_342 = arith.constant 16 : index
      %swap3A_343 = tpu.vector_load %arg8[%swap3A_342] {strides = array<i32>} : memref<80xi32, #tpu.memory_space<vmem>>, vector<16xi32>,
      tpu.vector_store %arg8[%swap3A_342], %add3A_341 {strides = array<i32>} : memref<80xi32, #tpu.memory_space<vmem>>, vector<16xi32>,
      %mul3A_344 = arith.constant 80 : i32
      %mul3A_345 = arith.muli %add3A_315, %mul3A_344 : i32
      %add3A_346 = arith.constant 32 : i32
      %add3A_347 = arith.addi %mul3A_345, %add3A_346 : i32
      %get3A_348 = arith.index_cast %add3A_347 : i32 to index
      %get3A_349 = tpu.vector_load %arg6[%get3A_348] {strides = array<i32>} : memref<10000xi32, #tpu.memory_space<vmem>>, vector<16xi32>,
      %mul3A_350 = arith.constant 16 : i32
      %mul3A_351 = vector.broadcast %mul3A_350 : i32 to vector<16xi32>
      %mul3A_352 = arith.muli %get3A_349, %mul3A_351 : vector<16xi32>
      %get3A_353 = arith.index_cast %add3A_347 : i32 to index
      %get3A_354 = tpu.vector_load %arg7[%get3A_353] {strides = array<i32>} : memref<10000xi32, #tpu.memory_space<vmem>>, vector<16xi32>,
      %add3A_355 = arith.addi %mul3A_352, %get3A_354 : vector<16xi32>
      %swap3A_356 = arith.constant 32 : index
      %swap3A_357 = tpu.vector_load %arg8[%swap3A_356] {strides = array<i32>} : memref<80xi32, #tpu.memory_space<vmem>>, vector<16xi32>,
      tpu.vector_store %arg8[%swap3A_356], %add3A_355 {strides = array<i32>} : memref<80xi32, #tpu.memory_space<vmem>>, vector<16xi32>,
      %mul3A_358 = arith.constant 80 : i32
      %mul3A_359 = arith.muli %add3A_315, %mul3A_358 : i32
      %add3A_360 = arith.constant 48 : i32
      %add3A_361 = arith.addi %mul3A_359, %add3A_360 : i32
      %get3A_362 = arith.index_cast %add3A_361 : i32 to index
      %get3A_363 = tpu.vector_load %arg6[%get3A_362] {strides = array<i32>} : memref<10000xi32, #tpu.memory_space<vmem>>, vector<16xi32>,
      %mul3A_364 = arith.constant 16 : i32
      %mul3A_365 = vector.broadcast %mul3A_364 : i32 to vector<16xi32>
      %mul3A_366 = arith.muli %get3A_363, %mul3A_365 : vector<16xi32>
      %get3A_367 = arith.index_cast %add3A_361 : i32 to index
      %get3A_368 = tpu.vector_load %arg7[%get3A_367] {strides = array<i32>} : memref<10000xi32, #tpu.memory_space<vmem>>, vector<16xi32>,
      %add3A_369 = arith.addi %mul3A_366, %get3A_368 : vector<16xi32>
      %swap3A_370 = arith.constant 48 : index
      %swap3A_371 = tpu.vector_load %arg8[%swap3A_370] {strides = array<i32>} : memref<80xi32, #tpu.memory_space<vmem>>, vector<16xi32>,
      tpu.vector_store %arg8[%swap3A_370], %add3A_369 {strides = array<i32>} : memref<80xi32, #tpu.memory_space<vmem>>, vector<16xi32>,
      %mul3A_372 = arith.constant 80 : i32
      %mul3A_373 = arith.muli %add3A_315, %mul3A_372 : i32
      %add3A_374 = arith.constant 64 : i32
      %add3A_375 = arith.addi %mul3A_373, %add3A_374 : i32
      %get3A_376 = arith.index_cast %add3A_375 : i32 to index
      %get3A_377 = tpu.vector_load %arg6[%get3A_376] {strides = array<i32>} : memref<10000xi32, #tpu.memory_space<vmem>>, vector<16xi32>,
      %mul3A_378 = arith.constant 16 : i32
      %mul3A_379 = vector.broadcast %mul3A_378 : i32 to vector<16xi32>
      %mul3A_380 = arith.muli %get3A_377, %mul3A_379 : vector<16xi32>
      %get3A_381 = arith.index_cast %add3A_375 : i32 to index
      %get3A_382 = tpu.vector_load %arg7[%get3A_381] {strides = array<i32>} : memref<10000xi32, #tpu.memory_space<vmem>>, vector<16xi32>,
      %add3A_383 = arith.addi %mul3A_380, %get3A_382 : vector<16xi32>
      %swap3A_384 = arith.constant 64 : index
      %swap3A_385 = tpu.vector_load %arg8[%swap3A_384] {strides = array<i32>} : memref<80xi32, #tpu.memory_space<vmem>>, vector<16xi32>,
      tpu.vector_store %arg8[%swap3A_384], %add3A_383 {strides = array<i32>} : memref<80xi32, #tpu.memory_space<vmem>>, vector<16xi32>,
      %dma_start3A_386 = arith.constant 0 : i32
      %dma_start3A_387 = tpu.memref_slice %arg15[%dma_start3A_386] : memref<160000xf32, #tpu.memory_space<vmem_shared>> -> memref<160000xf32, #tpu.memory_space<vmem_shared>>
      tpu.enqueue_indirect_dma source(%arg13 : memref<80xf32, #tpu.memory_space<vmem>>) target(%dma_start3A_387 : memref<160000xf32, #tpu.memory_space<vmem_shared>>) offsets(%arg8 : memref<80xi32, #tpu.memory_space<vmem>>) semaphore(%arg16 : memref<!tpu.dma_semaphore, #tpu.memory_space<semaphore_mem>>) {add = true}
      %dma_wait3A_388 = arith.constant 0 : i32
      %dma_wait3A_389 = tpu.memref_slice %arg15[%dma_wait3A_388] : memref<160000xf32, #tpu.memory_space<vmem_shared>> -> memref<160000xf32, #tpu.memory_space<vmem_shared>>
      tpu.wait_indirect_dma semaphore(%arg17 : memref<!tpu.dma_semaphore, #tpu.memory_space<semaphore_mem>>) src(%arg13 : memref<80xf32, #tpu.memory_space<vmem>>) dst(%dma_wait3A_389 : memref<160000xf32, #tpu.memory_space<vmem_shared>>)
      %add3A_390 = arith.constant 1 : i32
      %add3A_391 = arith.addi %mul3A_311, %add3A_390 : i32
      %mul3A_392 = arith.constant 80 : i32
      %mul3A_393 = arith.muli %add3A_391, %mul3A_392 : i32
      %add3A_394 = arith.constant 0 : i32
      %add3A_395 = arith.addi %mul3A_393, %add3A_394 : i32
      %get3A_396 = arith.index_cast %add3A_395 : i32 to index
      %get3A_397 = tpu.vector_load %arg6[%get3A_396] {strides = array<i32>} : memref<10000xi32, #tpu.memory_space<vmem>>, vector<16xi32>,
      %mul3A_398 = arith.constant 16 : i32
      %mul3A_399 = vector.broadcast %mul3A_398 : i32 to vector<16xi32>
      %mul3A_400 = arith.muli %get3A_397, %mul3A_399 : vector<16xi32>
      %get3A_401 = arith.index_cast %add3A_395 : i32 to index
      %get3A_402 = tpu.vector_load %arg7[%get3A_401] {strides = array<i32>} : memref<10000xi32, #tpu.memory_space<vmem>>, vector<16xi32>,
      %add3A_403 = arith.addi %mul3A_400, %get3A_402 : vector<16xi32>
      %swap3A_404 = arith.constant 0 : index
      %swap3A_405 = tpu.vector_load %arg9[%swap3A_404] {strides = array<i32>} : memref<80xi32, #tpu.memory_space<vmem>>, vector<16xi32>,
      tpu.vector_store %arg9[%swap3A_404], %add3A_403 {strides = array<i32>} : memref<80xi32, #tpu.memory_space<vmem>>, vector<16xi32>,
      %mul3A_406 = arith.constant 80 : i32
      %mul3A_407 = arith.muli %add3A_391, %mul3A_406 : i32
      %add3A_408 = arith.constant 16 : i32
      %add3A_409 = arith.addi %mul3A_407, %add3A_408 : i32
      %get3A_410 = arith.index_cast %add3A_409 : i32 to index
      %get3A_411 = tpu.vector_load %arg6[%get3A_410] {strides = array<i32>} : memref<10000xi32, #tpu.memory_space<vmem>>, vector<16xi32>,
      %mul3A_412 = arith.constant 16 : i32
      %mul3A_413 = vector.broadcast %mul3A_412 : i32 to vector<16xi32>
      %mul3A_414 = arith.muli %get3A_411, %mul3A_413 : vector<16xi32>
      %get3A_415 = arith.index_cast %add3A_409 : i32 to index
      %get3A_416 = tpu.vector_load %arg7[%get3A_415] {strides = array<i32>} : memref<10000xi32, #tpu.memory_space<vmem>>, vector<16xi32>,
      %add3A_417 = arith.addi %mul3A_414, %get3A_416 : vector<16xi32>
      %swap3A_418 = arith.constant 16 : index
      %swap3A_419 = tpu.vector_load %arg9[%swap3A_418] {strides = array<i32>} : memref<80xi32, #tpu.memory_space<vmem>>, vector<16xi32>,
      tpu.vector_store %arg9[%swap3A_418], %add3A_417 {strides = array<i32>} : memref<80xi32, #tpu.memory_space<vmem>>, vector<16xi32>,
      %mul3A_420 = arith.constant 80 : i32
      %mul3A_421 = arith.muli %add3A_391, %mul3A_420 : i32
      %add3A_422 = arith.constant 32 : i32
      %add3A_423 = arith.addi %mul3A_421, %add3A_422 : i32
      %get3A_424 = arith.index_cast %add3A_423 : i32 to index
      %get3A_425 = tpu.vector_load %arg6[%get3A_424] {strides = array<i32>} : memref<10000xi32, #tpu.memory_space<vmem>>, vector<16xi32>,
      %mul3A_426 = arith.constant 16 : i32
      %mul3A_427 = vector.broadcast %mul3A_426 : i32 to vector<16xi32>
      %mul3A_428 = arith.muli %get3A_425, %mul3A_427 : vector<16xi32>
      %get3A_429 = arith.index_cast %add3A_423 : i32 to index
      %get3A_430 = tpu.vector_load %arg7[%get3A_429] {strides = array<i32>} : memref<10000xi32, #tpu.memory_space<vmem>>, vector<16xi32>,
      %add3A_431 = arith.addi %mul3A_428, %get3A_430 : vector<16xi32>
      %swap3A_432 = arith.constant 32 : index
      %swap3A_433 = tpu.vector_load %arg9[%swap3A_432] {strides = array<i32>} : memref<80xi32, #tpu.memory_space<vmem>>, vector<16xi32>,
      tpu.vector_store %arg9[%swap3A_432], %add3A_431 {strides = array<i32>} : memref<80xi32, #tpu.memory_space<vmem>>, vector<16xi32>,
      %mul3A_434 = arith.constant 80 : i32
      %mul3A_435 = arith.muli %add3A_391, %mul3A_434 : i32
      %add3A_436 = arith.constant 48 : i32
      %add3A_437 = arith.addi %mul3A_435, %add3A_436 : i32
      %get3A_438 = arith.index_cast %add3A_437 : i32 to index
      %get3A_439 = tpu.vector_load %arg6[%get3A_438] {strides = array<i32>} : memref<10000xi32, #tpu.memory_space<vmem>>, vector<16xi32>,
      %mul3A_440 = arith.constant 16 : i32
      %mul3A_441 = vector.broadcast %mul3A_440 : i32 to vector<16xi32>
      %mul3A_442 = arith.muli %get3A_439, %mul3A_441 : vector<16xi32>
      %get3A_443 = arith.index_cast %add3A_437 : i32 to index
      %get3A_444 = tpu.vector_load %arg7[%get3A_443] {strides = array<i32>} : memref<10000xi32, #tpu.memory_space<vmem>>, vector<16xi32>,
      %add3A_445 = arith.addi %mul3A_442, %get3A_444 : vector<16xi32>
      %swap3A_446 = arith.constant 48 : index
      %swap3A_447 = tpu.vector_load %arg9[%swap3A_446] {strides = array<i32>} : memref<80xi32, #tpu.memory_space<vmem>>, vector<16xi32>,
      tpu.vector_store %arg9[%swap3A_446], %add3A_445 {strides = array<i32>} : memref<80xi32, #tpu.memory_space<vmem>>, vector<16xi32>,
      %mul3A_448 = arith.constant 80 : i32
      %mul3A_449 = arith.muli %add3A_391, %mul3A_448 : i32
      %add3A_450 = arith.constant 64 : i32
      %add3A_451 = arith.addi %mul3A_449, %add3A_450 : i32
      %get3A_452 = arith.index_cast %add3A_451 : i32 to index
      %get3A_453 = tpu.vector_load %arg6[%get3A_452] {strides = array<i32>} : memref<10000xi32, #tpu.memory_space<vmem>>, vector<16xi32>,
      %mul3A_454 = arith.constant 16 : i32
      %mul3A_455 = vector.broadcast %mul3A_454 : i32 to vector<16xi32>
      %mul3A_456 = arith.muli %get3A_453, %mul3A_455 : vector<16xi32>
      %get3A_457 = arith.index_cast %add3A_451 : i32 to index
      %get3A_458 = tpu.vector_load %arg7[%get3A_457] {strides = array<i32>} : memref<10000xi32, #tpu.memory_space<vmem>>, vector<16xi32>,
      %add3A_459 = arith.addi %mul3A_456, %get3A_458 : vector<16xi32>
      %swap3A_460 = arith.constant 64 : index
      %swap3A_461 = tpu.vector_load %arg9[%swap3A_460] {strides = array<i32>} : memref<80xi32, #tpu.memory_space<vmem>>, vector<16xi32>,
      tpu.vector_store %arg9[%swap3A_460], %add3A_459 {strides = array<i32>} : memref<80xi32, #tpu.memory_space<vmem>>, vector<16xi32>,
      %dma_start3A_462 = arith.constant 0 : i32
      %dma_start3A_463 = tpu.memref_slice %arg15[%dma_start3A_462] : memref<160000xf32, #tpu.memory_space<vmem_shared>> -> memref<160000xf32, #tpu.memory_space<vmem_shared>>
      tpu.enqueue_indirect_dma source(%arg13 : memref<80xf32, #tpu.memory_space<vmem>>) target(%dma_start3A_463 : memref<160000xf32, #tpu.memory_space<vmem_shared>>) offsets(%arg9 : memref<80xi32, #tpu.memory_space<vmem>>) semaphore(%arg17 : memref<!tpu.dma_semaphore, #tpu.memory_space<semaphore_mem>>) {add = true}
      %dma_wait3A_464 = arith.constant 0 : i32
      %dma_wait3A_465 = tpu.memref_slice %arg15[%dma_wait3A_464] : memref<160000xf32, #tpu.memory_space<vmem_shared>> -> memref<160000xf32, #tpu.memory_space<vmem_shared>>
      tpu.wait_indirect_dma semaphore(%arg18 : memref<!tpu.dma_semaphore, #tpu.memory_space<semaphore_mem>>) src(%arg13 : memref<80xf32, #tpu.memory_space<vmem>>) dst(%dma_wait3A_465 : memref<160000xf32, #tpu.memory_space<vmem_shared>>)
      %add3A_466 = arith.constant 2 : i32
      %add3A_467 = arith.addi %mul3A_311, %add3A_466 : i32
      %mul3A_468 = arith.constant 80 : i32
      %mul3A_469 = arith.muli %add3A_467, %mul3A_468 : i32
      %add3A_470 = arith.constant 0 : i32
      %add3A_471 = arith.addi %mul3A_469, %add3A_470 : i32
      %get3A_472 = arith.index_cast %add3A_471 : i32 to index
      %get3A_473 = tpu.vector_load %arg6[%get3A_472] {strides = array<i32>} : memref<10000xi32, #tpu.memory_space<vmem>>, vector<16xi32>,
      %mul3A_474 = arith.constant 16 : i32
      %mul3A_475 = vector.broadcast %mul3A_474 : i32 to vector<16xi32>
      %mul3A_476 = arith.muli %get3A_473, %mul3A_475 : vector<16xi32>
      %get3A_477 = arith.index_cast %add3A_471 : i32 to index
      %get3A_478 = tpu.vector_load %arg7[%get3A_477] {strides = array<i32>} : memref<10000xi32, #tpu.memory_space<vmem>>, vector<16xi32>,
      %add3A_479 = arith.addi %mul3A_476, %get3A_478 : vector<16xi32>
      %swap3A_480 = arith.constant 0 : index
      %swap3A_481 = tpu.vector_load %arg10[%swap3A_480] {strides = array<i32>} : memref<80xi32, #tpu.memory_space<vmem>>, vector<16xi32>,
      tpu.vector_store %arg10[%swap3A_480], %add3A_479 {strides = array<i32>} : memref<80xi32, #tpu.memory_space<vmem>>, vector<16xi32>,
      %mul3A_482 = arith.constant 80 : i32
      %mul3A_483 = arith.muli %add3A_467, %mul3A_482 : i32
      %add3A_484 = arith.constant 16 : i32
      %add3A_485 = arith.addi %mul3A_483, %add3A_484 : i32
      %get3A_486 = arith.index_cast %add3A_485 : i32 to index
      %get3A_487 = tpu.vector_load %arg6[%get3A_486] {strides = array<i32>} : memref<10000xi32, #tpu.memory_space<vmem>>, vector<16xi32>,
      %mul3A_488 = arith.constant 16 : i32
      %mul3A_489 = vector.broadcast %mul3A_488 : i32 to vector<16xi32>
      %mul3A_490 = arith.muli %get3A_487, %mul3A_489 : vector<16xi32>
      %get3A_491 = arith.index_cast %add3A_485 : i32 to index
      %get3A_492 = tpu.vector_load %arg7[%get3A_491] {strides = array<i32>} : memref<10000xi32, #tpu.memory_space<vmem>>, vector<16xi32>,
      %add3A_493 = arith.addi %mul3A_490, %get3A_492 : vector<16xi32>
      %swap3A_494 = arith.constant 16 : index
      %swap3A_495 = tpu.vector_load %arg10[%swap3A_494] {strides = array<i32>} : memref<80xi32, #tpu.memory_space<vmem>>, vector<16xi32>,
      tpu.vector_store %arg10[%swap3A_494], %add3A_493 {strides = array<i32>} : memref<80xi32, #tpu.memory_space<vmem>>, vector<16xi32>,
      %mul3A_496 = arith.constant 80 : i32
      %mul3A_497 = arith.muli %add3A_467, %mul3A_496 : i32
      %add3A_498 = arith.constant 32 : i32
      %add3A_499 = arith.addi %mul3A_497, %add3A_498 : i32
      %get3A_500 = arith.index_cast %add3A_499 : i32 to index
      %get3A_501 = tpu.vector_load %arg6[%get3A_500] {strides = array<i32>} : memref<10000xi32, #tpu.memory_space<vmem>>, vector<16xi32>,
      %mul3A_502 = arith.constant 16 : i32
      %mul3A_503 = vector.broadcast %mul3A_502 : i32 to vector<16xi32>
      %mul3A_504 = arith.muli %get3A_501, %mul3A_503 : vector<16xi32>
      %get3A_505 = arith.index_cast %add3A_499 : i32 to index
      %get3A_506 = tpu.vector_load %arg7[%get3A_505] {strides = array<i32>} : memref<10000xi32, #tpu.memory_space<vmem>>, vector<16xi32>,
      %add3A_507 = arith.addi %mul3A_504, %get3A_506 : vector<16xi32>
      %swap3A_508 = arith.constant 32 : index
      %swap3A_509 = tpu.vector_load %arg10[%swap3A_508] {strides = array<i32>} : memref<80xi32, #tpu.memory_space<vmem>>, vector<16xi32>,
      tpu.vector_store %arg10[%swap3A_508], %add3A_507 {strides = array<i32>} : memref<80xi32, #tpu.memory_space<vmem>>, vector<16xi32>,
      %mul3A_510 = arith.constant 80 : i32
      %mul3A_511 = arith.muli %add3A_467, %mul3A_510 : i32
      %add3A_512 = arith.constant 48 : i32
      %add3A_513 = arith.addi %mul3A_511, %add3A_512 : i32
      %get3A_514 = arith.index_cast %add3A_513 : i32 to index
      %get3A_515 = tpu.vector_load %arg6[%get3A_514] {strides = array<i32>} : memref<10000xi32, #tpu.memory_space<vmem>>, vector<16xi32>,
      %mul3A_516 = arith.constant 16 : i32
      %mul3A_517 = vector.broadcast %mul3A_516 : i32 to vector<16xi32>
      %mul3A_518 = arith.muli %get3A_515, %mul3A_517 : vector<16xi32>
      %get3A_519 = arith.index_cast %add3A_513 : i32 to index
      %get3A_520 = tpu.vector_load %arg7[%get3A_519] {strides = array<i32>} : memref<10000xi32, #tpu.memory_space<vmem>>, vector<16xi32>,
      %add3A_521 = arith.addi %mul3A_518, %get3A_520 : vector<16xi32>
      %swap3A_522 = arith.constant 48 : index
      %swap3A_523 = tpu.vector_load %arg10[%swap3A_522] {strides = array<i32>} : memref<80xi32, #tpu.memory_space<vmem>>, vector<16xi32>,
      tpu.vector_store %arg10[%swap3A_522], %add3A_521 {strides = array<i32>} : memref<80xi32, #tpu.memory_space<vmem>>, vector<16xi32>,
      %mul3A_524 = arith.constant 80 : i32
      %mul3A_525 = arith.muli %add3A_467, %mul3A_524 : i32
      %add3A_526 = arith.constant 64 : i32
      %add3A_527 = arith.addi %mul3A_525, %add3A_526 : i32
      %get3A_528 = arith.index_cast %add3A_527 : i32 to index
      %get3A_529 = tpu.vector_load %arg6[%get3A_528] {strides = array<i32>} : memref<10000xi32, #tpu.memory_space<vmem>>, vector<16xi32>,
      %mul3A_530 = arith.constant 16 : i32
      %mul3A_531 = vector.broadcast %mul3A_530 : i32 to vector<16xi32>
      %mul3A_532 = arith.muli %get3A_529, %mul3A_531 : vector<16xi32>
      %get3A_533 = arith.index_cast %add3A_527 : i32 to index
      %get3A_534 = tpu.vector_load %arg7[%get3A_533] {strides = array<i32>} : memref<10000xi32, #tpu.memory_space<vmem>>, vector<16xi32>,
      %add3A_535 = arith.addi %mul3A_532, %get3A_534 : vector<16xi32>
      %swap3A_536 = arith.constant 64 : index
      %swap3A_537 = tpu.vector_load %arg10[%swap3A_536] {strides = array<i32>} : memref<80xi32, #tpu.memory_space<vmem>>, vector<16xi32>,
      tpu.vector_store %arg10[%swap3A_536], %add3A_535 {strides = array<i32>} : memref<80xi32, #tpu.memory_space<vmem>>, vector<16xi32>,
      %dma_start3A_538 = arith.constant 0 : i32
      %dma_start3A_539 = tpu.memref_slice %arg15[%dma_start3A_538] : memref<160000xf32, #tpu.memory_space<vmem_shared>> -> memref<160000xf32, #tpu.memory_space<vmem_shared>>
      tpu.enqueue_indirect_dma source(%arg13 : memref<80xf32, #tpu.memory_space<vmem>>) target(%dma_start3A_539 : memref<160000xf32, #tpu.memory_space<vmem_shared>>) offsets(%arg10 : memref<80xi32, #tpu.memory_space<vmem>>) semaphore(%arg18 : memref<!tpu.dma_semaphore, #tpu.memory_space<semaphore_mem>>) {add = true}
      %dma_wait3A_540 = arith.constant 0 : i32
      %dma_wait3A_541 = tpu.memref_slice %arg15[%dma_wait3A_540] : memref<160000xf32, #tpu.memory_space<vmem_shared>> -> memref<160000xf32, #tpu.memory_space<vmem_shared>>
      tpu.wait_indirect_dma semaphore(%arg19 : memref<!tpu.dma_semaphore, #tpu.memory_space<semaphore_mem>>) src(%arg13 : memref<80xf32, #tpu.memory_space<vmem>>) dst(%dma_wait3A_541 : memref<160000xf32, #tpu.memory_space<vmem_shared>>)
      %add3A_542 = arith.constant 3 : i32
      %add3A_543 = arith.addi %mul3A_311, %add3A_542 : i32
      %mul3A_544 = arith.constant 80 : i32
      %mul3A_545 = arith.muli %add3A_543, %mul3A_544 : i32
      %add3A_546 = arith.constant 0 : i32
      %add3A_547 = arith.addi %mul3A_545, %add3A_546 : i32
      %get3A_548 = arith.index_cast %add3A_547 : i32 to index
      %get3A_549 = tpu.vector_load %arg6[%get3A_548] {strides = array<i32>} : memref<10000xi32, #tpu.memory_space<vmem>>, vector<16xi32>,
      %mul3A_550 = arith.constant 16 : i32
      %mul3A_551 = vector.broadcast %mul3A_550 : i32 to vector<16xi32>
      %mul3A_552 = arith.muli %get3A_549, %mul3A_551 : vector<16xi32>
      %get3A_553 = arith.index_cast %add3A_547 : i32 to index
      %get3A_554 = tpu.vector_load %arg7[%get3A_553] {strides = array<i32>} : memref<10000xi32, #tpu.memory_space<vmem>>, vector<16xi32>,
      %add3A_555 = arith.addi %mul3A_552, %get3A_554 : vector<16xi32>
      %swap3A_556 = arith.constant 0 : index
      %swap3A_557 = tpu.vector_load %arg11[%swap3A_556] {strides = array<i32>} : memref<80xi32, #tpu.memory_space<vmem>>, vector<16xi32>,
      tpu.vector_store %arg11[%swap3A_556], %add3A_555 {strides = array<i32>} : memref<80xi32, #tpu.memory_space<vmem>>, vector<16xi32>,
      %mul3A_558 = arith.constant 80 : i32
      %mul3A_559 = arith.muli %add3A_543, %mul3A_558 : i32
      %add3A_560 = arith.constant 16 : i32
      %add3A_561 = arith.addi %mul3A_559, %add3A_560 : i32
      %get3A_562 = arith.index_cast %add3A_561 : i32 to index
      %get3A_563 = tpu.vector_load %arg6[%get3A_562] {strides = array<i32>} : memref<10000xi32, #tpu.memory_space<vmem>>, vector<16xi32>,
      %mul3A_564 = arith.constant 16 : i32
      %mul3A_565 = vector.broadcast %mul3A_564 : i32 to vector<16xi32>
      %mul3A_566 = arith.muli %get3A_563, %mul3A_565 : vector<16xi32>
      %get3A_567 = arith.index_cast %add3A_561 : i32 to index
      %get3A_568 = tpu.vector_load %arg7[%get3A_567] {strides = array<i32>} : memref<10000xi32, #tpu.memory_space<vmem>>, vector<16xi32>,
      %add3A_569 = arith.addi %mul3A_566, %get3A_568 : vector<16xi32>
      %swap3A_570 = arith.constant 16 : index
      %swap3A_571 = tpu.vector_load %arg11[%swap3A_570] {strides = array<i32>} : memref<80xi32, #tpu.memory_space<vmem>>, vector<16xi32>,
      tpu.vector_store %arg11[%swap3A_570], %add3A_569 {strides = array<i32>} : memref<80xi32, #tpu.memory_space<vmem>>, vector<16xi32>,
      %mul3A_572 = arith.constant 80 : i32
      %mul3A_573 = arith.muli %add3A_543, %mul3A_572 : i32
      %add3A_574 = arith.constant 32 : i32
      %add3A_575 = arith.addi %mul3A_573, %add3A_574 : i32
      %get3A_576 = arith.index_cast %add3A_575 : i32 to index
      %get3A_577 = tpu.vector_load %arg6[%get3A_576] {strides = array<i32>} : memref<10000xi32, #tpu.memory_space<vmem>>, vector<16xi32>,
      %mul3A_578 = arith.constant 16 : i32
      %mul3A_579 = vector.broadcast %mul3A_578 : i32 to vector<16xi32>
      %mul3A_580 = arith.muli %get3A_577, %mul3A_579 : vector<16xi32>
      %get3A_581 = arith.index_cast %add3A_575 : i32 to index
      %get3A_582 = tpu.vector_load %arg7[%get3A_581] {strides = array<i32>} : memref<10000xi32, #tpu.memory_space<vmem>>, vector<16xi32>,
      %add3A_583 = arith.addi %mul3A_580, %get3A_582 : vector<16xi32>
      %swap3A_584 = arith.constant 32 : index
      %swap3A_585 = tpu.vector_load %arg11[%swap3A_584] {strides = array<i32>} : memref<80xi32, #tpu.memory_space<vmem>>, vector<16xi32>,
      tpu.vector_store %arg11[%swap3A_584], %add3A_583 {strides = array<i32>} : memref<80xi32, #tpu.memory_space<vmem>>, vector<16xi32>,
      %mul3A_586 = arith.constant 80 : i32
      %mul3A_587 = arith.muli %add3A_543, %mul3A_586 : i32
      %add3A_588 = arith.constant 48 : i32
      %add3A_589 = arith.addi %mul3A_587, %add3A_588 : i32
      %get3A_590 = arith.index_cast %add3A_589 : i32 to index
      %get3A_591 = tpu.vector_load %arg6[%get3A_590] {strides = array<i32>} : memref<10000xi32, #tpu.memory_space<vmem>>, vector<16xi32>,
      %mul3A_592 = arith.constant 16 : i32
      %mul3A_593 = vector.broadcast %mul3A_592 : i32 to vector<16xi32>
      %mul3A_594 = arith.muli %get3A_591, %mul3A_593 : vector<16xi32>
      %get3A_595 = arith.index_cast %add3A_589 : i32 to index
      %get3A_596 = tpu.vector_load %arg7[%get3A_595] {strides = array<i32>} : memref<10000xi32, #tpu.memory_space<vmem>>, vector<16xi32>,
      %add3A_597 = arith.addi %mul3A_594, %get3A_596 : vector<16xi32>
      %swap3A_598 = arith.constant 48 : index
      %swap3A_599 = tpu.vector_load %arg11[%swap3A_598] {strides = array<i32>} : memref<80xi32, #tpu.memory_space<vmem>>, vector<16xi32>,
      tpu.vector_store %arg11[%swap3A_598], %add3A_597 {strides = array<i32>} : memref<80xi32, #tpu.memory_space<vmem>>, vector<16xi32>,
      %mul3A_600 = arith.constant 80 : i32
      %mul3A_601 = arith.muli %add3A_543, %mul3A_600 : i32
      %add3A_602 = arith.constant 64 : i32
      %add3A_603 = arith.addi %mul3A_601, %add3A_602 : i32
      %get3A_604 = arith.index_cast %add3A_603 : i32 to index
      %get3A_605 = tpu.vector_load %arg6[%get3A_604] {strides = array<i32>} : memref<10000xi32, #tpu.memory_space<vmem>>, vector<16xi32>,
      %mul3A_606 = arith.constant 16 : i32
      %mul3A_607 = vector.broadcast %mul3A_606 : i32 to vector<16xi32>
      %mul3A_608 = arith.muli %get3A_605, %mul3A_607 : vector<16xi32>
      %get3A_609 = arith.index_cast %add3A_603 : i32 to index
      %get3A_610 = tpu.vector_load %arg7[%get3A_609] {strides = array<i32>} : memref<10000xi32, #tpu.memory_space<vmem>>, vector<16xi32>,
      %add3A_611 = arith.addi %mul3A_608, %get3A_610 : vector<16xi32>
      %swap3A_612 = arith.constant 64 : index
      %swap3A_613 = tpu.vector_load %arg11[%swap3A_612] {strides = array<i32>} : memref<80xi32, #tpu.memory_space<vmem>>, vector<16xi32>,
      tpu.vector_store %arg11[%swap3A_612], %add3A_611 {strides = array<i32>} : memref<80xi32, #tpu.memory_space<vmem>>, vector<16xi32>,
      %dma_start3A_614 = arith.constant 0 : i32
      %dma_start3A_615 = tpu.memref_slice %arg15[%dma_start3A_614] : memref<160000xf32, #tpu.memory_space<vmem_shared>> -> memref<160000xf32, #tpu.memory_space<vmem_shared>>
      tpu.enqueue_indirect_dma source(%arg13 : memref<80xf32, #tpu.memory_space<vmem>>) target(%dma_start3A_615 : memref<160000xf32, #tpu.memory_space<vmem_shared>>) offsets(%arg11 : memref<80xi32, #tpu.memory_space<vmem>>) semaphore(%arg19 : memref<!tpu.dma_semaphore, #tpu.memory_space<semaphore_mem>>) {add = true}
      %dma_wait3A_616 = arith.constant 0 : i32
      %dma_wait3A_617 = tpu.memref_slice %arg15[%dma_wait3A_616] : memref<160000xf32, #tpu.memory_space<vmem_shared>> -> memref<160000xf32, #tpu.memory_space<vmem_shared>>
      tpu.wait_indirect_dma semaphore(%arg20 : memref<!tpu.dma_semaphore, #tpu.memory_space<semaphore_mem>>) src(%arg13 : memref<80xf32, #tpu.memory_space<vmem>>) dst(%dma_wait3A_617 : memref<160000xf32, #tpu.memory_space<vmem_shared>>)
      %add3A_618 = arith.constant 4 : i32
      %add3A_619 = arith.addi %mul3A_311, %add3A_618 : i32
      %mul3A_620 = arith.constant 80 : i32
      %mul3A_621 = arith.muli %add3A_619, %mul3A_620 : i32
      %add3A_622 = arith.constant 0 : i32
      %add3A_623 = arith.addi %mul3A_621, %add3A_622 : i32
      %get3A_624 = arith.index_cast %add3A_623 : i32 to index
      %get3A_625 = tpu.vector_load %arg6[%get3A_624] {strides = array<i32>} : memref<10000xi32, #tpu.memory_space<vmem>>, vector<16xi32>,
      %mul3A_626 = arith.constant 16 : i32
      %mul3A_627 = vector.broadcast %mul3A_626 : i32 to vector<16xi32>
      %mul3A_628 = arith.muli %get3A_625, %mul3A_627 : vector<16xi32>
      %get3A_629 = arith.index_cast %add3A_623 : i32 to index
      %get3A_630 = tpu.vector_load %arg7[%get3A_629] {strides = array<i32>} : memref<10000xi32, #tpu.memory_space<vmem>>, vector<16xi32>,
      %add3A_631 = arith.addi %mul3A_628, %get3A_630 : vector<16xi32>
      %swap3A_632 = arith.constant 0 : index
      %swap3A_633 = tpu.vector_load %arg12[%swap3A_632] {strides = array<i32>} : memref<80xi32, #tpu.memory_space<vmem>>, vector<16xi32>,
      tpu.vector_store %arg12[%swap3A_632], %add3A_631 {strides = array<i32>} : memref<80xi32, #tpu.memory_space<vmem>>, vector<16xi32>,
      %mul3A_634 = arith.constant 80 : i32
      %mul3A_635 = arith.muli %add3A_619, %mul3A_634 : i32
      %add3A_636 = arith.constant 16 : i32
      %add3A_637 = arith.addi %mul3A_635, %add3A_636 : i32
      %get3A_638 = arith.index_cast %add3A_637 : i32 to index
      %get3A_639 = tpu.vector_load %arg6[%get3A_638] {strides = array<i32>} : memref<10000xi32, #tpu.memory_space<vmem>>, vector<16xi32>,
      %mul3A_640 = arith.constant 16 : i32
      %mul3A_641 = vector.broadcast %mul3A_640 : i32 to vector<16xi32>
      %mul3A_642 = arith.muli %get3A_639, %mul3A_641 : vector<16xi32>
      %get3A_643 = arith.index_cast %add3A_637 : i32 to index
      %get3A_644 = tpu.vector_load %arg7[%get3A_643] {strides = array<i32>} : memref<10000xi32, #tpu.memory_space<vmem>>, vector<16xi32>,
      %add3A_645 = arith.addi %mul3A_642, %get3A_644 : vector<16xi32>
      %swap3A_646 = arith.constant 16 : index
      %swap3A_647 = tpu.vector_load %arg12[%swap3A_646] {strides = array<i32>} : memref<80xi32, #tpu.memory_space<vmem>>, vector<16xi32>,
      tpu.vector_store %arg12[%swap3A_646], %add3A_645 {strides = array<i32>} : memref<80xi32, #tpu.memory_space<vmem>>, vector<16xi32>,
      %mul3A_648 = arith.constant 80 : i32
      %mul3A_649 = arith.muli %add3A_619, %mul3A_648 : i32
      %add3A_650 = arith.constant 32 : i32
      %add3A_651 = arith.addi %mul3A_649, %add3A_650 : i32
      %get3A_652 = arith.index_cast %add3A_651 : i32 to index
      %get3A_653 = tpu.vector_load %arg6[%get3A_652] {strides = array<i32>} : memref<10000xi32, #tpu.memory_space<vmem>>, vector<16xi32>,
      %mul3A_654 = arith.constant 16 : i32
      %mul3A_655 = vector.broadcast %mul3A_654 : i32 to vector<16xi32>
      %mul3A_656 = arith.muli %get3A_653, %mul3A_655 : vector<16xi32>
      %get3A_657 = arith.index_cast %add3A_651 : i32 to index
      %get3A_658 = tpu.vector_load %arg7[%get3A_657] {strides = array<i32>} : memref<10000xi32, #tpu.memory_space<vmem>>, vector<16xi32>,
      %add3A_659 = arith.addi %mul3A_656, %get3A_658 : vector<16xi32>
      %swap3A_660 = arith.constant 32 : index
      %swap3A_661 = tpu.vector_load %arg12[%swap3A_660] {strides = array<i32>} : memref<80xi32, #tpu.memory_space<vmem>>, vector<16xi32>,
      tpu.vector_store %arg12[%swap3A_660], %add3A_659 {strides = array<i32>} : memref<80xi32, #tpu.memory_space<vmem>>, vector<16xi32>,
      %mul3A_662 = arith.constant 80 : i32
      %mul3A_663 = arith.muli %add3A_619, %mul3A_662 : i32
      %add3A_664 = arith.constant 48 : i32
      %add3A_665 = arith.addi %mul3A_663, %add3A_664 : i32
      %get3A_666 = arith.index_cast %add3A_665 : i32 to index
      %get3A_667 = tpu.vector_load %arg6[%get3A_666] {strides = array<i32>} : memref<10000xi32, #tpu.memory_space<vmem>>, vector<16xi32>,
      %mul3A_668 = arith.constant 16 : i32
      %mul3A_669 = vector.broadcast %mul3A_668 : i32 to vector<16xi32>
      %mul3A_670 = arith.muli %get3A_667, %mul3A_669 : vector<16xi32>
      %get3A_671 = arith.index_cast %add3A_665 : i32 to index
      %get3A_672 = tpu.vector_load %arg7[%get3A_671] {strides = array<i32>} : memref<10000xi32, #tpu.memory_space<vmem>>, vector<16xi32>,
      %add3A_673 = arith.addi %mul3A_670, %get3A_672 : vector<16xi32>
      %swap3A_674 = arith.constant 48 : index
      %swap3A_675 = tpu.vector_load %arg12[%swap3A_674] {strides = array<i32>} : memref<80xi32, #tpu.memory_space<vmem>>, vector<16xi32>,
      tpu.vector_store %arg12[%swap3A_674], %add3A_673 {strides = array<i32>} : memref<80xi32, #tpu.memory_space<vmem>>, vector<16xi32>,
      %mul3A_676 = arith.constant 80 : i32
      %mul3A_677 = arith.muli %add3A_619, %mul3A_676 : i32
      %add3A_678 = arith.constant 64 : i32
      %add3A_679 = arith.addi %mul3A_677, %add3A_678 : i32
      %get3A_680 = arith.index_cast %add3A_679 : i32 to index
      %get3A_681 = tpu.vector_load %arg6[%get3A_680] {strides = array<i32>} : memref<10000xi32, #tpu.memory_space<vmem>>, vector<16xi32>,
      %mul3A_682 = arith.constant 16 : i32
      %mul3A_683 = vector.broadcast %mul3A_682 : i32 to vector<16xi32>
      %mul3A_684 = arith.muli %get3A_681, %mul3A_683 : vector<16xi32>
      %get3A_685 = arith.index_cast %add3A_679 : i32 to index
      %get3A_686 = tpu.vector_load %arg7[%get3A_685] {strides = array<i32>} : memref<10000xi32, #tpu.memory_space<vmem>>, vector<16xi32>,
      %add3A_687 = arith.addi %mul3A_684, %get3A_686 : vector<16xi32>
      %swap3A_688 = arith.constant 64 : index
      %swap3A_689 = tpu.vector_load %arg12[%swap3A_688] {strides = array<i32>} : memref<80xi32, #tpu.memory_space<vmem>>, vector<16xi32>,
      tpu.vector_store %arg12[%swap3A_688], %add3A_687 {strides = array<i32>} : memref<80xi32, #tpu.memory_space<vmem>>, vector<16xi32>,
      %dma_start3A_690 = arith.constant 0 : i32
      %dma_start3A_691 = tpu.memref_slice %arg15[%dma_start3A_690] : memref<160000xf32, #tpu.memory_space<vmem_shared>> -> memref<160000xf32, #tpu.memory_space<vmem_shared>>
      tpu.enqueue_indirect_dma source(%arg13 : memref<80xf32, #tpu.memory_space<vmem>>) target(%dma_start3A_691 : memref<160000xf32, #tpu.memory_space<vmem_shared>>) offsets(%arg12 : memref<80xi32, #tpu.memory_space<vmem>>) semaphore(%arg20 : memref<!tpu.dma_semaphore, #tpu.memory_space<semaphore_mem>>) {add = true}
    }
    %scan3A_291 = arith.constant 24 : i32
    %dma_wait3A = arith.constant 0 : i32
    %dma_wait3A_292 = tpu.memref_slice %arg15[%dma_wait3A] : memref<160000xf32, #tpu.memory_space<vmem_shared>> -> memref<160000xf32, #tpu.memory_space<vmem_shared>>
    tpu.wait_indirect_dma semaphore(%arg16 : memref<!tpu.dma_semaphore, #tpu.memory_space<semaphore_mem>>) src(%arg13 : memref<80xf32, #tpu.memory_space<vmem>>) dst(%dma_wait3A_292 : memref<160000xf32, #tpu.memory_space<vmem_shared>>)
    %dma_wait3A_293 = arith.constant 0 : i32
    %dma_wait3A_294 = tpu.memref_slice %arg15[%dma_wait3A_293] : memref<160000xf32, #tpu.memory_space<vmem_shared>> -> memref<160000xf32, #tpu.memory_space<vmem_shared>>
    tpu.wait_indirect_dma semaphore(%arg17 : memref<!tpu.dma_semaphore, #tpu.memory_space<semaphore_mem>>) src(%arg13 : memref<80xf32, #tpu.memory_space<vmem>>) dst(%dma_wait3A_294 : memref<160000xf32, #tpu.memory_space<vmem_shared>>)
    %dma_wait3A_295 = arith.constant 0 : i32
    %dma_wait3A_296 = tpu.memref_slice %arg15[%dma_wait3A_295] : memref<160000xf32, #tpu.memory_space<vmem_shared>> -> memref<160000xf32, #tpu.memory_space<vmem_shared>>
    tpu.wait_indirect_dma semaphore(%arg18 : memref<!tpu.dma_semaphore, #tpu.memory_space<semaphore_mem>>) src(%arg13 : memref<80xf32, #tpu.memory_space<vmem>>) dst(%dma_wait3A_296 : memref<160000xf32, #tpu.memory_space<vmem_shared>>)
    %dma_wait3A_297 = arith.constant 0 : i32
    %dma_wait3A_298 = tpu.memref_slice %arg15[%dma_wait3A_297] : memref<160000xf32, #tpu.memory_space<vmem_shared>> -> memref<160000xf32, #tpu.memory_space<vmem_shared>>
    tpu.wait_indirect_dma semaphore(%arg19 : memref<!tpu.dma_semaphore, #tpu.memory_space<semaphore_mem>>) src(%arg13 : memref<80xf32, #tpu.memory_space<vmem>>) dst(%dma_wait3A_298 : memref<160000xf32, #tpu.memory_space<vmem_shared>>)
    %dma_wait3A_299 = arith.constant 0 : i32
    %dma_wait3A_300 = tpu.memref_slice %arg15[%dma_wait3A_299] : memref<160000xf32, #tpu.memory_space<vmem_shared>> -> memref<160000xf32, #tpu.memory_space<vmem_shared>>
    tpu.wait_indirect_dma semaphore(%arg20 : memref<!tpu.dma_semaphore, #tpu.memory_space<semaphore_mem>>) src(%arg13 : memref<80xf32, #tpu.memory_space<vmem>>) dst(%dma_wait3A_300 : memref<160000xf32, #tpu.memory_space<vmem_shared>>)
    %barrier3A_301 = arith.constant 0 : index
    tpu.barrier barrier_id(%barrier3A_301)
    %eq3A = arith.constant 0 : i32
    %eq3A_302 = arith.cmpi eq, %arg0, %eq3A : i32
    %convert_element_type3A = arith.extui %eq3A_302 : i1 to i32
    %cond3A = arith.constant 0 : i32
    %cond3A_303 = arith.cmpi ne, %convert_element_type3A, %cond3A : i32
    scf.if %cond3A_303 {
      %mul3A_309 = arith.constant 10000 : i32
      %mul3A_310 = arith.muli %arg1, %mul3A_309 : i32
      %mul3A_311 = arith.constant 10000 : i32
      %mul3A_312 = arith.muli %arg1, %mul3A_311 : i32
      "tpu.region"() ({
        %run_scoped3A = tpu.sem_alloc : memref<!tpu.dma_semaphore, #tpu.memory_space<semaphore_mem>>
        %dma_start3A_313 = tpu.memref_slice %arg4[%mul3A_312] : memref<160000xf32, #tpu.memory_space<hbm>> -> memref<10000xf32, #tpu.memory_space<hbm>>
        %dma_start3A_314 = tpu.memref_slice %arg15[%mul3A_310] : memref<160000xf32, #tpu.memory_space<vmem_shared>> -> memref<10000xf32, #tpu.memory_space<vmem_shared>>
        tpu.enqueue_dma source(%dma_start3A_314 : memref<10000xf32, #tpu.memory_space<vmem_shared>>) target(%dma_start3A_313 : memref<10000xf32, #tpu.memory_space<hbm>>) target_semaphore(%run_scoped3A : memref<!tpu.dma_semaphore, #tpu.memory_space<semaphore_mem>>)
        %dma_wait3A_315 = tpu.memref_slice %arg4[%mul3A_312] : memref<160000xf32, #tpu.memory_space<hbm>> -> memref<10000xf32, #tpu.memory_space<hbm>>
        %dma_wait3A_316 = tpu.memref_slice %arg15[%mul3A_310] : memref<160000xf32, #tpu.memory_space<vmem_shared>> -> memref<10000xf32, #tpu.memory_space<vmem_shared>>
        tpu.wait_dma2 semaphore(%run_scoped3A : memref<!tpu.dma_semaphore, #tpu.memory_space<semaphore_mem>>) src(%dma_wait3A_316 : memref<10000xf32, #tpu.memory_space<vmem_shared>>) dst(%dma_wait3A_315 : memref<10000xf32, #tpu.memory_space<hbm>>)
        tpu.yield
      }) : () -> ()
    } else {
    }
    %eq3A_304 = arith.constant 1 : i32
    %eq3A_305 = arith.cmpi eq, %arg0, %eq3A_304 : i32
    %convert_element_type3A_306 = arith.extui %eq3A_305 : i1 to i32
    %cond3A_307 = arith.constant 0 : i32
    %cond3A_308 = arith.cmpi ne, %convert_element_type3A_306, %cond3A_307 : i32
    scf.if %cond3A_308 {
      %mul3A_309 = arith.constant 10000 : i32
      %mul3A_310 = arith.muli %arg1, %mul3A_309 : i32
      %mul3A_311 = arith.constant 10000 : i32
      %mul3A_312 = arith.muli %arg1, %mul3A_311 : i32
      "tpu.region"() ({
        %run_scoped3A = tpu.sem_alloc : memref<!tpu.dma_semaphore, #tpu.memory_space<semaphore_mem>>
        %dma_start3A_313 = tpu.memref_slice %arg5[%mul3A_312] : memref<160000xf32, #tpu.memory_space<hbm>> -> memref<10000xf32, #tpu.memory_space<hbm>>
        %dma_start3A_314 = tpu.memref_slice %arg15[%mul3A_310] : memref<160000xf32, #tpu.memory_space<vmem_shared>> -> memref<10000xf32, #tpu.memory_space<vmem_shared>>
        tpu.enqueue_dma source(%dma_start3A_314 : memref<10000xf32, #tpu.memory_space<vmem_shared>>) target(%dma_start3A_313 : memref<10000xf32, #tpu.memory_space<hbm>>) target_semaphore(%run_scoped3A : memref<!tpu.dma_semaphore, #tpu.memory_space<semaphore_mem>>)
        %dma_wait3A_315 = tpu.memref_slice %arg5[%mul3A_312] : memref<160000xf32, #tpu.memory_space<hbm>> -> memref<10000xf32, #tpu.memory_space<hbm>>
        %dma_wait3A_316 = tpu.memref_slice %arg15[%mul3A_310] : memref<160000xf32, #tpu.memory_space<vmem_shared>> -> memref<10000xf32, #tpu.memory_space<vmem_shared>>
        tpu.wait_dma2 semaphore(%run_scoped3A : memref<!tpu.dma_semaphore, #tpu.memory_space<semaphore_mem>>) src(%dma_wait3A_316 : memref<10000xf32, #tpu.memory_space<vmem_shared>>) dst(%dma_wait3A_315 : memref<10000xf32, #tpu.memory_space<hbm>>)
        tpu.yield
      }) : () -> ()
    } else {
    }
    return
  }
}

#map = affine_map<(d0, d1) -> (0, 0)>
#map1 = affine_map<(d0, d1) -> (0)>
#map2 = affine_map<(d0, d1) -> (0, 0, 0)>
module attributes {stable_mosaic.version = 14 : i64} {
  func.func @_agg_body(%arg0: i32, %arg1: i32, %arg2: memref<320000x128xf32, #tpu.memory_space<hbm>>, %arg3: memref<320000xi32, #tpu.memory_space<hbm>>, %arg4: memref<320000xi32, #tpu.memory_space<hbm>>, %arg5: memref<320000xi32, #tpu.memory_space<hbm>>, %arg6: memref<160000xf32, #tpu.memory_space<hbm>>, %arg7: memref<2x10000x128xf32, #tpu.memory_space<hbm>>, %arg8: memref<80xi32, #tpu.memory_space<vmem>>, %arg9: memref<80xi32, #tpu.memory_space<vmem>>, %arg10: memref<80xi32, #tpu.memory_space<vmem>>, %arg11: memref<80xi32, #tpu.memory_space<vmem>>, %arg12: memref<80xi32, #tpu.memory_space<vmem>>, %arg13: memref<80xi32, #tpu.memory_space<vmem>>, %arg14: memref<80xi32, #tpu.memory_space<vmem>>, %arg15: memref<80xi32, #tpu.memory_space<vmem>>, %arg16: memref<80xi32, #tpu.memory_space<vmem>>, %arg17: memref<80xi32, #tpu.memory_space<vmem>>, %arg18: memref<80xi32, #tpu.memory_space<vmem>>, %arg19: memref<80xi32, #tpu.memory_space<vmem>>, %arg20: memref<80xf32, #tpu.memory_space<vmem>>, %arg21: memref<80xf32, #tpu.memory_space<vmem>>, %arg22: memref<80x128xf32, #tpu.memory_space<vmem>>, %arg23: memref<80x128xf32, #tpu.memory_space<vmem>>, %arg24: memref<10000x128xf32, #tpu.memory_space<vmem_shared>>, %arg25: memref<!tpu.dma_semaphore, #tpu.memory_space<semaphore_mem>>, %arg26: memref<!tpu.dma_semaphore, #tpu.memory_space<semaphore_mem>>, %arg27: memref<!tpu.dma_semaphore, #tpu.memory_space<semaphore_mem>>, %arg28: memref<!tpu.dma_semaphore, #tpu.memory_space<semaphore_mem>>, %arg29: memref<!tpu.dma_semaphore, #tpu.memory_space<semaphore_mem>>, %arg30: memref<!tpu.dma_semaphore, #tpu.memory_space<semaphore_mem>>, %arg31: memref<!tpu.dma_semaphore, #tpu.memory_space<semaphore_mem>>, %arg32: memref<!tpu.dma_semaphore, #tpu.memory_space<semaphore_mem>>) attributes {dimension_semantics = [#tpu.dimension_semantics<core_parallel>, #tpu.dimension_semantics<subcore_parallel>], iteration_bounds = array<i64: 2, 16>, scalar_prefetch = 0 : i64, scratch_operands = 25 : i64, tpu.core_type = #tpu.core_type<sc_vector_subcore>, window_params = [{transform_indices = #map}, {transform_indices = #map1}, {transform_indices = #map1}, {transform_indices = #map1}, {transform_indices = #map1}, {transform_indices = #map2}]} {
    %mul3A = arith.constant 20000 : i32
    %mul3A_0 = arith.muli %arg1, %mul3A : i32
    %scan3A = arith.constant 0 : i32
    %scan3A_1 = arith.constant 80 : i32
    %scan3A_2 = arith.addi %scan3A, %scan3A_1 : i32
    %scan3A_3 = arith.constant 1 : i32
    scf.for %scan3A_202 = %scan3A to %scan3A_2 step %scan3A_3  : i32 {
      %broadcast_in_dim3A = arith.constant 0.000000e+00 : f32
      %broadcast_in_dim3A_203 = vector.broadcast %broadcast_in_dim3A : f32 to vector<16xf32>
      %swap3A_204 = arith.index_cast %scan3A_202 : i32 to index
      %swap3A_205 = arith.constant 0 : index
      %swap3A_206 = tpu.vector_load %arg22[%swap3A_204, %swap3A_205] {strides = array<i32>} : memref<80x128xf32, #tpu.memory_space<vmem>>, vector<16xf32>,
      tpu.vector_store %arg22[%swap3A_204, %swap3A_205], %broadcast_in_dim3A_203 {strides = array<i32>} : memref<80x128xf32, #tpu.memory_space<vmem>>, vector<16xf32>,
      %broadcast_in_dim3A_207 = arith.constant 0.000000e+00 : f32
      %broadcast_in_dim3A_208 = vector.broadcast %broadcast_in_dim3A_207 : f32 to vector<16xf32>
      %swap3A_209 = arith.index_cast %scan3A_202 : i32 to index
      %swap3A_210 = arith.constant 16 : index
      %swap3A_211 = tpu.vector_load %arg22[%swap3A_209, %swap3A_210] {strides = array<i32>} : memref<80x128xf32, #tpu.memory_space<vmem>>, vector<16xf32>,
      tpu.vector_store %arg22[%swap3A_209, %swap3A_210], %broadcast_in_dim3A_208 {strides = array<i32>} : memref<80x128xf32, #tpu.memory_space<vmem>>, vector<16xf32>,
      %broadcast_in_dim3A_212 = arith.constant 0.000000e+00 : f32
      %broadcast_in_dim3A_213 = vector.broadcast %broadcast_in_dim3A_212 : f32 to vector<16xf32>
      %swap3A_214 = arith.index_cast %scan3A_202 : i32 to index
      %swap3A_215 = arith.constant 32 : index
      %swap3A_216 = tpu.vector_load %arg22[%swap3A_214, %swap3A_215] {strides = array<i32>} : memref<80x128xf32, #tpu.memory_space<vmem>>, vector<16xf32>,
      tpu.vector_store %arg22[%swap3A_214, %swap3A_215], %broadcast_in_dim3A_213 {strides = array<i32>} : memref<80x128xf32, #tpu.memory_space<vmem>>, vector<16xf32>,
      %broadcast_in_dim3A_217 = arith.constant 0.000000e+00 : f32
      %broadcast_in_dim3A_218 = vector.broadcast %broadcast_in_dim3A_217 : f32 to vector<16xf32>
      %swap3A_219 = arith.index_cast %scan3A_202 : i32 to index
      %swap3A_220 = arith.constant 48 : index
      %swap3A_221 = tpu.vector_load %arg22[%swap3A_219, %swap3A_220] {strides = array<i32>} : memref<80x128xf32, #tpu.memory_space<vmem>>, vector<16xf32>,
      tpu.vector_store %arg22[%swap3A_219, %swap3A_220], %broadcast_in_dim3A_218 {strides = array<i32>} : memref<80x128xf32, #tpu.memory_space<vmem>>, vector<16xf32>,
      %broadcast_in_dim3A_222 = arith.constant 0.000000e+00 : f32
      %broadcast_in_dim3A_223 = vector.broadcast %broadcast_in_dim3A_222 : f32 to vector<16xf32>
      %swap3A_224 = arith.index_cast %scan3A_202 : i32 to index
      %swap3A_225 = arith.constant 64 : index
      %swap3A_226 = tpu.vector_load %arg22[%swap3A_224, %swap3A_225] {strides = array<i32>} : memref<80x128xf32, #tpu.memory_space<vmem>>, vector<16xf32>,
      tpu.vector_store %arg22[%swap3A_224, %swap3A_225], %broadcast_in_dim3A_223 {strides = array<i32>} : memref<80x128xf32, #tpu.memory_space<vmem>>, vector<16xf32>,
      %broadcast_in_dim3A_227 = arith.constant 0.000000e+00 : f32
      %broadcast_in_dim3A_228 = vector.broadcast %broadcast_in_dim3A_227 : f32 to vector<16xf32>
      %swap3A_229 = arith.index_cast %scan3A_202 : i32 to index
      %swap3A_230 = arith.constant 80 : index
      %swap3A_231 = tpu.vector_load %arg22[%swap3A_229, %swap3A_230] {strides = array<i32>} : memref<80x128xf32, #tpu.memory_space<vmem>>, vector<16xf32>,
      tpu.vector_store %arg22[%swap3A_229, %swap3A_230], %broadcast_in_dim3A_228 {strides = array<i32>} : memref<80x128xf32, #tpu.memory_space<vmem>>, vector<16xf32>,
      %broadcast_in_dim3A_232 = arith.constant 0.000000e+00 : f32
      %broadcast_in_dim3A_233 = vector.broadcast %broadcast_in_dim3A_232 : f32 to vector<16xf32>
      %swap3A_234 = arith.index_cast %scan3A_202 : i32 to index
      %swap3A_235 = arith.constant 96 : index
      %swap3A_236 = tpu.vector_load %arg22[%swap3A_234, %swap3A_235] {strides = array<i32>} : memref<80x128xf32, #tpu.memory_space<vmem>>, vector<16xf32>,
      tpu.vector_store %arg22[%swap3A_234, %swap3A_235], %broadcast_in_dim3A_233 {strides = array<i32>} : memref<80x128xf32, #tpu.memory_space<vmem>>, vector<16xf32>,
      %broadcast_in_dim3A_237 = arith.constant 0.000000e+00 : f32
      %broadcast_in_dim3A_238 = vector.broadcast %broadcast_in_dim3A_237 : f32 to vector<16xf32>
      %swap3A_239 = arith.index_cast %scan3A_202 : i32 to index
      %swap3A_240 = arith.constant 112 : index
      %swap3A_241 = tpu.vector_load %arg22[%swap3A_239, %swap3A_240] {strides = array<i32>} : memref<80x128xf32, #tpu.memory_space<vmem>>, vector<16xf32>,
      tpu.vector_store %arg22[%swap3A_239, %swap3A_240], %broadcast_in_dim3A_238 {strides = array<i32>} : memref<80x128xf32, #tpu.memory_space<vmem>>, vector<16xf32>,
    }
    %scan3A_4 = arith.constant 80 : i32
    %mul3A_5 = arith.constant 625 : i32
    %mul3A_6 = arith.muli %arg1, %mul3A_5 : i32
    %add3A = arith.constant 0 : i32
    %add3A_7 = arith.addi %mul3A_6, %add3A : i32
    "tpu.region"() ({
      %run_scoped3A = tpu.sem_alloc : memref<!tpu.dma_semaphore, #tpu.memory_space<semaphore_mem>>
      %dma_start3A_202 = arith.constant 0 : i32
      %dma_start3A_203 = tpu.memref_slice %arg24[%add3A_7, %dma_start3A_202] : memref<10000x128xf32, #tpu.memory_space<vmem_shared>> -> memref<80x128xf32, #tpu.memory_space<vmem_shared>>
      %dma_start3A_204 = arith.constant 0 : i32
      %dma_start3A_205 = tpu.memref_slice %arg24[%add3A_7, %dma_start3A_204] : memref<10000x128xf32, #tpu.memory_space<vmem_shared>> -> memref<80x128xf32, #tpu.memory_space<vmem_shared>>
      tpu.enqueue_dma source(%arg22 : memref<80x128xf32, #tpu.memory_space<vmem>>) target(%dma_start3A_205 : memref<80x128xf32, #tpu.memory_space<vmem_shared>>) target_semaphore(%run_scoped3A : memref<!tpu.dma_semaphore, #tpu.memory_space<semaphore_mem>>)
      %dma_wait3A_206 = arith.constant 0 : i32
      %dma_wait3A_207 = tpu.memref_slice %arg24[%add3A_7, %dma_wait3A_206] : memref<10000x128xf32, #tpu.memory_space<vmem_shared>> -> memref<80x128xf32, #tpu.memory_space<vmem_shared>>
      %dma_wait3A_208 = arith.constant 0 : i32
      %dma_wait3A_209 = tpu.memref_slice %arg24[%add3A_7, %dma_wait3A_208] : memref<10000x128xf32, #tpu.memory_space<vmem_shared>> -> memref<80x128xf32, #tpu.memory_space<vmem_shared>>
      tpu.wait_dma2 semaphore(%run_scoped3A : memref<!tpu.dma_semaphore, #tpu.memory_space<semaphore_mem>>) src(%arg22 : memref<80x128xf32, #tpu.memory_space<vmem>>) dst(%dma_wait3A_209 : memref<80x128xf32, #tpu.memory_space<vmem_shared>>)
      tpu.yield
    }) : () -> ()
    %mul3A_8 = arith.constant 625 : i32
    %mul3A_9 = arith.muli %arg1, %mul3A_8 : i32
    %add3A_10 = arith.constant 80 : i32
    %add3A_11 = arith.addi %mul3A_9, %add3A_10 : i32
    "tpu.region"() ({
      %run_scoped3A = tpu.sem_alloc : memref<!tpu.dma_semaphore, #tpu.memory_space<semaphore_mem>>
      %dma_start3A_202 = arith.constant 0 : i32
      %dma_start3A_203 = tpu.memref_slice %arg24[%add3A_11, %dma_start3A_202] : memref<10000x128xf32, #tpu.memory_space<vmem_shared>> -> memref<80x128xf32, #tpu.memory_space<vmem_shared>>
      %dma_start3A_204 = arith.constant 0 : i32
      %dma_start3A_205 = tpu.memref_slice %arg24[%add3A_11, %dma_start3A_204] : memref<10000x128xf32, #tpu.memory_space<vmem_shared>> -> memref<80x128xf32, #tpu.memory_space<vmem_shared>>
      tpu.enqueue_dma source(%arg22 : memref<80x128xf32, #tpu.memory_space<vmem>>) target(%dma_start3A_205 : memref<80x128xf32, #tpu.memory_space<vmem_shared>>) target_semaphore(%run_scoped3A : memref<!tpu.dma_semaphore, #tpu.memory_space<semaphore_mem>>)
      %dma_wait3A_206 = arith.constant 0 : i32
      %dma_wait3A_207 = tpu.memref_slice %arg24[%add3A_11, %dma_wait3A_206] : memref<10000x128xf32, #tpu.memory_space<vmem_shared>> -> memref<80x128xf32, #tpu.memory_space<vmem_shared>>
      %dma_wait3A_208 = arith.constant 0 : i32
      %dma_wait3A_209 = tpu.memref_slice %arg24[%add3A_11, %dma_wait3A_208] : memref<10000x128xf32, #tpu.memory_space<vmem_shared>> -> memref<80x128xf32, #tpu.memory_space<vmem_shared>>
      tpu.wait_dma2 semaphore(%run_scoped3A : memref<!tpu.dma_semaphore, #tpu.memory_space<semaphore_mem>>) src(%arg22 : memref<80x128xf32, #tpu.memory_space<vmem>>) dst(%dma_wait3A_209 : memref<80x128xf32, #tpu.memory_space<vmem_shared>>)
      tpu.yield
    }) : () -> ()
    %mul3A_12 = arith.constant 625 : i32
    %mul3A_13 = arith.muli %arg1, %mul3A_12 : i32
    %add3A_14 = arith.constant 160 : i32
    %add3A_15 = arith.addi %mul3A_13, %add3A_14 : i32
    "tpu.region"() ({
      %run_scoped3A = tpu.sem_alloc : memref<!tpu.dma_semaphore, #tpu.memory_space<semaphore_mem>>
      %dma_start3A_202 = arith.constant 0 : i32
      %dma_start3A_203 = tpu.memref_slice %arg24[%add3A_15, %dma_start3A_202] : memref<10000x128xf32, #tpu.memory_space<vmem_shared>> -> memref<80x128xf32, #tpu.memory_space<vmem_shared>>
      %dma_start3A_204 = arith.constant 0 : i32
      %dma_start3A_205 = tpu.memref_slice %arg24[%add3A_15, %dma_start3A_204] : memref<10000x128xf32, #tpu.memory_space<vmem_shared>> -> memref<80x128xf32, #tpu.memory_space<vmem_shared>>
      tpu.enqueue_dma source(%arg22 : memref<80x128xf32, #tpu.memory_space<vmem>>) target(%dma_start3A_205 : memref<80x128xf32, #tpu.memory_space<vmem_shared>>) target_semaphore(%run_scoped3A : memref<!tpu.dma_semaphore, #tpu.memory_space<semaphore_mem>>)
      %dma_wait3A_206 = arith.constant 0 : i32
      %dma_wait3A_207 = tpu.memref_slice %arg24[%add3A_15, %dma_wait3A_206] : memref<10000x128xf32, #tpu.memory_space<vmem_shared>> -> memref<80x128xf32, #tpu.memory_space<vmem_shared>>
      %dma_wait3A_208 = arith.constant 0 : i32
      %dma_wait3A_209 = tpu.memref_slice %arg24[%add3A_15, %dma_wait3A_208] : memref<10000x128xf32, #tpu.memory_space<vmem_shared>> -> memref<80x128xf32, #tpu.memory_space<vmem_shared>>
      tpu.wait_dma2 semaphore(%run_scoped3A : memref<!tpu.dma_semaphore, #tpu.memory_space<semaphore_mem>>) src(%arg22 : memref<80x128xf32, #tpu.memory_space<vmem>>) dst(%dma_wait3A_209 : memref<80x128xf32, #tpu.memory_space<vmem_shared>>)
      tpu.yield
    }) : () -> ()
    %mul3A_16 = arith.constant 625 : i32
    %mul3A_17 = arith.muli %arg1, %mul3A_16 : i32
    %add3A_18 = arith.constant 240 : i32
    %add3A_19 = arith.addi %mul3A_17, %add3A_18 : i32
    "tpu.region"() ({
      %run_scoped3A = tpu.sem_alloc : memref<!tpu.dma_semaphore, #tpu.memory_space<semaphore_mem>>
      %dma_start3A_202 = arith.constant 0 : i32
      %dma_start3A_203 = tpu.memref_slice %arg24[%add3A_19, %dma_start3A_202] : memref<10000x128xf32, #tpu.memory_space<vmem_shared>> -> memref<80x128xf32, #tpu.memory_space<vmem_shared>>
      %dma_start3A_204 = arith.constant 0 : i32
      %dma_start3A_205 = tpu.memref_slice %arg24[%add3A_19, %dma_start3A_204] : memref<10000x128xf32, #tpu.memory_space<vmem_shared>> -> memref<80x128xf32, #tpu.memory_space<vmem_shared>>
      tpu.enqueue_dma source(%arg22 : memref<80x128xf32, #tpu.memory_space<vmem>>) target(%dma_start3A_205 : memref<80x128xf32, #tpu.memory_space<vmem_shared>>) target_semaphore(%run_scoped3A : memref<!tpu.dma_semaphore, #tpu.memory_space<semaphore_mem>>)
      %dma_wait3A_206 = arith.constant 0 : i32
      %dma_wait3A_207 = tpu.memref_slice %arg24[%add3A_19, %dma_wait3A_206] : memref<10000x128xf32, #tpu.memory_space<vmem_shared>> -> memref<80x128xf32, #tpu.memory_space<vmem_shared>>
      %dma_wait3A_208 = arith.constant 0 : i32
      %dma_wait3A_209 = tpu.memref_slice %arg24[%add3A_19, %dma_wait3A_208] : memref<10000x128xf32, #tpu.memory_space<vmem_shared>> -> memref<80x128xf32, #tpu.memory_space<vmem_shared>>
      tpu.wait_dma2 semaphore(%run_scoped3A : memref<!tpu.dma_semaphore, #tpu.memory_space<semaphore_mem>>) src(%arg22 : memref<80x128xf32, #tpu.memory_space<vmem>>) dst(%dma_wait3A_209 : memref<80x128xf32, #tpu.memory_space<vmem_shared>>)
      tpu.yield
    }) : () -> ()
    %mul3A_20 = arith.constant 625 : i32
    %mul3A_21 = arith.muli %arg1, %mul3A_20 : i32
    %add3A_22 = arith.constant 320 : i32
    %add3A_23 = arith.addi %mul3A_21, %add3A_22 : i32
    "tpu.region"() ({
      %run_scoped3A = tpu.sem_alloc : memref<!tpu.dma_semaphore, #tpu.memory_space<semaphore_mem>>
      %dma_start3A_202 = arith.constant 0 : i32
      %dma_start3A_203 = tpu.memref_slice %arg24[%add3A_23, %dma_start3A_202] : memref<10000x128xf32, #tpu.memory_space<vmem_shared>> -> memref<80x128xf32, #tpu.memory_space<vmem_shared>>
      %dma_start3A_204 = arith.constant 0 : i32
      %dma_start3A_205 = tpu.memref_slice %arg24[%add3A_23, %dma_start3A_204] : memref<10000x128xf32, #tpu.memory_space<vmem_shared>> -> memref<80x128xf32, #tpu.memory_space<vmem_shared>>
      tpu.enqueue_dma source(%arg22 : memref<80x128xf32, #tpu.memory_space<vmem>>) target(%dma_start3A_205 : memref<80x128xf32, #tpu.memory_space<vmem_shared>>) target_semaphore(%run_scoped3A : memref<!tpu.dma_semaphore, #tpu.memory_space<semaphore_mem>>)
      %dma_wait3A_206 = arith.constant 0 : i32
      %dma_wait3A_207 = tpu.memref_slice %arg24[%add3A_23, %dma_wait3A_206] : memref<10000x128xf32, #tpu.memory_space<vmem_shared>> -> memref<80x128xf32, #tpu.memory_space<vmem_shared>>
      %dma_wait3A_208 = arith.constant 0 : i32
      %dma_wait3A_209 = tpu.memref_slice %arg24[%add3A_23, %dma_wait3A_208] : memref<10000x128xf32, #tpu.memory_space<vmem_shared>> -> memref<80x128xf32, #tpu.memory_space<vmem_shared>>
      tpu.wait_dma2 semaphore(%run_scoped3A : memref<!tpu.dma_semaphore, #tpu.memory_space<semaphore_mem>>) src(%arg22 : memref<80x128xf32, #tpu.memory_space<vmem>>) dst(%dma_wait3A_209 : memref<80x128xf32, #tpu.memory_space<vmem_shared>>)
      tpu.yield
    }) : () -> ()
    %mul3A_24 = arith.constant 625 : i32
    %mul3A_25 = arith.muli %arg1, %mul3A_24 : i32
    %add3A_26 = arith.constant 400 : i32
    %add3A_27 = arith.addi %mul3A_25, %add3A_26 : i32
    "tpu.region"() ({
      %run_scoped3A = tpu.sem_alloc : memref<!tpu.dma_semaphore, #tpu.memory_space<semaphore_mem>>
      %dma_start3A_202 = arith.constant 0 : i32
      %dma_start3A_203 = tpu.memref_slice %arg24[%add3A_27, %dma_start3A_202] : memref<10000x128xf32, #tpu.memory_space<vmem_shared>> -> memref<80x128xf32, #tpu.memory_space<vmem_shared>>
      %dma_start3A_204 = arith.constant 0 : i32
      %dma_start3A_205 = tpu.memref_slice %arg24[%add3A_27, %dma_start3A_204] : memref<10000x128xf32, #tpu.memory_space<vmem_shared>> -> memref<80x128xf32, #tpu.memory_space<vmem_shared>>
      tpu.enqueue_dma source(%arg22 : memref<80x128xf32, #tpu.memory_space<vmem>>) target(%dma_start3A_205 : memref<80x128xf32, #tpu.memory_space<vmem_shared>>) target_semaphore(%run_scoped3A : memref<!tpu.dma_semaphore, #tpu.memory_space<semaphore_mem>>)
      %dma_wait3A_206 = arith.constant 0 : i32
      %dma_wait3A_207 = tpu.memref_slice %arg24[%add3A_27, %dma_wait3A_206] : memref<10000x128xf32, #tpu.memory_space<vmem_shared>> -> memref<80x128xf32, #tpu.memory_space<vmem_shared>>
      %dma_wait3A_208 = arith.constant 0 : i32
      %dma_wait3A_209 = tpu.memref_slice %arg24[%add3A_27, %dma_wait3A_208] : memref<10000x128xf32, #tpu.memory_space<vmem_shared>> -> memref<80x128xf32, #tpu.memory_space<vmem_shared>>
      tpu.wait_dma2 semaphore(%run_scoped3A : memref<!tpu.dma_semaphore, #tpu.memory_space<semaphore_mem>>) src(%arg22 : memref<80x128xf32, #tpu.memory_space<vmem>>) dst(%dma_wait3A_209 : memref<80x128xf32, #tpu.memory_space<vmem_shared>>)
      tpu.yield
    }) : () -> ()
    %mul3A_28 = arith.constant 625 : i32
    %mul3A_29 = arith.muli %arg1, %mul3A_28 : i32
    %add3A_30 = arith.constant 480 : i32
    %add3A_31 = arith.addi %mul3A_29, %add3A_30 : i32
    "tpu.region"() ({
      %run_scoped3A = tpu.sem_alloc : memref<!tpu.dma_semaphore, #tpu.memory_space<semaphore_mem>>
      %dma_start3A_202 = arith.constant 0 : i32
      %dma_start3A_203 = tpu.memref_slice %arg24[%add3A_31, %dma_start3A_202] : memref<10000x128xf32, #tpu.memory_space<vmem_shared>> -> memref<80x128xf32, #tpu.memory_space<vmem_shared>>
      %dma_start3A_204 = arith.constant 0 : i32
      %dma_start3A_205 = tpu.memref_slice %arg24[%add3A_31, %dma_start3A_204] : memref<10000x128xf32, #tpu.memory_space<vmem_shared>> -> memref<80x128xf32, #tpu.memory_space<vmem_shared>>
      tpu.enqueue_dma source(%arg22 : memref<80x128xf32, #tpu.memory_space<vmem>>) target(%dma_start3A_205 : memref<80x128xf32, #tpu.memory_space<vmem_shared>>) target_semaphore(%run_scoped3A : memref<!tpu.dma_semaphore, #tpu.memory_space<semaphore_mem>>)
      %dma_wait3A_206 = arith.constant 0 : i32
      %dma_wait3A_207 = tpu.memref_slice %arg24[%add3A_31, %dma_wait3A_206] : memref<10000x128xf32, #tpu.memory_space<vmem_shared>> -> memref<80x128xf32, #tpu.memory_space<vmem_shared>>
      %dma_wait3A_208 = arith.constant 0 : i32
      %dma_wait3A_209 = tpu.memref_slice %arg24[%add3A_31, %dma_wait3A_208] : memref<10000x128xf32, #tpu.memory_space<vmem_shared>> -> memref<80x128xf32, #tpu.memory_space<vmem_shared>>
      tpu.wait_dma2 semaphore(%run_scoped3A : memref<!tpu.dma_semaphore, #tpu.memory_space<semaphore_mem>>) src(%arg22 : memref<80x128xf32, #tpu.memory_space<vmem>>) dst(%dma_wait3A_209 : memref<80x128xf32, #tpu.memory_space<vmem_shared>>)
      tpu.yield
    }) : () -> ()
    %mul3A_32 = arith.constant 625 : i32
    %mul3A_33 = arith.muli %arg1, %mul3A_32 : i32
    %add3A_34 = arith.constant 560 : i32
    %add3A_35 = arith.addi %mul3A_33, %add3A_34 : i32
    "tpu.region"() ({
      %run_scoped3A = tpu.sem_alloc : memref<!tpu.dma_semaphore, #tpu.memory_space<semaphore_mem>>
      %dma_start3A_202 = arith.constant 0 : i32
      %dma_start3A_203 = arith.constant 0 : i32
      %dma_start3A_204 = tpu.memref_slice %arg22[%dma_start3A_202, %dma_start3A_203] : memref<80x128xf32, #tpu.memory_space<vmem>> -> memref<65x128xf32, #tpu.memory_space<vmem>>
      %dma_start3A_205 = arith.constant 0 : i32
      %dma_start3A_206 = tpu.memref_slice %arg24[%add3A_35, %dma_start3A_205] : memref<10000x128xf32, #tpu.memory_space<vmem_shared>> -> memref<65x128xf32, #tpu.memory_space<vmem_shared>>
      %dma_start3A_207 = arith.constant 0 : i32
      %dma_start3A_208 = tpu.memref_slice %arg24[%add3A_35, %dma_start3A_207] : memref<10000x128xf32, #tpu.memory_space<vmem_shared>> -> memref<65x128xf32, #tpu.memory_space<vmem_shared>>
      %dma_start3A_209 = arith.constant 0 : i32
      %dma_start3A_210 = arith.constant 0 : i32
      %dma_start3A_211 = tpu.memref_slice %arg22[%dma_start3A_209, %dma_start3A_210] : memref<80x128xf32, #tpu.memory_space<vmem>> -> memref<65x128xf32, #tpu.memory_space<vmem>>
      tpu.enqueue_dma source(%dma_start3A_211 : memref<65x128xf32, #tpu.memory_space<vmem>>) target(%dma_start3A_208 : memref<65x128xf32, #tpu.memory_space<vmem_shared>>) target_semaphore(%run_scoped3A : memref<!tpu.dma_semaphore, #tpu.memory_space<semaphore_mem>>)
      %dma_wait3A_212 = arith.constant 0 : i32
      %dma_wait3A_213 = arith.constant 0 : i32
      %dma_wait3A_214 = tpu.memref_slice %arg22[%dma_wait3A_212, %dma_wait3A_213] : memref<80x128xf32, #tpu.memory_space<vmem>> -> memref<65x128xf32, #tpu.memory_space<vmem>>
      %dma_wait3A_215 = arith.constant 0 : i32
      %dma_wait3A_216 = tpu.memref_slice %arg24[%add3A_35, %dma_wait3A_215] : memref<10000x128xf32, #tpu.memory_space<vmem_shared>> -> memref<65x128xf32, #tpu.memory_space<vmem_shared>>
      %dma_wait3A_217 = arith.constant 0 : i32
      %dma_wait3A_218 = tpu.memref_slice %arg24[%add3A_35, %dma_wait3A_217] : memref<10000x128xf32, #tpu.memory_space<vmem_shared>> -> memref<65x128xf32, #tpu.memory_space<vmem_shared>>
      %dma_wait3A_219 = arith.constant 0 : i32
      %dma_wait3A_220 = arith.constant 0 : i32
      %dma_wait3A_221 = tpu.memref_slice %arg22[%dma_wait3A_219, %dma_wait3A_220] : memref<80x128xf32, #tpu.memory_space<vmem>> -> memref<65x128xf32, #tpu.memory_space<vmem>>
      tpu.wait_dma2 semaphore(%run_scoped3A : memref<!tpu.dma_semaphore, #tpu.memory_space<semaphore_mem>>) src(%dma_wait3A_221 : memref<65x128xf32, #tpu.memory_space<vmem>>) dst(%dma_wait3A_218 : memref<65x128xf32, #tpu.memory_space<vmem_shared>>)
      tpu.yield
    }) : () -> ()
    %barrier3A = arith.constant 0 : index
    tpu.barrier barrier_id(%barrier3A)
    %add3A_36 = arith.constant 0 : i32
    %add3A_37 = arith.addi %mul3A_0, %add3A_36 : i32
    %dma_start3A = tpu.memref_slice %arg3[%add3A_37] : memref<320000xi32, #tpu.memory_space<hbm>> -> memref<80xi32, #tpu.memory_space<hbm>>
    %dma_start3A_38 = tpu.memref_slice %arg3[%add3A_37] : memref<320000xi32, #tpu.memory_space<hbm>> -> memref<80xi32, #tpu.memory_space<hbm>>
    tpu.enqueue_dma source(%dma_start3A_38 : memref<80xi32, #tpu.memory_space<hbm>>) target(%arg8 : memref<80xi32, #tpu.memory_space<vmem>>) target_semaphore(%arg25 : memref<!tpu.dma_semaphore, #tpu.memory_space<semaphore_mem>>)
    %dma_start3A_39 = tpu.memref_slice %arg4[%add3A_37] : memref<320000xi32, #tpu.memory_space<hbm>> -> memref<80xi32, #tpu.memory_space<hbm>>
    %dma_start3A_40 = tpu.memref_slice %arg4[%add3A_37] : memref<320000xi32, #tpu.memory_space<hbm>> -> memref<80xi32, #tpu.memory_space<hbm>>
    tpu.enqueue_dma source(%dma_start3A_40 : memref<80xi32, #tpu.memory_space<hbm>>) target(%arg10 : memref<80xi32, #tpu.memory_space<vmem>>) target_semaphore(%arg25 : memref<!tpu.dma_semaphore, #tpu.memory_space<semaphore_mem>>)
    %dma_start3A_41 = tpu.memref_slice %arg5[%add3A_37] : memref<320000xi32, #tpu.memory_space<hbm>> -> memref<80xi32, #tpu.memory_space<hbm>>
    %dma_start3A_42 = tpu.memref_slice %arg5[%add3A_37] : memref<320000xi32, #tpu.memory_space<hbm>> -> memref<80xi32, #tpu.memory_space<hbm>>
    tpu.enqueue_dma source(%dma_start3A_42 : memref<80xi32, #tpu.memory_space<hbm>>) target(%arg12 : memref<80xi32, #tpu.memory_space<vmem>>) target_semaphore(%arg25 : memref<!tpu.dma_semaphore, #tpu.memory_space<semaphore_mem>>)
    %add3A_43 = arith.constant 80 : i32
    %add3A_44 = arith.addi %mul3A_0, %add3A_43 : i32
    %dma_start3A_45 = tpu.memref_slice %arg3[%add3A_44] : memref<320000xi32, #tpu.memory_space<hbm>> -> memref<80xi32, #tpu.memory_space<hbm>>
    %dma_start3A_46 = tpu.memref_slice %arg3[%add3A_44] : memref<320000xi32, #tpu.memory_space<hbm>> -> memref<80xi32, #tpu.memory_space<hbm>>
    tpu.enqueue_dma source(%dma_start3A_46 : memref<80xi32, #tpu.memory_space<hbm>>) target(%arg9 : memref<80xi32, #tpu.memory_space<vmem>>) target_semaphore(%arg26 : memref<!tpu.dma_semaphore, #tpu.memory_space<semaphore_mem>>)
    %dma_start3A_47 = tpu.memref_slice %arg4[%add3A_44] : memref<320000xi32, #tpu.memory_space<hbm>> -> memref<80xi32, #tpu.memory_space<hbm>>
    %dma_start3A_48 = tpu.memref_slice %arg4[%add3A_44] : memref<320000xi32, #tpu.memory_space<hbm>> -> memref<80xi32, #tpu.memory_space<hbm>>
    tpu.enqueue_dma source(%dma_start3A_48 : memref<80xi32, #tpu.memory_space<hbm>>) target(%arg11 : memref<80xi32, #tpu.memory_space<vmem>>) target_semaphore(%arg26 : memref<!tpu.dma_semaphore, #tpu.memory_space<semaphore_mem>>)
    %dma_start3A_49 = tpu.memref_slice %arg5[%add3A_44] : memref<320000xi32, #tpu.memory_space<hbm>> -> memref<80xi32, #tpu.memory_space<hbm>>
    %dma_start3A_50 = tpu.memref_slice %arg5[%add3A_44] : memref<320000xi32, #tpu.memory_space<hbm>> -> memref<80xi32, #tpu.memory_space<hbm>>
    tpu.enqueue_dma source(%dma_start3A_50 : memref<80xi32, #tpu.memory_space<hbm>>) target(%arg13 : memref<80xi32, #tpu.memory_space<vmem>>) target_semaphore(%arg26 : memref<!tpu.dma_semaphore, #tpu.memory_space<semaphore_mem>>)
    %add3A_51 = arith.constant 0 : i32
    %add3A_52 = arith.addi %mul3A_0, %add3A_51 : i32
    %dma_wait3A = tpu.memref_slice %arg3[%add3A_52] : memref<320000xi32, #tpu.memory_space<hbm>> -> memref<80xi32, #tpu.memory_space<hbm>>
    %dma_wait3A_53 = tpu.memref_slice %arg3[%add3A_52] : memref<320000xi32, #tpu.memory_space<hbm>> -> memref<80xi32, #tpu.memory_space<hbm>>
    tpu.wait_dma2 semaphore(%arg25 : memref<!tpu.dma_semaphore, #tpu.memory_space<semaphore_mem>>) src(%dma_wait3A_53 : memref<80xi32, #tpu.memory_space<hbm>>) dst(%arg8 : memref<80xi32, #tpu.memory_space<vmem>>)
    %dma_wait3A_54 = tpu.memref_slice %arg4[%add3A_52] : memref<320000xi32, #tpu.memory_space<hbm>> -> memref<80xi32, #tpu.memory_space<hbm>>
    %dma_wait3A_55 = tpu.memref_slice %arg4[%add3A_52] : memref<320000xi32, #tpu.memory_space<hbm>> -> memref<80xi32, #tpu.memory_space<hbm>>
    tpu.wait_dma2 semaphore(%arg25 : memref<!tpu.dma_semaphore, #tpu.memory_space<semaphore_mem>>) src(%dma_wait3A_55 : memref<80xi32, #tpu.memory_space<hbm>>) dst(%arg10 : memref<80xi32, #tpu.memory_space<vmem>>)
    %dma_wait3A_56 = tpu.memref_slice %arg5[%add3A_52] : memref<320000xi32, #tpu.memory_space<hbm>> -> memref<80xi32, #tpu.memory_space<hbm>>
    %dma_wait3A_57 = tpu.memref_slice %arg5[%add3A_52] : memref<320000xi32, #tpu.memory_space<hbm>> -> memref<80xi32, #tpu.memory_space<hbm>>
    tpu.wait_dma2 semaphore(%arg25 : memref<!tpu.dma_semaphore, #tpu.memory_space<semaphore_mem>>) src(%dma_wait3A_57 : memref<80xi32, #tpu.memory_space<hbm>>) dst(%arg12 : memref<80xi32, #tpu.memory_space<vmem>>)
    %get3A = arith.constant 0 : index
    %get3A_58 = tpu.vector_load %arg8[%get3A] {strides = array<i32>} : memref<80xi32, #tpu.memory_space<vmem>>, vector<16xi32>,
    %get3A_59 = arith.constant 0 : index
    %get3A_60 = tpu.vector_load %arg12[%get3A_59] {strides = array<i32>} : memref<80xi32, #tpu.memory_space<vmem>>, vector<16xi32>,
    %get3A_61 = arith.constant 0 : index
    %get3A_62 = tpu.vector_load %arg10[%get3A_61] {strides = array<i32>} : memref<80xi32, #tpu.memory_space<vmem>>, vector<16xi32>,
    %mul3A_63 = arith.constant 2 : i32
    %mul3A_64 = vector.broadcast %mul3A_63 : i32 to vector<16xi32>
    %mul3A_65 = arith.muli %get3A_60, %mul3A_64 : vector<16xi32>
    %add3A_66 = vector.broadcast %arg0 : i32 to vector<16xi32>
    %add3A_67 = arith.addi %mul3A_65, %add3A_66 : vector<16xi32>
    %mul3A_68 = arith.constant 10000 : i32
    %mul3A_69 = vector.broadcast %mul3A_68 : i32 to vector<16xi32>
    %mul3A_70 = arith.muli %add3A_67, %mul3A_69 : vector<16xi32>
    %add3A_71 = arith.addi %mul3A_70, %get3A_58 : vector<16xi32>
    %swap3A = arith.constant 0 : index
    %swap3A_72 = tpu.vector_load %arg14[%swap3A] {strides = array<i32>} : memref<80xi32, #tpu.memory_space<vmem>>, vector<16xi32>,
    tpu.vector_store %arg14[%swap3A], %add3A_71 {strides = array<i32>} : memref<80xi32, #tpu.memory_space<vmem>>, vector<16xi32>,
    %mul3A_73 = arith.constant 16 : i32
    %mul3A_74 = vector.broadcast %mul3A_73 : i32 to vector<16xi32>
    %mul3A_75 = arith.muli %get3A_62, %mul3A_74 : vector<16xi32>
    %add3A_76 = arith.addi %mul3A_75, %get3A_60 : vector<16xi32>
    %swap3A_77 = arith.constant 0 : index
    %swap3A_78 = tpu.vector_load %arg16[%swap3A_77] {strides = array<i32>} : memref<80xi32, #tpu.memory_space<vmem>>, vector<16xi32>,
    tpu.vector_store %arg16[%swap3A_77], %add3A_76 {strides = array<i32>} : memref<80xi32, #tpu.memory_space<vmem>>, vector<16xi32>,
    %swap3A_79 = arith.constant 0 : index
    %swap3A_80 = tpu.vector_load %arg18[%swap3A_79] {strides = array<i32>} : memref<80xi32, #tpu.memory_space<vmem>>, vector<16xi32>,
    tpu.vector_store %arg18[%swap3A_79], %get3A_62 {strides = array<i32>} : memref<80xi32, #tpu.memory_space<vmem>>, vector<16xi32>,
    %get3A_81 = arith.constant 16 : index
    %get3A_82 = tpu.vector_load %arg8[%get3A_81] {strides = array<i32>} : memref<80xi32, #tpu.memory_space<vmem>>, vector<16xi32>,
    %get3A_83 = arith.constant 16 : index
    %get3A_84 = tpu.vector_load %arg12[%get3A_83] {strides = array<i32>} : memref<80xi32, #tpu.memory_space<vmem>>, vector<16xi32>,
    %get3A_85 = arith.constant 16 : index
    %get3A_86 = tpu.vector_load %arg10[%get3A_85] {strides = array<i32>} : memref<80xi32, #tpu.memory_space<vmem>>, vector<16xi32>,
    %mul3A_87 = arith.constant 2 : i32
    %mul3A_88 = vector.broadcast %mul3A_87 : i32 to vector<16xi32>
    %mul3A_89 = arith.muli %get3A_84, %mul3A_88 : vector<16xi32>
    %add3A_90 = vector.broadcast %arg0 : i32 to vector<16xi32>
    %add3A_91 = arith.addi %mul3A_89, %add3A_90 : vector<16xi32>
    %mul3A_92 = arith.constant 10000 : i32
    %mul3A_93 = vector.broadcast %mul3A_92 : i32 to vector<16xi32>
    %mul3A_94 = arith.muli %add3A_91, %mul3A_93 : vector<16xi32>
    %add3A_95 = arith.addi %mul3A_94, %get3A_82 : vector<16xi32>
    %swap3A_96 = arith.constant 16 : index
    %swap3A_97 = tpu.vector_load %arg14[%swap3A_96] {strides = array<i32>} : memref<80xi32, #tpu.memory_space<vmem>>, vector<16xi32>,
    tpu.vector_store %arg14[%swap3A_96], %add3A_95 {strides = array<i32>} : memref<80xi32, #tpu.memory_space<vmem>>, vector<16xi32>,
    %mul3A_98 = arith.constant 16 : i32
    %mul3A_99 = vector.broadcast %mul3A_98 : i32 to vector<16xi32>
    %mul3A_100 = arith.muli %get3A_86, %mul3A_99 : vector<16xi32>
    %add3A_101 = arith.addi %mul3A_100, %get3A_84 : vector<16xi32>
    %swap3A_102 = arith.constant 16 : index
    %swap3A_103 = tpu.vector_load %arg16[%swap3A_102] {strides = array<i32>} : memref<80xi32, #tpu.memory_space<vmem>>, vector<16xi32>,
    tpu.vector_store %arg16[%swap3A_102], %add3A_101 {strides = array<i32>} : memref<80xi32, #tpu.memory_space<vmem>>, vector<16xi32>,
    %swap3A_104 = arith.constant 16 : index
    %swap3A_105 = tpu.vector_load %arg18[%swap3A_104] {strides = array<i32>} : memref<80xi32, #tpu.memory_space<vmem>>, vector<16xi32>,
    tpu.vector_store %arg18[%swap3A_104], %get3A_86 {strides = array<i32>} : memref<80xi32, #tpu.memory_space<vmem>>, vector<16xi32>,
    %get3A_106 = arith.constant 32 : index
    %get3A_107 = tpu.vector_load %arg8[%get3A_106] {strides = array<i32>} : memref<80xi32, #tpu.memory_space<vmem>>, vector<16xi32>,
    %get3A_108 = arith.constant 32 : index
    %get3A_109 = tpu.vector_load %arg12[%get3A_108] {strides = array<i32>} : memref<80xi32, #tpu.memory_space<vmem>>, vector<16xi32>,
    %get3A_110 = arith.constant 32 : index
    %get3A_111 = tpu.vector_load %arg10[%get3A_110] {strides = array<i32>} : memref<80xi32, #tpu.memory_space<vmem>>, vector<16xi32>,
    %mul3A_112 = arith.constant 2 : i32
    %mul3A_113 = vector.broadcast %mul3A_112 : i32 to vector<16xi32>
    %mul3A_114 = arith.muli %get3A_109, %mul3A_113 : vector<16xi32>
    %add3A_115 = vector.broadcast %arg0 : i32 to vector<16xi32>
    %add3A_116 = arith.addi %mul3A_114, %add3A_115 : vector<16xi32>
    %mul3A_117 = arith.constant 10000 : i32
    %mul3A_118 = vector.broadcast %mul3A_117 : i32 to vector<16xi32>
    %mul3A_119 = arith.muli %add3A_116, %mul3A_118 : vector<16xi32>
    %add3A_120 = arith.addi %mul3A_119, %get3A_107 : vector<16xi32>
    %swap3A_121 = arith.constant 32 : index
    %swap3A_122 = tpu.vector_load %arg14[%swap3A_121] {strides = array<i32>} : memref<80xi32, #tpu.memory_space<vmem>>, vector<16xi32>,
    tpu.vector_store %arg14[%swap3A_121], %add3A_120 {strides = array<i32>} : memref<80xi32, #tpu.memory_space<vmem>>, vector<16xi32>,
    %mul3A_123 = arith.constant 16 : i32
    %mul3A_124 = vector.broadcast %mul3A_123 : i32 to vector<16xi32>
    %mul3A_125 = arith.muli %get3A_111, %mul3A_124 : vector<16xi32>
    %add3A_126 = arith.addi %mul3A_125, %get3A_109 : vector<16xi32>
    %swap3A_127 = arith.constant 32 : index
    %swap3A_128 = tpu.vector_load %arg16[%swap3A_127] {strides = array<i32>} : memref<80xi32, #tpu.memory_space<vmem>>, vector<16xi32>,
    tpu.vector_store %arg16[%swap3A_127], %add3A_126 {strides = array<i32>} : memref<80xi32, #tpu.memory_space<vmem>>, vector<16xi32>,
    %swap3A_129 = arith.constant 32 : index
    %swap3A_130 = tpu.vector_load %arg18[%swap3A_129] {strides = array<i32>} : memref<80xi32, #tpu.memory_space<vmem>>, vector<16xi32>,
    tpu.vector_store %arg18[%swap3A_129], %get3A_111 {strides = array<i32>} : memref<80xi32, #tpu.memory_space<vmem>>, vector<16xi32>,
    %get3A_131 = arith.constant 48 : index
    %get3A_132 = tpu.vector_load %arg8[%get3A_131] {strides = array<i32>} : memref<80xi32, #tpu.memory_space<vmem>>, vector<16xi32>,
    %get3A_133 = arith.constant 48 : index
    %get3A_134 = tpu.vector_load %arg12[%get3A_133] {strides = array<i32>} : memref<80xi32, #tpu.memory_space<vmem>>, vector<16xi32>,
    %get3A_135 = arith.constant 48 : index
    %get3A_136 = tpu.vector_load %arg10[%get3A_135] {strides = array<i32>} : memref<80xi32, #tpu.memory_space<vmem>>, vector<16xi32>,
    %mul3A_137 = arith.constant 2 : i32
    %mul3A_138 = vector.broadcast %mul3A_137 : i32 to vector<16xi32>
    %mul3A_139 = arith.muli %get3A_134, %mul3A_138 : vector<16xi32>
    %add3A_140 = vector.broadcast %arg0 : i32 to vector<16xi32>
    %add3A_141 = arith.addi %mul3A_139, %add3A_140 : vector<16xi32>
    %mul3A_142 = arith.constant 10000 : i32
    %mul3A_143 = vector.broadcast %mul3A_142 : i32 to vector<16xi32>
    %mul3A_144 = arith.muli %add3A_141, %mul3A_143 : vector<16xi32>
    %add3A_145 = arith.addi %mul3A_144, %get3A_132 : vector<16xi32>
    %swap3A_146 = arith.constant 48 : index
    %swap3A_147 = tpu.vector_load %arg14[%swap3A_146] {strides = array<i32>} : memref<80xi32, #tpu.memory_space<vmem>>, vector<16xi32>,
    tpu.vector_store %arg14[%swap3A_146], %add3A_145 {strides = array<i32>} : memref<80xi32, #tpu.memory_space<vmem>>, vector<16xi32>,
    %mul3A_148 = arith.constant 16 : i32
    %mul3A_149 = vector.broadcast %mul3A_148 : i32 to vector<16xi32>
    %mul3A_150 = arith.muli %get3A_136, %mul3A_149 : vector<16xi32>
    %add3A_151 = arith.addi %mul3A_150, %get3A_134 : vector<16xi32>
    %swap3A_152 = arith.constant 48 : index
    %swap3A_153 = tpu.vector_load %arg16[%swap3A_152] {strides = array<i32>} : memref<80xi32, #tpu.memory_space<vmem>>, vector<16xi32>,
    tpu.vector_store %arg16[%swap3A_152], %add3A_151 {strides = array<i32>} : memref<80xi32, #tpu.memory_space<vmem>>, vector<16xi32>,
    %swap3A_154 = arith.constant 48 : index
    %swap3A_155 = tpu.vector_load %arg18[%swap3A_154] {strides = array<i32>} : memref<80xi32, #tpu.memory_space<vmem>>, vector<16xi32>,
    tpu.vector_store %arg18[%swap3A_154], %get3A_136 {strides = array<i32>} : memref<80xi32, #tpu.memory_space<vmem>>, vector<16xi32>,
    %get3A_156 = arith.constant 64 : index
    %get3A_157 = tpu.vector_load %arg8[%get3A_156] {strides = array<i32>} : memref<80xi32, #tpu.memory_space<vmem>>, vector<16xi32>,
    %get3A_158 = arith.constant 64 : index
    %get3A_159 = tpu.vector_load %arg12[%get3A_158] {strides = array<i32>} : memref<80xi32, #tpu.memory_space<vmem>>, vector<16xi32>,
    %get3A_160 = arith.constant 64 : index
    %get3A_161 = tpu.vector_load %arg10[%get3A_160] {strides = array<i32>} : memref<80xi32, #tpu.memory_space<vmem>>, vector<16xi32>,
    %mul3A_162 = arith.constant 2 : i32
    %mul3A_163 = vector.broadcast %mul3A_162 : i32 to vector<16xi32>
    %mul3A_164 = arith.muli %get3A_159, %mul3A_163 : vector<16xi32>
    %add3A_165 = vector.broadcast %arg0 : i32 to vector<16xi32>
    %add3A_166 = arith.addi %mul3A_164, %add3A_165 : vector<16xi32>
    %mul3A_167 = arith.constant 10000 : i32
    %mul3A_168 = vector.broadcast %mul3A_167 : i32 to vector<16xi32>
    %mul3A_169 = arith.muli %add3A_166, %mul3A_168 : vector<16xi32>
    %add3A_170 = arith.addi %mul3A_169, %get3A_157 : vector<16xi32>
    %swap3A_171 = arith.constant 64 : index
    %swap3A_172 = tpu.vector_load %arg14[%swap3A_171] {strides = array<i32>} : memref<80xi32, #tpu.memory_space<vmem>>, vector<16xi32>,
    tpu.vector_store %arg14[%swap3A_171], %add3A_170 {strides = array<i32>} : memref<80xi32, #tpu.memory_space<vmem>>, vector<16xi32>,
    %mul3A_173 = arith.constant 16 : i32
    %mul3A_174 = vector.broadcast %mul3A_173 : i32 to vector<16xi32>
    %mul3A_175 = arith.muli %get3A_161, %mul3A_174 : vector<16xi32>
    %add3A_176 = arith.addi %mul3A_175, %get3A_159 : vector<16xi32>
    %swap3A_177 = arith.constant 64 : index
    %swap3A_178 = tpu.vector_load %arg16[%swap3A_177] {strides = array<i32>} : memref<80xi32, #tpu.memory_space<vmem>>, vector<16xi32>,
    tpu.vector_store %arg16[%swap3A_177], %add3A_176 {strides = array<i32>} : memref<80xi32, #tpu.memory_space<vmem>>, vector<16xi32>,
    %swap3A_179 = arith.constant 64 : index
    %swap3A_180 = tpu.vector_load %arg18[%swap3A_179] {strides = array<i32>} : memref<80xi32, #tpu.memory_space<vmem>>, vector<16xi32>,
    tpu.vector_store %arg18[%swap3A_179], %get3A_161 {strides = array<i32>} : memref<80xi32, #tpu.memory_space<vmem>>, vector<16xi32>,
    %dma_start3A_181 = arith.constant 0 : i32
    %dma_start3A_182 = arith.constant 0 : i32
    %dma_start3A_183 = tpu.memref_slice %arg2[%dma_start3A_181, %dma_start3A_182] : memref<320000x128xf32, #tpu.memory_space<hbm>> -> memref<320000x128xf32, #tpu.memory_space<hbm>>
    tpu.enqueue_indirect_dma source(%dma_start3A_183 : memref<320000x128xf32, #tpu.memory_space<hbm>>) target(%arg22 : memref<80x128xf32, #tpu.memory_space<vmem>>) offsets(%arg14 : memref<80xi32, #tpu.memory_space<vmem>>) semaphore(%arg27 : memref<!tpu.dma_semaphore, #tpu.memory_space<semaphore_mem>>)
    %dma_start3A_184 = arith.constant 0 : i32
    %dma_start3A_185 = tpu.memref_slice %arg6[%dma_start3A_184] : memref<160000xf32, #tpu.memory_space<hbm>> -> memref<160000xf32, #tpu.memory_space<hbm>>
    tpu.enqueue_indirect_dma source(%dma_start3A_185 : memref<160000xf32, #tpu.memory_space<hbm>>) target(%arg20 : memref<80xf32, #tpu.memory_space<vmem>>) offsets(%arg16 : memref<80xi32, #tpu.memory_space<vmem>>) semaphore(%arg29 : memref<!tpu.dma_semaphore, #tpu.memory_space<semaphore_mem>>)
    %scan3A_186 = arith.constant 0 : i32
    %scan3A_187 = arith.constant 125 : i32
    %scan3A_188 = arith.addi %scan3A_186, %scan3A_187 : i32
    %scan3A_189 = arith.constant 1 : i32
    scf.for %scan3A_202 = %scan3A_186 to %scan3A_188 step %scan3A_189  : i32 {
      %mul3A_203 = arith.constant 2 : i32
      %mul3A_204 = arith.muli %mul3A_203, %scan3A_202 : i32
      %add3A_205 = arith.constant 0 : i32
      %add3A_206 = arith.addi %mul3A_204, %add3A_205 : i32
      %add3A_207 = arith.constant 1 : i32
      %add3A_208 = arith.addi %add3A_206, %add3A_207 : i32
      %lt3A = arith.constant 250 : i32
      %lt3A_209 = arith.cmpi slt, %add3A_208, %lt3A : i32
      %convert_element_type3A = arith.extui %lt3A_209 : i1 to i32
      %cond3A = arith.constant 0 : i32
      %cond3A_210 = arith.cmpi ne, %convert_element_type3A, %cond3A : i32
      scf.if %cond3A_210 {
        %add3A_250 = arith.constant 1 : i32
        %add3A_251 = arith.addi %add3A_206, %add3A_250 : i32
        %mul3A_252 = arith.constant 80 : i32
        %mul3A_253 = arith.muli %add3A_251, %mul3A_252 : i32
        %add3A_254 = arith.addi %mul3A_0, %mul3A_253 : i32
        %dma_wait3A_255 = tpu.memref_slice %arg3[%add3A_254] : memref<320000xi32, #tpu.memory_space<hbm>> -> memref<80xi32, #tpu.memory_space<hbm>>
        %dma_wait3A_256 = tpu.memref_slice %arg3[%add3A_254] : memref<320000xi32, #tpu.memory_space<hbm>> -> memref<80xi32, #tpu.memory_space<hbm>>
        tpu.wait_dma2 semaphore(%arg26 : memref<!tpu.dma_semaphore, #tpu.memory_space<semaphore_mem>>) src(%dma_wait3A_256 : memref<80xi32, #tpu.memory_space<hbm>>) dst(%arg9 : memref<80xi32, #tpu.memory_space<vmem>>)
        %dma_wait3A_257 = tpu.memref_slice %arg4[%add3A_254] : memref<320000xi32, #tpu.memory_space<hbm>> -> memref<80xi32, #tpu.memory_space<hbm>>
        %dma_wait3A_258 = tpu.memref_slice %arg4[%add3A_254] : memref<320000xi32, #tpu.memory_space<hbm>> -> memref<80xi32, #tpu.memory_space<hbm>>
        tpu.wait_dma2 semaphore(%arg26 : memref<!tpu.dma_semaphore, #tpu.memory_space<semaphore_mem>>) src(%dma_wait3A_258 : memref<80xi32, #tpu.memory_space<hbm>>) dst(%arg11 : memref<80xi32, #tpu.memory_space<vmem>>)
        %dma_wait3A_259 = tpu.memref_slice %arg5[%add3A_254] : memref<320000xi32, #tpu.memory_space<hbm>> -> memref<80xi32, #tpu.memory_space<hbm>>
        %dma_wait3A_260 = tpu.memref_slice %arg5[%add3A_254] : memref<320000xi32, #tpu.memory_space<hbm>> -> memref<80xi32, #tpu.memory_space<hbm>>
        tpu.wait_dma2 semaphore(%arg26 : memref<!tpu.dma_semaphore, #tpu.memory_space<semaphore_mem>>) src(%dma_wait3A_260 : memref<80xi32, #tpu.memory_space<hbm>>) dst(%arg13 : memref<80xi32, #tpu.memory_space<vmem>>)
        %ge3A = arith.constant 2 : i32
        %ge3A_261 = arith.cmpi sge, %add3A_251, %ge3A : i32
        %convert_element_type3A_262 = arith.extui %ge3A_261 : i1 to i32
        %cond3A_263 = arith.constant 0 : i32
        %cond3A_264 = arith.cmpi ne, %convert_element_type3A_262, %cond3A_263 : i32
        scf.if %cond3A_264 {
          %dma_wait3A_395 = arith.constant 0 : i32
          %dma_wait3A_396 = arith.constant 0 : i32
          %dma_wait3A_397 = tpu.memref_slice %arg24[%dma_wait3A_395, %dma_wait3A_396] : memref<10000x128xf32, #tpu.memory_space<vmem_shared>> -> memref<10000x128xf32, #tpu.memory_space<vmem_shared>>
          tpu.wait_indirect_dma semaphore(%arg32 : memref<!tpu.dma_semaphore, #tpu.memory_space<semaphore_mem>>) src(%arg23 : memref<80x128xf32, #tpu.memory_space<vmem>>) dst(%dma_wait3A_397 : memref<10000x128xf32, #tpu.memory_space<vmem_shared>>)
        } else {
        }
        %get3A_265 = arith.constant 0 : index
        %get3A_266 = tpu.vector_load %arg9[%get3A_265] {strides = array<i32>} : memref<80xi32, #tpu.memory_space<vmem>>, vector<16xi32>,
        %get3A_267 = arith.constant 0 : index
        %get3A_268 = tpu.vector_load %arg13[%get3A_267] {strides = array<i32>} : memref<80xi32, #tpu.memory_space<vmem>>, vector<16xi32>,
        %get3A_269 = arith.constant 0 : index
        %get3A_270 = tpu.vector_load %arg11[%get3A_269] {strides = array<i32>} : memref<80xi32, #tpu.memory_space<vmem>>, vector<16xi32>,
        %mul3A_271 = arith.constant 2 : i32
        %mul3A_272 = vector.broadcast %mul3A_271 : i32 to vector<16xi32>
        %mul3A_273 = arith.muli %get3A_268, %mul3A_272 : vector<16xi32>
        %add3A_274 = vector.broadcast %arg0 : i32 to vector<16xi32>
        %add3A_275 = arith.addi %mul3A_273, %add3A_274 : vector<16xi32>
        %mul3A_276 = arith.constant 10000 : i32
        %mul3A_277 = vector.broadcast %mul3A_276 : i32 to vector<16xi32>
        %mul3A_278 = arith.muli %add3A_275, %mul3A_277 : vector<16xi32>
        %add3A_279 = arith.addi %mul3A_278, %get3A_266 : vector<16xi32>
        %swap3A_280 = arith.constant 0 : index
        %swap3A_281 = tpu.vector_load %arg15[%swap3A_280] {strides = array<i32>} : memref<80xi32, #tpu.memory_space<vmem>>, vector<16xi32>,
        tpu.vector_store %arg15[%swap3A_280], %add3A_279 {strides = array<i32>} : memref<80xi32, #tpu.memory_space<vmem>>, vector<16xi32>,
        %mul3A_282 = arith.constant 16 : i32
        %mul3A_283 = vector.broadcast %mul3A_282 : i32 to vector<16xi32>
        %mul3A_284 = arith.muli %get3A_270, %mul3A_283 : vector<16xi32>
        %add3A_285 = arith.addi %mul3A_284, %get3A_268 : vector<16xi32>
        %swap3A_286 = arith.constant 0 : index
        %swap3A_287 = tpu.vector_load %arg17[%swap3A_286] {strides = array<i32>} : memref<80xi32, #tpu.memory_space<vmem>>, vector<16xi32>,
        tpu.vector_store %arg17[%swap3A_286], %add3A_285 {strides = array<i32>} : memref<80xi32, #tpu.memory_space<vmem>>, vector<16xi32>,
        %swap3A_288 = arith.constant 0 : index
        %swap3A_289 = tpu.vector_load %arg19[%swap3A_288] {strides = array<i32>} : memref<80xi32, #tpu.memory_space<vmem>>, vector<16xi32>,
        tpu.vector_store %arg19[%swap3A_288], %get3A_270 {strides = array<i32>} : memref<80xi32, #tpu.memory_space<vmem>>, vector<16xi32>,
        %get3A_290 = arith.constant 16 : index
        %get3A_291 = tpu.vector_load %arg9[%get3A_290] {strides = array<i32>} : memref<80xi32, #tpu.memory_space<vmem>>, vector<16xi32>,
        %get3A_292 = arith.constant 16 : index
        %get3A_293 = tpu.vector_load %arg13[%get3A_292] {strides = array<i32>} : memref<80xi32, #tpu.memory_space<vmem>>, vector<16xi32>,
        %get3A_294 = arith.constant 16 : index
        %get3A_295 = tpu.vector_load %arg11[%get3A_294] {strides = array<i32>} : memref<80xi32, #tpu.memory_space<vmem>>, vector<16xi32>,
        %mul3A_296 = arith.constant 2 : i32
        %mul3A_297 = vector.broadcast %mul3A_296 : i32 to vector<16xi32>
        %mul3A_298 = arith.muli %get3A_293, %mul3A_297 : vector<16xi32>
        %add3A_299 = vector.broadcast %arg0 : i32 to vector<16xi32>
        %add3A_300 = arith.addi %mul3A_298, %add3A_299 : vector<16xi32>
        %mul3A_301 = arith.constant 10000 : i32
        %mul3A_302 = vector.broadcast %mul3A_301 : i32 to vector<16xi32>
        %mul3A_303 = arith.muli %add3A_300, %mul3A_302 : vector<16xi32>
        %add3A_304 = arith.addi %mul3A_303, %get3A_291 : vector<16xi32>
        %swap3A_305 = arith.constant 16 : index
        %swap3A_306 = tpu.vector_load %arg15[%swap3A_305] {strides = array<i32>} : memref<80xi32, #tpu.memory_space<vmem>>, vector<16xi32>,
        tpu.vector_store %arg15[%swap3A_305], %add3A_304 {strides = array<i32>} : memref<80xi32, #tpu.memory_space<vmem>>, vector<16xi32>,
        %mul3A_307 = arith.constant 16 : i32
        %mul3A_308 = vector.broadcast %mul3A_307 : i32 to vector<16xi32>
        %mul3A_309 = arith.muli %get3A_295, %mul3A_308 : vector<16xi32>
        %add3A_310 = arith.addi %mul3A_309, %get3A_293 : vector<16xi32>
        %swap3A_311 = arith.constant 16 : index
        %swap3A_312 = tpu.vector_load %arg17[%swap3A_311] {strides = array<i32>} : memref<80xi32, #tpu.memory_space<vmem>>, vector<16xi32>,
        tpu.vector_store %arg17[%swap3A_311], %add3A_310 {strides = array<i32>} : memref<80xi32, #tpu.memory_space<vmem>>, vector<16xi32>,
        %swap3A_313 = arith.constant 16 : index
        %swap3A_314 = tpu.vector_load %arg19[%swap3A_313] {strides = array<i32>} : memref<80xi32, #tpu.memory_space<vmem>>, vector<16xi32>,
        tpu.vector_store %arg19[%swap3A_313], %get3A_295 {strides = array<i32>} : memref<80xi32, #tpu.memory_space<vmem>>, vector<16xi32>,
        %get3A_315 = arith.constant 32 : index
        %get3A_316 = tpu.vector_load %arg9[%get3A_315] {strides = array<i32>} : memref<80xi32, #tpu.memory_space<vmem>>, vector<16xi32>,
        %get3A_317 = arith.constant 32 : index
        %get3A_318 = tpu.vector_load %arg13[%get3A_317] {strides = array<i32>} : memref<80xi32, #tpu.memory_space<vmem>>, vector<16xi32>,
        %get3A_319 = arith.constant 32 : index
        %get3A_320 = tpu.vector_load %arg11[%get3A_319] {strides = array<i32>} : memref<80xi32, #tpu.memory_space<vmem>>, vector<16xi32>,
        %mul3A_321 = arith.constant 2 : i32
        %mul3A_322 = vector.broadcast %mul3A_321 : i32 to vector<16xi32>
        %mul3A_323 = arith.muli %get3A_318, %mul3A_322 : vector<16xi32>
        %add3A_324 = vector.broadcast %arg0 : i32 to vector<16xi32>
        %add3A_325 = arith.addi %mul3A_323, %add3A_324 : vector<16xi32>
        %mul3A_326 = arith.constant 10000 : i32
        %mul3A_327 = vector.broadcast %mul3A_326 : i32 to vector<16xi32>
        %mul3A_328 = arith.muli %add3A_325, %mul3A_327 : vector<16xi32>
        %add3A_329 = arith.addi %mul3A_328, %get3A_316 : vector<16xi32>
        %swap3A_330 = arith.constant 32 : index
        %swap3A_331 = tpu.vector_load %arg15[%swap3A_330] {strides = array<i32>} : memref<80xi32, #tpu.memory_space<vmem>>, vector<16xi32>,
        tpu.vector_store %arg15[%swap3A_330], %add3A_329 {strides = array<i32>} : memref<80xi32, #tpu.memory_space<vmem>>, vector<16xi32>,
        %mul3A_332 = arith.constant 16 : i32
        %mul3A_333 = vector.broadcast %mul3A_332 : i32 to vector<16xi32>
        %mul3A_334 = arith.muli %get3A_320, %mul3A_333 : vector<16xi32>
        %add3A_335 = arith.addi %mul3A_334, %get3A_318 : vector<16xi32>
        %swap3A_336 = arith.constant 32 : index
        %swap3A_337 = tpu.vector_load %arg17[%swap3A_336] {strides = array<i32>} : memref<80xi32, #tpu.memory_space<vmem>>, vector<16xi32>,
        tpu.vector_store %arg17[%swap3A_336], %add3A_335 {strides = array<i32>} : memref<80xi32, #tpu.memory_space<vmem>>, vector<16xi32>,
        %swap3A_338 = arith.constant 32 : index
        %swap3A_339 = tpu.vector_load %arg19[%swap3A_338] {strides = array<i32>} : memref<80xi32, #tpu.memory_space<vmem>>, vector<16xi32>,
        tpu.vector_store %arg19[%swap3A_338], %get3A_320 {strides = array<i32>} : memref<80xi32, #tpu.memory_space<vmem>>, vector<16xi32>,
        %get3A_340 = arith.constant 48 : index
        %get3A_341 = tpu.vector_load %arg9[%get3A_340] {strides = array<i32>} : memref<80xi32, #tpu.memory_space<vmem>>, vector<16xi32>,
        %get3A_342 = arith.constant 48 : index
        %get3A_343 = tpu.vector_load %arg13[%get3A_342] {strides = array<i32>} : memref<80xi32, #tpu.memory_space<vmem>>, vector<16xi32>,
        %get3A_344 = arith.constant 48 : index
        %get3A_345 = tpu.vector_load %arg11[%get3A_344] {strides = array<i32>} : memref<80xi32, #tpu.memory_space<vmem>>, vector<16xi32>,
        %mul3A_346 = arith.constant 2 : i32
        %mul3A_347 = vector.broadcast %mul3A_346 : i32 to vector<16xi32>
        %mul3A_348 = arith.muli %get3A_343, %mul3A_347 : vector<16xi32>
        %add3A_349 = vector.broadcast %arg0 : i32 to vector<16xi32>
        %add3A_350 = arith.addi %mul3A_348, %add3A_349 : vector<16xi32>
        %mul3A_351 = arith.constant 10000 : i32
        %mul3A_352 = vector.broadcast %mul3A_351 : i32 to vector<16xi32>
        %mul3A_353 = arith.muli %add3A_350, %mul3A_352 : vector<16xi32>
        %add3A_354 = arith.addi %mul3A_353, %get3A_341 : vector<16xi32>
        %swap3A_355 = arith.constant 48 : index
        %swap3A_356 = tpu.vector_load %arg15[%swap3A_355] {strides = array<i32>} : memref<80xi32, #tpu.memory_space<vmem>>, vector<16xi32>,
        tpu.vector_store %arg15[%swap3A_355], %add3A_354 {strides = array<i32>} : memref<80xi32, #tpu.memory_space<vmem>>, vector<16xi32>,
        %mul3A_357 = arith.constant 16 : i32
        %mul3A_358 = vector.broadcast %mul3A_357 : i32 to vector<16xi32>
        %mul3A_359 = arith.muli %get3A_345, %mul3A_358 : vector<16xi32>
        %add3A_360 = arith.addi %mul3A_359, %get3A_343 : vector<16xi32>
        %swap3A_361 = arith.constant 48 : index
        %swap3A_362 = tpu.vector_load %arg17[%swap3A_361] {strides = array<i32>} : memref<80xi32, #tpu.memory_space<vmem>>, vector<16xi32>,
        tpu.vector_store %arg17[%swap3A_361], %add3A_360 {strides = array<i32>} : memref<80xi32, #tpu.memory_space<vmem>>, vector<16xi32>,
        %swap3A_363 = arith.constant 48 : index
        %swap3A_364 = tpu.vector_load %arg19[%swap3A_363] {strides = array<i32>} : memref<80xi32, #tpu.memory_space<vmem>>, vector<16xi32>,
        tpu.vector_store %arg19[%swap3A_363], %get3A_345 {strides = array<i32>} : memref<80xi32, #tpu.memory_space<vmem>>, vector<16xi32>,
        %get3A_365 = arith.constant 64 : index
        %get3A_366 = tpu.vector_load %arg9[%get3A_365] {strides = array<i32>} : memref<80xi32, #tpu.memory_space<vmem>>, vector<16xi32>,
        %get3A_367 = arith.constant 64 : index
        %get3A_368 = tpu.vector_load %arg13[%get3A_367] {strides = array<i32>} : memref<80xi32, #tpu.memory_space<vmem>>, vector<16xi32>,
        %get3A_369 = arith.constant 64 : index
        %get3A_370 = tpu.vector_load %arg11[%get3A_369] {strides = array<i32>} : memref<80xi32, #tpu.memory_space<vmem>>, vector<16xi32>,
        %mul3A_371 = arith.constant 2 : i32
        %mul3A_372 = vector.broadcast %mul3A_371 : i32 to vector<16xi32>
        %mul3A_373 = arith.muli %get3A_368, %mul3A_372 : vector<16xi32>
        %add3A_374 = vector.broadcast %arg0 : i32 to vector<16xi32>
        %add3A_375 = arith.addi %mul3A_373, %add3A_374 : vector<16xi32>
        %mul3A_376 = arith.constant 10000 : i32
        %mul3A_377 = vector.broadcast %mul3A_376 : i32 to vector<16xi32>
        %mul3A_378 = arith.muli %add3A_375, %mul3A_377 : vector<16xi32>
        %add3A_379 = arith.addi %mul3A_378, %get3A_366 : vector<16xi32>
        %swap3A_380 = arith.constant 64 : index
        %swap3A_381 = tpu.vector_load %arg15[%swap3A_380] {strides = array<i32>} : memref<80xi32, #tpu.memory_space<vmem>>, vector<16xi32>,
        tpu.vector_store %arg15[%swap3A_380], %add3A_379 {strides = array<i32>} : memref<80xi32, #tpu.memory_space<vmem>>, vector<16xi32>,
        %mul3A_382 = arith.constant 16 : i32
        %mul3A_383 = vector.broadcast %mul3A_382 : i32 to vector<16xi32>
        %mul3A_384 = arith.muli %get3A_370, %mul3A_383 : vector<16xi32>
        %add3A_385 = arith.addi %mul3A_384, %get3A_368 : vector<16xi32>
        %swap3A_386 = arith.constant 64 : index
        %swap3A_387 = tpu.vector_load %arg17[%swap3A_386] {strides = array<i32>} : memref<80xi32, #tpu.memory_space<vmem>>, vector<16xi32>,
        tpu.vector_store %arg17[%swap3A_386], %add3A_385 {strides = array<i32>} : memref<80xi32, #tpu.memory_space<vmem>>, vector<16xi32>,
        %swap3A_388 = arith.constant 64 : index
        %swap3A_389 = tpu.vector_load %arg19[%swap3A_388] {strides = array<i32>} : memref<80xi32, #tpu.memory_space<vmem>>, vector<16xi32>,
        tpu.vector_store %arg19[%swap3A_388], %get3A_370 {strides = array<i32>} : memref<80xi32, #tpu.memory_space<vmem>>, vector<16xi32>,
        %dma_start3A_390 = arith.constant 0 : i32
        %dma_start3A_391 = arith.constant 0 : i32
        %dma_start3A_392 = tpu.memref_slice %arg2[%dma_start3A_390, %dma_start3A_391] : memref<320000x128xf32, #tpu.memory_space<hbm>> -> memref<320000x128xf32, #tpu.memory_space<hbm>>
        tpu.enqueue_indirect_dma source(%dma_start3A_392 : memref<320000x128xf32, #tpu.memory_space<hbm>>) target(%arg23 : memref<80x128xf32, #tpu.memory_space<vmem>>) offsets(%arg15 : memref<80xi32, #tpu.memory_space<vmem>>) semaphore(%arg28 : memref<!tpu.dma_semaphore, #tpu.memory_space<semaphore_mem>>)
        %dma_start3A_393 = arith.constant 0 : i32
        %dma_start3A_394 = tpu.memref_slice %arg6[%dma_start3A_393] : memref<160000xf32, #tpu.memory_space<hbm>> -> memref<160000xf32, #tpu.memory_space<hbm>>
        tpu.enqueue_indirect_dma source(%dma_start3A_394 : memref<160000xf32, #tpu.memory_space<hbm>>) target(%arg21 : memref<80xf32, #tpu.memory_space<vmem>>) offsets(%arg17 : memref<80xi32, #tpu.memory_space<vmem>>) semaphore(%arg30 : memref<!tpu.dma_semaphore, #tpu.memory_space<semaphore_mem>>)
      } else {
      }
      %dma_wait3A_211 = arith.constant 0 : i32
      %dma_wait3A_212 = arith.constant 0 : i32
      %dma_wait3A_213 = tpu.memref_slice %arg2[%dma_wait3A_211, %dma_wait3A_212] : memref<320000x128xf32, #tpu.memory_space<hbm>> -> memref<320000x128xf32, #tpu.memory_space<hbm>>
      tpu.wait_indirect_dma semaphore(%arg27 : memref<!tpu.dma_semaphore, #tpu.memory_space<semaphore_mem>>) src(%dma_wait3A_213 : memref<320000x128xf32, #tpu.memory_space<hbm>>) dst(%arg22 : memref<80x128xf32, #tpu.memory_space<vmem>>)
      %dma_wait3A_214 = arith.constant 0 : i32
      %dma_wait3A_215 = tpu.memref_slice %arg6[%dma_wait3A_214] : memref<160000xf32, #tpu.memory_space<hbm>> -> memref<160000xf32, #tpu.memory_space<hbm>>
      tpu.wait_indirect_dma semaphore(%arg29 : memref<!tpu.dma_semaphore, #tpu.memory_space<semaphore_mem>>) src(%dma_wait3A_215 : memref<160000xf32, #tpu.memory_space<hbm>>) dst(%arg20 : memref<80xf32, #tpu.memory_space<vmem>>)
      %dma_start3A_216 = arith.constant 0 : i32
      %dma_start3A_217 = arith.constant 0 : i32
      %dma_start3A_218 = tpu.memref_slice %arg24[%dma_start3A_216, %dma_start3A_217] : memref<10000x128xf32, #tpu.memory_space<vmem_shared>> -> memref<10000x128xf32, #tpu.memory_space<vmem_shared>>
      tpu.enqueue_indirect_dma source(%arg22 : memref<80x128xf32, #tpu.memory_space<vmem>>) target(%dma_start3A_218 : memref<10000x128xf32, #tpu.memory_space<vmem_shared>>) offsets(%arg18 : memref<80xi32, #tpu.memory_space<vmem>>) semaphore(%arg31 : memref<!tpu.dma_semaphore, #tpu.memory_space<semaphore_mem>>) {add = true}
      %add3A_219 = arith.constant 2 : i32
      %add3A_220 = arith.addi %add3A_206, %add3A_219 : i32
      %lt3A_221 = arith.constant 250 : i32
      %lt3A_222 = arith.cmpi slt, %add3A_220, %lt3A_221 : i32
      %convert_element_type3A_223 = arith.extui %lt3A_222 : i1 to i32
      %cond3A_224 = arith.constant 0 : i32
      %cond3A_225 = arith.cmpi ne, %convert_element_type3A_223, %cond3A_224 : i32
      scf.if %cond3A_225 {
        %add3A_250 = arith.constant 2 : i32
        %add3A_251 = arith.addi %add3A_206, %add3A_250 : i32
        %mul3A_252 = arith.constant 80 : i32
        %mul3A_253 = arith.muli %add3A_251, %mul3A_252 : i32
        %add3A_254 = arith.addi %mul3A_0, %mul3A_253 : i32
        %dma_start3A_255 = tpu.memref_slice %arg3[%add3A_254] : memref<320000xi32, #tpu.memory_space<hbm>> -> memref<80xi32, #tpu.memory_space<hbm>>
        %dma_start3A_256 = tpu.memref_slice %arg3[%add3A_254] : memref<320000xi32, #tpu.memory_space<hbm>> -> memref<80xi32, #tpu.memory_space<hbm>>
        tpu.enqueue_dma source(%dma_start3A_256 : memref<80xi32, #tpu.memory_space<hbm>>) target(%arg8 : memref<80xi32, #tpu.memory_space<vmem>>) target_semaphore(%arg25 : memref<!tpu.dma_semaphore, #tpu.memory_space<semaphore_mem>>)
        %dma_start3A_257 = tpu.memref_slice %arg4[%add3A_254] : memref<320000xi32, #tpu.memory_space<hbm>> -> memref<80xi32, #tpu.memory_space<hbm>>
        %dma_start3A_258 = tpu.memref_slice %arg4[%add3A_254] : memref<320000xi32, #tpu.memory_space<hbm>> -> memref<80xi32, #tpu.memory_space<hbm>>
        tpu.enqueue_dma source(%dma_start3A_258 : memref<80xi32, #tpu.memory_space<hbm>>) target(%arg10 : memref<80xi32, #tpu.memory_space<vmem>>) target_semaphore(%arg25 : memref<!tpu.dma_semaphore, #tpu.memory_space<semaphore_mem>>)
        %dma_start3A_259 = tpu.memref_slice %arg5[%add3A_254] : memref<320000xi32, #tpu.memory_space<hbm>> -> memref<80xi32, #tpu.memory_space<hbm>>
        %dma_start3A_260 = tpu.memref_slice %arg5[%add3A_254] : memref<320000xi32, #tpu.memory_space<hbm>> -> memref<80xi32, #tpu.memory_space<hbm>>
        tpu.enqueue_dma source(%dma_start3A_260 : memref<80xi32, #tpu.memory_space<hbm>>) target(%arg12 : memref<80xi32, #tpu.memory_space<vmem>>) target_semaphore(%arg25 : memref<!tpu.dma_semaphore, #tpu.memory_space<semaphore_mem>>)
      } else {
      }
      %add3A_226 = arith.constant 1 : i32
      %add3A_227 = arith.addi %mul3A_204, %add3A_226 : i32
      %add3A_228 = arith.constant 1 : i32
      %add3A_229 = arith.addi %add3A_227, %add3A_228 : i32
      %lt3A_230 = arith.constant 250 : i32
      %lt3A_231 = arith.cmpi slt, %add3A_229, %lt3A_230 : i32
      %convert_element_type3A_232 = arith.extui %lt3A_231 : i1 to i32
      %cond3A_233 = arith.constant 0 : i32
      %cond3A_234 = arith.cmpi ne, %convert_element_type3A_232, %cond3A_233 : i32
      scf.if %cond3A_234 {
        %add3A_250 = arith.constant 1 : i32
        %add3A_251 = arith.addi %add3A_227, %add3A_250 : i32
        %mul3A_252 = arith.constant 80 : i32
        %mul3A_253 = arith.muli %add3A_251, %mul3A_252 : i32
        %add3A_254 = arith.addi %mul3A_0, %mul3A_253 : i32
        %dma_wait3A_255 = tpu.memref_slice %arg3[%add3A_254] : memref<320000xi32, #tpu.memory_space<hbm>> -> memref<80xi32, #tpu.memory_space<hbm>>
        %dma_wait3A_256 = tpu.memref_slice %arg3[%add3A_254] : memref<320000xi32, #tpu.memory_space<hbm>> -> memref<80xi32, #tpu.memory_space<hbm>>
        tpu.wait_dma2 semaphore(%arg25 : memref<!tpu.dma_semaphore, #tpu.memory_space<semaphore_mem>>) src(%dma_wait3A_256 : memref<80xi32, #tpu.memory_space<hbm>>) dst(%arg8 : memref<80xi32, #tpu.memory_space<vmem>>)
        %dma_wait3A_257 = tpu.memref_slice %arg4[%add3A_254] : memref<320000xi32, #tpu.memory_space<hbm>> -> memref<80xi32, #tpu.memory_space<hbm>>
        %dma_wait3A_258 = tpu.memref_slice %arg4[%add3A_254] : memref<320000xi32, #tpu.memory_space<hbm>> -> memref<80xi32, #tpu.memory_space<hbm>>
        tpu.wait_dma2 semaphore(%arg25 : memref<!tpu.dma_semaphore, #tpu.memory_space<semaphore_mem>>) src(%dma_wait3A_258 : memref<80xi32, #tpu.memory_space<hbm>>) dst(%arg10 : memref<80xi32, #tpu.memory_space<vmem>>)
        %dma_wait3A_259 = tpu.memref_slice %arg5[%add3A_254] : memref<320000xi32, #tpu.memory_space<hbm>> -> memref<80xi32, #tpu.memory_space<hbm>>
        %dma_wait3A_260 = tpu.memref_slice %arg5[%add3A_254] : memref<320000xi32, #tpu.memory_space<hbm>> -> memref<80xi32, #tpu.memory_space<hbm>>
        tpu.wait_dma2 semaphore(%arg25 : memref<!tpu.dma_semaphore, #tpu.memory_space<semaphore_mem>>) src(%dma_wait3A_260 : memref<80xi32, #tpu.memory_space<hbm>>) dst(%arg12 : memref<80xi32, #tpu.memory_space<vmem>>)
        %ge3A = arith.constant 2 : i32
        %ge3A_261 = arith.cmpi sge, %add3A_251, %ge3A : i32
        %convert_element_type3A_262 = arith.extui %ge3A_261 : i1 to i32
        %cond3A_263 = arith.constant 0 : i32
        %cond3A_264 = arith.cmpi ne, %convert_element_type3A_262, %cond3A_263 : i32
        scf.if %cond3A_264 {
          %dma_wait3A_395 = arith.constant 0 : i32
          %dma_wait3A_396 = arith.constant 0 : i32
          %dma_wait3A_397 = tpu.memref_slice %arg24[%dma_wait3A_395, %dma_wait3A_396] : memref<10000x128xf32, #tpu.memory_space<vmem_shared>> -> memref<10000x128xf32, #tpu.memory_space<vmem_shared>>
          tpu.wait_indirect_dma semaphore(%arg31 : memref<!tpu.dma_semaphore, #tpu.memory_space<semaphore_mem>>) src(%arg22 : memref<80x128xf32, #tpu.memory_space<vmem>>) dst(%dma_wait3A_397 : memref<10000x128xf32, #tpu.memory_space<vmem_shared>>)
        } else {
        }
        %get3A_265 = arith.constant 0 : index
        %get3A_266 = tpu.vector_load %arg8[%get3A_265] {strides = array<i32>} : memref<80xi32, #tpu.memory_space<vmem>>, vector<16xi32>,
        %get3A_267 = arith.constant 0 : index
        %get3A_268 = tpu.vector_load %arg12[%get3A_267] {strides = array<i32>} : memref<80xi32, #tpu.memory_space<vmem>>, vector<16xi32>,
        %get3A_269 = arith.constant 0 : index
        %get3A_270 = tpu.vector_load %arg10[%get3A_269] {strides = array<i32>} : memref<80xi32, #tpu.memory_space<vmem>>, vector<16xi32>,
        %mul3A_271 = arith.constant 2 : i32
        %mul3A_272 = vector.broadcast %mul3A_271 : i32 to vector<16xi32>
        %mul3A_273 = arith.muli %get3A_268, %mul3A_272 : vector<16xi32>
        %add3A_274 = vector.broadcast %arg0 : i32 to vector<16xi32>
        %add3A_275 = arith.addi %mul3A_273, %add3A_274 : vector<16xi32>
        %mul3A_276 = arith.constant 10000 : i32
        %mul3A_277 = vector.broadcast %mul3A_276 : i32 to vector<16xi32>
        %mul3A_278 = arith.muli %add3A_275, %mul3A_277 : vector<16xi32>
        %add3A_279 = arith.addi %mul3A_278, %get3A_266 : vector<16xi32>
        %swap3A_280 = arith.constant 0 : index
        %swap3A_281 = tpu.vector_load %arg14[%swap3A_280] {strides = array<i32>} : memref<80xi32, #tpu.memory_space<vmem>>, vector<16xi32>,
        tpu.vector_store %arg14[%swap3A_280], %add3A_279 {strides = array<i32>} : memref<80xi32, #tpu.memory_space<vmem>>, vector<16xi32>,
        %mul3A_282 = arith.constant 16 : i32
        %mul3A_283 = vector.broadcast %mul3A_282 : i32 to vector<16xi32>
        %mul3A_284 = arith.muli %get3A_270, %mul3A_283 : vector<16xi32>
        %add3A_285 = arith.addi %mul3A_284, %get3A_268 : vector<16xi32>
        %swap3A_286 = arith.constant 0 : index
        %swap3A_287 = tpu.vector_load %arg16[%swap3A_286] {strides = array<i32>} : memref<80xi32, #tpu.memory_space<vmem>>, vector<16xi32>,
        tpu.vector_store %arg16[%swap3A_286], %add3A_285 {strides = array<i32>} : memref<80xi32, #tpu.memory_space<vmem>>, vector<16xi32>,
        %swap3A_288 = arith.constant 0 : index
        %swap3A_289 = tpu.vector_load %arg18[%swap3A_288] {strides = array<i32>} : memref<80xi32, #tpu.memory_space<vmem>>, vector<16xi32>,
        tpu.vector_store %arg18[%swap3A_288], %get3A_270 {strides = array<i32>} : memref<80xi32, #tpu.memory_space<vmem>>, vector<16xi32>,
        %get3A_290 = arith.constant 16 : index
        %get3A_291 = tpu.vector_load %arg8[%get3A_290] {strides = array<i32>} : memref<80xi32, #tpu.memory_space<vmem>>, vector<16xi32>,
        %get3A_292 = arith.constant 16 : index
        %get3A_293 = tpu.vector_load %arg12[%get3A_292] {strides = array<i32>} : memref<80xi32, #tpu.memory_space<vmem>>, vector<16xi32>,
        %get3A_294 = arith.constant 16 : index
        %get3A_295 = tpu.vector_load %arg10[%get3A_294] {strides = array<i32>} : memref<80xi32, #tpu.memory_space<vmem>>, vector<16xi32>,
        %mul3A_296 = arith.constant 2 : i32
        %mul3A_297 = vector.broadcast %mul3A_296 : i32 to vector<16xi32>
        %mul3A_298 = arith.muli %get3A_293, %mul3A_297 : vector<16xi32>
        %add3A_299 = vector.broadcast %arg0 : i32 to vector<16xi32>
        %add3A_300 = arith.addi %mul3A_298, %add3A_299 : vector<16xi32>
        %mul3A_301 = arith.constant 10000 : i32
        %mul3A_302 = vector.broadcast %mul3A_301 : i32 to vector<16xi32>
        %mul3A_303 = arith.muli %add3A_300, %mul3A_302 : vector<16xi32>
        %add3A_304 = arith.addi %mul3A_303, %get3A_291 : vector<16xi32>
        %swap3A_305 = arith.constant 16 : index
        %swap3A_306 = tpu.vector_load %arg14[%swap3A_305] {strides = array<i32>} : memref<80xi32, #tpu.memory_space<vmem>>, vector<16xi32>,
        tpu.vector_store %arg14[%swap3A_305], %add3A_304 {strides = array<i32>} : memref<80xi32, #tpu.memory_space<vmem>>, vector<16xi32>,
        %mul3A_307 = arith.constant 16 : i32
        %mul3A_308 = vector.broadcast %mul3A_307 : i32 to vector<16xi32>
        %mul3A_309 = arith.muli %get3A_295, %mul3A_308 : vector<16xi32>
        %add3A_310 = arith.addi %mul3A_309, %get3A_293 : vector<16xi32>
        %swap3A_311 = arith.constant 16 : index
        %swap3A_312 = tpu.vector_load %arg16[%swap3A_311] {strides = array<i32>} : memref<80xi32, #tpu.memory_space<vmem>>, vector<16xi32>,
        tpu.vector_store %arg16[%swap3A_311], %add3A_310 {strides = array<i32>} : memref<80xi32, #tpu.memory_space<vmem>>, vector<16xi32>,
        %swap3A_313 = arith.constant 16 : index
        %swap3A_314 = tpu.vector_load %arg18[%swap3A_313] {strides = array<i32>} : memref<80xi32, #tpu.memory_space<vmem>>, vector<16xi32>,
        tpu.vector_store %arg18[%swap3A_313], %get3A_295 {strides = array<i32>} : memref<80xi32, #tpu.memory_space<vmem>>, vector<16xi32>,
        %get3A_315 = arith.constant 32 : index
        %get3A_316 = tpu.vector_load %arg8[%get3A_315] {strides = array<i32>} : memref<80xi32, #tpu.memory_space<vmem>>, vector<16xi32>,
        %get3A_317 = arith.constant 32 : index
        %get3A_318 = tpu.vector_load %arg12[%get3A_317] {strides = array<i32>} : memref<80xi32, #tpu.memory_space<vmem>>, vector<16xi32>,
        %get3A_319 = arith.constant 32 : index
        %get3A_320 = tpu.vector_load %arg10[%get3A_319] {strides = array<i32>} : memref<80xi32, #tpu.memory_space<vmem>>, vector<16xi32>,
        %mul3A_321 = arith.constant 2 : i32
        %mul3A_322 = vector.broadcast %mul3A_321 : i32 to vector<16xi32>
        %mul3A_323 = arith.muli %get3A_318, %mul3A_322 : vector<16xi32>
        %add3A_324 = vector.broadcast %arg0 : i32 to vector<16xi32>
        %add3A_325 = arith.addi %mul3A_323, %add3A_324 : vector<16xi32>
        %mul3A_326 = arith.constant 10000 : i32
        %mul3A_327 = vector.broadcast %mul3A_326 : i32 to vector<16xi32>
        %mul3A_328 = arith.muli %add3A_325, %mul3A_327 : vector<16xi32>
        %add3A_329 = arith.addi %mul3A_328, %get3A_316 : vector<16xi32>
        %swap3A_330 = arith.constant 32 : index
        %swap3A_331 = tpu.vector_load %arg14[%swap3A_330] {strides = array<i32>} : memref<80xi32, #tpu.memory_space<vmem>>, vector<16xi32>,
        tpu.vector_store %arg14[%swap3A_330], %add3A_329 {strides = array<i32>} : memref<80xi32, #tpu.memory_space<vmem>>, vector<16xi32>,
        %mul3A_332 = arith.constant 16 : i32
        %mul3A_333 = vector.broadcast %mul3A_332 : i32 to vector<16xi32>
        %mul3A_334 = arith.muli %get3A_320, %mul3A_333 : vector<16xi32>
        %add3A_335 = arith.addi %mul3A_334, %get3A_318 : vector<16xi32>
        %swap3A_336 = arith.constant 32 : index
        %swap3A_337 = tpu.vector_load %arg16[%swap3A_336] {strides = array<i32>} : memref<80xi32, #tpu.memory_space<vmem>>, vector<16xi32>,
        tpu.vector_store %arg16[%swap3A_336], %add3A_335 {strides = array<i32>} : memref<80xi32, #tpu.memory_space<vmem>>, vector<16xi32>,
        %swap3A_338 = arith.constant 32 : index
        %swap3A_339 = tpu.vector_load %arg18[%swap3A_338] {strides = array<i32>} : memref<80xi32, #tpu.memory_space<vmem>>, vector<16xi32>,
        tpu.vector_store %arg18[%swap3A_338], %get3A_320 {strides = array<i32>} : memref<80xi32, #tpu.memory_space<vmem>>, vector<16xi32>,
        %get3A_340 = arith.constant 48 : index
        %get3A_341 = tpu.vector_load %arg8[%get3A_340] {strides = array<i32>} : memref<80xi32, #tpu.memory_space<vmem>>, vector<16xi32>,
        %get3A_342 = arith.constant 48 : index
        %get3A_343 = tpu.vector_load %arg12[%get3A_342] {strides = array<i32>} : memref<80xi32, #tpu.memory_space<vmem>>, vector<16xi32>,
        %get3A_344 = arith.constant 48 : index
        %get3A_345 = tpu.vector_load %arg10[%get3A_344] {strides = array<i32>} : memref<80xi32, #tpu.memory_space<vmem>>, vector<16xi32>,
        %mul3A_346 = arith.constant 2 : i32
        %mul3A_347 = vector.broadcast %mul3A_346 : i32 to vector<16xi32>
        %mul3A_348 = arith.muli %get3A_343, %mul3A_347 : vector<16xi32>
        %add3A_349 = vector.broadcast %arg0 : i32 to vector<16xi32>
        %add3A_350 = arith.addi %mul3A_348, %add3A_349 : vector<16xi32>
        %mul3A_351 = arith.constant 10000 : i32
        %mul3A_352 = vector.broadcast %mul3A_351 : i32 to vector<16xi32>
        %mul3A_353 = arith.muli %add3A_350, %mul3A_352 : vector<16xi32>
        %add3A_354 = arith.addi %mul3A_353, %get3A_341 : vector<16xi32>
        %swap3A_355 = arith.constant 48 : index
        %swap3A_356 = tpu.vector_load %arg14[%swap3A_355] {strides = array<i32>} : memref<80xi32, #tpu.memory_space<vmem>>, vector<16xi32>,
        tpu.vector_store %arg14[%swap3A_355], %add3A_354 {strides = array<i32>} : memref<80xi32, #tpu.memory_space<vmem>>, vector<16xi32>,
        %mul3A_357 = arith.constant 16 : i32
        %mul3A_358 = vector.broadcast %mul3A_357 : i32 to vector<16xi32>
        %mul3A_359 = arith.muli %get3A_345, %mul3A_358 : vector<16xi32>
        %add3A_360 = arith.addi %mul3A_359, %get3A_343 : vector<16xi32>
        %swap3A_361 = arith.constant 48 : index
        %swap3A_362 = tpu.vector_load %arg16[%swap3A_361] {strides = array<i32>} : memref<80xi32, #tpu.memory_space<vmem>>, vector<16xi32>,
        tpu.vector_store %arg16[%swap3A_361], %add3A_360 {strides = array<i32>} : memref<80xi32, #tpu.memory_space<vmem>>, vector<16xi32>,
        %swap3A_363 = arith.constant 48 : index
        %swap3A_364 = tpu.vector_load %arg18[%swap3A_363] {strides = array<i32>} : memref<80xi32, #tpu.memory_space<vmem>>, vector<16xi32>,
        tpu.vector_store %arg18[%swap3A_363], %get3A_345 {strides = array<i32>} : memref<80xi32, #tpu.memory_space<vmem>>, vector<16xi32>,
        %get3A_365 = arith.constant 64 : index
        %get3A_366 = tpu.vector_load %arg8[%get3A_365] {strides = array<i32>} : memref<80xi32, #tpu.memory_space<vmem>>, vector<16xi32>,
        %get3A_367 = arith.constant 64 : index
        %get3A_368 = tpu.vector_load %arg12[%get3A_367] {strides = array<i32>} : memref<80xi32, #tpu.memory_space<vmem>>, vector<16xi32>,
        %get3A_369 = arith.constant 64 : index
        %get3A_370 = tpu.vector_load %arg10[%get3A_369] {strides = array<i32>} : memref<80xi32, #tpu.memory_space<vmem>>, vector<16xi32>,
        %mul3A_371 = arith.constant 2 : i32
        %mul3A_372 = vector.broadcast %mul3A_371 : i32 to vector<16xi32>
        %mul3A_373 = arith.muli %get3A_368, %mul3A_372 : vector<16xi32>
        %add3A_374 = vector.broadcast %arg0 : i32 to vector<16xi32>
        %add3A_375 = arith.addi %mul3A_373, %add3A_374 : vector<16xi32>
        %mul3A_376 = arith.constant 10000 : i32
        %mul3A_377 = vector.broadcast %mul3A_376 : i32 to vector<16xi32>
        %mul3A_378 = arith.muli %add3A_375, %mul3A_377 : vector<16xi32>
        %add3A_379 = arith.addi %mul3A_378, %get3A_366 : vector<16xi32>
        %swap3A_380 = arith.constant 64 : index
        %swap3A_381 = tpu.vector_load %arg14[%swap3A_380] {strides = array<i32>} : memref<80xi32, #tpu.memory_space<vmem>>, vector<16xi32>,
        tpu.vector_store %arg14[%swap3A_380], %add3A_379 {strides = array<i32>} : memref<80xi32, #tpu.memory_space<vmem>>, vector<16xi32>,
        %mul3A_382 = arith.constant 16 : i32
        %mul3A_383 = vector.broadcast %mul3A_382 : i32 to vector<16xi32>
        %mul3A_384 = arith.muli %get3A_370, %mul3A_383 : vector<16xi32>
        %add3A_385 = arith.addi %mul3A_384, %get3A_368 : vector<16xi32>
        %swap3A_386 = arith.constant 64 : index
        %swap3A_387 = tpu.vector_load %arg16[%swap3A_386] {strides = array<i32>} : memref<80xi32, #tpu.memory_space<vmem>>, vector<16xi32>,
        tpu.vector_store %arg16[%swap3A_386], %add3A_385 {strides = array<i32>} : memref<80xi32, #tpu.memory_space<vmem>>, vector<16xi32>,
        %swap3A_388 = arith.constant 64 : index
        %swap3A_389 = tpu.vector_load %arg18[%swap3A_388] {strides = array<i32>} : memref<80xi32, #tpu.memory_space<vmem>>, vector<16xi32>,
        tpu.vector_store %arg18[%swap3A_388], %get3A_370 {strides = array<i32>} : memref<80xi32, #tpu.memory_space<vmem>>, vector<16xi32>,
        %dma_start3A_390 = arith.constant 0 : i32
        %dma_start3A_391 = arith.constant 0 : i32
        %dma_start3A_392 = tpu.memref_slice %arg2[%dma_start3A_390, %dma_start3A_391] : memref<320000x128xf32, #tpu.memory_space<hbm>> -> memref<320000x128xf32, #tpu.memory_space<hbm>>
        tpu.enqueue_indirect_dma source(%dma_start3A_392 : memref<320000x128xf32, #tpu.memory_space<hbm>>) target(%arg22 : memref<80x128xf32, #tpu.memory_space<vmem>>) offsets(%arg14 : memref<80xi32, #tpu.memory_space<vmem>>) semaphore(%arg27 : memref<!tpu.dma_semaphore, #tpu.memory_space<semaphore_mem>>)
        %dma_start3A_393 = arith.constant 0 : i32
        %dma_start3A_394 = tpu.memref_slice %arg6[%dma_start3A_393] : memref<160000xf32, #tpu.memory_space<hbm>> -> memref<160000xf32, #tpu.memory_space<hbm>>
        tpu.enqueue_indirect_dma source(%dma_start3A_394 : memref<160000xf32, #tpu.memory_space<hbm>>) target(%arg20 : memref<80xf32, #tpu.memory_space<vmem>>) offsets(%arg16 : memref<80xi32, #tpu.memory_space<vmem>>) semaphore(%arg29 : memref<!tpu.dma_semaphore, #tpu.memory_space<semaphore_mem>>)
      } else {
      }
      %dma_wait3A_235 = arith.constant 0 : i32
      %dma_wait3A_236 = arith.constant 0 : i32
      %dma_wait3A_237 = tpu.memref_slice %arg2[%dma_wait3A_235, %dma_wait3A_236] : memref<320000x128xf32, #tpu.memory_space<hbm>> -> memref<320000x128xf32, #tpu.memory_space<hbm>>
      tpu.wait_indirect_dma semaphore(%arg28 : memref<!tpu.dma_semaphore, #tpu.memory_space<semaphore_mem>>) src(%dma_wait3A_237 : memref<320000x128xf32, #tpu.memory_space<hbm>>) dst(%arg23 : memref<80x128xf32, #tpu.memory_space<vmem>>)
      %dma_wait3A_238 = arith.constant 0 : i32
      %dma_wait3A_239 = tpu.memref_slice %arg6[%dma_wait3A_238] : memref<160000xf32, #tpu.memory_space<hbm>> -> memref<160000xf32, #tpu.memory_space<hbm>>
      tpu.wait_indirect_dma semaphore(%arg30 : memref<!tpu.dma_semaphore, #tpu.memory_space<semaphore_mem>>) src(%dma_wait3A_239 : memref<160000xf32, #tpu.memory_space<hbm>>) dst(%arg21 : memref<80xf32, #tpu.memory_space<vmem>>)
      %dma_start3A_240 = arith.constant 0 : i32
      %dma_start3A_241 = arith.constant 0 : i32
      %dma_start3A_242 = tpu.memref_slice %arg24[%dma_start3A_240, %dma_start3A_241] : memref<10000x128xf32, #tpu.memory_space<vmem_shared>> -> memref<10000x128xf32, #tpu.memory_space<vmem_shared>>
      tpu.enqueue_indirect_dma source(%arg23 : memref<80x128xf32, #tpu.memory_space<vmem>>) target(%dma_start3A_242 : memref<10000x128xf32, #tpu.memory_space<vmem_shared>>) offsets(%arg19 : memref<80xi32, #tpu.memory_space<vmem>>) semaphore(%arg32 : memref<!tpu.dma_semaphore, #tpu.memory_space<semaphore_mem>>) {add = true}
      %add3A_243 = arith.constant 2 : i32
      %add3A_244 = arith.addi %add3A_227, %add3A_243 : i32
      %lt3A_245 = arith.constant 250 : i32
      %lt3A_246 = arith.cmpi slt, %add3A_244, %lt3A_245 : i32
      %convert_element_type3A_247 = arith.extui %lt3A_246 : i1 to i32
      %cond3A_248 = arith.constant 0 : i32
      %cond3A_249 = arith.cmpi ne, %convert_element_type3A_247, %cond3A_248 : i32
      scf.if %cond3A_249 {
        %add3A_250 = arith.constant 2 : i32
        %add3A_251 = arith.addi %add3A_227, %add3A_250 : i32
        %mul3A_252 = arith.constant 80 : i32
        %mul3A_253 = arith.muli %add3A_251, %mul3A_252 : i32
        %add3A_254 = arith.addi %mul3A_0, %mul3A_253 : i32
        %dma_start3A_255 = tpu.memref_slice %arg3[%add3A_254] : memref<320000xi32, #tpu.memory_space<hbm>> -> memref<80xi32, #tpu.memory_space<hbm>>
        %dma_start3A_256 = tpu.memref_slice %arg3[%add3A_254] : memref<320000xi32, #tpu.memory_space<hbm>> -> memref<80xi32, #tpu.memory_space<hbm>>
        tpu.enqueue_dma source(%dma_start3A_256 : memref<80xi32, #tpu.memory_space<hbm>>) target(%arg9 : memref<80xi32, #tpu.memory_space<vmem>>) target_semaphore(%arg26 : memref<!tpu.dma_semaphore, #tpu.memory_space<semaphore_mem>>)
        %dma_start3A_257 = tpu.memref_slice %arg4[%add3A_254] : memref<320000xi32, #tpu.memory_space<hbm>> -> memref<80xi32, #tpu.memory_space<hbm>>
        %dma_start3A_258 = tpu.memref_slice %arg4[%add3A_254] : memref<320000xi32, #tpu.memory_space<hbm>> -> memref<80xi32, #tpu.memory_space<hbm>>
        tpu.enqueue_dma source(%dma_start3A_258 : memref<80xi32, #tpu.memory_space<hbm>>) target(%arg11 : memref<80xi32, #tpu.memory_space<vmem>>) target_semaphore(%arg26 : memref<!tpu.dma_semaphore, #tpu.memory_space<semaphore_mem>>)
        %dma_start3A_259 = tpu.memref_slice %arg5[%add3A_254] : memref<320000xi32, #tpu.memory_space<hbm>> -> memref<80xi32, #tpu.memory_space<hbm>>
        %dma_start3A_260 = tpu.memref_slice %arg5[%add3A_254] : memref<320000xi32, #tpu.memory_space<hbm>> -> memref<80xi32, #tpu.memory_space<hbm>>
        tpu.enqueue_dma source(%dma_start3A_260 : memref<80xi32, #tpu.memory_space<hbm>>) target(%arg13 : memref<80xi32, #tpu.memory_space<vmem>>) target_semaphore(%arg26 : memref<!tpu.dma_semaphore, #tpu.memory_space<semaphore_mem>>)
      } else {
      }
    }
    %scan3A_190 = arith.constant 125 : i32
    %dma_wait3A_191 = arith.constant 0 : i32
    %dma_wait3A_192 = arith.constant 0 : i32
    %dma_wait3A_193 = tpu.memref_slice %arg24[%dma_wait3A_191, %dma_wait3A_192] : memref<10000x128xf32, #tpu.memory_space<vmem_shared>> -> memref<10000x128xf32, #tpu.memory_space<vmem_shared>>
    tpu.wait_indirect_dma semaphore(%arg31 : memref<!tpu.dma_semaphore, #tpu.memory_space<semaphore_mem>>) src(%arg22 : memref<80x128xf32, #tpu.memory_space<vmem>>) dst(%dma_wait3A_193 : memref<10000x128xf32, #tpu.memory_space<vmem_shared>>)
    %dma_wait3A_194 = arith.constant 0 : i32
    %dma_wait3A_195 = arith.constant 0 : i32
    %dma_wait3A_196 = tpu.memref_slice %arg24[%dma_wait3A_194, %dma_wait3A_195] : memref<10000x128xf32, #tpu.memory_space<vmem_shared>> -> memref<10000x128xf32, #tpu.memory_space<vmem_shared>>
    tpu.wait_indirect_dma semaphore(%arg32 : memref<!tpu.dma_semaphore, #tpu.memory_space<semaphore_mem>>) src(%arg23 : memref<80x128xf32, #tpu.memory_space<vmem>>) dst(%dma_wait3A_196 : memref<10000x128xf32, #tpu.memory_space<vmem_shared>>)
    %barrier3A_197 = arith.constant 0 : index
    tpu.barrier barrier_id(%barrier3A_197)
    %mul3A_198 = arith.constant 625 : i32
    %mul3A_199 = arith.muli %arg1, %mul3A_198 : i32
    %mul3A_200 = arith.constant 625 : i32
    %mul3A_201 = arith.muli %arg1, %mul3A_200 : i32
    "tpu.region"() ({
      %run_scoped3A = tpu.sem_alloc : memref<!tpu.dma_semaphore, #tpu.memory_space<semaphore_mem>>
      %dma_start3A_202 = arith.constant 0 : i32
      %dma_start3A_203 = tpu.memref_slice %arg7[%arg0, %mul3A_201, %dma_start3A_202] : memref<2x10000x128xf32, #tpu.memory_space<hbm>> -> memref<1x625x128xf32, #tpu.memory_space<hbm>>
      %dma_start3A_204 = tpu.memref_squeeze %dma_start3A_203 : memref<1x625x128xf32, #tpu.memory_space<hbm>> -> memref<625x128xf32, #tpu.memory_space<hbm>>
      %dma_start3A_205 = arith.constant 0 : i32
      %dma_start3A_206 = tpu.memref_slice %arg24[%mul3A_199, %dma_start3A_205] : memref<10000x128xf32, #tpu.memory_space<vmem_shared>> -> memref<625x128xf32, #tpu.memory_space<vmem_shared>>
      tpu.enqueue_dma source(%dma_start3A_206 : memref<625x128xf32, #tpu.memory_space<vmem_shared>>) target(%dma_start3A_204 : memref<625x128xf32, #tpu.memory_space<hbm>>) target_semaphore(%run_scoped3A : memref<!tpu.dma_semaphore, #tpu.memory_space<semaphore_mem>>)
      %dma_wait3A_207 = arith.constant 0 : i32
      %dma_wait3A_208 = tpu.memref_slice %arg7[%arg0, %mul3A_201, %dma_wait3A_207] : memref<2x10000x128xf32, #tpu.memory_space<hbm>> -> memref<1x625x128xf32, #tpu.memory_space<hbm>>
      %dma_wait3A_209 = tpu.memref_squeeze %dma_wait3A_208 : memref<1x625x128xf32, #tpu.memory_space<hbm>> -> memref<625x128xf32, #tpu.memory_space<hbm>>
      %dma_wait3A_210 = arith.constant 0 : i32
      %dma_wait3A_211 = tpu.memref_slice %arg24[%mul3A_199, %dma_wait3A_210] : memref<10000x128xf32, #tpu.memory_space<vmem_shared>> -> memref<625x128xf32, #tpu.memory_space<vmem_shared>>
      tpu.wait_dma2 semaphore(%run_scoped3A : memref<!tpu.dma_semaphore, #tpu.memory_space<semaphore_mem>>) src(%dma_wait3A_211 : memref<625x128xf32, #tpu.memory_space<vmem_shared>>) dst(%dma_wait3A_209 : memref<625x128xf32, #tpu.memory_space<hbm>>)
      tpu.yield
    }) : () -> ()
    return
  }
}

#map = affine_map<(d0, d1) -> (0, 0)>
#map1 = affine_map<(d0, d1) -> (0)>
module attributes {stable_mosaic.version = 14 : i64} {
  func.func @_gath_body(%arg0: i32, %arg1: i32, %arg2: memref<20000x128xf32, #tpu.memory_space<hbm>>, %arg3: memref<128x128xf32, #tpu.memory_space<hbm>>, %arg4: memref<4096xi32, #tpu.memory_space<hbm>>, %arg5: memref<4096xi32, #tpu.memory_space<hbm>>, %arg6: memref<4096xi32, #tpu.memory_space<hbm>>, %arg7: memref<4096x128xf32, #tpu.memory_space<hbm>>, %arg8: memref<4096x128xf32, #tpu.memory_space<hbm>>, %arg9: memref<4096x128xf32, #tpu.memory_space<hbm>>, %arg10: memref<4096x128xf32, #tpu.memory_space<hbm>>, %arg11: memref<4096x128xf32, #tpu.memory_space<hbm>>, %arg12: memref<128xi32, #tpu.memory_space<vmem>>, %arg13: memref<128xi32, #tpu.memory_space<vmem>>, %arg14: memref<128x128xf32, #tpu.memory_space<vmem>>, %arg15: memref<!tpu.dma_semaphore, #tpu.memory_space<semaphore_mem>>) attributes {dimension_semantics = [#tpu.dimension_semantics<core_parallel>, #tpu.dimension_semantics<subcore_parallel>], iteration_bounds = array<i64: 2, 16>, scalar_prefetch = 0 : i64, scratch_operands = 4 : i64, tpu.core_type = #tpu.core_type<sc_vector_subcore>, window_params = [{transform_indices = #map}, {transform_indices = #map}, {transform_indices = #map1}, {transform_indices = #map1}, {transform_indices = #map1}, {transform_indices = #map}, {transform_indices = #map}, {transform_indices = #map}, {transform_indices = #map}, {transform_indices = #map}]} {
    %mul3A = arith.constant 16 : i32
    %mul3A_0 = arith.muli %arg0, %mul3A : i32
    %add3A = arith.addi %mul3A_0, %arg1 : i32
    %mul3A_1 = arith.constant 128 : i32
    %mul3A_2 = arith.muli %add3A, %mul3A_1 : i32
    "tpu.region"() ({
      %run_scoped3A = tpu.sem_alloc : memref<!tpu.dma_semaphore, #tpu.memory_space<semaphore_mem>>
      %dma_start3A_349 = tpu.memref_slice %arg4[%mul3A_2] : memref<4096xi32, #tpu.memory_space<hbm>> -> memref<128xi32, #tpu.memory_space<hbm>>
      %dma_start3A_350 = tpu.memref_slice %arg4[%mul3A_2] : memref<4096xi32, #tpu.memory_space<hbm>> -> memref<128xi32, #tpu.memory_space<hbm>>
      tpu.enqueue_dma source(%dma_start3A_350 : memref<128xi32, #tpu.memory_space<hbm>>) target(%arg12 : memref<128xi32, #tpu.memory_space<vmem>>) target_semaphore(%run_scoped3A : memref<!tpu.dma_semaphore, #tpu.memory_space<semaphore_mem>>)
      %dma_wait3A_351 = tpu.memref_slice %arg4[%mul3A_2] : memref<4096xi32, #tpu.memory_space<hbm>> -> memref<128xi32, #tpu.memory_space<hbm>>
      %dma_wait3A_352 = tpu.memref_slice %arg4[%mul3A_2] : memref<4096xi32, #tpu.memory_space<hbm>> -> memref<128xi32, #tpu.memory_space<hbm>>
      tpu.wait_dma2 semaphore(%run_scoped3A : memref<!tpu.dma_semaphore, #tpu.memory_space<semaphore_mem>>) src(%dma_wait3A_352 : memref<128xi32, #tpu.memory_space<hbm>>) dst(%arg12 : memref<128xi32, #tpu.memory_space<vmem>>)
      tpu.yield
    }) : () -> ()
    %get3A = arith.constant 0 : index
    %get3A_3 = tpu.vector_load %arg12[%get3A] {strides = array<i32>} : memref<128xi32, #tpu.memory_space<vmem>>, vector<16xi32>,
    %mul3A_4 = arith.constant 2 : i32
    %mul3A_5 = vector.broadcast %mul3A_4 : i32 to vector<16xi32>
    %mul3A_6 = arith.muli %get3A_3, %mul3A_5 : vector<16xi32>
    %add3A_7 = arith.constant 0 : i32
    %add3A_8 = vector.broadcast %add3A_7 : i32 to vector<16xi32>
    %add3A_9 = arith.addi %mul3A_6, %add3A_8 : vector<16xi32>
    %swap3A = arith.constant 0 : index
    %swap3A_10 = tpu.vector_load %arg13[%swap3A] {strides = array<i32>} : memref<128xi32, #tpu.memory_space<vmem>>, vector<16xi32>,
    tpu.vector_store %arg13[%swap3A], %add3A_9 {strides = array<i32>} : memref<128xi32, #tpu.memory_space<vmem>>, vector<16xi32>,
    %get3A_11 = arith.constant 16 : index
    %get3A_12 = tpu.vector_load %arg12[%get3A_11] {strides = array<i32>} : memref<128xi32, #tpu.memory_space<vmem>>, vector<16xi32>,
    %mul3A_13 = arith.constant 2 : i32
    %mul3A_14 = vector.broadcast %mul3A_13 : i32 to vector<16xi32>
    %mul3A_15 = arith.muli %get3A_12, %mul3A_14 : vector<16xi32>
    %add3A_16 = arith.constant 0 : i32
    %add3A_17 = vector.broadcast %add3A_16 : i32 to vector<16xi32>
    %add3A_18 = arith.addi %mul3A_15, %add3A_17 : vector<16xi32>
    %swap3A_19 = arith.constant 16 : index
    %swap3A_20 = tpu.vector_load %arg13[%swap3A_19] {strides = array<i32>} : memref<128xi32, #tpu.memory_space<vmem>>, vector<16xi32>,
    tpu.vector_store %arg13[%swap3A_19], %add3A_18 {strides = array<i32>} : memref<128xi32, #tpu.memory_space<vmem>>, vector<16xi32>,
    %get3A_21 = arith.constant 32 : index
    %get3A_22 = tpu.vector_load %arg12[%get3A_21] {strides = array<i32>} : memref<128xi32, #tpu.memory_space<vmem>>, vector<16xi32>,
    %mul3A_23 = arith.constant 2 : i32
    %mul3A_24 = vector.broadcast %mul3A_23 : i32 to vector<16xi32>
    %mul3A_25 = arith.muli %get3A_22, %mul3A_24 : vector<16xi32>
    %add3A_26 = arith.constant 0 : i32
    %add3A_27 = vector.broadcast %add3A_26 : i32 to vector<16xi32>
    %add3A_28 = arith.addi %mul3A_25, %add3A_27 : vector<16xi32>
    %swap3A_29 = arith.constant 32 : index
    %swap3A_30 = tpu.vector_load %arg13[%swap3A_29] {strides = array<i32>} : memref<128xi32, #tpu.memory_space<vmem>>, vector<16xi32>,
    tpu.vector_store %arg13[%swap3A_29], %add3A_28 {strides = array<i32>} : memref<128xi32, #tpu.memory_space<vmem>>, vector<16xi32>,
    %get3A_31 = arith.constant 48 : index
    %get3A_32 = tpu.vector_load %arg12[%get3A_31] {strides = array<i32>} : memref<128xi32, #tpu.memory_space<vmem>>, vector<16xi32>,
    %mul3A_33 = arith.constant 2 : i32
    %mul3A_34 = vector.broadcast %mul3A_33 : i32 to vector<16xi32>
    %mul3A_35 = arith.muli %get3A_32, %mul3A_34 : vector<16xi32>
    %add3A_36 = arith.constant 0 : i32
    %add3A_37 = vector.broadcast %add3A_36 : i32 to vector<16xi32>
    %add3A_38 = arith.addi %mul3A_35, %add3A_37 : vector<16xi32>
    %swap3A_39 = arith.constant 48 : index
    %swap3A_40 = tpu.vector_load %arg13[%swap3A_39] {strides = array<i32>} : memref<128xi32, #tpu.memory_space<vmem>>, vector<16xi32>,
    tpu.vector_store %arg13[%swap3A_39], %add3A_38 {strides = array<i32>} : memref<128xi32, #tpu.memory_space<vmem>>, vector<16xi32>,
    %get3A_41 = arith.constant 64 : index
    %get3A_42 = tpu.vector_load %arg12[%get3A_41] {strides = array<i32>} : memref<128xi32, #tpu.memory_space<vmem>>, vector<16xi32>,
    %mul3A_43 = arith.constant 2 : i32
    %mul3A_44 = vector.broadcast %mul3A_43 : i32 to vector<16xi32>
    %mul3A_45 = arith.muli %get3A_42, %mul3A_44 : vector<16xi32>
    %add3A_46 = arith.constant 0 : i32
    %add3A_47 = vector.broadcast %add3A_46 : i32 to vector<16xi32>
    %add3A_48 = arith.addi %mul3A_45, %add3A_47 : vector<16xi32>
    %swap3A_49 = arith.constant 64 : index
    %swap3A_50 = tpu.vector_load %arg13[%swap3A_49] {strides = array<i32>} : memref<128xi32, #tpu.memory_space<vmem>>, vector<16xi32>,
    tpu.vector_store %arg13[%swap3A_49], %add3A_48 {strides = array<i32>} : memref<128xi32, #tpu.memory_space<vmem>>, vector<16xi32>,
    %get3A_51 = arith.constant 80 : index
    %get3A_52 = tpu.vector_load %arg12[%get3A_51] {strides = array<i32>} : memref<128xi32, #tpu.memory_space<vmem>>, vector<16xi32>,
    %mul3A_53 = arith.constant 2 : i32
    %mul3A_54 = vector.broadcast %mul3A_53 : i32 to vector<16xi32>
    %mul3A_55 = arith.muli %get3A_52, %mul3A_54 : vector<16xi32>
    %add3A_56 = arith.constant 0 : i32
    %add3A_57 = vector.broadcast %add3A_56 : i32 to vector<16xi32>
    %add3A_58 = arith.addi %mul3A_55, %add3A_57 : vector<16xi32>
    %swap3A_59 = arith.constant 80 : index
    %swap3A_60 = tpu.vector_load %arg13[%swap3A_59] {strides = array<i32>} : memref<128xi32, #tpu.memory_space<vmem>>, vector<16xi32>,
    tpu.vector_store %arg13[%swap3A_59], %add3A_58 {strides = array<i32>} : memref<128xi32, #tpu.memory_space<vmem>>, vector<16xi32>,
    %get3A_61 = arith.constant 96 : index
    %get3A_62 = tpu.vector_load %arg12[%get3A_61] {strides = array<i32>} : memref<128xi32, #tpu.memory_space<vmem>>, vector<16xi32>,
    %mul3A_63 = arith.constant 2 : i32
    %mul3A_64 = vector.broadcast %mul3A_63 : i32 to vector<16xi32>
    %mul3A_65 = arith.muli %get3A_62, %mul3A_64 : vector<16xi32>
    %add3A_66 = arith.constant 0 : i32
    %add3A_67 = vector.broadcast %add3A_66 : i32 to vector<16xi32>
    %add3A_68 = arith.addi %mul3A_65, %add3A_67 : vector<16xi32>
    %swap3A_69 = arith.constant 96 : index
    %swap3A_70 = tpu.vector_load %arg13[%swap3A_69] {strides = array<i32>} : memref<128xi32, #tpu.memory_space<vmem>>, vector<16xi32>,
    tpu.vector_store %arg13[%swap3A_69], %add3A_68 {strides = array<i32>} : memref<128xi32, #tpu.memory_space<vmem>>, vector<16xi32>,
    %get3A_71 = arith.constant 112 : index
    %get3A_72 = tpu.vector_load %arg12[%get3A_71] {strides = array<i32>} : memref<128xi32, #tpu.memory_space<vmem>>, vector<16xi32>,
    %mul3A_73 = arith.constant 2 : i32
    %mul3A_74 = vector.broadcast %mul3A_73 : i32 to vector<16xi32>
    %mul3A_75 = arith.muli %get3A_72, %mul3A_74 : vector<16xi32>
    %add3A_76 = arith.constant 0 : i32
    %add3A_77 = vector.broadcast %add3A_76 : i32 to vector<16xi32>
    %add3A_78 = arith.addi %mul3A_75, %add3A_77 : vector<16xi32>
    %swap3A_79 = arith.constant 112 : index
    %swap3A_80 = tpu.vector_load %arg13[%swap3A_79] {strides = array<i32>} : memref<128xi32, #tpu.memory_space<vmem>>, vector<16xi32>,
    tpu.vector_store %arg13[%swap3A_79], %add3A_78 {strides = array<i32>} : memref<128xi32, #tpu.memory_space<vmem>>, vector<16xi32>,
    %dma_start3A = arith.constant 0 : i32
    %dma_start3A_81 = arith.constant 0 : i32
    %dma_start3A_82 = tpu.memref_slice %arg2[%dma_start3A, %dma_start3A_81] : memref<20000x128xf32, #tpu.memory_space<hbm>> -> memref<20000x128xf32, #tpu.memory_space<hbm>>
    tpu.enqueue_indirect_dma source(%dma_start3A_82 : memref<20000x128xf32, #tpu.memory_space<hbm>>) target(%arg14 : memref<128x128xf32, #tpu.memory_space<vmem>>) offsets(%arg13 : memref<128xi32, #tpu.memory_space<vmem>>) semaphore(%arg15 : memref<!tpu.dma_semaphore, #tpu.memory_space<semaphore_mem>>)
    %dma_wait3A = arith.constant 0 : i32
    %dma_wait3A_83 = arith.constant 0 : i32
    %dma_wait3A_84 = tpu.memref_slice %arg2[%dma_wait3A, %dma_wait3A_83] : memref<20000x128xf32, #tpu.memory_space<hbm>> -> memref<20000x128xf32, #tpu.memory_space<hbm>>
    tpu.wait_indirect_dma semaphore(%arg15 : memref<!tpu.dma_semaphore, #tpu.memory_space<semaphore_mem>>) src(%dma_wait3A_84 : memref<20000x128xf32, #tpu.memory_space<hbm>>) dst(%arg14 : memref<128x128xf32, #tpu.memory_space<vmem>>)
    "tpu.region"() ({
      %run_scoped3A = tpu.sem_alloc : memref<!tpu.dma_semaphore, #tpu.memory_space<semaphore_mem>>
      %dma_start3A_349 = arith.constant 0 : i32
      %dma_start3A_350 = tpu.memref_slice %arg7[%mul3A_2, %dma_start3A_349] : memref<4096x128xf32, #tpu.memory_space<hbm>> -> memref<128x128xf32, #tpu.memory_space<hbm>>
      %dma_start3A_351 = arith.constant 0 : i32
      %dma_start3A_352 = tpu.memref_slice %arg7[%mul3A_2, %dma_start3A_351] : memref<4096x128xf32, #tpu.memory_space<hbm>> -> memref<128x128xf32, #tpu.memory_space<hbm>>
      tpu.enqueue_dma source(%arg14 : memref<128x128xf32, #tpu.memory_space<vmem>>) target(%dma_start3A_352 : memref<128x128xf32, #tpu.memory_space<hbm>>) target_semaphore(%run_scoped3A : memref<!tpu.dma_semaphore, #tpu.memory_space<semaphore_mem>>)
      %dma_wait3A_353 = arith.constant 0 : i32
      %dma_wait3A_354 = tpu.memref_slice %arg7[%mul3A_2, %dma_wait3A_353] : memref<4096x128xf32, #tpu.memory_space<hbm>> -> memref<128x128xf32, #tpu.memory_space<hbm>>
      %dma_wait3A_355 = arith.constant 0 : i32
      %dma_wait3A_356 = tpu.memref_slice %arg7[%mul3A_2, %dma_wait3A_355] : memref<4096x128xf32, #tpu.memory_space<hbm>> -> memref<128x128xf32, #tpu.memory_space<hbm>>
      tpu.wait_dma2 semaphore(%run_scoped3A : memref<!tpu.dma_semaphore, #tpu.memory_space<semaphore_mem>>) src(%arg14 : memref<128x128xf32, #tpu.memory_space<vmem>>) dst(%dma_wait3A_356 : memref<128x128xf32, #tpu.memory_space<hbm>>)
      tpu.yield
    }) : () -> ()
    "tpu.region"() ({
      %run_scoped3A = tpu.sem_alloc : memref<!tpu.dma_semaphore, #tpu.memory_space<semaphore_mem>>
      %dma_start3A_349 = tpu.memref_slice %arg4[%mul3A_2] : memref<4096xi32, #tpu.memory_space<hbm>> -> memref<128xi32, #tpu.memory_space<hbm>>
      %dma_start3A_350 = tpu.memref_slice %arg4[%mul3A_2] : memref<4096xi32, #tpu.memory_space<hbm>> -> memref<128xi32, #tpu.memory_space<hbm>>
      tpu.enqueue_dma source(%dma_start3A_350 : memref<128xi32, #tpu.memory_space<hbm>>) target(%arg12 : memref<128xi32, #tpu.memory_space<vmem>>) target_semaphore(%run_scoped3A : memref<!tpu.dma_semaphore, #tpu.memory_space<semaphore_mem>>)
      %dma_wait3A_351 = tpu.memref_slice %arg4[%mul3A_2] : memref<4096xi32, #tpu.memory_space<hbm>> -> memref<128xi32, #tpu.memory_space<hbm>>
      %dma_wait3A_352 = tpu.memref_slice %arg4[%mul3A_2] : memref<4096xi32, #tpu.memory_space<hbm>> -> memref<128xi32, #tpu.memory_space<hbm>>
      tpu.wait_dma2 semaphore(%run_scoped3A : memref<!tpu.dma_semaphore, #tpu.memory_space<semaphore_mem>>) src(%dma_wait3A_352 : memref<128xi32, #tpu.memory_space<hbm>>) dst(%arg12 : memref<128xi32, #tpu.memory_space<vmem>>)
      tpu.yield
    }) : () -> ()
    %get3A_85 = arith.constant 0 : index
    %get3A_86 = tpu.vector_load %arg12[%get3A_85] {strides = array<i32>} : memref<128xi32, #tpu.memory_space<vmem>>, vector<16xi32>,
    %mul3A_87 = arith.constant 2 : i32
    %mul3A_88 = vector.broadcast %mul3A_87 : i32 to vector<16xi32>
    %mul3A_89 = arith.muli %get3A_86, %mul3A_88 : vector<16xi32>
    %add3A_90 = arith.constant 1 : i32
    %add3A_91 = vector.broadcast %add3A_90 : i32 to vector<16xi32>
    %add3A_92 = arith.addi %mul3A_89, %add3A_91 : vector<16xi32>
    %swap3A_93 = arith.constant 0 : index
    %swap3A_94 = tpu.vector_load %arg13[%swap3A_93] {strides = array<i32>} : memref<128xi32, #tpu.memory_space<vmem>>, vector<16xi32>,
    tpu.vector_store %arg13[%swap3A_93], %add3A_92 {strides = array<i32>} : memref<128xi32, #tpu.memory_space<vmem>>, vector<16xi32>,
    %get3A_95 = arith.constant 16 : index
    %get3A_96 = tpu.vector_load %arg12[%get3A_95] {strides = array<i32>} : memref<128xi32, #tpu.memory_space<vmem>>, vector<16xi32>,
    %mul3A_97 = arith.constant 2 : i32
    %mul3A_98 = vector.broadcast %mul3A_97 : i32 to vector<16xi32>
    %mul3A_99 = arith.muli %get3A_96, %mul3A_98 : vector<16xi32>
    %add3A_100 = arith.constant 1 : i32
    %add3A_101 = vector.broadcast %add3A_100 : i32 to vector<16xi32>
    %add3A_102 = arith.addi %mul3A_99, %add3A_101 : vector<16xi32>
    %swap3A_103 = arith.constant 16 : index
    %swap3A_104 = tpu.vector_load %arg13[%swap3A_103] {strides = array<i32>} : memref<128xi32, #tpu.memory_space<vmem>>, vector<16xi32>,
    tpu.vector_store %arg13[%swap3A_103], %add3A_102 {strides = array<i32>} : memref<128xi32, #tpu.memory_space<vmem>>, vector<16xi32>,
    %get3A_105 = arith.constant 32 : index
    %get3A_106 = tpu.vector_load %arg12[%get3A_105] {strides = array<i32>} : memref<128xi32, #tpu.memory_space<vmem>>, vector<16xi32>,
    %mul3A_107 = arith.constant 2 : i32
    %mul3A_108 = vector.broadcast %mul3A_107 : i32 to vector<16xi32>
    %mul3A_109 = arith.muli %get3A_106, %mul3A_108 : vector<16xi32>
    %add3A_110 = arith.constant 1 : i32
    %add3A_111 = vector.broadcast %add3A_110 : i32 to vector<16xi32>
    %add3A_112 = arith.addi %mul3A_109, %add3A_111 : vector<16xi32>
    %swap3A_113 = arith.constant 32 : index
    %swap3A_114 = tpu.vector_load %arg13[%swap3A_113] {strides = array<i32>} : memref<128xi32, #tpu.memory_space<vmem>>, vector<16xi32>,
    tpu.vector_store %arg13[%swap3A_113], %add3A_112 {strides = array<i32>} : memref<128xi32, #tpu.memory_space<vmem>>, vector<16xi32>,
    %get3A_115 = arith.constant 48 : index
    %get3A_116 = tpu.vector_load %arg12[%get3A_115] {strides = array<i32>} : memref<128xi32, #tpu.memory_space<vmem>>, vector<16xi32>,
    %mul3A_117 = arith.constant 2 : i32
    %mul3A_118 = vector.broadcast %mul3A_117 : i32 to vector<16xi32>
    %mul3A_119 = arith.muli %get3A_116, %mul3A_118 : vector<16xi32>
    %add3A_120 = arith.constant 1 : i32
    %add3A_121 = vector.broadcast %add3A_120 : i32 to vector<16xi32>
    %add3A_122 = arith.addi %mul3A_119, %add3A_121 : vector<16xi32>
    %swap3A_123 = arith.constant 48 : index
    %swap3A_124 = tpu.vector_load %arg13[%swap3A_123] {strides = array<i32>} : memref<128xi32, #tpu.memory_space<vmem>>, vector<16xi32>,
    tpu.vector_store %arg13[%swap3A_123], %add3A_122 {strides = array<i32>} : memref<128xi32, #tpu.memory_space<vmem>>, vector<16xi32>,
    %get3A_125 = arith.constant 64 : index
    %get3A_126 = tpu.vector_load %arg12[%get3A_125] {strides = array<i32>} : memref<128xi32, #tpu.memory_space<vmem>>, vector<16xi32>,
    %mul3A_127 = arith.constant 2 : i32
    %mul3A_128 = vector.broadcast %mul3A_127 : i32 to vector<16xi32>
    %mul3A_129 = arith.muli %get3A_126, %mul3A_128 : vector<16xi32>
    %add3A_130 = arith.constant 1 : i32
    %add3A_131 = vector.broadcast %add3A_130 : i32 to vector<16xi32>
    %add3A_132 = arith.addi %mul3A_129, %add3A_131 : vector<16xi32>
    %swap3A_133 = arith.constant 64 : index
    %swap3A_134 = tpu.vector_load %arg13[%swap3A_133] {strides = array<i32>} : memref<128xi32, #tpu.memory_space<vmem>>, vector<16xi32>,
    tpu.vector_store %arg13[%swap3A_133], %add3A_132 {strides = array<i32>} : memref<128xi32, #tpu.memory_space<vmem>>, vector<16xi32>,
    %get3A_135 = arith.constant 80 : index
    %get3A_136 = tpu.vector_load %arg12[%get3A_135] {strides = array<i32>} : memref<128xi32, #tpu.memory_space<vmem>>, vector<16xi32>,
    %mul3A_137 = arith.constant 2 : i32
    %mul3A_138 = vector.broadcast %mul3A_137 : i32 to vector<16xi32>
    %mul3A_139 = arith.muli %get3A_136, %mul3A_138 : vector<16xi32>
    %add3A_140 = arith.constant 1 : i32
    %add3A_141 = vector.broadcast %add3A_140 : i32 to vector<16xi32>
    %add3A_142 = arith.addi %mul3A_139, %add3A_141 : vector<16xi32>
    %swap3A_143 = arith.constant 80 : index
    %swap3A_144 = tpu.vector_load %arg13[%swap3A_143] {strides = array<i32>} : memref<128xi32, #tpu.memory_space<vmem>>, vector<16xi32>,
    tpu.vector_store %arg13[%swap3A_143], %add3A_142 {strides = array<i32>} : memref<128xi32, #tpu.memory_space<vmem>>, vector<16xi32>,
    %get3A_145 = arith.constant 96 : index
    %get3A_146 = tpu.vector_load %arg12[%get3A_145] {strides = array<i32>} : memref<128xi32, #tpu.memory_space<vmem>>, vector<16xi32>,
    %mul3A_147 = arith.constant 2 : i32
    %mul3A_148 = vector.broadcast %mul3A_147 : i32 to vector<16xi32>
    %mul3A_149 = arith.muli %get3A_146, %mul3A_148 : vector<16xi32>
    %add3A_150 = arith.constant 1 : i32
    %add3A_151 = vector.broadcast %add3A_150 : i32 to vector<16xi32>
    %add3A_152 = arith.addi %mul3A_149, %add3A_151 : vector<16xi32>
    %swap3A_153 = arith.constant 96 : index
    %swap3A_154 = tpu.vector_load %arg13[%swap3A_153] {strides = array<i32>} : memref<128xi32, #tpu.memory_space<vmem>>, vector<16xi32>,
    tpu.vector_store %arg13[%swap3A_153], %add3A_152 {strides = array<i32>} : memref<128xi32, #tpu.memory_space<vmem>>, vector<16xi32>,
    %get3A_155 = arith.constant 112 : index
    %get3A_156 = tpu.vector_load %arg12[%get3A_155] {strides = array<i32>} : memref<128xi32, #tpu.memory_space<vmem>>, vector<16xi32>,
    %mul3A_157 = arith.constant 2 : i32
    %mul3A_158 = vector.broadcast %mul3A_157 : i32 to vector<16xi32>
    %mul3A_159 = arith.muli %get3A_156, %mul3A_158 : vector<16xi32>
    %add3A_160 = arith.constant 1 : i32
    %add3A_161 = vector.broadcast %add3A_160 : i32 to vector<16xi32>
    %add3A_162 = arith.addi %mul3A_159, %add3A_161 : vector<16xi32>
    %swap3A_163 = arith.constant 112 : index
    %swap3A_164 = tpu.vector_load %arg13[%swap3A_163] {strides = array<i32>} : memref<128xi32, #tpu.memory_space<vmem>>, vector<16xi32>,
    tpu.vector_store %arg13[%swap3A_163], %add3A_162 {strides = array<i32>} : memref<128xi32, #tpu.memory_space<vmem>>, vector<16xi32>,
    %dma_start3A_165 = arith.constant 0 : i32
    %dma_start3A_166 = arith.constant 0 : i32
    %dma_start3A_167 = tpu.memref_slice %arg2[%dma_start3A_165, %dma_start3A_166] : memref<20000x128xf32, #tpu.memory_space<hbm>> -> memref<20000x128xf32, #tpu.memory_space<hbm>>
    tpu.enqueue_indirect_dma source(%dma_start3A_167 : memref<20000x128xf32, #tpu.memory_space<hbm>>) target(%arg14 : memref<128x128xf32, #tpu.memory_space<vmem>>) offsets(%arg13 : memref<128xi32, #tpu.memory_space<vmem>>) semaphore(%arg15 : memref<!tpu.dma_semaphore, #tpu.memory_space<semaphore_mem>>)
    %dma_wait3A_168 = arith.constant 0 : i32
    %dma_wait3A_169 = arith.constant 0 : i32
    %dma_wait3A_170 = tpu.memref_slice %arg2[%dma_wait3A_168, %dma_wait3A_169] : memref<20000x128xf32, #tpu.memory_space<hbm>> -> memref<20000x128xf32, #tpu.memory_space<hbm>>
    tpu.wait_indirect_dma semaphore(%arg15 : memref<!tpu.dma_semaphore, #tpu.memory_space<semaphore_mem>>) src(%dma_wait3A_170 : memref<20000x128xf32, #tpu.memory_space<hbm>>) dst(%arg14 : memref<128x128xf32, #tpu.memory_space<vmem>>)
    "tpu.region"() ({
      %run_scoped3A = tpu.sem_alloc : memref<!tpu.dma_semaphore, #tpu.memory_space<semaphore_mem>>
      %dma_start3A_349 = arith.constant 0 : i32
      %dma_start3A_350 = tpu.memref_slice %arg8[%mul3A_2, %dma_start3A_349] : memref<4096x128xf32, #tpu.memory_space<hbm>> -> memref<128x128xf32, #tpu.memory_space<hbm>>
      %dma_start3A_351 = arith.constant 0 : i32
      %dma_start3A_352 = tpu.memref_slice %arg8[%mul3A_2, %dma_start3A_351] : memref<4096x128xf32, #tpu.memory_space<hbm>> -> memref<128x128xf32, #tpu.memory_space<hbm>>
      tpu.enqueue_dma source(%arg14 : memref<128x128xf32, #tpu.memory_space<vmem>>) target(%dma_start3A_352 : memref<128x128xf32, #tpu.memory_space<hbm>>) target_semaphore(%run_scoped3A : memref<!tpu.dma_semaphore, #tpu.memory_space<semaphore_mem>>)
      %dma_wait3A_353 = arith.constant 0 : i32
      %dma_wait3A_354 = tpu.memref_slice %arg8[%mul3A_2, %dma_wait3A_353] : memref<4096x128xf32, #tpu.memory_space<hbm>> -> memref<128x128xf32, #tpu.memory_space<hbm>>
      %dma_wait3A_355 = arith.constant 0 : i32
      %dma_wait3A_356 = tpu.memref_slice %arg8[%mul3A_2, %dma_wait3A_355] : memref<4096x128xf32, #tpu.memory_space<hbm>> -> memref<128x128xf32, #tpu.memory_space<hbm>>
      tpu.wait_dma2 semaphore(%run_scoped3A : memref<!tpu.dma_semaphore, #tpu.memory_space<semaphore_mem>>) src(%arg14 : memref<128x128xf32, #tpu.memory_space<vmem>>) dst(%dma_wait3A_356 : memref<128x128xf32, #tpu.memory_space<hbm>>)
      tpu.yield
    }) : () -> ()
    "tpu.region"() ({
      %run_scoped3A = tpu.sem_alloc : memref<!tpu.dma_semaphore, #tpu.memory_space<semaphore_mem>>
      %dma_start3A_349 = tpu.memref_slice %arg5[%mul3A_2] : memref<4096xi32, #tpu.memory_space<hbm>> -> memref<128xi32, #tpu.memory_space<hbm>>
      %dma_start3A_350 = tpu.memref_slice %arg5[%mul3A_2] : memref<4096xi32, #tpu.memory_space<hbm>> -> memref<128xi32, #tpu.memory_space<hbm>>
      tpu.enqueue_dma source(%dma_start3A_350 : memref<128xi32, #tpu.memory_space<hbm>>) target(%arg12 : memref<128xi32, #tpu.memory_space<vmem>>) target_semaphore(%run_scoped3A : memref<!tpu.dma_semaphore, #tpu.memory_space<semaphore_mem>>)
      %dma_wait3A_351 = tpu.memref_slice %arg5[%mul3A_2] : memref<4096xi32, #tpu.memory_space<hbm>> -> memref<128xi32, #tpu.memory_space<hbm>>
      %dma_wait3A_352 = tpu.memref_slice %arg5[%mul3A_2] : memref<4096xi32, #tpu.memory_space<hbm>> -> memref<128xi32, #tpu.memory_space<hbm>>
      tpu.wait_dma2 semaphore(%run_scoped3A : memref<!tpu.dma_semaphore, #tpu.memory_space<semaphore_mem>>) src(%dma_wait3A_352 : memref<128xi32, #tpu.memory_space<hbm>>) dst(%arg12 : memref<128xi32, #tpu.memory_space<vmem>>)
      tpu.yield
    }) : () -> ()
    %get3A_171 = arith.constant 0 : index
    %get3A_172 = tpu.vector_load %arg12[%get3A_171] {strides = array<i32>} : memref<128xi32, #tpu.memory_space<vmem>>, vector<16xi32>,
    %mul3A_173 = arith.constant 2 : i32
    %mul3A_174 = vector.broadcast %mul3A_173 : i32 to vector<16xi32>
    %mul3A_175 = arith.muli %get3A_172, %mul3A_174 : vector<16xi32>
    %add3A_176 = arith.constant 0 : i32
    %add3A_177 = vector.broadcast %add3A_176 : i32 to vector<16xi32>
    %add3A_178 = arith.addi %mul3A_175, %add3A_177 : vector<16xi32>
    %swap3A_179 = arith.constant 0 : index
    %swap3A_180 = tpu.vector_load %arg13[%swap3A_179] {strides = array<i32>} : memref<128xi32, #tpu.memory_space<vmem>>, vector<16xi32>,
    tpu.vector_store %arg13[%swap3A_179], %add3A_178 {strides = array<i32>} : memref<128xi32, #tpu.memory_space<vmem>>, vector<16xi32>,
    %get3A_181 = arith.constant 16 : index
    %get3A_182 = tpu.vector_load %arg12[%get3A_181] {strides = array<i32>} : memref<128xi32, #tpu.memory_space<vmem>>, vector<16xi32>,
    %mul3A_183 = arith.constant 2 : i32
    %mul3A_184 = vector.broadcast %mul3A_183 : i32 to vector<16xi32>
    %mul3A_185 = arith.muli %get3A_182, %mul3A_184 : vector<16xi32>
    %add3A_186 = arith.constant 0 : i32
    %add3A_187 = vector.broadcast %add3A_186 : i32 to vector<16xi32>
    %add3A_188 = arith.addi %mul3A_185, %add3A_187 : vector<16xi32>
    %swap3A_189 = arith.constant 16 : index
    %swap3A_190 = tpu.vector_load %arg13[%swap3A_189] {strides = array<i32>} : memref<128xi32, #tpu.memory_space<vmem>>, vector<16xi32>,
    tpu.vector_store %arg13[%swap3A_189], %add3A_188 {strides = array<i32>} : memref<128xi32, #tpu.memory_space<vmem>>, vector<16xi32>,
    %get3A_191 = arith.constant 32 : index
    %get3A_192 = tpu.vector_load %arg12[%get3A_191] {strides = array<i32>} : memref<128xi32, #tpu.memory_space<vmem>>, vector<16xi32>,
    %mul3A_193 = arith.constant 2 : i32
    %mul3A_194 = vector.broadcast %mul3A_193 : i32 to vector<16xi32>
    %mul3A_195 = arith.muli %get3A_192, %mul3A_194 : vector<16xi32>
    %add3A_196 = arith.constant 0 : i32
    %add3A_197 = vector.broadcast %add3A_196 : i32 to vector<16xi32>
    %add3A_198 = arith.addi %mul3A_195, %add3A_197 : vector<16xi32>
    %swap3A_199 = arith.constant 32 : index
    %swap3A_200 = tpu.vector_load %arg13[%swap3A_199] {strides = array<i32>} : memref<128xi32, #tpu.memory_space<vmem>>, vector<16xi32>,
    tpu.vector_store %arg13[%swap3A_199], %add3A_198 {strides = array<i32>} : memref<128xi32, #tpu.memory_space<vmem>>, vector<16xi32>,
    %get3A_201 = arith.constant 48 : index
    %get3A_202 = tpu.vector_load %arg12[%get3A_201] {strides = array<i32>} : memref<128xi32, #tpu.memory_space<vmem>>, vector<16xi32>,
    %mul3A_203 = arith.constant 2 : i32
    %mul3A_204 = vector.broadcast %mul3A_203 : i32 to vector<16xi32>
    %mul3A_205 = arith.muli %get3A_202, %mul3A_204 : vector<16xi32>
    %add3A_206 = arith.constant 0 : i32
    %add3A_207 = vector.broadcast %add3A_206 : i32 to vector<16xi32>
    %add3A_208 = arith.addi %mul3A_205, %add3A_207 : vector<16xi32>
    %swap3A_209 = arith.constant 48 : index
    %swap3A_210 = tpu.vector_load %arg13[%swap3A_209] {strides = array<i32>} : memref<128xi32, #tpu.memory_space<vmem>>, vector<16xi32>,
    tpu.vector_store %arg13[%swap3A_209], %add3A_208 {strides = array<i32>} : memref<128xi32, #tpu.memory_space<vmem>>, vector<16xi32>,
    %get3A_211 = arith.constant 64 : index
    %get3A_212 = tpu.vector_load %arg12[%get3A_211] {strides = array<i32>} : memref<128xi32, #tpu.memory_space<vmem>>, vector<16xi32>,
    %mul3A_213 = arith.constant 2 : i32
    %mul3A_214 = vector.broadcast %mul3A_213 : i32 to vector<16xi32>
    %mul3A_215 = arith.muli %get3A_212, %mul3A_214 : vector<16xi32>
    %add3A_216 = arith.constant 0 : i32
    %add3A_217 = vector.broadcast %add3A_216 : i32 to vector<16xi32>
    %add3A_218 = arith.addi %mul3A_215, %add3A_217 : vector<16xi32>
    %swap3A_219 = arith.constant 64 : index
    %swap3A_220 = tpu.vector_load %arg13[%swap3A_219] {strides = array<i32>} : memref<128xi32, #tpu.memory_space<vmem>>, vector<16xi32>,
    tpu.vector_store %arg13[%swap3A_219], %add3A_218 {strides = array<i32>} : memref<128xi32, #tpu.memory_space<vmem>>, vector<16xi32>,
    %get3A_221 = arith.constant 80 : index
    %get3A_222 = tpu.vector_load %arg12[%get3A_221] {strides = array<i32>} : memref<128xi32, #tpu.memory_space<vmem>>, vector<16xi32>,
    %mul3A_223 = arith.constant 2 : i32
    %mul3A_224 = vector.broadcast %mul3A_223 : i32 to vector<16xi32>
    %mul3A_225 = arith.muli %get3A_222, %mul3A_224 : vector<16xi32>
    %add3A_226 = arith.constant 0 : i32
    %add3A_227 = vector.broadcast %add3A_226 : i32 to vector<16xi32>
    %add3A_228 = arith.addi %mul3A_225, %add3A_227 : vector<16xi32>
    %swap3A_229 = arith.constant 80 : index
    %swap3A_230 = tpu.vector_load %arg13[%swap3A_229] {strides = array<i32>} : memref<128xi32, #tpu.memory_space<vmem>>, vector<16xi32>,
    tpu.vector_store %arg13[%swap3A_229], %add3A_228 {strides = array<i32>} : memref<128xi32, #tpu.memory_space<vmem>>, vector<16xi32>,
    %get3A_231 = arith.constant 96 : index
    %get3A_232 = tpu.vector_load %arg12[%get3A_231] {strides = array<i32>} : memref<128xi32, #tpu.memory_space<vmem>>, vector<16xi32>,
    %mul3A_233 = arith.constant 2 : i32
    %mul3A_234 = vector.broadcast %mul3A_233 : i32 to vector<16xi32>
    %mul3A_235 = arith.muli %get3A_232, %mul3A_234 : vector<16xi32>
    %add3A_236 = arith.constant 0 : i32
    %add3A_237 = vector.broadcast %add3A_236 : i32 to vector<16xi32>
    %add3A_238 = arith.addi %mul3A_235, %add3A_237 : vector<16xi32>
    %swap3A_239 = arith.constant 96 : index
    %swap3A_240 = tpu.vector_load %arg13[%swap3A_239] {strides = array<i32>} : memref<128xi32, #tpu.memory_space<vmem>>, vector<16xi32>,
    tpu.vector_store %arg13[%swap3A_239], %add3A_238 {strides = array<i32>} : memref<128xi32, #tpu.memory_space<vmem>>, vector<16xi32>,
    %get3A_241 = arith.constant 112 : index
    %get3A_242 = tpu.vector_load %arg12[%get3A_241] {strides = array<i32>} : memref<128xi32, #tpu.memory_space<vmem>>, vector<16xi32>,
    %mul3A_243 = arith.constant 2 : i32
    %mul3A_244 = vector.broadcast %mul3A_243 : i32 to vector<16xi32>
    %mul3A_245 = arith.muli %get3A_242, %mul3A_244 : vector<16xi32>
    %add3A_246 = arith.constant 0 : i32
    %add3A_247 = vector.broadcast %add3A_246 : i32 to vector<16xi32>
    %add3A_248 = arith.addi %mul3A_245, %add3A_247 : vector<16xi32>
    %swap3A_249 = arith.constant 112 : index
    %swap3A_250 = tpu.vector_load %arg13[%swap3A_249] {strides = array<i32>} : memref<128xi32, #tpu.memory_space<vmem>>, vector<16xi32>,
    tpu.vector_store %arg13[%swap3A_249], %add3A_248 {strides = array<i32>} : memref<128xi32, #tpu.memory_space<vmem>>, vector<16xi32>,
    %dma_start3A_251 = arith.constant 0 : i32
    %dma_start3A_252 = arith.constant 0 : i32
    %dma_start3A_253 = tpu.memref_slice %arg2[%dma_start3A_251, %dma_start3A_252] : memref<20000x128xf32, #tpu.memory_space<hbm>> -> memref<20000x128xf32, #tpu.memory_space<hbm>>
    tpu.enqueue_indirect_dma source(%dma_start3A_253 : memref<20000x128xf32, #tpu.memory_space<hbm>>) target(%arg14 : memref<128x128xf32, #tpu.memory_space<vmem>>) offsets(%arg13 : memref<128xi32, #tpu.memory_space<vmem>>) semaphore(%arg15 : memref<!tpu.dma_semaphore, #tpu.memory_space<semaphore_mem>>)
    %dma_wait3A_254 = arith.constant 0 : i32
    %dma_wait3A_255 = arith.constant 0 : i32
    %dma_wait3A_256 = tpu.memref_slice %arg2[%dma_wait3A_254, %dma_wait3A_255] : memref<20000x128xf32, #tpu.memory_space<hbm>> -> memref<20000x128xf32, #tpu.memory_space<hbm>>
    tpu.wait_indirect_dma semaphore(%arg15 : memref<!tpu.dma_semaphore, #tpu.memory_space<semaphore_mem>>) src(%dma_wait3A_256 : memref<20000x128xf32, #tpu.memory_space<hbm>>) dst(%arg14 : memref<128x128xf32, #tpu.memory_space<vmem>>)
    "tpu.region"() ({
      %run_scoped3A = tpu.sem_alloc : memref<!tpu.dma_semaphore, #tpu.memory_space<semaphore_mem>>
      %dma_start3A_349 = arith.constant 0 : i32
      %dma_start3A_350 = tpu.memref_slice %arg9[%mul3A_2, %dma_start3A_349] : memref<4096x128xf32, #tpu.memory_space<hbm>> -> memref<128x128xf32, #tpu.memory_space<hbm>>
      %dma_start3A_351 = arith.constant 0 : i32
      %dma_start3A_352 = tpu.memref_slice %arg9[%mul3A_2, %dma_start3A_351] : memref<4096x128xf32, #tpu.memory_space<hbm>> -> memref<128x128xf32, #tpu.memory_space<hbm>>
      tpu.enqueue_dma source(%arg14 : memref<128x128xf32, #tpu.memory_space<vmem>>) target(%dma_start3A_352 : memref<128x128xf32, #tpu.memory_space<hbm>>) target_semaphore(%run_scoped3A : memref<!tpu.dma_semaphore, #tpu.memory_space<semaphore_mem>>)
      %dma_wait3A_353 = arith.constant 0 : i32
      %dma_wait3A_354 = tpu.memref_slice %arg9[%mul3A_2, %dma_wait3A_353] : memref<4096x128xf32, #tpu.memory_space<hbm>> -> memref<128x128xf32, #tpu.memory_space<hbm>>
      %dma_wait3A_355 = arith.constant 0 : i32
      %dma_wait3A_356 = tpu.memref_slice %arg9[%mul3A_2, %dma_wait3A_355] : memref<4096x128xf32, #tpu.memory_space<hbm>> -> memref<128x128xf32, #tpu.memory_space<hbm>>
      tpu.wait_dma2 semaphore(%run_scoped3A : memref<!tpu.dma_semaphore, #tpu.memory_space<semaphore_mem>>) src(%arg14 : memref<128x128xf32, #tpu.memory_space<vmem>>) dst(%dma_wait3A_356 : memref<128x128xf32, #tpu.memory_space<hbm>>)
      tpu.yield
    }) : () -> ()
    "tpu.region"() ({
      %run_scoped3A = tpu.sem_alloc : memref<!tpu.dma_semaphore, #tpu.memory_space<semaphore_mem>>
      %dma_start3A_349 = tpu.memref_slice %arg5[%mul3A_2] : memref<4096xi32, #tpu.memory_space<hbm>> -> memref<128xi32, #tpu.memory_space<hbm>>
      %dma_start3A_350 = tpu.memref_slice %arg5[%mul3A_2] : memref<4096xi32, #tpu.memory_space<hbm>> -> memref<128xi32, #tpu.memory_space<hbm>>
      tpu.enqueue_dma source(%dma_start3A_350 : memref<128xi32, #tpu.memory_space<hbm>>) target(%arg12 : memref<128xi32, #tpu.memory_space<vmem>>) target_semaphore(%run_scoped3A : memref<!tpu.dma_semaphore, #tpu.memory_space<semaphore_mem>>)
      %dma_wait3A_351 = tpu.memref_slice %arg5[%mul3A_2] : memref<4096xi32, #tpu.memory_space<hbm>> -> memref<128xi32, #tpu.memory_space<hbm>>
      %dma_wait3A_352 = tpu.memref_slice %arg5[%mul3A_2] : memref<4096xi32, #tpu.memory_space<hbm>> -> memref<128xi32, #tpu.memory_space<hbm>>
      tpu.wait_dma2 semaphore(%run_scoped3A : memref<!tpu.dma_semaphore, #tpu.memory_space<semaphore_mem>>) src(%dma_wait3A_352 : memref<128xi32, #tpu.memory_space<hbm>>) dst(%arg12 : memref<128xi32, #tpu.memory_space<vmem>>)
      tpu.yield
    }) : () -> ()
    %get3A_257 = arith.constant 0 : index
    %get3A_258 = tpu.vector_load %arg12[%get3A_257] {strides = array<i32>} : memref<128xi32, #tpu.memory_space<vmem>>, vector<16xi32>,
    %mul3A_259 = arith.constant 2 : i32
    %mul3A_260 = vector.broadcast %mul3A_259 : i32 to vector<16xi32>
    %mul3A_261 = arith.muli %get3A_258, %mul3A_260 : vector<16xi32>
    %add3A_262 = arith.constant 1 : i32
    %add3A_263 = vector.broadcast %add3A_262 : i32 to vector<16xi32>
    %add3A_264 = arith.addi %mul3A_261, %add3A_263 : vector<16xi32>
    %swap3A_265 = arith.constant 0 : index
    %swap3A_266 = tpu.vector_load %arg13[%swap3A_265] {strides = array<i32>} : memref<128xi32, #tpu.memory_space<vmem>>, vector<16xi32>,
    tpu.vector_store %arg13[%swap3A_265], %add3A_264 {strides = array<i32>} : memref<128xi32, #tpu.memory_space<vmem>>, vector<16xi32>,
    %get3A_267 = arith.constant 16 : index
    %get3A_268 = tpu.vector_load %arg12[%get3A_267] {strides = array<i32>} : memref<128xi32, #tpu.memory_space<vmem>>, vector<16xi32>,
    %mul3A_269 = arith.constant 2 : i32
    %mul3A_270 = vector.broadcast %mul3A_269 : i32 to vector<16xi32>
    %mul3A_271 = arith.muli %get3A_268, %mul3A_270 : vector<16xi32>
    %add3A_272 = arith.constant 1 : i32
    %add3A_273 = vector.broadcast %add3A_272 : i32 to vector<16xi32>
    %add3A_274 = arith.addi %mul3A_271, %add3A_273 : vector<16xi32>
    %swap3A_275 = arith.constant 16 : index
    %swap3A_276 = tpu.vector_load %arg13[%swap3A_275] {strides = array<i32>} : memref<128xi32, #tpu.memory_space<vmem>>, vector<16xi32>,
    tpu.vector_store %arg13[%swap3A_275], %add3A_274 {strides = array<i32>} : memref<128xi32, #tpu.memory_space<vmem>>, vector<16xi32>,
    %get3A_277 = arith.constant 32 : index
    %get3A_278 = tpu.vector_load %arg12[%get3A_277] {strides = array<i32>} : memref<128xi32, #tpu.memory_space<vmem>>, vector<16xi32>,
    %mul3A_279 = arith.constant 2 : i32
    %mul3A_280 = vector.broadcast %mul3A_279 : i32 to vector<16xi32>
    %mul3A_281 = arith.muli %get3A_278, %mul3A_280 : vector<16xi32>
    %add3A_282 = arith.constant 1 : i32
    %add3A_283 = vector.broadcast %add3A_282 : i32 to vector<16xi32>
    %add3A_284 = arith.addi %mul3A_281, %add3A_283 : vector<16xi32>
    %swap3A_285 = arith.constant 32 : index
    %swap3A_286 = tpu.vector_load %arg13[%swap3A_285] {strides = array<i32>} : memref<128xi32, #tpu.memory_space<vmem>>, vector<16xi32>,
    tpu.vector_store %arg13[%swap3A_285], %add3A_284 {strides = array<i32>} : memref<128xi32, #tpu.memory_space<vmem>>, vector<16xi32>,
    %get3A_287 = arith.constant 48 : index
    %get3A_288 = tpu.vector_load %arg12[%get3A_287] {strides = array<i32>} : memref<128xi32, #tpu.memory_space<vmem>>, vector<16xi32>,
    %mul3A_289 = arith.constant 2 : i32
    %mul3A_290 = vector.broadcast %mul3A_289 : i32 to vector<16xi32>
    %mul3A_291 = arith.muli %get3A_288, %mul3A_290 : vector<16xi32>
    %add3A_292 = arith.constant 1 : i32
    %add3A_293 = vector.broadcast %add3A_292 : i32 to vector<16xi32>
    %add3A_294 = arith.addi %mul3A_291, %add3A_293 : vector<16xi32>
    %swap3A_295 = arith.constant 48 : index
    %swap3A_296 = tpu.vector_load %arg13[%swap3A_295] {strides = array<i32>} : memref<128xi32, #tpu.memory_space<vmem>>, vector<16xi32>,
    tpu.vector_store %arg13[%swap3A_295], %add3A_294 {strides = array<i32>} : memref<128xi32, #tpu.memory_space<vmem>>, vector<16xi32>,
    %get3A_297 = arith.constant 64 : index
    %get3A_298 = tpu.vector_load %arg12[%get3A_297] {strides = array<i32>} : memref<128xi32, #tpu.memory_space<vmem>>, vector<16xi32>,
    %mul3A_299 = arith.constant 2 : i32
    %mul3A_300 = vector.broadcast %mul3A_299 : i32 to vector<16xi32>
    %mul3A_301 = arith.muli %get3A_298, %mul3A_300 : vector<16xi32>
    %add3A_302 = arith.constant 1 : i32
    %add3A_303 = vector.broadcast %add3A_302 : i32 to vector<16xi32>
    %add3A_304 = arith.addi %mul3A_301, %add3A_303 : vector<16xi32>
    %swap3A_305 = arith.constant 64 : index
    %swap3A_306 = tpu.vector_load %arg13[%swap3A_305] {strides = array<i32>} : memref<128xi32, #tpu.memory_space<vmem>>, vector<16xi32>,
    tpu.vector_store %arg13[%swap3A_305], %add3A_304 {strides = array<i32>} : memref<128xi32, #tpu.memory_space<vmem>>, vector<16xi32>,
    %get3A_307 = arith.constant 80 : index
    %get3A_308 = tpu.vector_load %arg12[%get3A_307] {strides = array<i32>} : memref<128xi32, #tpu.memory_space<vmem>>, vector<16xi32>,
    %mul3A_309 = arith.constant 2 : i32
    %mul3A_310 = vector.broadcast %mul3A_309 : i32 to vector<16xi32>
    %mul3A_311 = arith.muli %get3A_308, %mul3A_310 : vector<16xi32>
    %add3A_312 = arith.constant 1 : i32
    %add3A_313 = vector.broadcast %add3A_312 : i32 to vector<16xi32>
    %add3A_314 = arith.addi %mul3A_311, %add3A_313 : vector<16xi32>
    %swap3A_315 = arith.constant 80 : index
    %swap3A_316 = tpu.vector_load %arg13[%swap3A_315] {strides = array<i32>} : memref<128xi32, #tpu.memory_space<vmem>>, vector<16xi32>,
    tpu.vector_store %arg13[%swap3A_315], %add3A_314 {strides = array<i32>} : memref<128xi32, #tpu.memory_space<vmem>>, vector<16xi32>,
    %get3A_317 = arith.constant 96 : index
    %get3A_318 = tpu.vector_load %arg12[%get3A_317] {strides = array<i32>} : memref<128xi32, #tpu.memory_space<vmem>>, vector<16xi32>,
    %mul3A_319 = arith.constant 2 : i32
    %mul3A_320 = vector.broadcast %mul3A_319 : i32 to vector<16xi32>
    %mul3A_321 = arith.muli %get3A_318, %mul3A_320 : vector<16xi32>
    %add3A_322 = arith.constant 1 : i32
    %add3A_323 = vector.broadcast %add3A_322 : i32 to vector<16xi32>
    %add3A_324 = arith.addi %mul3A_321, %add3A_323 : vector<16xi32>
    %swap3A_325 = arith.constant 96 : index
    %swap3A_326 = tpu.vector_load %arg13[%swap3A_325] {strides = array<i32>} : memref<128xi32, #tpu.memory_space<vmem>>, vector<16xi32>,
    tpu.vector_store %arg13[%swap3A_325], %add3A_324 {strides = array<i32>} : memref<128xi32, #tpu.memory_space<vmem>>, vector<16xi32>,
    %get3A_327 = arith.constant 112 : index
    %get3A_328 = tpu.vector_load %arg12[%get3A_327] {strides = array<i32>} : memref<128xi32, #tpu.memory_space<vmem>>, vector<16xi32>,
    %mul3A_329 = arith.constant 2 : i32
    %mul3A_330 = vector.broadcast %mul3A_329 : i32 to vector<16xi32>
    %mul3A_331 = arith.muli %get3A_328, %mul3A_330 : vector<16xi32>
    %add3A_332 = arith.constant 1 : i32
    %add3A_333 = vector.broadcast %add3A_332 : i32 to vector<16xi32>
    %add3A_334 = arith.addi %mul3A_331, %add3A_333 : vector<16xi32>
    %swap3A_335 = arith.constant 112 : index
    %swap3A_336 = tpu.vector_load %arg13[%swap3A_335] {strides = array<i32>} : memref<128xi32, #tpu.memory_space<vmem>>, vector<16xi32>,
    tpu.vector_store %arg13[%swap3A_335], %add3A_334 {strides = array<i32>} : memref<128xi32, #tpu.memory_space<vmem>>, vector<16xi32>,
    %dma_start3A_337 = arith.constant 0 : i32
    %dma_start3A_338 = arith.constant 0 : i32
    %dma_start3A_339 = tpu.memref_slice %arg2[%dma_start3A_337, %dma_start3A_338] : memref<20000x128xf32, #tpu.memory_space<hbm>> -> memref<20000x128xf32, #tpu.memory_space<hbm>>
    tpu.enqueue_indirect_dma source(%dma_start3A_339 : memref<20000x128xf32, #tpu.memory_space<hbm>>) target(%arg14 : memref<128x128xf32, #tpu.memory_space<vmem>>) offsets(%arg13 : memref<128xi32, #tpu.memory_space<vmem>>) semaphore(%arg15 : memref<!tpu.dma_semaphore, #tpu.memory_space<semaphore_mem>>)
    %dma_wait3A_340 = arith.constant 0 : i32
    %dma_wait3A_341 = arith.constant 0 : i32
    %dma_wait3A_342 = tpu.memref_slice %arg2[%dma_wait3A_340, %dma_wait3A_341] : memref<20000x128xf32, #tpu.memory_space<hbm>> -> memref<20000x128xf32, #tpu.memory_space<hbm>>
    tpu.wait_indirect_dma semaphore(%arg15 : memref<!tpu.dma_semaphore, #tpu.memory_space<semaphore_mem>>) src(%dma_wait3A_342 : memref<20000x128xf32, #tpu.memory_space<hbm>>) dst(%arg14 : memref<128x128xf32, #tpu.memory_space<vmem>>)
    "tpu.region"() ({
      %run_scoped3A = tpu.sem_alloc : memref<!tpu.dma_semaphore, #tpu.memory_space<semaphore_mem>>
      %dma_start3A_349 = arith.constant 0 : i32
      %dma_start3A_350 = tpu.memref_slice %arg10[%mul3A_2, %dma_start3A_349] : memref<4096x128xf32, #tpu.memory_space<hbm>> -> memref<128x128xf32, #tpu.memory_space<hbm>>
      %dma_start3A_351 = arith.constant 0 : i32
      %dma_start3A_352 = tpu.memref_slice %arg10[%mul3A_2, %dma_start3A_351] : memref<4096x128xf32, #tpu.memory_space<hbm>> -> memref<128x128xf32, #tpu.memory_space<hbm>>
      tpu.enqueue_dma source(%arg14 : memref<128x128xf32, #tpu.memory_space<vmem>>) target(%dma_start3A_352 : memref<128x128xf32, #tpu.memory_space<hbm>>) target_semaphore(%run_scoped3A : memref<!tpu.dma_semaphore, #tpu.memory_space<semaphore_mem>>)
      %dma_wait3A_353 = arith.constant 0 : i32
      %dma_wait3A_354 = tpu.memref_slice %arg10[%mul3A_2, %dma_wait3A_353] : memref<4096x128xf32, #tpu.memory_space<hbm>> -> memref<128x128xf32, #tpu.memory_space<hbm>>
      %dma_wait3A_355 = arith.constant 0 : i32
      %dma_wait3A_356 = tpu.memref_slice %arg10[%mul3A_2, %dma_wait3A_355] : memref<4096x128xf32, #tpu.memory_space<hbm>> -> memref<128x128xf32, #tpu.memory_space<hbm>>
      tpu.wait_dma2 semaphore(%run_scoped3A : memref<!tpu.dma_semaphore, #tpu.memory_space<semaphore_mem>>) src(%arg14 : memref<128x128xf32, #tpu.memory_space<vmem>>) dst(%dma_wait3A_356 : memref<128x128xf32, #tpu.memory_space<hbm>>)
      tpu.yield
    }) : () -> ()
    "tpu.region"() ({
      %run_scoped3A = tpu.sem_alloc : memref<!tpu.dma_semaphore, #tpu.memory_space<semaphore_mem>>
      %dma_start3A_349 = tpu.memref_slice %arg6[%mul3A_2] : memref<4096xi32, #tpu.memory_space<hbm>> -> memref<128xi32, #tpu.memory_space<hbm>>
      %dma_start3A_350 = tpu.memref_slice %arg6[%mul3A_2] : memref<4096xi32, #tpu.memory_space<hbm>> -> memref<128xi32, #tpu.memory_space<hbm>>
      tpu.enqueue_dma source(%dma_start3A_350 : memref<128xi32, #tpu.memory_space<hbm>>) target(%arg12 : memref<128xi32, #tpu.memory_space<vmem>>) target_semaphore(%run_scoped3A : memref<!tpu.dma_semaphore, #tpu.memory_space<semaphore_mem>>)
      %dma_wait3A_351 = tpu.memref_slice %arg6[%mul3A_2] : memref<4096xi32, #tpu.memory_space<hbm>> -> memref<128xi32, #tpu.memory_space<hbm>>
      %dma_wait3A_352 = tpu.memref_slice %arg6[%mul3A_2] : memref<4096xi32, #tpu.memory_space<hbm>> -> memref<128xi32, #tpu.memory_space<hbm>>
      tpu.wait_dma2 semaphore(%run_scoped3A : memref<!tpu.dma_semaphore, #tpu.memory_space<semaphore_mem>>) src(%dma_wait3A_352 : memref<128xi32, #tpu.memory_space<hbm>>) dst(%arg12 : memref<128xi32, #tpu.memory_space<vmem>>)
      tpu.yield
    }) : () -> ()
    %dma_start3A_343 = arith.constant 0 : i32
    %dma_start3A_344 = arith.constant 0 : i32
    %dma_start3A_345 = tpu.memref_slice %arg3[%dma_start3A_343, %dma_start3A_344] : memref<128x128xf32, #tpu.memory_space<hbm>> -> memref<128x128xf32, #tpu.memory_space<hbm>>
    tpu.enqueue_indirect_dma source(%dma_start3A_345 : memref<128x128xf32, #tpu.memory_space<hbm>>) target(%arg14 : memref<128x128xf32, #tpu.memory_space<vmem>>) offsets(%arg12 : memref<128xi32, #tpu.memory_space<vmem>>) semaphore(%arg15 : memref<!tpu.dma_semaphore, #tpu.memory_space<semaphore_mem>>)
    %dma_wait3A_346 = arith.constant 0 : i32
    %dma_wait3A_347 = arith.constant 0 : i32
    %dma_wait3A_348 = tpu.memref_slice %arg3[%dma_wait3A_346, %dma_wait3A_347] : memref<128x128xf32, #tpu.memory_space<hbm>> -> memref<128x128xf32, #tpu.memory_space<hbm>>
    tpu.wait_indirect_dma semaphore(%arg15 : memref<!tpu.dma_semaphore, #tpu.memory_space<semaphore_mem>>) src(%dma_wait3A_348 : memref<128x128xf32, #tpu.memory_space<hbm>>) dst(%arg14 : memref<128x128xf32, #tpu.memory_space<vmem>>)
    "tpu.region"() ({
      %run_scoped3A = tpu.sem_alloc : memref<!tpu.dma_semaphore, #tpu.memory_space<semaphore_mem>>
      %dma_start3A_349 = arith.constant 0 : i32
      %dma_start3A_350 = tpu.memref_slice %arg11[%mul3A_2, %dma_start3A_349] : memref<4096x128xf32, #tpu.memory_space<hbm>> -> memref<128x128xf32, #tpu.memory_space<hbm>>
      %dma_start3A_351 = arith.constant 0 : i32
      %dma_start3A_352 = tpu.memref_slice %arg11[%mul3A_2, %dma_start3A_351] : memref<4096x128xf32, #tpu.memory_space<hbm>> -> memref<128x128xf32, #tpu.memory_space<hbm>>
      tpu.enqueue_dma source(%arg14 : memref<128x128xf32, #tpu.memory_space<vmem>>) target(%dma_start3A_352 : memref<128x128xf32, #tpu.memory_space<hbm>>) target_semaphore(%run_scoped3A : memref<!tpu.dma_semaphore, #tpu.memory_space<semaphore_mem>>)
      %dma_wait3A_353 = arith.constant 0 : i32
      %dma_wait3A_354 = tpu.memref_slice %arg11[%mul3A_2, %dma_wait3A_353] : memref<4096x128xf32, #tpu.memory_space<hbm>> -> memref<128x128xf32, #tpu.memory_space<hbm>>
      %dma_wait3A_355 = arith.constant 0 : i32
      %dma_wait3A_356 = tpu.memref_slice %arg11[%mul3A_2, %dma_wait3A_355] : memref<4096x128xf32, #tpu.memory_space<hbm>> -> memref<128x128xf32, #tpu.memory_space<hbm>>
      tpu.wait_dma2 semaphore(%run_scoped3A : memref<!tpu.dma_semaphore, #tpu.memory_space<semaphore_mem>>) src(%arg14 : memref<128x128xf32, #tpu.memory_space<vmem>>) dst(%dma_wait3A_356 : memref<128x128xf32, #tpu.memory_space<hbm>>)
      tpu.yield
    }) : () -> ()
    return
  }
}

#map = affine_map<(d0, d1) -> (0, 0)>
#map1 = affine_map<(d0, d1) -> (0)>
#map2 = affine_map<(d0, d1) -> (0, 0, 0)>
module attributes {stable_mosaic.version = 14 : i64} {
  func.func @_agg_body(%arg0: i32, %arg1: i32, %arg2: memref<320000x128xf32, #tpu.memory_space<hbm>>, %arg3: memref<320000xi32, #tpu.memory_space<hbm>>, %arg4: memref<320000xi32, #tpu.memory_space<hbm>>, %arg5: memref<320000xi32, #tpu.memory_space<hbm>>, %arg6: memref<160000xf32, #tpu.memory_space<hbm>>, %arg7: memref<2x10000x128xf32, #tpu.memory_space<hbm>>, %arg8: memref<80xi32, #tpu.memory_space<vmem>>, %arg9: memref<80xi32, #tpu.memory_space<vmem>>, %arg10: memref<80xi32, #tpu.memory_space<vmem>>, %arg11: memref<80xi32, #tpu.memory_space<vmem>>, %arg12: memref<80xi32, #tpu.memory_space<vmem>>, %arg13: memref<80xi32, #tpu.memory_space<vmem>>, %arg14: memref<80xi32, #tpu.memory_space<vmem>>, %arg15: memref<80xi32, #tpu.memory_space<vmem>>, %arg16: memref<80xi32, #tpu.memory_space<vmem>>, %arg17: memref<80xi32, #tpu.memory_space<vmem>>, %arg18: memref<80xi32, #tpu.memory_space<vmem>>, %arg19: memref<80xi32, #tpu.memory_space<vmem>>, %arg20: memref<80xf32, #tpu.memory_space<vmem>>, %arg21: memref<80xf32, #tpu.memory_space<vmem>>, %arg22: memref<80x128xf32, #tpu.memory_space<vmem>>, %arg23: memref<80x128xf32, #tpu.memory_space<vmem>>, %arg24: memref<10000x128xf32, #tpu.memory_space<vmem_shared>>, %arg25: memref<!tpu.dma_semaphore, #tpu.memory_space<semaphore_mem>>, %arg26: memref<!tpu.dma_semaphore, #tpu.memory_space<semaphore_mem>>, %arg27: memref<!tpu.dma_semaphore, #tpu.memory_space<semaphore_mem>>, %arg28: memref<!tpu.dma_semaphore, #tpu.memory_space<semaphore_mem>>, %arg29: memref<!tpu.dma_semaphore, #tpu.memory_space<semaphore_mem>>, %arg30: memref<!tpu.dma_semaphore, #tpu.memory_space<semaphore_mem>>, %arg31: memref<!tpu.dma_semaphore, #tpu.memory_space<semaphore_mem>>, %arg32: memref<!tpu.dma_semaphore, #tpu.memory_space<semaphore_mem>>) attributes {dimension_semantics = [#tpu.dimension_semantics<core_parallel>, #tpu.dimension_semantics<subcore_parallel>], iteration_bounds = array<i64: 2, 16>, scalar_prefetch = 0 : i64, scratch_operands = 25 : i64, tpu.core_type = #tpu.core_type<sc_vector_subcore>, window_params = [{transform_indices = #map}, {transform_indices = #map1}, {transform_indices = #map1}, {transform_indices = #map1}, {transform_indices = #map1}, {transform_indices = #map2}]} {
    %mul3A = arith.constant 20000 : i32
    %mul3A_0 = arith.muli %arg1, %mul3A : i32
    %scan3A = arith.constant 0 : i32
    %scan3A_1 = arith.constant 80 : i32
    %scan3A_2 = arith.addi %scan3A, %scan3A_1 : i32
    %scan3A_3 = arith.constant 1 : i32
    scf.for %scan3A_202 = %scan3A to %scan3A_2 step %scan3A_3  : i32 {
      %broadcast_in_dim3A = arith.constant 0.000000e+00 : f32
      %broadcast_in_dim3A_203 = vector.broadcast %broadcast_in_dim3A : f32 to vector<16xf32>
      %swap3A_204 = arith.index_cast %scan3A_202 : i32 to index
      %swap3A_205 = arith.constant 0 : index
      %swap3A_206 = tpu.vector_load %arg22[%swap3A_204, %swap3A_205] {strides = array<i32>} : memref<80x128xf32, #tpu.memory_space<vmem>>, vector<16xf32>,
      tpu.vector_store %arg22[%swap3A_204, %swap3A_205], %broadcast_in_dim3A_203 {strides = array<i32>} : memref<80x128xf32, #tpu.memory_space<vmem>>, vector<16xf32>,
      %broadcast_in_dim3A_207 = arith.constant 0.000000e+00 : f32
      %broadcast_in_dim3A_208 = vector.broadcast %broadcast_in_dim3A_207 : f32 to vector<16xf32>
      %swap3A_209 = arith.index_cast %scan3A_202 : i32 to index
      %swap3A_210 = arith.constant 16 : index
      %swap3A_211 = tpu.vector_load %arg22[%swap3A_209, %swap3A_210] {strides = array<i32>} : memref<80x128xf32, #tpu.memory_space<vmem>>, vector<16xf32>,
      tpu.vector_store %arg22[%swap3A_209, %swap3A_210], %broadcast_in_dim3A_208 {strides = array<i32>} : memref<80x128xf32, #tpu.memory_space<vmem>>, vector<16xf32>,
      %broadcast_in_dim3A_212 = arith.constant 0.000000e+00 : f32
      %broadcast_in_dim3A_213 = vector.broadcast %broadcast_in_dim3A_212 : f32 to vector<16xf32>
      %swap3A_214 = arith.index_cast %scan3A_202 : i32 to index
      %swap3A_215 = arith.constant 32 : index
      %swap3A_216 = tpu.vector_load %arg22[%swap3A_214, %swap3A_215] {strides = array<i32>} : memref<80x128xf32, #tpu.memory_space<vmem>>, vector<16xf32>,
      tpu.vector_store %arg22[%swap3A_214, %swap3A_215], %broadcast_in_dim3A_213 {strides = array<i32>} : memref<80x128xf32, #tpu.memory_space<vmem>>, vector<16xf32>,
      %broadcast_in_dim3A_217 = arith.constant 0.000000e+00 : f32
      %broadcast_in_dim3A_218 = vector.broadcast %broadcast_in_dim3A_217 : f32 to vector<16xf32>
      %swap3A_219 = arith.index_cast %scan3A_202 : i32 to index
      %swap3A_220 = arith.constant 48 : index
      %swap3A_221 = tpu.vector_load %arg22[%swap3A_219, %swap3A_220] {strides = array<i32>} : memref<80x128xf32, #tpu.memory_space<vmem>>, vector<16xf32>,
      tpu.vector_store %arg22[%swap3A_219, %swap3A_220], %broadcast_in_dim3A_218 {strides = array<i32>} : memref<80x128xf32, #tpu.memory_space<vmem>>, vector<16xf32>,
      %broadcast_in_dim3A_222 = arith.constant 0.000000e+00 : f32
      %broadcast_in_dim3A_223 = vector.broadcast %broadcast_in_dim3A_222 : f32 to vector<16xf32>
      %swap3A_224 = arith.index_cast %scan3A_202 : i32 to index
      %swap3A_225 = arith.constant 64 : index
      %swap3A_226 = tpu.vector_load %arg22[%swap3A_224, %swap3A_225] {strides = array<i32>} : memref<80x128xf32, #tpu.memory_space<vmem>>, vector<16xf32>,
      tpu.vector_store %arg22[%swap3A_224, %swap3A_225], %broadcast_in_dim3A_223 {strides = array<i32>} : memref<80x128xf32, #tpu.memory_space<vmem>>, vector<16xf32>,
      %broadcast_in_dim3A_227 = arith.constant 0.000000e+00 : f32
      %broadcast_in_dim3A_228 = vector.broadcast %broadcast_in_dim3A_227 : f32 to vector<16xf32>
      %swap3A_229 = arith.index_cast %scan3A_202 : i32 to index
      %swap3A_230 = arith.constant 80 : index
      %swap3A_231 = tpu.vector_load %arg22[%swap3A_229, %swap3A_230] {strides = array<i32>} : memref<80x128xf32, #tpu.memory_space<vmem>>, vector<16xf32>,
      tpu.vector_store %arg22[%swap3A_229, %swap3A_230], %broadcast_in_dim3A_228 {strides = array<i32>} : memref<80x128xf32, #tpu.memory_space<vmem>>, vector<16xf32>,
      %broadcast_in_dim3A_232 = arith.constant 0.000000e+00 : f32
      %broadcast_in_dim3A_233 = vector.broadcast %broadcast_in_dim3A_232 : f32 to vector<16xf32>
      %swap3A_234 = arith.index_cast %scan3A_202 : i32 to index
      %swap3A_235 = arith.constant 96 : index
      %swap3A_236 = tpu.vector_load %arg22[%swap3A_234, %swap3A_235] {strides = array<i32>} : memref<80x128xf32, #tpu.memory_space<vmem>>, vector<16xf32>,
      tpu.vector_store %arg22[%swap3A_234, %swap3A_235], %broadcast_in_dim3A_233 {strides = array<i32>} : memref<80x128xf32, #tpu.memory_space<vmem>>, vector<16xf32>,
      %broadcast_in_dim3A_237 = arith.constant 0.000000e+00 : f32
      %broadcast_in_dim3A_238 = vector.broadcast %broadcast_in_dim3A_237 : f32 to vector<16xf32>
      %swap3A_239 = arith.index_cast %scan3A_202 : i32 to index
      %swap3A_240 = arith.constant 112 : index
      %swap3A_241 = tpu.vector_load %arg22[%swap3A_239, %swap3A_240] {strides = array<i32>} : memref<80x128xf32, #tpu.memory_space<vmem>>, vector<16xf32>,
      tpu.vector_store %arg22[%swap3A_239, %swap3A_240], %broadcast_in_dim3A_238 {strides = array<i32>} : memref<80x128xf32, #tpu.memory_space<vmem>>, vector<16xf32>,
    }
    %scan3A_4 = arith.constant 80 : i32
    %mul3A_5 = arith.constant 625 : i32
    %mul3A_6 = arith.muli %arg1, %mul3A_5 : i32
    %add3A = arith.constant 0 : i32
    %add3A_7 = arith.addi %mul3A_6, %add3A : i32
    "tpu.region"() ({
      %run_scoped3A = tpu.sem_alloc : memref<!tpu.dma_semaphore, #tpu.memory_space<semaphore_mem>>
      %dma_start3A_202 = arith.constant 0 : i32
      %dma_start3A_203 = tpu.memref_slice %arg24[%add3A_7, %dma_start3A_202] : memref<10000x128xf32, #tpu.memory_space<vmem_shared>> -> memref<80x128xf32, #tpu.memory_space<vmem_shared>>
      %dma_start3A_204 = arith.constant 0 : i32
      %dma_start3A_205 = tpu.memref_slice %arg24[%add3A_7, %dma_start3A_204] : memref<10000x128xf32, #tpu.memory_space<vmem_shared>> -> memref<80x128xf32, #tpu.memory_space<vmem_shared>>
      tpu.enqueue_dma source(%arg22 : memref<80x128xf32, #tpu.memory_space<vmem>>) target(%dma_start3A_205 : memref<80x128xf32, #tpu.memory_space<vmem_shared>>) target_semaphore(%run_scoped3A : memref<!tpu.dma_semaphore, #tpu.memory_space<semaphore_mem>>)
      %dma_wait3A_206 = arith.constant 0 : i32
      %dma_wait3A_207 = tpu.memref_slice %arg24[%add3A_7, %dma_wait3A_206] : memref<10000x128xf32, #tpu.memory_space<vmem_shared>> -> memref<80x128xf32, #tpu.memory_space<vmem_shared>>
      %dma_wait3A_208 = arith.constant 0 : i32
      %dma_wait3A_209 = tpu.memref_slice %arg24[%add3A_7, %dma_wait3A_208] : memref<10000x128xf32, #tpu.memory_space<vmem_shared>> -> memref<80x128xf32, #tpu.memory_space<vmem_shared>>
      tpu.wait_dma2 semaphore(%run_scoped3A : memref<!tpu.dma_semaphore, #tpu.memory_space<semaphore_mem>>) src(%arg22 : memref<80x128xf32, #tpu.memory_space<vmem>>) dst(%dma_wait3A_209 : memref<80x128xf32, #tpu.memory_space<vmem_shared>>)
      tpu.yield
    }) : () -> ()
    %mul3A_8 = arith.constant 625 : i32
    %mul3A_9 = arith.muli %arg1, %mul3A_8 : i32
    %add3A_10 = arith.constant 80 : i32
    %add3A_11 = arith.addi %mul3A_9, %add3A_10 : i32
    "tpu.region"() ({
      %run_scoped3A = tpu.sem_alloc : memref<!tpu.dma_semaphore, #tpu.memory_space<semaphore_mem>>
      %dma_start3A_202 = arith.constant 0 : i32
      %dma_start3A_203 = tpu.memref_slice %arg24[%add3A_11, %dma_start3A_202] : memref<10000x128xf32, #tpu.memory_space<vmem_shared>> -> memref<80x128xf32, #tpu.memory_space<vmem_shared>>
      %dma_start3A_204 = arith.constant 0 : i32
      %dma_start3A_205 = tpu.memref_slice %arg24[%add3A_11, %dma_start3A_204] : memref<10000x128xf32, #tpu.memory_space<vmem_shared>> -> memref<80x128xf32, #tpu.memory_space<vmem_shared>>
      tpu.enqueue_dma source(%arg22 : memref<80x128xf32, #tpu.memory_space<vmem>>) target(%dma_start3A_205 : memref<80x128xf32, #tpu.memory_space<vmem_shared>>) target_semaphore(%run_scoped3A : memref<!tpu.dma_semaphore, #tpu.memory_space<semaphore_mem>>)
      %dma_wait3A_206 = arith.constant 0 : i32
      %dma_wait3A_207 = tpu.memref_slice %arg24[%add3A_11, %dma_wait3A_206] : memref<10000x128xf32, #tpu.memory_space<vmem_shared>> -> memref<80x128xf32, #tpu.memory_space<vmem_shared>>
      %dma_wait3A_208 = arith.constant 0 : i32
      %dma_wait3A_209 = tpu.memref_slice %arg24[%add3A_11, %dma_wait3A_208] : memref<10000x128xf32, #tpu.memory_space<vmem_shared>> -> memref<80x128xf32, #tpu.memory_space<vmem_shared>>
      tpu.wait_dma2 semaphore(%run_scoped3A : memref<!tpu.dma_semaphore, #tpu.memory_space<semaphore_mem>>) src(%arg22 : memref<80x128xf32, #tpu.memory_space<vmem>>) dst(%dma_wait3A_209 : memref<80x128xf32, #tpu.memory_space<vmem_shared>>)
      tpu.yield
    }) : () -> ()
    %mul3A_12 = arith.constant 625 : i32
    %mul3A_13 = arith.muli %arg1, %mul3A_12 : i32
    %add3A_14 = arith.constant 160 : i32
    %add3A_15 = arith.addi %mul3A_13, %add3A_14 : i32
    "tpu.region"() ({
      %run_scoped3A = tpu.sem_alloc : memref<!tpu.dma_semaphore, #tpu.memory_space<semaphore_mem>>
      %dma_start3A_202 = arith.constant 0 : i32
      %dma_start3A_203 = tpu.memref_slice %arg24[%add3A_15, %dma_start3A_202] : memref<10000x128xf32, #tpu.memory_space<vmem_shared>> -> memref<80x128xf32, #tpu.memory_space<vmem_shared>>
      %dma_start3A_204 = arith.constant 0 : i32
      %dma_start3A_205 = tpu.memref_slice %arg24[%add3A_15, %dma_start3A_204] : memref<10000x128xf32, #tpu.memory_space<vmem_shared>> -> memref<80x128xf32, #tpu.memory_space<vmem_shared>>
      tpu.enqueue_dma source(%arg22 : memref<80x128xf32, #tpu.memory_space<vmem>>) target(%dma_start3A_205 : memref<80x128xf32, #tpu.memory_space<vmem_shared>>) target_semaphore(%run_scoped3A : memref<!tpu.dma_semaphore, #tpu.memory_space<semaphore_mem>>)
      %dma_wait3A_206 = arith.constant 0 : i32
      %dma_wait3A_207 = tpu.memref_slice %arg24[%add3A_15, %dma_wait3A_206] : memref<10000x128xf32, #tpu.memory_space<vmem_shared>> -> memref<80x128xf32, #tpu.memory_space<vmem_shared>>
      %dma_wait3A_208 = arith.constant 0 : i32
      %dma_wait3A_209 = tpu.memref_slice %arg24[%add3A_15, %dma_wait3A_208] : memref<10000x128xf32, #tpu.memory_space<vmem_shared>> -> memref<80x128xf32, #tpu.memory_space<vmem_shared>>
      tpu.wait_dma2 semaphore(%run_scoped3A : memref<!tpu.dma_semaphore, #tpu.memory_space<semaphore_mem>>) src(%arg22 : memref<80x128xf32, #tpu.memory_space<vmem>>) dst(%dma_wait3A_209 : memref<80x128xf32, #tpu.memory_space<vmem_shared>>)
      tpu.yield
    }) : () -> ()
    %mul3A_16 = arith.constant 625 : i32
    %mul3A_17 = arith.muli %arg1, %mul3A_16 : i32
    %add3A_18 = arith.constant 240 : i32
    %add3A_19 = arith.addi %mul3A_17, %add3A_18 : i32
    "tpu.region"() ({
      %run_scoped3A = tpu.sem_alloc : memref<!tpu.dma_semaphore, #tpu.memory_space<semaphore_mem>>
      %dma_start3A_202 = arith.constant 0 : i32
      %dma_start3A_203 = tpu.memref_slice %arg24[%add3A_19, %dma_start3A_202] : memref<10000x128xf32, #tpu.memory_space<vmem_shared>> -> memref<80x128xf32, #tpu.memory_space<vmem_shared>>
      %dma_start3A_204 = arith.constant 0 : i32
      %dma_start3A_205 = tpu.memref_slice %arg24[%add3A_19, %dma_start3A_204] : memref<10000x128xf32, #tpu.memory_space<vmem_shared>> -> memref<80x128xf32, #tpu.memory_space<vmem_shared>>
      tpu.enqueue_dma source(%arg22 : memref<80x128xf32, #tpu.memory_space<vmem>>) target(%dma_start3A_205 : memref<80x128xf32, #tpu.memory_space<vmem_shared>>) target_semaphore(%run_scoped3A : memref<!tpu.dma_semaphore, #tpu.memory_space<semaphore_mem>>)
      %dma_wait3A_206 = arith.constant 0 : i32
      %dma_wait3A_207 = tpu.memref_slice %arg24[%add3A_19, %dma_wait3A_206] : memref<10000x128xf32, #tpu.memory_space<vmem_shared>> -> memref<80x128xf32, #tpu.memory_space<vmem_shared>>
      %dma_wait3A_208 = arith.constant 0 : i32
      %dma_wait3A_209 = tpu.memref_slice %arg24[%add3A_19, %dma_wait3A_208] : memref<10000x128xf32, #tpu.memory_space<vmem_shared>> -> memref<80x128xf32, #tpu.memory_space<vmem_shared>>
      tpu.wait_dma2 semaphore(%run_scoped3A : memref<!tpu.dma_semaphore, #tpu.memory_space<semaphore_mem>>) src(%arg22 : memref<80x128xf32, #tpu.memory_space<vmem>>) dst(%dma_wait3A_209 : memref<80x128xf32, #tpu.memory_space<vmem_shared>>)
      tpu.yield
    }) : () -> ()
    %mul3A_20 = arith.constant 625 : i32
    %mul3A_21 = arith.muli %arg1, %mul3A_20 : i32
    %add3A_22 = arith.constant 320 : i32
    %add3A_23 = arith.addi %mul3A_21, %add3A_22 : i32
    "tpu.region"() ({
      %run_scoped3A = tpu.sem_alloc : memref<!tpu.dma_semaphore, #tpu.memory_space<semaphore_mem>>
      %dma_start3A_202 = arith.constant 0 : i32
      %dma_start3A_203 = tpu.memref_slice %arg24[%add3A_23, %dma_start3A_202] : memref<10000x128xf32, #tpu.memory_space<vmem_shared>> -> memref<80x128xf32, #tpu.memory_space<vmem_shared>>
      %dma_start3A_204 = arith.constant 0 : i32
      %dma_start3A_205 = tpu.memref_slice %arg24[%add3A_23, %dma_start3A_204] : memref<10000x128xf32, #tpu.memory_space<vmem_shared>> -> memref<80x128xf32, #tpu.memory_space<vmem_shared>>
      tpu.enqueue_dma source(%arg22 : memref<80x128xf32, #tpu.memory_space<vmem>>) target(%dma_start3A_205 : memref<80x128xf32, #tpu.memory_space<vmem_shared>>) target_semaphore(%run_scoped3A : memref<!tpu.dma_semaphore, #tpu.memory_space<semaphore_mem>>)
      %dma_wait3A_206 = arith.constant 0 : i32
      %dma_wait3A_207 = tpu.memref_slice %arg24[%add3A_23, %dma_wait3A_206] : memref<10000x128xf32, #tpu.memory_space<vmem_shared>> -> memref<80x128xf32, #tpu.memory_space<vmem_shared>>
      %dma_wait3A_208 = arith.constant 0 : i32
      %dma_wait3A_209 = tpu.memref_slice %arg24[%add3A_23, %dma_wait3A_208] : memref<10000x128xf32, #tpu.memory_space<vmem_shared>> -> memref<80x128xf32, #tpu.memory_space<vmem_shared>>
      tpu.wait_dma2 semaphore(%run_scoped3A : memref<!tpu.dma_semaphore, #tpu.memory_space<semaphore_mem>>) src(%arg22 : memref<80x128xf32, #tpu.memory_space<vmem>>) dst(%dma_wait3A_209 : memref<80x128xf32, #tpu.memory_space<vmem_shared>>)
      tpu.yield
    }) : () -> ()
    %mul3A_24 = arith.constant 625 : i32
    %mul3A_25 = arith.muli %arg1, %mul3A_24 : i32
    %add3A_26 = arith.constant 400 : i32
    %add3A_27 = arith.addi %mul3A_25, %add3A_26 : i32
    "tpu.region"() ({
      %run_scoped3A = tpu.sem_alloc : memref<!tpu.dma_semaphore, #tpu.memory_space<semaphore_mem>>
      %dma_start3A_202 = arith.constant 0 : i32
      %dma_start3A_203 = tpu.memref_slice %arg24[%add3A_27, %dma_start3A_202] : memref<10000x128xf32, #tpu.memory_space<vmem_shared>> -> memref<80x128xf32, #tpu.memory_space<vmem_shared>>
      %dma_start3A_204 = arith.constant 0 : i32
      %dma_start3A_205 = tpu.memref_slice %arg24[%add3A_27, %dma_start3A_204] : memref<10000x128xf32, #tpu.memory_space<vmem_shared>> -> memref<80x128xf32, #tpu.memory_space<vmem_shared>>
      tpu.enqueue_dma source(%arg22 : memref<80x128xf32, #tpu.memory_space<vmem>>) target(%dma_start3A_205 : memref<80x128xf32, #tpu.memory_space<vmem_shared>>) target_semaphore(%run_scoped3A : memref<!tpu.dma_semaphore, #tpu.memory_space<semaphore_mem>>)
      %dma_wait3A_206 = arith.constant 0 : i32
      %dma_wait3A_207 = tpu.memref_slice %arg24[%add3A_27, %dma_wait3A_206] : memref<10000x128xf32, #tpu.memory_space<vmem_shared>> -> memref<80x128xf32, #tpu.memory_space<vmem_shared>>
      %dma_wait3A_208 = arith.constant 0 : i32
      %dma_wait3A_209 = tpu.memref_slice %arg24[%add3A_27, %dma_wait3A_208] : memref<10000x128xf32, #tpu.memory_space<vmem_shared>> -> memref<80x128xf32, #tpu.memory_space<vmem_shared>>
      tpu.wait_dma2 semaphore(%run_scoped3A : memref<!tpu.dma_semaphore, #tpu.memory_space<semaphore_mem>>) src(%arg22 : memref<80x128xf32, #tpu.memory_space<vmem>>) dst(%dma_wait3A_209 : memref<80x128xf32, #tpu.memory_space<vmem_shared>>)
      tpu.yield
    }) : () -> ()
    %mul3A_28 = arith.constant 625 : i32
    %mul3A_29 = arith.muli %arg1, %mul3A_28 : i32
    %add3A_30 = arith.constant 480 : i32
    %add3A_31 = arith.addi %mul3A_29, %add3A_30 : i32
    "tpu.region"() ({
      %run_scoped3A = tpu.sem_alloc : memref<!tpu.dma_semaphore, #tpu.memory_space<semaphore_mem>>
      %dma_start3A_202 = arith.constant 0 : i32
      %dma_start3A_203 = tpu.memref_slice %arg24[%add3A_31, %dma_start3A_202] : memref<10000x128xf32, #tpu.memory_space<vmem_shared>> -> memref<80x128xf32, #tpu.memory_space<vmem_shared>>
      %dma_start3A_204 = arith.constant 0 : i32
      %dma_start3A_205 = tpu.memref_slice %arg24[%add3A_31, %dma_start3A_204] : memref<10000x128xf32, #tpu.memory_space<vmem_shared>> -> memref<80x128xf32, #tpu.memory_space<vmem_shared>>
      tpu.enqueue_dma source(%arg22 : memref<80x128xf32, #tpu.memory_space<vmem>>) target(%dma_start3A_205 : memref<80x128xf32, #tpu.memory_space<vmem_shared>>) target_semaphore(%run_scoped3A : memref<!tpu.dma_semaphore, #tpu.memory_space<semaphore_mem>>)
      %dma_wait3A_206 = arith.constant 0 : i32
      %dma_wait3A_207 = tpu.memref_slice %arg24[%add3A_31, %dma_wait3A_206] : memref<10000x128xf32, #tpu.memory_space<vmem_shared>> -> memref<80x128xf32, #tpu.memory_space<vmem_shared>>
      %dma_wait3A_208 = arith.constant 0 : i32
      %dma_wait3A_209 = tpu.memref_slice %arg24[%add3A_31, %dma_wait3A_208] : memref<10000x128xf32, #tpu.memory_space<vmem_shared>> -> memref<80x128xf32, #tpu.memory_space<vmem_shared>>
      tpu.wait_dma2 semaphore(%run_scoped3A : memref<!tpu.dma_semaphore, #tpu.memory_space<semaphore_mem>>) src(%arg22 : memref<80x128xf32, #tpu.memory_space<vmem>>) dst(%dma_wait3A_209 : memref<80x128xf32, #tpu.memory_space<vmem_shared>>)
      tpu.yield
    }) : () -> ()
    %mul3A_32 = arith.constant 625 : i32
    %mul3A_33 = arith.muli %arg1, %mul3A_32 : i32
    %add3A_34 = arith.constant 560 : i32
    %add3A_35 = arith.addi %mul3A_33, %add3A_34 : i32
    "tpu.region"() ({
      %run_scoped3A = tpu.sem_alloc : memref<!tpu.dma_semaphore, #tpu.memory_space<semaphore_mem>>
      %dma_start3A_202 = arith.constant 0 : i32
      %dma_start3A_203 = arith.constant 0 : i32
      %dma_start3A_204 = tpu.memref_slice %arg22[%dma_start3A_202, %dma_start3A_203] : memref<80x128xf32, #tpu.memory_space<vmem>> -> memref<65x128xf32, #tpu.memory_space<vmem>>
      %dma_start3A_205 = arith.constant 0 : i32
      %dma_start3A_206 = tpu.memref_slice %arg24[%add3A_35, %dma_start3A_205] : memref<10000x128xf32, #tpu.memory_space<vmem_shared>> -> memref<65x128xf32, #tpu.memory_space<vmem_shared>>
      %dma_start3A_207 = arith.constant 0 : i32
      %dma_start3A_208 = tpu.memref_slice %arg24[%add3A_35, %dma_start3A_207] : memref<10000x128xf32, #tpu.memory_space<vmem_shared>> -> memref<65x128xf32, #tpu.memory_space<vmem_shared>>
      %dma_start3A_209 = arith.constant 0 : i32
      %dma_start3A_210 = arith.constant 0 : i32
      %dma_start3A_211 = tpu.memref_slice %arg22[%dma_start3A_209, %dma_start3A_210] : memref<80x128xf32, #tpu.memory_space<vmem>> -> memref<65x128xf32, #tpu.memory_space<vmem>>
      tpu.enqueue_dma source(%dma_start3A_211 : memref<65x128xf32, #tpu.memory_space<vmem>>) target(%dma_start3A_208 : memref<65x128xf32, #tpu.memory_space<vmem_shared>>) target_semaphore(%run_scoped3A : memref<!tpu.dma_semaphore, #tpu.memory_space<semaphore_mem>>)
      %dma_wait3A_212 = arith.constant 0 : i32
      %dma_wait3A_213 = arith.constant 0 : i32
      %dma_wait3A_214 = tpu.memref_slice %arg22[%dma_wait3A_212, %dma_wait3A_213] : memref<80x128xf32, #tpu.memory_space<vmem>> -> memref<65x128xf32, #tpu.memory_space<vmem>>
      %dma_wait3A_215 = arith.constant 0 : i32
      %dma_wait3A_216 = tpu.memref_slice %arg24[%add3A_35, %dma_wait3A_215] : memref<10000x128xf32, #tpu.memory_space<vmem_shared>> -> memref<65x128xf32, #tpu.memory_space<vmem_shared>>
      %dma_wait3A_217 = arith.constant 0 : i32
      %dma_wait3A_218 = tpu.memref_slice %arg24[%add3A_35, %dma_wait3A_217] : memref<10000x128xf32, #tpu.memory_space<vmem_shared>> -> memref<65x128xf32, #tpu.memory_space<vmem_shared>>
      %dma_wait3A_219 = arith.constant 0 : i32
      %dma_wait3A_220 = arith.constant 0 : i32
      %dma_wait3A_221 = tpu.memref_slice %arg22[%dma_wait3A_219, %dma_wait3A_220] : memref<80x128xf32, #tpu.memory_space<vmem>> -> memref<65x128xf32, #tpu.memory_space<vmem>>
      tpu.wait_dma2 semaphore(%run_scoped3A : memref<!tpu.dma_semaphore, #tpu.memory_space<semaphore_mem>>) src(%dma_wait3A_221 : memref<65x128xf32, #tpu.memory_space<vmem>>) dst(%dma_wait3A_218 : memref<65x128xf32, #tpu.memory_space<vmem_shared>>)
      tpu.yield
    }) : () -> ()
    %barrier3A = arith.constant 0 : index
    tpu.barrier barrier_id(%barrier3A)
    %add3A_36 = arith.constant 0 : i32
    %add3A_37 = arith.addi %mul3A_0, %add3A_36 : i32
    %dma_start3A = tpu.memref_slice %arg3[%add3A_37] : memref<320000xi32, #tpu.memory_space<hbm>> -> memref<80xi32, #tpu.memory_space<hbm>>
    %dma_start3A_38 = tpu.memref_slice %arg3[%add3A_37] : memref<320000xi32, #tpu.memory_space<hbm>> -> memref<80xi32, #tpu.memory_space<hbm>>
    tpu.enqueue_dma source(%dma_start3A_38 : memref<80xi32, #tpu.memory_space<hbm>>) target(%arg8 : memref<80xi32, #tpu.memory_space<vmem>>) target_semaphore(%arg25 : memref<!tpu.dma_semaphore, #tpu.memory_space<semaphore_mem>>)
    %dma_start3A_39 = tpu.memref_slice %arg4[%add3A_37] : memref<320000xi32, #tpu.memory_space<hbm>> -> memref<80xi32, #tpu.memory_space<hbm>>
    %dma_start3A_40 = tpu.memref_slice %arg4[%add3A_37] : memref<320000xi32, #tpu.memory_space<hbm>> -> memref<80xi32, #tpu.memory_space<hbm>>
    tpu.enqueue_dma source(%dma_start3A_40 : memref<80xi32, #tpu.memory_space<hbm>>) target(%arg10 : memref<80xi32, #tpu.memory_space<vmem>>) target_semaphore(%arg25 : memref<!tpu.dma_semaphore, #tpu.memory_space<semaphore_mem>>)
    %dma_start3A_41 = tpu.memref_slice %arg5[%add3A_37] : memref<320000xi32, #tpu.memory_space<hbm>> -> memref<80xi32, #tpu.memory_space<hbm>>
    %dma_start3A_42 = tpu.memref_slice %arg5[%add3A_37] : memref<320000xi32, #tpu.memory_space<hbm>> -> memref<80xi32, #tpu.memory_space<hbm>>
    tpu.enqueue_dma source(%dma_start3A_42 : memref<80xi32, #tpu.memory_space<hbm>>) target(%arg12 : memref<80xi32, #tpu.memory_space<vmem>>) target_semaphore(%arg25 : memref<!tpu.dma_semaphore, #tpu.memory_space<semaphore_mem>>)
    %add3A_43 = arith.constant 80 : i32
    %add3A_44 = arith.addi %mul3A_0, %add3A_43 : i32
    %dma_start3A_45 = tpu.memref_slice %arg3[%add3A_44] : memref<320000xi32, #tpu.memory_space<hbm>> -> memref<80xi32, #tpu.memory_space<hbm>>
    %dma_start3A_46 = tpu.memref_slice %arg3[%add3A_44] : memref<320000xi32, #tpu.memory_space<hbm>> -> memref<80xi32, #tpu.memory_space<hbm>>
    tpu.enqueue_dma source(%dma_start3A_46 : memref<80xi32, #tpu.memory_space<hbm>>) target(%arg9 : memref<80xi32, #tpu.memory_space<vmem>>) target_semaphore(%arg26 : memref<!tpu.dma_semaphore, #tpu.memory_space<semaphore_mem>>)
    %dma_start3A_47 = tpu.memref_slice %arg4[%add3A_44] : memref<320000xi32, #tpu.memory_space<hbm>> -> memref<80xi32, #tpu.memory_space<hbm>>
    %dma_start3A_48 = tpu.memref_slice %arg4[%add3A_44] : memref<320000xi32, #tpu.memory_space<hbm>> -> memref<80xi32, #tpu.memory_space<hbm>>
    tpu.enqueue_dma source(%dma_start3A_48 : memref<80xi32, #tpu.memory_space<hbm>>) target(%arg11 : memref<80xi32, #tpu.memory_space<vmem>>) target_semaphore(%arg26 : memref<!tpu.dma_semaphore, #tpu.memory_space<semaphore_mem>>)
    %dma_start3A_49 = tpu.memref_slice %arg5[%add3A_44] : memref<320000xi32, #tpu.memory_space<hbm>> -> memref<80xi32, #tpu.memory_space<hbm>>
    %dma_start3A_50 = tpu.memref_slice %arg5[%add3A_44] : memref<320000xi32, #tpu.memory_space<hbm>> -> memref<80xi32, #tpu.memory_space<hbm>>
    tpu.enqueue_dma source(%dma_start3A_50 : memref<80xi32, #tpu.memory_space<hbm>>) target(%arg13 : memref<80xi32, #tpu.memory_space<vmem>>) target_semaphore(%arg26 : memref<!tpu.dma_semaphore, #tpu.memory_space<semaphore_mem>>)
    %add3A_51 = arith.constant 0 : i32
    %add3A_52 = arith.addi %mul3A_0, %add3A_51 : i32
    %dma_wait3A = tpu.memref_slice %arg3[%add3A_52] : memref<320000xi32, #tpu.memory_space<hbm>> -> memref<80xi32, #tpu.memory_space<hbm>>
    %dma_wait3A_53 = tpu.memref_slice %arg3[%add3A_52] : memref<320000xi32, #tpu.memory_space<hbm>> -> memref<80xi32, #tpu.memory_space<hbm>>
    tpu.wait_dma2 semaphore(%arg25 : memref<!tpu.dma_semaphore, #tpu.memory_space<semaphore_mem>>) src(%dma_wait3A_53 : memref<80xi32, #tpu.memory_space<hbm>>) dst(%arg8 : memref<80xi32, #tpu.memory_space<vmem>>)
    %dma_wait3A_54 = tpu.memref_slice %arg4[%add3A_52] : memref<320000xi32, #tpu.memory_space<hbm>> -> memref<80xi32, #tpu.memory_space<hbm>>
    %dma_wait3A_55 = tpu.memref_slice %arg4[%add3A_52] : memref<320000xi32, #tpu.memory_space<hbm>> -> memref<80xi32, #tpu.memory_space<hbm>>
    tpu.wait_dma2 semaphore(%arg25 : memref<!tpu.dma_semaphore, #tpu.memory_space<semaphore_mem>>) src(%dma_wait3A_55 : memref<80xi32, #tpu.memory_space<hbm>>) dst(%arg10 : memref<80xi32, #tpu.memory_space<vmem>>)
    %dma_wait3A_56 = tpu.memref_slice %arg5[%add3A_52] : memref<320000xi32, #tpu.memory_space<hbm>> -> memref<80xi32, #tpu.memory_space<hbm>>
    %dma_wait3A_57 = tpu.memref_slice %arg5[%add3A_52] : memref<320000xi32, #tpu.memory_space<hbm>> -> memref<80xi32, #tpu.memory_space<hbm>>
    tpu.wait_dma2 semaphore(%arg25 : memref<!tpu.dma_semaphore, #tpu.memory_space<semaphore_mem>>) src(%dma_wait3A_57 : memref<80xi32, #tpu.memory_space<hbm>>) dst(%arg12 : memref<80xi32, #tpu.memory_space<vmem>>)
    %get3A = arith.constant 0 : index
    %get3A_58 = tpu.vector_load %arg8[%get3A] {strides = array<i32>} : memref<80xi32, #tpu.memory_space<vmem>>, vector<16xi32>,
    %get3A_59 = arith.constant 0 : index
    %get3A_60 = tpu.vector_load %arg12[%get3A_59] {strides = array<i32>} : memref<80xi32, #tpu.memory_space<vmem>>, vector<16xi32>,
    %get3A_61 = arith.constant 0 : index
    %get3A_62 = tpu.vector_load %arg10[%get3A_61] {strides = array<i32>} : memref<80xi32, #tpu.memory_space<vmem>>, vector<16xi32>,
    %mul3A_63 = arith.constant 2 : i32
    %mul3A_64 = vector.broadcast %mul3A_63 : i32 to vector<16xi32>
    %mul3A_65 = arith.muli %get3A_60, %mul3A_64 : vector<16xi32>
    %add3A_66 = vector.broadcast %arg0 : i32 to vector<16xi32>
    %add3A_67 = arith.addi %mul3A_65, %add3A_66 : vector<16xi32>
    %mul3A_68 = arith.constant 10000 : i32
    %mul3A_69 = vector.broadcast %mul3A_68 : i32 to vector<16xi32>
    %mul3A_70 = arith.muli %add3A_67, %mul3A_69 : vector<16xi32>
    %add3A_71 = arith.addi %mul3A_70, %get3A_58 : vector<16xi32>
    %swap3A = arith.constant 0 : index
    %swap3A_72 = tpu.vector_load %arg14[%swap3A] {strides = array<i32>} : memref<80xi32, #tpu.memory_space<vmem>>, vector<16xi32>,
    tpu.vector_store %arg14[%swap3A], %add3A_71 {strides = array<i32>} : memref<80xi32, #tpu.memory_space<vmem>>, vector<16xi32>,
    %mul3A_73 = arith.constant 16 : i32
    %mul3A_74 = vector.broadcast %mul3A_73 : i32 to vector<16xi32>
    %mul3A_75 = arith.muli %get3A_62, %mul3A_74 : vector<16xi32>
    %add3A_76 = arith.addi %mul3A_75, %get3A_60 : vector<16xi32>
    %swap3A_77 = arith.constant 0 : index
    %swap3A_78 = tpu.vector_load %arg16[%swap3A_77] {strides = array<i32>} : memref<80xi32, #tpu.memory_space<vmem>>, vector<16xi32>,
    tpu.vector_store %arg16[%swap3A_77], %add3A_76 {strides = array<i32>} : memref<80xi32, #tpu.memory_space<vmem>>, vector<16xi32>,
    %swap3A_79 = arith.constant 0 : index
    %swap3A_80 = tpu.vector_load %arg18[%swap3A_79] {strides = array<i32>} : memref<80xi32, #tpu.memory_space<vmem>>, vector<16xi32>,
    tpu.vector_store %arg18[%swap3A_79], %get3A_62 {strides = array<i32>} : memref<80xi32, #tpu.memory_space<vmem>>, vector<16xi32>,
    %get3A_81 = arith.constant 16 : index
    %get3A_82 = tpu.vector_load %arg8[%get3A_81] {strides = array<i32>} : memref<80xi32, #tpu.memory_space<vmem>>, vector<16xi32>,
    %get3A_83 = arith.constant 16 : index
    %get3A_84 = tpu.vector_load %arg12[%get3A_83] {strides = array<i32>} : memref<80xi32, #tpu.memory_space<vmem>>, vector<16xi32>,
    %get3A_85 = arith.constant 16 : index
    %get3A_86 = tpu.vector_load %arg10[%get3A_85] {strides = array<i32>} : memref<80xi32, #tpu.memory_space<vmem>>, vector<16xi32>,
    %mul3A_87 = arith.constant 2 : i32
    %mul3A_88 = vector.broadcast %mul3A_87 : i32 to vector<16xi32>
    %mul3A_89 = arith.muli %get3A_84, %mul3A_88 : vector<16xi32>
    %add3A_90 = vector.broadcast %arg0 : i32 to vector<16xi32>
    %add3A_91 = arith.addi %mul3A_89, %add3A_90 : vector<16xi32>
    %mul3A_92 = arith.constant 10000 : i32
    %mul3A_93 = vector.broadcast %mul3A_92 : i32 to vector<16xi32>
    %mul3A_94 = arith.muli %add3A_91, %mul3A_93 : vector<16xi32>
    %add3A_95 = arith.addi %mul3A_94, %get3A_82 : vector<16xi32>
    %swap3A_96 = arith.constant 16 : index
    %swap3A_97 = tpu.vector_load %arg14[%swap3A_96] {strides = array<i32>} : memref<80xi32, #tpu.memory_space<vmem>>, vector<16xi32>,
    tpu.vector_store %arg14[%swap3A_96], %add3A_95 {strides = array<i32>} : memref<80xi32, #tpu.memory_space<vmem>>, vector<16xi32>,
    %mul3A_98 = arith.constant 16 : i32
    %mul3A_99 = vector.broadcast %mul3A_98 : i32 to vector<16xi32>
    %mul3A_100 = arith.muli %get3A_86, %mul3A_99 : vector<16xi32>
    %add3A_101 = arith.addi %mul3A_100, %get3A_84 : vector<16xi32>
    %swap3A_102 = arith.constant 16 : index
    %swap3A_103 = tpu.vector_load %arg16[%swap3A_102] {strides = array<i32>} : memref<80xi32, #tpu.memory_space<vmem>>, vector<16xi32>,
    tpu.vector_store %arg16[%swap3A_102], %add3A_101 {strides = array<i32>} : memref<80xi32, #tpu.memory_space<vmem>>, vector<16xi32>,
    %swap3A_104 = arith.constant 16 : index
    %swap3A_105 = tpu.vector_load %arg18[%swap3A_104] {strides = array<i32>} : memref<80xi32, #tpu.memory_space<vmem>>, vector<16xi32>,
    tpu.vector_store %arg18[%swap3A_104], %get3A_86 {strides = array<i32>} : memref<80xi32, #tpu.memory_space<vmem>>, vector<16xi32>,
    %get3A_106 = arith.constant 32 : index
    %get3A_107 = tpu.vector_load %arg8[%get3A_106] {strides = array<i32>} : memref<80xi32, #tpu.memory_space<vmem>>, vector<16xi32>,
    %get3A_108 = arith.constant 32 : index
    %get3A_109 = tpu.vector_load %arg12[%get3A_108] {strides = array<i32>} : memref<80xi32, #tpu.memory_space<vmem>>, vector<16xi32>,
    %get3A_110 = arith.constant 32 : index
    %get3A_111 = tpu.vector_load %arg10[%get3A_110] {strides = array<i32>} : memref<80xi32, #tpu.memory_space<vmem>>, vector<16xi32>,
    %mul3A_112 = arith.constant 2 : i32
    %mul3A_113 = vector.broadcast %mul3A_112 : i32 to vector<16xi32>
    %mul3A_114 = arith.muli %get3A_109, %mul3A_113 : vector<16xi32>
    %add3A_115 = vector.broadcast %arg0 : i32 to vector<16xi32>
    %add3A_116 = arith.addi %mul3A_114, %add3A_115 : vector<16xi32>
    %mul3A_117 = arith.constant 10000 : i32
    %mul3A_118 = vector.broadcast %mul3A_117 : i32 to vector<16xi32>
    %mul3A_119 = arith.muli %add3A_116, %mul3A_118 : vector<16xi32>
    %add3A_120 = arith.addi %mul3A_119, %get3A_107 : vector<16xi32>
    %swap3A_121 = arith.constant 32 : index
    %swap3A_122 = tpu.vector_load %arg14[%swap3A_121] {strides = array<i32>} : memref<80xi32, #tpu.memory_space<vmem>>, vector<16xi32>,
    tpu.vector_store %arg14[%swap3A_121], %add3A_120 {strides = array<i32>} : memref<80xi32, #tpu.memory_space<vmem>>, vector<16xi32>,
    %mul3A_123 = arith.constant 16 : i32
    %mul3A_124 = vector.broadcast %mul3A_123 : i32 to vector<16xi32>
    %mul3A_125 = arith.muli %get3A_111, %mul3A_124 : vector<16xi32>
    %add3A_126 = arith.addi %mul3A_125, %get3A_109 : vector<16xi32>
    %swap3A_127 = arith.constant 32 : index
    %swap3A_128 = tpu.vector_load %arg16[%swap3A_127] {strides = array<i32>} : memref<80xi32, #tpu.memory_space<vmem>>, vector<16xi32>,
    tpu.vector_store %arg16[%swap3A_127], %add3A_126 {strides = array<i32>} : memref<80xi32, #tpu.memory_space<vmem>>, vector<16xi32>,
    %swap3A_129 = arith.constant 32 : index
    %swap3A_130 = tpu.vector_load %arg18[%swap3A_129] {strides = array<i32>} : memref<80xi32, #tpu.memory_space<vmem>>, vector<16xi32>,
    tpu.vector_store %arg18[%swap3A_129], %get3A_111 {strides = array<i32>} : memref<80xi32, #tpu.memory_space<vmem>>, vector<16xi32>,
    %get3A_131 = arith.constant 48 : index
    %get3A_132 = tpu.vector_load %arg8[%get3A_131] {strides = array<i32>} : memref<80xi32, #tpu.memory_space<vmem>>, vector<16xi32>,
    %get3A_133 = arith.constant 48 : index
    %get3A_134 = tpu.vector_load %arg12[%get3A_133] {strides = array<i32>} : memref<80xi32, #tpu.memory_space<vmem>>, vector<16xi32>,
    %get3A_135 = arith.constant 48 : index
    %get3A_136 = tpu.vector_load %arg10[%get3A_135] {strides = array<i32>} : memref<80xi32, #tpu.memory_space<vmem>>, vector<16xi32>,
    %mul3A_137 = arith.constant 2 : i32
    %mul3A_138 = vector.broadcast %mul3A_137 : i32 to vector<16xi32>
    %mul3A_139 = arith.muli %get3A_134, %mul3A_138 : vector<16xi32>
    %add3A_140 = vector.broadcast %arg0 : i32 to vector<16xi32>
    %add3A_141 = arith.addi %mul3A_139, %add3A_140 : vector<16xi32>
    %mul3A_142 = arith.constant 10000 : i32
    %mul3A_143 = vector.broadcast %mul3A_142 : i32 to vector<16xi32>
    %mul3A_144 = arith.muli %add3A_141, %mul3A_143 : vector<16xi32>
    %add3A_145 = arith.addi %mul3A_144, %get3A_132 : vector<16xi32>
    %swap3A_146 = arith.constant 48 : index
    %swap3A_147 = tpu.vector_load %arg14[%swap3A_146] {strides = array<i32>} : memref<80xi32, #tpu.memory_space<vmem>>, vector<16xi32>,
    tpu.vector_store %arg14[%swap3A_146], %add3A_145 {strides = array<i32>} : memref<80xi32, #tpu.memory_space<vmem>>, vector<16xi32>,
    %mul3A_148 = arith.constant 16 : i32
    %mul3A_149 = vector.broadcast %mul3A_148 : i32 to vector<16xi32>
    %mul3A_150 = arith.muli %get3A_136, %mul3A_149 : vector<16xi32>
    %add3A_151 = arith.addi %mul3A_150, %get3A_134 : vector<16xi32>
    %swap3A_152 = arith.constant 48 : index
    %swap3A_153 = tpu.vector_load %arg16[%swap3A_152] {strides = array<i32>} : memref<80xi32, #tpu.memory_space<vmem>>, vector<16xi32>,
    tpu.vector_store %arg16[%swap3A_152], %add3A_151 {strides = array<i32>} : memref<80xi32, #tpu.memory_space<vmem>>, vector<16xi32>,
    %swap3A_154 = arith.constant 48 : index
    %swap3A_155 = tpu.vector_load %arg18[%swap3A_154] {strides = array<i32>} : memref<80xi32, #tpu.memory_space<vmem>>, vector<16xi32>,
    tpu.vector_store %arg18[%swap3A_154], %get3A_136 {strides = array<i32>} : memref<80xi32, #tpu.memory_space<vmem>>, vector<16xi32>,
    %get3A_156 = arith.constant 64 : index
    %get3A_157 = tpu.vector_load %arg8[%get3A_156] {strides = array<i32>} : memref<80xi32, #tpu.memory_space<vmem>>, vector<16xi32>,
    %get3A_158 = arith.constant 64 : index
    %get3A_159 = tpu.vector_load %arg12[%get3A_158] {strides = array<i32>} : memref<80xi32, #tpu.memory_space<vmem>>, vector<16xi32>,
    %get3A_160 = arith.constant 64 : index
    %get3A_161 = tpu.vector_load %arg10[%get3A_160] {strides = array<i32>} : memref<80xi32, #tpu.memory_space<vmem>>, vector<16xi32>,
    %mul3A_162 = arith.constant 2 : i32
    %mul3A_163 = vector.broadcast %mul3A_162 : i32 to vector<16xi32>
    %mul3A_164 = arith.muli %get3A_159, %mul3A_163 : vector<16xi32>
    %add3A_165 = vector.broadcast %arg0 : i32 to vector<16xi32>
    %add3A_166 = arith.addi %mul3A_164, %add3A_165 : vector<16xi32>
    %mul3A_167 = arith.constant 10000 : i32
    %mul3A_168 = vector.broadcast %mul3A_167 : i32 to vector<16xi32>
    %mul3A_169 = arith.muli %add3A_166, %mul3A_168 : vector<16xi32>
    %add3A_170 = arith.addi %mul3A_169, %get3A_157 : vector<16xi32>
    %swap3A_171 = arith.constant 64 : index
    %swap3A_172 = tpu.vector_load %arg14[%swap3A_171] {strides = array<i32>} : memref<80xi32, #tpu.memory_space<vmem>>, vector<16xi32>,
    tpu.vector_store %arg14[%swap3A_171], %add3A_170 {strides = array<i32>} : memref<80xi32, #tpu.memory_space<vmem>>, vector<16xi32>,
    %mul3A_173 = arith.constant 16 : i32
    %mul3A_174 = vector.broadcast %mul3A_173 : i32 to vector<16xi32>
    %mul3A_175 = arith.muli %get3A_161, %mul3A_174 : vector<16xi32>
    %add3A_176 = arith.addi %mul3A_175, %get3A_159 : vector<16xi32>
    %swap3A_177 = arith.constant 64 : index
    %swap3A_178 = tpu.vector_load %arg16[%swap3A_177] {strides = array<i32>} : memref<80xi32, #tpu.memory_space<vmem>>, vector<16xi32>,
    tpu.vector_store %arg16[%swap3A_177], %add3A_176 {strides = array<i32>} : memref<80xi32, #tpu.memory_space<vmem>>, vector<16xi32>,
    %swap3A_179 = arith.constant 64 : index
    %swap3A_180 = tpu.vector_load %arg18[%swap3A_179] {strides = array<i32>} : memref<80xi32, #tpu.memory_space<vmem>>, vector<16xi32>,
    tpu.vector_store %arg18[%swap3A_179], %get3A_161 {strides = array<i32>} : memref<80xi32, #tpu.memory_space<vmem>>, vector<16xi32>,
    %dma_start3A_181 = arith.constant 0 : i32
    %dma_start3A_182 = arith.constant 0 : i32
    %dma_start3A_183 = tpu.memref_slice %arg2[%dma_start3A_181, %dma_start3A_182] : memref<320000x128xf32, #tpu.memory_space<hbm>> -> memref<320000x128xf32, #tpu.memory_space<hbm>>
    tpu.enqueue_indirect_dma source(%dma_start3A_183 : memref<320000x128xf32, #tpu.memory_space<hbm>>) target(%arg22 : memref<80x128xf32, #tpu.memory_space<vmem>>) offsets(%arg14 : memref<80xi32, #tpu.memory_space<vmem>>) semaphore(%arg27 : memref<!tpu.dma_semaphore, #tpu.memory_space<semaphore_mem>>)
    %dma_start3A_184 = arith.constant 0 : i32
    %dma_start3A_185 = tpu.memref_slice %arg6[%dma_start3A_184] : memref<160000xf32, #tpu.memory_space<hbm>> -> memref<160000xf32, #tpu.memory_space<hbm>>
    tpu.enqueue_indirect_dma source(%dma_start3A_185 : memref<160000xf32, #tpu.memory_space<hbm>>) target(%arg20 : memref<80xf32, #tpu.memory_space<vmem>>) offsets(%arg16 : memref<80xi32, #tpu.memory_space<vmem>>) semaphore(%arg29 : memref<!tpu.dma_semaphore, #tpu.memory_space<semaphore_mem>>)
    %scan3A_186 = arith.constant 0 : i32
    %scan3A_187 = arith.constant 125 : i32
    %scan3A_188 = arith.addi %scan3A_186, %scan3A_187 : i32
    %scan3A_189 = arith.constant 1 : i32
    scf.for %scan3A_202 = %scan3A_186 to %scan3A_188 step %scan3A_189  : i32 {
      %mul3A_203 = arith.constant 2 : i32
      %mul3A_204 = arith.muli %mul3A_203, %scan3A_202 : i32
      %add3A_205 = arith.constant 0 : i32
      %add3A_206 = arith.addi %mul3A_204, %add3A_205 : i32
      %add3A_207 = arith.constant 1 : i32
      %add3A_208 = arith.addi %add3A_206, %add3A_207 : i32
      %lt3A = arith.constant 250 : i32
      %lt3A_209 = arith.cmpi slt, %add3A_208, %lt3A : i32
      %convert_element_type3A = arith.extui %lt3A_209 : i1 to i32
      %cond3A = arith.constant 0 : i32
      %cond3A_210 = arith.cmpi ne, %convert_element_type3A, %cond3A : i32
      scf.if %cond3A_210 {
        %add3A_250 = arith.constant 1 : i32
        %add3A_251 = arith.addi %add3A_206, %add3A_250 : i32
        %mul3A_252 = arith.constant 80 : i32
        %mul3A_253 = arith.muli %add3A_251, %mul3A_252 : i32
        %add3A_254 = arith.addi %mul3A_0, %mul3A_253 : i32
        %dma_wait3A_255 = tpu.memref_slice %arg3[%add3A_254] : memref<320000xi32, #tpu.memory_space<hbm>> -> memref<80xi32, #tpu.memory_space<hbm>>
        %dma_wait3A_256 = tpu.memref_slice %arg3[%add3A_254] : memref<320000xi32, #tpu.memory_space<hbm>> -> memref<80xi32, #tpu.memory_space<hbm>>
        tpu.wait_dma2 semaphore(%arg26 : memref<!tpu.dma_semaphore, #tpu.memory_space<semaphore_mem>>) src(%dma_wait3A_256 : memref<80xi32, #tpu.memory_space<hbm>>) dst(%arg9 : memref<80xi32, #tpu.memory_space<vmem>>)
        %dma_wait3A_257 = tpu.memref_slice %arg4[%add3A_254] : memref<320000xi32, #tpu.memory_space<hbm>> -> memref<80xi32, #tpu.memory_space<hbm>>
        %dma_wait3A_258 = tpu.memref_slice %arg4[%add3A_254] : memref<320000xi32, #tpu.memory_space<hbm>> -> memref<80xi32, #tpu.memory_space<hbm>>
        tpu.wait_dma2 semaphore(%arg26 : memref<!tpu.dma_semaphore, #tpu.memory_space<semaphore_mem>>) src(%dma_wait3A_258 : memref<80xi32, #tpu.memory_space<hbm>>) dst(%arg11 : memref<80xi32, #tpu.memory_space<vmem>>)
        %dma_wait3A_259 = tpu.memref_slice %arg5[%add3A_254] : memref<320000xi32, #tpu.memory_space<hbm>> -> memref<80xi32, #tpu.memory_space<hbm>>
        %dma_wait3A_260 = tpu.memref_slice %arg5[%add3A_254] : memref<320000xi32, #tpu.memory_space<hbm>> -> memref<80xi32, #tpu.memory_space<hbm>>
        tpu.wait_dma2 semaphore(%arg26 : memref<!tpu.dma_semaphore, #tpu.memory_space<semaphore_mem>>) src(%dma_wait3A_260 : memref<80xi32, #tpu.memory_space<hbm>>) dst(%arg13 : memref<80xi32, #tpu.memory_space<vmem>>)
        %ge3A = arith.constant 2 : i32
        %ge3A_261 = arith.cmpi sge, %add3A_251, %ge3A : i32
        %convert_element_type3A_262 = arith.extui %ge3A_261 : i1 to i32
        %cond3A_263 = arith.constant 0 : i32
        %cond3A_264 = arith.cmpi ne, %convert_element_type3A_262, %cond3A_263 : i32
        scf.if %cond3A_264 {
          %dma_wait3A_395 = arith.constant 0 : i32
          %dma_wait3A_396 = arith.constant 0 : i32
          %dma_wait3A_397 = tpu.memref_slice %arg24[%dma_wait3A_395, %dma_wait3A_396] : memref<10000x128xf32, #tpu.memory_space<vmem_shared>> -> memref<10000x128xf32, #tpu.memory_space<vmem_shared>>
          tpu.wait_indirect_dma semaphore(%arg32 : memref<!tpu.dma_semaphore, #tpu.memory_space<semaphore_mem>>) src(%arg23 : memref<80x128xf32, #tpu.memory_space<vmem>>) dst(%dma_wait3A_397 : memref<10000x128xf32, #tpu.memory_space<vmem_shared>>)
        } else {
        }
        %get3A_265 = arith.constant 0 : index
        %get3A_266 = tpu.vector_load %arg9[%get3A_265] {strides = array<i32>} : memref<80xi32, #tpu.memory_space<vmem>>, vector<16xi32>,
        %get3A_267 = arith.constant 0 : index
        %get3A_268 = tpu.vector_load %arg13[%get3A_267] {strides = array<i32>} : memref<80xi32, #tpu.memory_space<vmem>>, vector<16xi32>,
        %get3A_269 = arith.constant 0 : index
        %get3A_270 = tpu.vector_load %arg11[%get3A_269] {strides = array<i32>} : memref<80xi32, #tpu.memory_space<vmem>>, vector<16xi32>,
        %mul3A_271 = arith.constant 2 : i32
        %mul3A_272 = vector.broadcast %mul3A_271 : i32 to vector<16xi32>
        %mul3A_273 = arith.muli %get3A_268, %mul3A_272 : vector<16xi32>
        %add3A_274 = vector.broadcast %arg0 : i32 to vector<16xi32>
        %add3A_275 = arith.addi %mul3A_273, %add3A_274 : vector<16xi32>
        %mul3A_276 = arith.constant 10000 : i32
        %mul3A_277 = vector.broadcast %mul3A_276 : i32 to vector<16xi32>
        %mul3A_278 = arith.muli %add3A_275, %mul3A_277 : vector<16xi32>
        %add3A_279 = arith.addi %mul3A_278, %get3A_266 : vector<16xi32>
        %swap3A_280 = arith.constant 0 : index
        %swap3A_281 = tpu.vector_load %arg15[%swap3A_280] {strides = array<i32>} : memref<80xi32, #tpu.memory_space<vmem>>, vector<16xi32>,
        tpu.vector_store %arg15[%swap3A_280], %add3A_279 {strides = array<i32>} : memref<80xi32, #tpu.memory_space<vmem>>, vector<16xi32>,
        %mul3A_282 = arith.constant 16 : i32
        %mul3A_283 = vector.broadcast %mul3A_282 : i32 to vector<16xi32>
        %mul3A_284 = arith.muli %get3A_270, %mul3A_283 : vector<16xi32>
        %add3A_285 = arith.addi %mul3A_284, %get3A_268 : vector<16xi32>
        %swap3A_286 = arith.constant 0 : index
        %swap3A_287 = tpu.vector_load %arg17[%swap3A_286] {strides = array<i32>} : memref<80xi32, #tpu.memory_space<vmem>>, vector<16xi32>,
        tpu.vector_store %arg17[%swap3A_286], %add3A_285 {strides = array<i32>} : memref<80xi32, #tpu.memory_space<vmem>>, vector<16xi32>,
        %swap3A_288 = arith.constant 0 : index
        %swap3A_289 = tpu.vector_load %arg19[%swap3A_288] {strides = array<i32>} : memref<80xi32, #tpu.memory_space<vmem>>, vector<16xi32>,
        tpu.vector_store %arg19[%swap3A_288], %get3A_270 {strides = array<i32>} : memref<80xi32, #tpu.memory_space<vmem>>, vector<16xi32>,
        %get3A_290 = arith.constant 16 : index
        %get3A_291 = tpu.vector_load %arg9[%get3A_290] {strides = array<i32>} : memref<80xi32, #tpu.memory_space<vmem>>, vector<16xi32>,
        %get3A_292 = arith.constant 16 : index
        %get3A_293 = tpu.vector_load %arg13[%get3A_292] {strides = array<i32>} : memref<80xi32, #tpu.memory_space<vmem>>, vector<16xi32>,
        %get3A_294 = arith.constant 16 : index
        %get3A_295 = tpu.vector_load %arg11[%get3A_294] {strides = array<i32>} : memref<80xi32, #tpu.memory_space<vmem>>, vector<16xi32>,
        %mul3A_296 = arith.constant 2 : i32
        %mul3A_297 = vector.broadcast %mul3A_296 : i32 to vector<16xi32>
        %mul3A_298 = arith.muli %get3A_293, %mul3A_297 : vector<16xi32>
        %add3A_299 = vector.broadcast %arg0 : i32 to vector<16xi32>
        %add3A_300 = arith.addi %mul3A_298, %add3A_299 : vector<16xi32>
        %mul3A_301 = arith.constant 10000 : i32
        %mul3A_302 = vector.broadcast %mul3A_301 : i32 to vector<16xi32>
        %mul3A_303 = arith.muli %add3A_300, %mul3A_302 : vector<16xi32>
        %add3A_304 = arith.addi %mul3A_303, %get3A_291 : vector<16xi32>
        %swap3A_305 = arith.constant 16 : index
        %swap3A_306 = tpu.vector_load %arg15[%swap3A_305] {strides = array<i32>} : memref<80xi32, #tpu.memory_space<vmem>>, vector<16xi32>,
        tpu.vector_store %arg15[%swap3A_305], %add3A_304 {strides = array<i32>} : memref<80xi32, #tpu.memory_space<vmem>>, vector<16xi32>,
        %mul3A_307 = arith.constant 16 : i32
        %mul3A_308 = vector.broadcast %mul3A_307 : i32 to vector<16xi32>
        %mul3A_309 = arith.muli %get3A_295, %mul3A_308 : vector<16xi32>
        %add3A_310 = arith.addi %mul3A_309, %get3A_293 : vector<16xi32>
        %swap3A_311 = arith.constant 16 : index
        %swap3A_312 = tpu.vector_load %arg17[%swap3A_311] {strides = array<i32>} : memref<80xi32, #tpu.memory_space<vmem>>, vector<16xi32>,
        tpu.vector_store %arg17[%swap3A_311], %add3A_310 {strides = array<i32>} : memref<80xi32, #tpu.memory_space<vmem>>, vector<16xi32>,
        %swap3A_313 = arith.constant 16 : index
        %swap3A_314 = tpu.vector_load %arg19[%swap3A_313] {strides = array<i32>} : memref<80xi32, #tpu.memory_space<vmem>>, vector<16xi32>,
        tpu.vector_store %arg19[%swap3A_313], %get3A_295 {strides = array<i32>} : memref<80xi32, #tpu.memory_space<vmem>>, vector<16xi32>,
        %get3A_315 = arith.constant 32 : index
        %get3A_316 = tpu.vector_load %arg9[%get3A_315] {strides = array<i32>} : memref<80xi32, #tpu.memory_space<vmem>>, vector<16xi32>,
        %get3A_317 = arith.constant 32 : index
        %get3A_318 = tpu.vector_load %arg13[%get3A_317] {strides = array<i32>} : memref<80xi32, #tpu.memory_space<vmem>>, vector<16xi32>,
        %get3A_319 = arith.constant 32 : index
        %get3A_320 = tpu.vector_load %arg11[%get3A_319] {strides = array<i32>} : memref<80xi32, #tpu.memory_space<vmem>>, vector<16xi32>,
        %mul3A_321 = arith.constant 2 : i32
        %mul3A_322 = vector.broadcast %mul3A_321 : i32 to vector<16xi32>
        %mul3A_323 = arith.muli %get3A_318, %mul3A_322 : vector<16xi32>
        %add3A_324 = vector.broadcast %arg0 : i32 to vector<16xi32>
        %add3A_325 = arith.addi %mul3A_323, %add3A_324 : vector<16xi32>
        %mul3A_326 = arith.constant 10000 : i32
        %mul3A_327 = vector.broadcast %mul3A_326 : i32 to vector<16xi32>
        %mul3A_328 = arith.muli %add3A_325, %mul3A_327 : vector<16xi32>
        %add3A_329 = arith.addi %mul3A_328, %get3A_316 : vector<16xi32>
        %swap3A_330 = arith.constant 32 : index
        %swap3A_331 = tpu.vector_load %arg15[%swap3A_330] {strides = array<i32>} : memref<80xi32, #tpu.memory_space<vmem>>, vector<16xi32>,
        tpu.vector_store %arg15[%swap3A_330], %add3A_329 {strides = array<i32>} : memref<80xi32, #tpu.memory_space<vmem>>, vector<16xi32>,
        %mul3A_332 = arith.constant 16 : i32
        %mul3A_333 = vector.broadcast %mul3A_332 : i32 to vector<16xi32>
        %mul3A_334 = arith.muli %get3A_320, %mul3A_333 : vector<16xi32>
        %add3A_335 = arith.addi %mul3A_334, %get3A_318 : vector<16xi32>
        %swap3A_336 = arith.constant 32 : index
        %swap3A_337 = tpu.vector_load %arg17[%swap3A_336] {strides = array<i32>} : memref<80xi32, #tpu.memory_space<vmem>>, vector<16xi32>,
        tpu.vector_store %arg17[%swap3A_336], %add3A_335 {strides = array<i32>} : memref<80xi32, #tpu.memory_space<vmem>>, vector<16xi32>,
        %swap3A_338 = arith.constant 32 : index
        %swap3A_339 = tpu.vector_load %arg19[%swap3A_338] {strides = array<i32>} : memref<80xi32, #tpu.memory_space<vmem>>, vector<16xi32>,
        tpu.vector_store %arg19[%swap3A_338], %get3A_320 {strides = array<i32>} : memref<80xi32, #tpu.memory_space<vmem>>, vector<16xi32>,
        %get3A_340 = arith.constant 48 : index
        %get3A_341 = tpu.vector_load %arg9[%get3A_340] {strides = array<i32>} : memref<80xi32, #tpu.memory_space<vmem>>, vector<16xi32>,
        %get3A_342 = arith.constant 48 : index
        %get3A_343 = tpu.vector_load %arg13[%get3A_342] {strides = array<i32>} : memref<80xi32, #tpu.memory_space<vmem>>, vector<16xi32>,
        %get3A_344 = arith.constant 48 : index
        %get3A_345 = tpu.vector_load %arg11[%get3A_344] {strides = array<i32>} : memref<80xi32, #tpu.memory_space<vmem>>, vector<16xi32>,
        %mul3A_346 = arith.constant 2 : i32
        %mul3A_347 = vector.broadcast %mul3A_346 : i32 to vector<16xi32>
        %mul3A_348 = arith.muli %get3A_343, %mul3A_347 : vector<16xi32>
        %add3A_349 = vector.broadcast %arg0 : i32 to vector<16xi32>
        %add3A_350 = arith.addi %mul3A_348, %add3A_349 : vector<16xi32>
        %mul3A_351 = arith.constant 10000 : i32
        %mul3A_352 = vector.broadcast %mul3A_351 : i32 to vector<16xi32>
        %mul3A_353 = arith.muli %add3A_350, %mul3A_352 : vector<16xi32>
        %add3A_354 = arith.addi %mul3A_353, %get3A_341 : vector<16xi32>
        %swap3A_355 = arith.constant 48 : index
        %swap3A_356 = tpu.vector_load %arg15[%swap3A_355] {strides = array<i32>} : memref<80xi32, #tpu.memory_space<vmem>>, vector<16xi32>,
        tpu.vector_store %arg15[%swap3A_355], %add3A_354 {strides = array<i32>} : memref<80xi32, #tpu.memory_space<vmem>>, vector<16xi32>,
        %mul3A_357 = arith.constant 16 : i32
        %mul3A_358 = vector.broadcast %mul3A_357 : i32 to vector<16xi32>
        %mul3A_359 = arith.muli %get3A_345, %mul3A_358 : vector<16xi32>
        %add3A_360 = arith.addi %mul3A_359, %get3A_343 : vector<16xi32>
        %swap3A_361 = arith.constant 48 : index
        %swap3A_362 = tpu.vector_load %arg17[%swap3A_361] {strides = array<i32>} : memref<80xi32, #tpu.memory_space<vmem>>, vector<16xi32>,
        tpu.vector_store %arg17[%swap3A_361], %add3A_360 {strides = array<i32>} : memref<80xi32, #tpu.memory_space<vmem>>, vector<16xi32>,
        %swap3A_363 = arith.constant 48 : index
        %swap3A_364 = tpu.vector_load %arg19[%swap3A_363] {strides = array<i32>} : memref<80xi32, #tpu.memory_space<vmem>>, vector<16xi32>,
        tpu.vector_store %arg19[%swap3A_363], %get3A_345 {strides = array<i32>} : memref<80xi32, #tpu.memory_space<vmem>>, vector<16xi32>,
        %get3A_365 = arith.constant 64 : index
        %get3A_366 = tpu.vector_load %arg9[%get3A_365] {strides = array<i32>} : memref<80xi32, #tpu.memory_space<vmem>>, vector<16xi32>,
        %get3A_367 = arith.constant 64 : index
        %get3A_368 = tpu.vector_load %arg13[%get3A_367] {strides = array<i32>} : memref<80xi32, #tpu.memory_space<vmem>>, vector<16xi32>,
        %get3A_369 = arith.constant 64 : index
        %get3A_370 = tpu.vector_load %arg11[%get3A_369] {strides = array<i32>} : memref<80xi32, #tpu.memory_space<vmem>>, vector<16xi32>,
        %mul3A_371 = arith.constant 2 : i32
        %mul3A_372 = vector.broadcast %mul3A_371 : i32 to vector<16xi32>
        %mul3A_373 = arith.muli %get3A_368, %mul3A_372 : vector<16xi32>
        %add3A_374 = vector.broadcast %arg0 : i32 to vector<16xi32>
        %add3A_375 = arith.addi %mul3A_373, %add3A_374 : vector<16xi32>
        %mul3A_376 = arith.constant 10000 : i32
        %mul3A_377 = vector.broadcast %mul3A_376 : i32 to vector<16xi32>
        %mul3A_378 = arith.muli %add3A_375, %mul3A_377 : vector<16xi32>
        %add3A_379 = arith.addi %mul3A_378, %get3A_366 : vector<16xi32>
        %swap3A_380 = arith.constant 64 : index
        %swap3A_381 = tpu.vector_load %arg15[%swap3A_380] {strides = array<i32>} : memref<80xi32, #tpu.memory_space<vmem>>, vector<16xi32>,
        tpu.vector_store %arg15[%swap3A_380], %add3A_379 {strides = array<i32>} : memref<80xi32, #tpu.memory_space<vmem>>, vector<16xi32>,
        %mul3A_382 = arith.constant 16 : i32
        %mul3A_383 = vector.broadcast %mul3A_382 : i32 to vector<16xi32>
        %mul3A_384 = arith.muli %get3A_370, %mul3A_383 : vector<16xi32>
        %add3A_385 = arith.addi %mul3A_384, %get3A_368 : vector<16xi32>
        %swap3A_386 = arith.constant 64 : index
        %swap3A_387 = tpu.vector_load %arg17[%swap3A_386] {strides = array<i32>} : memref<80xi32, #tpu.memory_space<vmem>>, vector<16xi32>,
        tpu.vector_store %arg17[%swap3A_386], %add3A_385 {strides = array<i32>} : memref<80xi32, #tpu.memory_space<vmem>>, vector<16xi32>,
        %swap3A_388 = arith.constant 64 : index
        %swap3A_389 = tpu.vector_load %arg19[%swap3A_388] {strides = array<i32>} : memref<80xi32, #tpu.memory_space<vmem>>, vector<16xi32>,
        tpu.vector_store %arg19[%swap3A_388], %get3A_370 {strides = array<i32>} : memref<80xi32, #tpu.memory_space<vmem>>, vector<16xi32>,
        %dma_start3A_390 = arith.constant 0 : i32
        %dma_start3A_391 = arith.constant 0 : i32
        %dma_start3A_392 = tpu.memref_slice %arg2[%dma_start3A_390, %dma_start3A_391] : memref<320000x128xf32, #tpu.memory_space<hbm>> -> memref<320000x128xf32, #tpu.memory_space<hbm>>
        tpu.enqueue_indirect_dma source(%dma_start3A_392 : memref<320000x128xf32, #tpu.memory_space<hbm>>) target(%arg23 : memref<80x128xf32, #tpu.memory_space<vmem>>) offsets(%arg15 : memref<80xi32, #tpu.memory_space<vmem>>) semaphore(%arg28 : memref<!tpu.dma_semaphore, #tpu.memory_space<semaphore_mem>>)
        %dma_start3A_393 = arith.constant 0 : i32
        %dma_start3A_394 = tpu.memref_slice %arg6[%dma_start3A_393] : memref<160000xf32, #tpu.memory_space<hbm>> -> memref<160000xf32, #tpu.memory_space<hbm>>
        tpu.enqueue_indirect_dma source(%dma_start3A_394 : memref<160000xf32, #tpu.memory_space<hbm>>) target(%arg21 : memref<80xf32, #tpu.memory_space<vmem>>) offsets(%arg17 : memref<80xi32, #tpu.memory_space<vmem>>) semaphore(%arg30 : memref<!tpu.dma_semaphore, #tpu.memory_space<semaphore_mem>>)
      } else {
      }
      %dma_wait3A_211 = arith.constant 0 : i32
      %dma_wait3A_212 = arith.constant 0 : i32
      %dma_wait3A_213 = tpu.memref_slice %arg2[%dma_wait3A_211, %dma_wait3A_212] : memref<320000x128xf32, #tpu.memory_space<hbm>> -> memref<320000x128xf32, #tpu.memory_space<hbm>>
      tpu.wait_indirect_dma semaphore(%arg27 : memref<!tpu.dma_semaphore, #tpu.memory_space<semaphore_mem>>) src(%dma_wait3A_213 : memref<320000x128xf32, #tpu.memory_space<hbm>>) dst(%arg22 : memref<80x128xf32, #tpu.memory_space<vmem>>)
      %dma_wait3A_214 = arith.constant 0 : i32
      %dma_wait3A_215 = tpu.memref_slice %arg6[%dma_wait3A_214] : memref<160000xf32, #tpu.memory_space<hbm>> -> memref<160000xf32, #tpu.memory_space<hbm>>
      tpu.wait_indirect_dma semaphore(%arg29 : memref<!tpu.dma_semaphore, #tpu.memory_space<semaphore_mem>>) src(%dma_wait3A_215 : memref<160000xf32, #tpu.memory_space<hbm>>) dst(%arg20 : memref<80xf32, #tpu.memory_space<vmem>>)
      %dma_start3A_216 = arith.constant 0 : i32
      %dma_start3A_217 = arith.constant 0 : i32
      %dma_start3A_218 = tpu.memref_slice %arg24[%dma_start3A_216, %dma_start3A_217] : memref<10000x128xf32, #tpu.memory_space<vmem_shared>> -> memref<10000x128xf32, #tpu.memory_space<vmem_shared>>
      tpu.enqueue_indirect_dma source(%arg22 : memref<80x128xf32, #tpu.memory_space<vmem>>) target(%dma_start3A_218 : memref<10000x128xf32, #tpu.memory_space<vmem_shared>>) offsets(%arg18 : memref<80xi32, #tpu.memory_space<vmem>>) semaphore(%arg31 : memref<!tpu.dma_semaphore, #tpu.memory_space<semaphore_mem>>) {add = true}
      %add3A_219 = arith.constant 2 : i32
      %add3A_220 = arith.addi %add3A_206, %add3A_219 : i32
      %lt3A_221 = arith.constant 250 : i32
      %lt3A_222 = arith.cmpi slt, %add3A_220, %lt3A_221 : i32
      %convert_element_type3A_223 = arith.extui %lt3A_222 : i1 to i32
      %cond3A_224 = arith.constant 0 : i32
      %cond3A_225 = arith.cmpi ne, %convert_element_type3A_223, %cond3A_224 : i32
      scf.if %cond3A_225 {
        %add3A_250 = arith.constant 2 : i32
        %add3A_251 = arith.addi %add3A_206, %add3A_250 : i32
        %mul3A_252 = arith.constant 80 : i32
        %mul3A_253 = arith.muli %add3A_251, %mul3A_252 : i32
        %add3A_254 = arith.addi %mul3A_0, %mul3A_253 : i32
        %dma_start3A_255 = tpu.memref_slice %arg3[%add3A_254] : memref<320000xi32, #tpu.memory_space<hbm>> -> memref<80xi32, #tpu.memory_space<hbm>>
        %dma_start3A_256 = tpu.memref_slice %arg3[%add3A_254] : memref<320000xi32, #tpu.memory_space<hbm>> -> memref<80xi32, #tpu.memory_space<hbm>>
        tpu.enqueue_dma source(%dma_start3A_256 : memref<80xi32, #tpu.memory_space<hbm>>) target(%arg8 : memref<80xi32, #tpu.memory_space<vmem>>) target_semaphore(%arg25 : memref<!tpu.dma_semaphore, #tpu.memory_space<semaphore_mem>>)
        %dma_start3A_257 = tpu.memref_slice %arg4[%add3A_254] : memref<320000xi32, #tpu.memory_space<hbm>> -> memref<80xi32, #tpu.memory_space<hbm>>
        %dma_start3A_258 = tpu.memref_slice %arg4[%add3A_254] : memref<320000xi32, #tpu.memory_space<hbm>> -> memref<80xi32, #tpu.memory_space<hbm>>
        tpu.enqueue_dma source(%dma_start3A_258 : memref<80xi32, #tpu.memory_space<hbm>>) target(%arg10 : memref<80xi32, #tpu.memory_space<vmem>>) target_semaphore(%arg25 : memref<!tpu.dma_semaphore, #tpu.memory_space<semaphore_mem>>)
        %dma_start3A_259 = tpu.memref_slice %arg5[%add3A_254] : memref<320000xi32, #tpu.memory_space<hbm>> -> memref<80xi32, #tpu.memory_space<hbm>>
        %dma_start3A_260 = tpu.memref_slice %arg5[%add3A_254] : memref<320000xi32, #tpu.memory_space<hbm>> -> memref<80xi32, #tpu.memory_space<hbm>>
        tpu.enqueue_dma source(%dma_start3A_260 : memref<80xi32, #tpu.memory_space<hbm>>) target(%arg12 : memref<80xi32, #tpu.memory_space<vmem>>) target_semaphore(%arg25 : memref<!tpu.dma_semaphore, #tpu.memory_space<semaphore_mem>>)
      } else {
      }
      %add3A_226 = arith.constant 1 : i32
      %add3A_227 = arith.addi %mul3A_204, %add3A_226 : i32
      %add3A_228 = arith.constant 1 : i32
      %add3A_229 = arith.addi %add3A_227, %add3A_228 : i32
      %lt3A_230 = arith.constant 250 : i32
      %lt3A_231 = arith.cmpi slt, %add3A_229, %lt3A_230 : i32
      %convert_element_type3A_232 = arith.extui %lt3A_231 : i1 to i32
      %cond3A_233 = arith.constant 0 : i32
      %cond3A_234 = arith.cmpi ne, %convert_element_type3A_232, %cond3A_233 : i32
      scf.if %cond3A_234 {
        %add3A_250 = arith.constant 1 : i32
        %add3A_251 = arith.addi %add3A_227, %add3A_250 : i32
        %mul3A_252 = arith.constant 80 : i32
        %mul3A_253 = arith.muli %add3A_251, %mul3A_252 : i32
        %add3A_254 = arith.addi %mul3A_0, %mul3A_253 : i32
        %dma_wait3A_255 = tpu.memref_slice %arg3[%add3A_254] : memref<320000xi32, #tpu.memory_space<hbm>> -> memref<80xi32, #tpu.memory_space<hbm>>
        %dma_wait3A_256 = tpu.memref_slice %arg3[%add3A_254] : memref<320000xi32, #tpu.memory_space<hbm>> -> memref<80xi32, #tpu.memory_space<hbm>>
        tpu.wait_dma2 semaphore(%arg25 : memref<!tpu.dma_semaphore, #tpu.memory_space<semaphore_mem>>) src(%dma_wait3A_256 : memref<80xi32, #tpu.memory_space<hbm>>) dst(%arg8 : memref<80xi32, #tpu.memory_space<vmem>>)
        %dma_wait3A_257 = tpu.memref_slice %arg4[%add3A_254] : memref<320000xi32, #tpu.memory_space<hbm>> -> memref<80xi32, #tpu.memory_space<hbm>>
        %dma_wait3A_258 = tpu.memref_slice %arg4[%add3A_254] : memref<320000xi32, #tpu.memory_space<hbm>> -> memref<80xi32, #tpu.memory_space<hbm>>
        tpu.wait_dma2 semaphore(%arg25 : memref<!tpu.dma_semaphore, #tpu.memory_space<semaphore_mem>>) src(%dma_wait3A_258 : memref<80xi32, #tpu.memory_space<hbm>>) dst(%arg10 : memref<80xi32, #tpu.memory_space<vmem>>)
        %dma_wait3A_259 = tpu.memref_slice %arg5[%add3A_254] : memref<320000xi32, #tpu.memory_space<hbm>> -> memref<80xi32, #tpu.memory_space<hbm>>
        %dma_wait3A_260 = tpu.memref_slice %arg5[%add3A_254] : memref<320000xi32, #tpu.memory_space<hbm>> -> memref<80xi32, #tpu.memory_space<hbm>>
        tpu.wait_dma2 semaphore(%arg25 : memref<!tpu.dma_semaphore, #tpu.memory_space<semaphore_mem>>) src(%dma_wait3A_260 : memref<80xi32, #tpu.memory_space<hbm>>) dst(%arg12 : memref<80xi32, #tpu.memory_space<vmem>>)
        %ge3A = arith.constant 2 : i32
        %ge3A_261 = arith.cmpi sge, %add3A_251, %ge3A : i32
        %convert_element_type3A_262 = arith.extui %ge3A_261 : i1 to i32
        %cond3A_263 = arith.constant 0 : i32
        %cond3A_264 = arith.cmpi ne, %convert_element_type3A_262, %cond3A_263 : i32
        scf.if %cond3A_264 {
          %dma_wait3A_395 = arith.constant 0 : i32
          %dma_wait3A_396 = arith.constant 0 : i32
          %dma_wait3A_397 = tpu.memref_slice %arg24[%dma_wait3A_395, %dma_wait3A_396] : memref<10000x128xf32, #tpu.memory_space<vmem_shared>> -> memref<10000x128xf32, #tpu.memory_space<vmem_shared>>
          tpu.wait_indirect_dma semaphore(%arg31 : memref<!tpu.dma_semaphore, #tpu.memory_space<semaphore_mem>>) src(%arg22 : memref<80x128xf32, #tpu.memory_space<vmem>>) dst(%dma_wait3A_397 : memref<10000x128xf32, #tpu.memory_space<vmem_shared>>)
        } else {
        }
        %get3A_265 = arith.constant 0 : index
        %get3A_266 = tpu.vector_load %arg8[%get3A_265] {strides = array<i32>} : memref<80xi32, #tpu.memory_space<vmem>>, vector<16xi32>,
        %get3A_267 = arith.constant 0 : index
        %get3A_268 = tpu.vector_load %arg12[%get3A_267] {strides = array<i32>} : memref<80xi32, #tpu.memory_space<vmem>>, vector<16xi32>,
        %get3A_269 = arith.constant 0 : index
        %get3A_270 = tpu.vector_load %arg10[%get3A_269] {strides = array<i32>} : memref<80xi32, #tpu.memory_space<vmem>>, vector<16xi32>,
        %mul3A_271 = arith.constant 2 : i32
        %mul3A_272 = vector.broadcast %mul3A_271 : i32 to vector<16xi32>
        %mul3A_273 = arith.muli %get3A_268, %mul3A_272 : vector<16xi32>
        %add3A_274 = vector.broadcast %arg0 : i32 to vector<16xi32>
        %add3A_275 = arith.addi %mul3A_273, %add3A_274 : vector<16xi32>
        %mul3A_276 = arith.constant 10000 : i32
        %mul3A_277 = vector.broadcast %mul3A_276 : i32 to vector<16xi32>
        %mul3A_278 = arith.muli %add3A_275, %mul3A_277 : vector<16xi32>
        %add3A_279 = arith.addi %mul3A_278, %get3A_266 : vector<16xi32>
        %swap3A_280 = arith.constant 0 : index
        %swap3A_281 = tpu.vector_load %arg14[%swap3A_280] {strides = array<i32>} : memref<80xi32, #tpu.memory_space<vmem>>, vector<16xi32>,
        tpu.vector_store %arg14[%swap3A_280], %add3A_279 {strides = array<i32>} : memref<80xi32, #tpu.memory_space<vmem>>, vector<16xi32>,
        %mul3A_282 = arith.constant 16 : i32
        %mul3A_283 = vector.broadcast %mul3A_282 : i32 to vector<16xi32>
        %mul3A_284 = arith.muli %get3A_270, %mul3A_283 : vector<16xi32>
        %add3A_285 = arith.addi %mul3A_284, %get3A_268 : vector<16xi32>
        %swap3A_286 = arith.constant 0 : index
        %swap3A_287 = tpu.vector_load %arg16[%swap3A_286] {strides = array<i32>} : memref<80xi32, #tpu.memory_space<vmem>>, vector<16xi32>,
        tpu.vector_store %arg16[%swap3A_286], %add3A_285 {strides = array<i32>} : memref<80xi32, #tpu.memory_space<vmem>>, vector<16xi32>,
        %swap3A_288 = arith.constant 0 : index
        %swap3A_289 = tpu.vector_load %arg18[%swap3A_288] {strides = array<i32>} : memref<80xi32, #tpu.memory_space<vmem>>, vector<16xi32>,
        tpu.vector_store %arg18[%swap3A_288], %get3A_270 {strides = array<i32>} : memref<80xi32, #tpu.memory_space<vmem>>, vector<16xi32>,
        %get3A_290 = arith.constant 16 : index
        %get3A_291 = tpu.vector_load %arg8[%get3A_290] {strides = array<i32>} : memref<80xi32, #tpu.memory_space<vmem>>, vector<16xi32>,
        %get3A_292 = arith.constant 16 : index
        %get3A_293 = tpu.vector_load %arg12[%get3A_292] {strides = array<i32>} : memref<80xi32, #tpu.memory_space<vmem>>, vector<16xi32>,
        %get3A_294 = arith.constant 16 : index
        %get3A_295 = tpu.vector_load %arg10[%get3A_294] {strides = array<i32>} : memref<80xi32, #tpu.memory_space<vmem>>, vector<16xi32>,
        %mul3A_296 = arith.constant 2 : i32
        %mul3A_297 = vector.broadcast %mul3A_296 : i32 to vector<16xi32>
        %mul3A_298 = arith.muli %get3A_293, %mul3A_297 : vector<16xi32>
        %add3A_299 = vector.broadcast %arg0 : i32 to vector<16xi32>
        %add3A_300 = arith.addi %mul3A_298, %add3A_299 : vector<16xi32>
        %mul3A_301 = arith.constant 10000 : i32
        %mul3A_302 = vector.broadcast %mul3A_301 : i32 to vector<16xi32>
        %mul3A_303 = arith.muli %add3A_300, %mul3A_302 : vector<16xi32>
        %add3A_304 = arith.addi %mul3A_303, %get3A_291 : vector<16xi32>
        %swap3A_305 = arith.constant 16 : index
        %swap3A_306 = tpu.vector_load %arg14[%swap3A_305] {strides = array<i32>} : memref<80xi32, #tpu.memory_space<vmem>>, vector<16xi32>,
        tpu.vector_store %arg14[%swap3A_305], %add3A_304 {strides = array<i32>} : memref<80xi32, #tpu.memory_space<vmem>>, vector<16xi32>,
        %mul3A_307 = arith.constant 16 : i32
        %mul3A_308 = vector.broadcast %mul3A_307 : i32 to vector<16xi32>
        %mul3A_309 = arith.muli %get3A_295, %mul3A_308 : vector<16xi32>
        %add3A_310 = arith.addi %mul3A_309, %get3A_293 : vector<16xi32>
        %swap3A_311 = arith.constant 16 : index
        %swap3A_312 = tpu.vector_load %arg16[%swap3A_311] {strides = array<i32>} : memref<80xi32, #tpu.memory_space<vmem>>, vector<16xi32>,
        tpu.vector_store %arg16[%swap3A_311], %add3A_310 {strides = array<i32>} : memref<80xi32, #tpu.memory_space<vmem>>, vector<16xi32>,
        %swap3A_313 = arith.constant 16 : index
        %swap3A_314 = tpu.vector_load %arg18[%swap3A_313] {strides = array<i32>} : memref<80xi32, #tpu.memory_space<vmem>>, vector<16xi32>,
        tpu.vector_store %arg18[%swap3A_313], %get3A_295 {strides = array<i32>} : memref<80xi32, #tpu.memory_space<vmem>>, vector<16xi32>,
        %get3A_315 = arith.constant 32 : index
        %get3A_316 = tpu.vector_load %arg8[%get3A_315] {strides = array<i32>} : memref<80xi32, #tpu.memory_space<vmem>>, vector<16xi32>,
        %get3A_317 = arith.constant 32 : index
        %get3A_318 = tpu.vector_load %arg12[%get3A_317] {strides = array<i32>} : memref<80xi32, #tpu.memory_space<vmem>>, vector<16xi32>,
        %get3A_319 = arith.constant 32 : index
        %get3A_320 = tpu.vector_load %arg10[%get3A_319] {strides = array<i32>} : memref<80xi32, #tpu.memory_space<vmem>>, vector<16xi32>,
        %mul3A_321 = arith.constant 2 : i32
        %mul3A_322 = vector.broadcast %mul3A_321 : i32 to vector<16xi32>
        %mul3A_323 = arith.muli %get3A_318, %mul3A_322 : vector<16xi32>
        %add3A_324 = vector.broadcast %arg0 : i32 to vector<16xi32>
        %add3A_325 = arith.addi %mul3A_323, %add3A_324 : vector<16xi32>
        %mul3A_326 = arith.constant 10000 : i32
        %mul3A_327 = vector.broadcast %mul3A_326 : i32 to vector<16xi32>
        %mul3A_328 = arith.muli %add3A_325, %mul3A_327 : vector<16xi32>
        %add3A_329 = arith.addi %mul3A_328, %get3A_316 : vector<16xi32>
        %swap3A_330 = arith.constant 32 : index
        %swap3A_331 = tpu.vector_load %arg14[%swap3A_330] {strides = array<i32>} : memref<80xi32, #tpu.memory_space<vmem>>, vector<16xi32>,
        tpu.vector_store %arg14[%swap3A_330], %add3A_329 {strides = array<i32>} : memref<80xi32, #tpu.memory_space<vmem>>, vector<16xi32>,
        %mul3A_332 = arith.constant 16 : i32
        %mul3A_333 = vector.broadcast %mul3A_332 : i32 to vector<16xi32>
        %mul3A_334 = arith.muli %get3A_320, %mul3A_333 : vector<16xi32>
        %add3A_335 = arith.addi %mul3A_334, %get3A_318 : vector<16xi32>
        %swap3A_336 = arith.constant 32 : index
        %swap3A_337 = tpu.vector_load %arg16[%swap3A_336] {strides = array<i32>} : memref<80xi32, #tpu.memory_space<vmem>>, vector<16xi32>,
        tpu.vector_store %arg16[%swap3A_336], %add3A_335 {strides = array<i32>} : memref<80xi32, #tpu.memory_space<vmem>>, vector<16xi32>,
        %swap3A_338 = arith.constant 32 : index
        %swap3A_339 = tpu.vector_load %arg18[%swap3A_338] {strides = array<i32>} : memref<80xi32, #tpu.memory_space<vmem>>, vector<16xi32>,
        tpu.vector_store %arg18[%swap3A_338], %get3A_320 {strides = array<i32>} : memref<80xi32, #tpu.memory_space<vmem>>, vector<16xi32>,
        %get3A_340 = arith.constant 48 : index
        %get3A_341 = tpu.vector_load %arg8[%get3A_340] {strides = array<i32>} : memref<80xi32, #tpu.memory_space<vmem>>, vector<16xi32>,
        %get3A_342 = arith.constant 48 : index
        %get3A_343 = tpu.vector_load %arg12[%get3A_342] {strides = array<i32>} : memref<80xi32, #tpu.memory_space<vmem>>, vector<16xi32>,
        %get3A_344 = arith.constant 48 : index
        %get3A_345 = tpu.vector_load %arg10[%get3A_344] {strides = array<i32>} : memref<80xi32, #tpu.memory_space<vmem>>, vector<16xi32>,
        %mul3A_346 = arith.constant 2 : i32
        %mul3A_347 = vector.broadcast %mul3A_346 : i32 to vector<16xi32>
        %mul3A_348 = arith.muli %get3A_343, %mul3A_347 : vector<16xi32>
        %add3A_349 = vector.broadcast %arg0 : i32 to vector<16xi32>
        %add3A_350 = arith.addi %mul3A_348, %add3A_349 : vector<16xi32>
        %mul3A_351 = arith.constant 10000 : i32
        %mul3A_352 = vector.broadcast %mul3A_351 : i32 to vector<16xi32>
        %mul3A_353 = arith.muli %add3A_350, %mul3A_352 : vector<16xi32>
        %add3A_354 = arith.addi %mul3A_353, %get3A_341 : vector<16xi32>
        %swap3A_355 = arith.constant 48 : index
        %swap3A_356 = tpu.vector_load %arg14[%swap3A_355] {strides = array<i32>} : memref<80xi32, #tpu.memory_space<vmem>>, vector<16xi32>,
        tpu.vector_store %arg14[%swap3A_355], %add3A_354 {strides = array<i32>} : memref<80xi32, #tpu.memory_space<vmem>>, vector<16xi32>,
        %mul3A_357 = arith.constant 16 : i32
        %mul3A_358 = vector.broadcast %mul3A_357 : i32 to vector<16xi32>
        %mul3A_359 = arith.muli %get3A_345, %mul3A_358 : vector<16xi32>
        %add3A_360 = arith.addi %mul3A_359, %get3A_343 : vector<16xi32>
        %swap3A_361 = arith.constant 48 : index
        %swap3A_362 = tpu.vector_load %arg16[%swap3A_361] {strides = array<i32>} : memref<80xi32, #tpu.memory_space<vmem>>, vector<16xi32>,
        tpu.vector_store %arg16[%swap3A_361], %add3A_360 {strides = array<i32>} : memref<80xi32, #tpu.memory_space<vmem>>, vector<16xi32>,
        %swap3A_363 = arith.constant 48 : index
        %swap3A_364 = tpu.vector_load %arg18[%swap3A_363] {strides = array<i32>} : memref<80xi32, #tpu.memory_space<vmem>>, vector<16xi32>,
        tpu.vector_store %arg18[%swap3A_363], %get3A_345 {strides = array<i32>} : memref<80xi32, #tpu.memory_space<vmem>>, vector<16xi32>,
        %get3A_365 = arith.constant 64 : index
        %get3A_366 = tpu.vector_load %arg8[%get3A_365] {strides = array<i32>} : memref<80xi32, #tpu.memory_space<vmem>>, vector<16xi32>,
        %get3A_367 = arith.constant 64 : index
        %get3A_368 = tpu.vector_load %arg12[%get3A_367] {strides = array<i32>} : memref<80xi32, #tpu.memory_space<vmem>>, vector<16xi32>,
        %get3A_369 = arith.constant 64 : index
        %get3A_370 = tpu.vector_load %arg10[%get3A_369] {strides = array<i32>} : memref<80xi32, #tpu.memory_space<vmem>>, vector<16xi32>,
        %mul3A_371 = arith.constant 2 : i32
        %mul3A_372 = vector.broadcast %mul3A_371 : i32 to vector<16xi32>
        %mul3A_373 = arith.muli %get3A_368, %mul3A_372 : vector<16xi32>
        %add3A_374 = vector.broadcast %arg0 : i32 to vector<16xi32>
        %add3A_375 = arith.addi %mul3A_373, %add3A_374 : vector<16xi32>
        %mul3A_376 = arith.constant 10000 : i32
        %mul3A_377 = vector.broadcast %mul3A_376 : i32 to vector<16xi32>
        %mul3A_378 = arith.muli %add3A_375, %mul3A_377 : vector<16xi32>
        %add3A_379 = arith.addi %mul3A_378, %get3A_366 : vector<16xi32>
        %swap3A_380 = arith.constant 64 : index
        %swap3A_381 = tpu.vector_load %arg14[%swap3A_380] {strides = array<i32>} : memref<80xi32, #tpu.memory_space<vmem>>, vector<16xi32>,
        tpu.vector_store %arg14[%swap3A_380], %add3A_379 {strides = array<i32>} : memref<80xi32, #tpu.memory_space<vmem>>, vector<16xi32>,
        %mul3A_382 = arith.constant 16 : i32
        %mul3A_383 = vector.broadcast %mul3A_382 : i32 to vector<16xi32>
        %mul3A_384 = arith.muli %get3A_370, %mul3A_383 : vector<16xi32>
        %add3A_385 = arith.addi %mul3A_384, %get3A_368 : vector<16xi32>
        %swap3A_386 = arith.constant 64 : index
        %swap3A_387 = tpu.vector_load %arg16[%swap3A_386] {strides = array<i32>} : memref<80xi32, #tpu.memory_space<vmem>>, vector<16xi32>,
        tpu.vector_store %arg16[%swap3A_386], %add3A_385 {strides = array<i32>} : memref<80xi32, #tpu.memory_space<vmem>>, vector<16xi32>,
        %swap3A_388 = arith.constant 64 : index
        %swap3A_389 = tpu.vector_load %arg18[%swap3A_388] {strides = array<i32>} : memref<80xi32, #tpu.memory_space<vmem>>, vector<16xi32>,
        tpu.vector_store %arg18[%swap3A_388], %get3A_370 {strides = array<i32>} : memref<80xi32, #tpu.memory_space<vmem>>, vector<16xi32>,
        %dma_start3A_390 = arith.constant 0 : i32
        %dma_start3A_391 = arith.constant 0 : i32
        %dma_start3A_392 = tpu.memref_slice %arg2[%dma_start3A_390, %dma_start3A_391] : memref<320000x128xf32, #tpu.memory_space<hbm>> -> memref<320000x128xf32, #tpu.memory_space<hbm>>
        tpu.enqueue_indirect_dma source(%dma_start3A_392 : memref<320000x128xf32, #tpu.memory_space<hbm>>) target(%arg22 : memref<80x128xf32, #tpu.memory_space<vmem>>) offsets(%arg14 : memref<80xi32, #tpu.memory_space<vmem>>) semaphore(%arg27 : memref<!tpu.dma_semaphore, #tpu.memory_space<semaphore_mem>>)
        %dma_start3A_393 = arith.constant 0 : i32
        %dma_start3A_394 = tpu.memref_slice %arg6[%dma_start3A_393] : memref<160000xf32, #tpu.memory_space<hbm>> -> memref<160000xf32, #tpu.memory_space<hbm>>
        tpu.enqueue_indirect_dma source(%dma_start3A_394 : memref<160000xf32, #tpu.memory_space<hbm>>) target(%arg20 : memref<80xf32, #tpu.memory_space<vmem>>) offsets(%arg16 : memref<80xi32, #tpu.memory_space<vmem>>) semaphore(%arg29 : memref<!tpu.dma_semaphore, #tpu.memory_space<semaphore_mem>>)
      } else {
      }
      %dma_wait3A_235 = arith.constant 0 : i32
      %dma_wait3A_236 = arith.constant 0 : i32
      %dma_wait3A_237 = tpu.memref_slice %arg2[%dma_wait3A_235, %dma_wait3A_236] : memref<320000x128xf32, #tpu.memory_space<hbm>> -> memref<320000x128xf32, #tpu.memory_space<hbm>>
      tpu.wait_indirect_dma semaphore(%arg28 : memref<!tpu.dma_semaphore, #tpu.memory_space<semaphore_mem>>) src(%dma_wait3A_237 : memref<320000x128xf32, #tpu.memory_space<hbm>>) dst(%arg23 : memref<80x128xf32, #tpu.memory_space<vmem>>)
      %dma_wait3A_238 = arith.constant 0 : i32
      %dma_wait3A_239 = tpu.memref_slice %arg6[%dma_wait3A_238] : memref<160000xf32, #tpu.memory_space<hbm>> -> memref<160000xf32, #tpu.memory_space<hbm>>
      tpu.wait_indirect_dma semaphore(%arg30 : memref<!tpu.dma_semaphore, #tpu.memory_space<semaphore_mem>>) src(%dma_wait3A_239 : memref<160000xf32, #tpu.memory_space<hbm>>) dst(%arg21 : memref<80xf32, #tpu.memory_space<vmem>>)
      %dma_start3A_240 = arith.constant 0 : i32
      %dma_start3A_241 = arith.constant 0 : i32
      %dma_start3A_242 = tpu.memref_slice %arg24[%dma_start3A_240, %dma_start3A_241] : memref<10000x128xf32, #tpu.memory_space<vmem_shared>> -> memref<10000x128xf32, #tpu.memory_space<vmem_shared>>
      tpu.enqueue_indirect_dma source(%arg23 : memref<80x128xf32, #tpu.memory_space<vmem>>) target(%dma_start3A_242 : memref<10000x128xf32, #tpu.memory_space<vmem_shared>>) offsets(%arg19 : memref<80xi32, #tpu.memory_space<vmem>>) semaphore(%arg32 : memref<!tpu.dma_semaphore, #tpu.memory_space<semaphore_mem>>) {add = true}
      %add3A_243 = arith.constant 2 : i32
      %add3A_244 = arith.addi %add3A_227, %add3A_243 : i32
      %lt3A_245 = arith.constant 250 : i32
      %lt3A_246 = arith.cmpi slt, %add3A_244, %lt3A_245 : i32
      %convert_element_type3A_247 = arith.extui %lt3A_246 : i1 to i32
      %cond3A_248 = arith.constant 0 : i32
      %cond3A_249 = arith.cmpi ne, %convert_element_type3A_247, %cond3A_248 : i32
      scf.if %cond3A_249 {
        %add3A_250 = arith.constant 2 : i32
        %add3A_251 = arith.addi %add3A_227, %add3A_250 : i32
        %mul3A_252 = arith.constant 80 : i32
        %mul3A_253 = arith.muli %add3A_251, %mul3A_252 : i32
        %add3A_254 = arith.addi %mul3A_0, %mul3A_253 : i32
        %dma_start3A_255 = tpu.memref_slice %arg3[%add3A_254] : memref<320000xi32, #tpu.memory_space<hbm>> -> memref<80xi32, #tpu.memory_space<hbm>>
        %dma_start3A_256 = tpu.memref_slice %arg3[%add3A_254] : memref<320000xi32, #tpu.memory_space<hbm>> -> memref<80xi32, #tpu.memory_space<hbm>>
        tpu.enqueue_dma source(%dma_start3A_256 : memref<80xi32, #tpu.memory_space<hbm>>) target(%arg9 : memref<80xi32, #tpu.memory_space<vmem>>) target_semaphore(%arg26 : memref<!tpu.dma_semaphore, #tpu.memory_space<semaphore_mem>>)
        %dma_start3A_257 = tpu.memref_slice %arg4[%add3A_254] : memref<320000xi32, #tpu.memory_space<hbm>> -> memref<80xi32, #tpu.memory_space<hbm>>
        %dma_start3A_258 = tpu.memref_slice %arg4[%add3A_254] : memref<320000xi32, #tpu.memory_space<hbm>> -> memref<80xi32, #tpu.memory_space<hbm>>
        tpu.enqueue_dma source(%dma_start3A_258 : memref<80xi32, #tpu.memory_space<hbm>>) target(%arg11 : memref<80xi32, #tpu.memory_space<vmem>>) target_semaphore(%arg26 : memref<!tpu.dma_semaphore, #tpu.memory_space<semaphore_mem>>)
        %dma_start3A_259 = tpu.memref_slice %arg5[%add3A_254] : memref<320000xi32, #tpu.memory_space<hbm>> -> memref<80xi32, #tpu.memory_space<hbm>>
        %dma_start3A_260 = tpu.memref_slice %arg5[%add3A_254] : memref<320000xi32, #tpu.memory_space<hbm>> -> memref<80xi32, #tpu.memory_space<hbm>>
        tpu.enqueue_dma source(%dma_start3A_260 : memref<80xi32, #tpu.memory_space<hbm>>) target(%arg13 : memref<80xi32, #tpu.memory_space<vmem>>) target_semaphore(%arg26 : memref<!tpu.dma_semaphore, #tpu.memory_space<semaphore_mem>>)
      } else {
      }
    }
    %scan3A_190 = arith.constant 125 : i32
    %dma_wait3A_191 = arith.constant 0 : i32
    %dma_wait3A_192 = arith.constant 0 : i32
    %dma_wait3A_193 = tpu.memref_slice %arg24[%dma_wait3A_191, %dma_wait3A_192] : memref<10000x128xf32, #tpu.memory_space<vmem_shared>> -> memref<10000x128xf32, #tpu.memory_space<vmem_shared>>
    tpu.wait_indirect_dma semaphore(%arg31 : memref<!tpu.dma_semaphore, #tpu.memory_space<semaphore_mem>>) src(%arg22 : memref<80x128xf32, #tpu.memory_space<vmem>>) dst(%dma_wait3A_193 : memref<10000x128xf32, #tpu.memory_space<vmem_shared>>)
    %dma_wait3A_194 = arith.constant 0 : i32
    %dma_wait3A_195 = arith.constant 0 : i32
    %dma_wait3A_196 = tpu.memref_slice %arg24[%dma_wait3A_194, %dma_wait3A_195] : memref<10000x128xf32, #tpu.memory_space<vmem_shared>> -> memref<10000x128xf32, #tpu.memory_space<vmem_shared>>
    tpu.wait_indirect_dma semaphore(%arg32 : memref<!tpu.dma_semaphore, #tpu.memory_space<semaphore_mem>>) src(%arg23 : memref<80x128xf32, #tpu.memory_space<vmem>>) dst(%dma_wait3A_196 : memref<10000x128xf32, #tpu.memory_space<vmem_shared>>)
    %barrier3A_197 = arith.constant 0 : index
    tpu.barrier barrier_id(%barrier3A_197)
    %mul3A_198 = arith.constant 625 : i32
    %mul3A_199 = arith.muli %arg1, %mul3A_198 : i32
    %mul3A_200 = arith.constant 625 : i32
    %mul3A_201 = arith.muli %arg1, %mul3A_200 : i32
    "tpu.region"() ({
      %run_scoped3A = tpu.sem_alloc : memref<!tpu.dma_semaphore, #tpu.memory_space<semaphore_mem>>
      %dma_start3A_202 = arith.constant 0 : i32
      %dma_start3A_203 = tpu.memref_slice %arg7[%arg0, %mul3A_201, %dma_start3A_202] : memref<2x10000x128xf32, #tpu.memory_space<hbm>> -> memref<1x625x128xf32, #tpu.memory_space<hbm>>
      %dma_start3A_204 = tpu.memref_squeeze %dma_start3A_203 : memref<1x625x128xf32, #tpu.memory_space<hbm>> -> memref<625x128xf32, #tpu.memory_space<hbm>>
      %dma_start3A_205 = arith.constant 0 : i32
      %dma_start3A_206 = tpu.memref_slice %arg24[%mul3A_199, %dma_start3A_205] : memref<10000x128xf32, #tpu.memory_space<vmem_shared>> -> memref<625x128xf32, #tpu.memory_space<vmem_shared>>
      tpu.enqueue_dma source(%dma_start3A_206 : memref<625x128xf32, #tpu.memory_space<vmem_shared>>) target(%dma_start3A_204 : memref<625x128xf32, #tpu.memory_space<hbm>>) target_semaphore(%run_scoped3A : memref<!tpu.dma_semaphore, #tpu.memory_space<semaphore_mem>>)
      %dma_wait3A_207 = arith.constant 0 : i32
      %dma_wait3A_208 = tpu.memref_slice %arg7[%arg0, %mul3A_201, %dma_wait3A_207] : memref<2x10000x128xf32, #tpu.memory_space<hbm>> -> memref<1x625x128xf32, #tpu.memory_space<hbm>>
      %dma_wait3A_209 = tpu.memref_squeeze %dma_wait3A_208 : memref<1x625x128xf32, #tpu.memory_space<hbm>> -> memref<625x128xf32, #tpu.memory_space<hbm>>
      %dma_wait3A_210 = arith.constant 0 : i32
      %dma_wait3A_211 = tpu.memref_slice %arg24[%mul3A_199, %dma_wait3A_210] : memref<10000x128xf32, #tpu.memory_space<vmem_shared>> -> memref<625x128xf32, #tpu.memory_space<vmem_shared>>
      tpu.wait_dma2 semaphore(%run_scoped3A : memref<!tpu.dma_semaphore, #tpu.memory_space<semaphore_mem>>) src(%dma_wait3A_211 : memref<625x128xf32, #tpu.memory_space<vmem_shared>>) dst(%dma_wait3A_209 : memref<625x128xf32, #tpu.memory_space<hbm>>)
      tpu.yield
    }) : () -> ()
    return
  }
}

module attributes {stable_mosaic.version = 14 : i64} {
  func.func @_inv_kernel(%arg0: memref<1250x128xf32, #tpu.memory_space<vmem>>, %arg1: memref<1250x128xf32, #tpu.memory_space<vmem>>, %arg2: memref<1250x128xf32, #tpu.memory_space<vmem>>) attributes {dimension_semantics = [], scalar_prefetch = 0 : i64, scratch_operands = 0 : i64, tpu.core_type = #tpu.core_type<tc>} {
    %get3A = arith.constant 0 : index
    %get3A_0 = arith.constant 0 : index
    %get3A_1 = vector.load %arg0[%get3A, %get3A_0] : memref<1250x128xf32, #tpu.memory_space<vmem>>, vector<1250x128xf32>
    %get3A_2 = arith.constant 0 : index
    %get3A_3 = arith.constant 0 : index
    %get3A_4 = vector.load %arg1[%get3A_2, %get3A_3] : memref<1250x128xf32, #tpu.memory_space<vmem>>, vector<1250x128xf32>
    %add3A = arith.addf %get3A_1, %get3A_4 : vector<1250x128xf32>
    %max3A = arith.constant 1.000000e+00 : f32
    %max3A_5 = vector.broadcast %max3A : f32 to vector<1250x128xf32>
    %max3A_6 = arith.maximumf %add3A, %max3A_5 : vector<1250x128xf32>
    %div3A = arith.constant 1.000000e+00 : f32
    %div3A_7 = vector.broadcast %div3A : f32 to vector<1250x128xf32>
    %div3A_8 = arith.divf %div3A_7, %max3A_6 : vector<1250x128xf32>
    %swap3A = arith.constant 0 : index
    %swap3A_9 = arith.constant 0 : index
    %swap3A_10 = vector.load %arg2[%swap3A, %swap3A_9] : memref<1250x128xf32, #tpu.memory_space<vmem>>, vector<1250x128xf32>
    tpu.vector_store %arg2[%swap3A, %swap3A_9], %div3A_8 {strides = array<i32>} : memref<1250x128xf32, #tpu.memory_space<vmem>>, vector<1250x128xf32>,
    return
  }
}

module attributes {stable_mosaic.version = 14 : i64} {
  func.func @_mm_kernel(%arg0: i32, %arg1: memref<1000x128xf32, #tpu.memory_space<vmem>>, %arg2: memref<128x4096xf32, #tpu.memory_space<vmem>>, %arg3: memref<32x1000x128xf32, #tpu.memory_space<vmem>>) attributes {dimension_semantics = [#tpu.dimension_semantics<arbitrary>], iteration_bounds = array<i64: 10>, scalar_prefetch = 0 : i64, scratch_operands = 0 : i64, tpu.core_type = #tpu.core_type<tc>, window_params = [{transform_indices = @transform_0, window_bounds = array<i64: 1000, 128>}, {pipeline_mode = #tpu.pipeline_mode<synchronous>, transform_indices = @transform_1, window_bounds = array<i64: 128, 4096>}, {transform_indices = @transform_2, window_bounds = array<i64: 32, 1000, 128>}]} {
    %get3A = arith.constant 0 : index
    %get3A_0 = arith.constant 0 : index
    %get3A_1 = vector.load %arg1[%get3A, %get3A_0] : memref<1000x128xf32, #tpu.memory_space<vmem>>, vector<1000x128xf32>
    %get3A_2 = arith.constant 0 : index
    %get3A_3 = arith.constant 0 : index
    %get3A_4 = vector.load %arg2[%get3A_2, %get3A_3] : memref<128x4096xf32, #tpu.memory_space<vmem>>, vector<128x4096xf32>
    %dot_general3A = arith.constant dense<0.000000e+00> : vector<1000x4096xf32>
    %dot_general3A_5 = tpu.matmul %get3A_1, %get3A_4, %dot_general3A {dimension_numbers = #tpu.dot_dimension_numbers<[1], [0], [0], [1], [0, 0, 1, 1], [], []>, transpose_lhs_hint = false} : vector<1000x128xf32>, vector<128x4096xf32>, vector<1000x4096xf32> -> vector<1000x4096xf32>
    %slice3A = vector.extract_strided_slice %dot_general3A_5 {offsets = [0, 0], sizes = [1000, 128], strides = [1, 1]} : vector<1000x4096xf32> to vector<1000x128xf32>
    %swap3A = arith.constant 0 : index
    %swap3A_6 = arith.constant 0 : index
    %swap3A_7 = arith.constant 0 : index
    %swap3A_8 = vector.load %arg3[%swap3A, %swap3A_6, %swap3A_7] : memref<32x1000x128xf32, #tpu.memory_space<vmem>>, vector<1x1000x128xf32>
    %swap3A_9 = vector.shape_cast %swap3A_8 : vector<1x1000x128xf32> to vector<1000x128xf32>
    %swap3A_10 = vector.shape_cast %slice3A : vector<1000x128xf32> to vector<1x1000x128xf32>
    tpu.vector_store %arg3[%swap3A, %swap3A_6, %swap3A_7], %swap3A_10 {strides = array<i32>} : memref<32x1000x128xf32, #tpu.memory_space<vmem>>, vector<1x1000x128xf32>,
    %slice3A_11 = vector.extract_strided_slice %dot_general3A_5 {offsets = [0, 128], sizes = [1000, 128], strides = [1, 1]} : vector<1000x4096xf32> to vector<1000x128xf32>
    %swap3A_12 = arith.constant 1 : index
    %swap3A_13 = arith.constant 0 : index
    %swap3A_14 = arith.constant 0 : index
    %swap3A_15 = vector.load %arg3[%swap3A_12, %swap3A_13, %swap3A_14] : memref<32x1000x128xf32, #tpu.memory_space<vmem>>, vector<1x1000x128xf32>
    %swap3A_16 = vector.shape_cast %swap3A_15 : vector<1x1000x128xf32> to vector<1000x128xf32>
    %swap3A_17 = vector.shape_cast %slice3A_11 : vector<1000x128xf32> to vector<1x1000x128xf32>
    tpu.vector_store %arg3[%swap3A_12, %swap3A_13, %swap3A_14], %swap3A_17 {strides = array<i32>} : memref<32x1000x128xf32, #tpu.memory_space<vmem>>, vector<1x1000x128xf32>,
    %slice3A_18 = vector.extract_strided_slice %dot_general3A_5 {offsets = [0, 256], sizes = [1000, 128], strides = [1, 1]} : vector<1000x4096xf32> to vector<1000x128xf32>
    %swap3A_19 = arith.constant 2 : index
    %swap3A_20 = arith.constant 0 : index
    %swap3A_21 = arith.constant 0 : index
    %swap3A_22 = vector.load %arg3[%swap3A_19, %swap3A_20, %swap3A_21] : memref<32x1000x128xf32, #tpu.memory_space<vmem>>, vector<1x1000x128xf32>
    %swap3A_23 = vector.shape_cast %swap3A_22 : vector<1x1000x128xf32> to vector<1000x128xf32>
    %swap3A_24 = vector.shape_cast %slice3A_18 : vector<1000x128xf32> to vector<1x1000x128xf32>
    tpu.vector_store %arg3[%swap3A_19, %swap3A_20, %swap3A_21], %swap3A_24 {strides = array<i32>} : memref<32x1000x128xf32, #tpu.memory_space<vmem>>, vector<1x1000x128xf32>,
    %slice3A_25 = vector.extract_strided_slice %dot_general3A_5 {offsets = [0, 384], sizes = [1000, 128], strides = [1, 1]} : vector<1000x4096xf32> to vector<1000x128xf32>
    %swap3A_26 = arith.constant 3 : index
    %swap3A_27 = arith.constant 0 : index
    %swap3A_28 = arith.constant 0 : index
    %swap3A_29 = vector.load %arg3[%swap3A_26, %swap3A_27, %swap3A_28] : memref<32x1000x128xf32, #tpu.memory_space<vmem>>, vector<1x1000x128xf32>
    %swap3A_30 = vector.shape_cast %swap3A_29 : vector<1x1000x128xf32> to vector<1000x128xf32>
    %swap3A_31 = vector.shape_cast %slice3A_25 : vector<1000x128xf32> to vector<1x1000x128xf32>
    tpu.vector_store %arg3[%swap3A_26, %swap3A_27, %swap3A_28], %swap3A_31 {strides = array<i32>} : memref<32x1000x128xf32, #tpu.memory_space<vmem>>, vector<1x1000x128xf32>,
    %slice3A_32 = vector.extract_strided_slice %dot_general3A_5 {offsets = [0, 512], sizes = [1000, 128], strides = [1, 1]} : vector<1000x4096xf32> to vector<1000x128xf32>
    %swap3A_33 = arith.constant 4 : index
    %swap3A_34 = arith.constant 0 : index
    %swap3A_35 = arith.constant 0 : index
    %swap3A_36 = vector.load %arg3[%swap3A_33, %swap3A_34, %swap3A_35] : memref<32x1000x128xf32, #tpu.memory_space<vmem>>, vector<1x1000x128xf32>
    %swap3A_37 = vector.shape_cast %swap3A_36 : vector<1x1000x128xf32> to vector<1000x128xf32>
    %swap3A_38 = vector.shape_cast %slice3A_32 : vector<1000x128xf32> to vector<1x1000x128xf32>
    tpu.vector_store %arg3[%swap3A_33, %swap3A_34, %swap3A_35], %swap3A_38 {strides = array<i32>} : memref<32x1000x128xf32, #tpu.memory_space<vmem>>, vector<1x1000x128xf32>,
    %slice3A_39 = vector.extract_strided_slice %dot_general3A_5 {offsets = [0, 640], sizes = [1000, 128], strides = [1, 1]} : vector<1000x4096xf32> to vector<1000x128xf32>
    %swap3A_40 = arith.constant 5 : index
    %swap3A_41 = arith.constant 0 : index
    %swap3A_42 = arith.constant 0 : index
    %swap3A_43 = vector.load %arg3[%swap3A_40, %swap3A_41, %swap3A_42] : memref<32x1000x128xf32, #tpu.memory_space<vmem>>, vector<1x1000x128xf32>
    %swap3A_44 = vector.shape_cast %swap3A_43 : vector<1x1000x128xf32> to vector<1000x128xf32>
    %swap3A_45 = vector.shape_cast %slice3A_39 : vector<1000x128xf32> to vector<1x1000x128xf32>
    tpu.vector_store %arg3[%swap3A_40, %swap3A_41, %swap3A_42], %swap3A_45 {strides = array<i32>} : memref<32x1000x128xf32, #tpu.memory_space<vmem>>, vector<1x1000x128xf32>,
    %slice3A_46 = vector.extract_strided_slice %dot_general3A_5 {offsets = [0, 768], sizes = [1000, 128], strides = [1, 1]} : vector<1000x4096xf32> to vector<1000x128xf32>
    %swap3A_47 = arith.constant 6 : index
    %swap3A_48 = arith.constant 0 : index
    %swap3A_49 = arith.constant 0 : index
    %swap3A_50 = vector.load %arg3[%swap3A_47, %swap3A_48, %swap3A_49] : memref<32x1000x128xf32, #tpu.memory_space<vmem>>, vector<1x1000x128xf32>
    %swap3A_51 = vector.shape_cast %swap3A_50 : vector<1x1000x128xf32> to vector<1000x128xf32>
    %swap3A_52 = vector.shape_cast %slice3A_46 : vector<1000x128xf32> to vector<1x1000x128xf32>
    tpu.vector_store %arg3[%swap3A_47, %swap3A_48, %swap3A_49], %swap3A_52 {strides = array<i32>} : memref<32x1000x128xf32, #tpu.memory_space<vmem>>, vector<1x1000x128xf32>,
    %slice3A_53 = vector.extract_strided_slice %dot_general3A_5 {offsets = [0, 896], sizes = [1000, 128], strides = [1, 1]} : vector<1000x4096xf32> to vector<1000x128xf32>
    %swap3A_54 = arith.constant 7 : index
    %swap3A_55 = arith.constant 0 : index
    %swap3A_56 = arith.constant 0 : index
    %swap3A_57 = vector.load %arg3[%swap3A_54, %swap3A_55, %swap3A_56] : memref<32x1000x128xf32, #tpu.memory_space<vmem>>, vector<1x1000x128xf32>
    %swap3A_58 = vector.shape_cast %swap3A_57 : vector<1x1000x128xf32> to vector<1000x128xf32>
    %swap3A_59 = vector.shape_cast %slice3A_53 : vector<1000x128xf32> to vector<1x1000x128xf32>
    tpu.vector_store %arg3[%swap3A_54, %swap3A_55, %swap3A_56], %swap3A_59 {strides = array<i32>} : memref<32x1000x128xf32, #tpu.memory_space<vmem>>, vector<1x1000x128xf32>,
    %slice3A_60 = vector.extract_strided_slice %dot_general3A_5 {offsets = [0, 1024], sizes = [1000, 128], strides = [1, 1]} : vector<1000x4096xf32> to vector<1000x128xf32>
    %swap3A_61 = arith.constant 8 : index
    %swap3A_62 = arith.constant 0 : index
    %swap3A_63 = arith.constant 0 : index
    %swap3A_64 = vector.load %arg3[%swap3A_61, %swap3A_62, %swap3A_63] : memref<32x1000x128xf32, #tpu.memory_space<vmem>>, vector<1x1000x128xf32>
    %swap3A_65 = vector.shape_cast %swap3A_64 : vector<1x1000x128xf32> to vector<1000x128xf32>
    %swap3A_66 = vector.shape_cast %slice3A_60 : vector<1000x128xf32> to vector<1x1000x128xf32>
    tpu.vector_store %arg3[%swap3A_61, %swap3A_62, %swap3A_63], %swap3A_66 {strides = array<i32>} : memref<32x1000x128xf32, #tpu.memory_space<vmem>>, vector<1x1000x128xf32>,
    %slice3A_67 = vector.extract_strided_slice %dot_general3A_5 {offsets = [0, 1152], sizes = [1000, 128], strides = [1, 1]} : vector<1000x4096xf32> to vector<1000x128xf32>
    %swap3A_68 = arith.constant 9 : index
    %swap3A_69 = arith.constant 0 : index
    %swap3A_70 = arith.constant 0 : index
    %swap3A_71 = vector.load %arg3[%swap3A_68, %swap3A_69, %swap3A_70] : memref<32x1000x128xf32, #tpu.memory_space<vmem>>, vector<1x1000x128xf32>
    %swap3A_72 = vector.shape_cast %swap3A_71 : vector<1x1000x128xf32> to vector<1000x128xf32>
    %swap3A_73 = vector.shape_cast %slice3A_67 : vector<1000x128xf32> to vector<1x1000x128xf32>
    tpu.vector_store %arg3[%swap3A_68, %swap3A_69, %swap3A_70], %swap3A_73 {strides = array<i32>} : memref<32x1000x128xf32, #tpu.memory_space<vmem>>, vector<1x1000x128xf32>,
    %slice3A_74 = vector.extract_strided_slice %dot_general3A_5 {offsets = [0, 1280], sizes = [1000, 128], strides = [1, 1]} : vector<1000x4096xf32> to vector<1000x128xf32>
    %swap3A_75 = arith.constant 10 : index
    %swap3A_76 = arith.constant 0 : index
    %swap3A_77 = arith.constant 0 : index
    %swap3A_78 = vector.load %arg3[%swap3A_75, %swap3A_76, %swap3A_77] : memref<32x1000x128xf32, #tpu.memory_space<vmem>>, vector<1x1000x128xf32>
    %swap3A_79 = vector.shape_cast %swap3A_78 : vector<1x1000x128xf32> to vector<1000x128xf32>
    %swap3A_80 = vector.shape_cast %slice3A_74 : vector<1000x128xf32> to vector<1x1000x128xf32>
    tpu.vector_store %arg3[%swap3A_75, %swap3A_76, %swap3A_77], %swap3A_80 {strides = array<i32>} : memref<32x1000x128xf32, #tpu.memory_space<vmem>>, vector<1x1000x128xf32>,
    %slice3A_81 = vector.extract_strided_slice %dot_general3A_5 {offsets = [0, 1408], sizes = [1000, 128], strides = [1, 1]} : vector<1000x4096xf32> to vector<1000x128xf32>
    %swap3A_82 = arith.constant 11 : index
    %swap3A_83 = arith.constant 0 : index
    %swap3A_84 = arith.constant 0 : index
    %swap3A_85 = vector.load %arg3[%swap3A_82, %swap3A_83, %swap3A_84] : memref<32x1000x128xf32, #tpu.memory_space<vmem>>, vector<1x1000x128xf32>
    %swap3A_86 = vector.shape_cast %swap3A_85 : vector<1x1000x128xf32> to vector<1000x128xf32>
    %swap3A_87 = vector.shape_cast %slice3A_81 : vector<1000x128xf32> to vector<1x1000x128xf32>
    tpu.vector_store %arg3[%swap3A_82, %swap3A_83, %swap3A_84], %swap3A_87 {strides = array<i32>} : memref<32x1000x128xf32, #tpu.memory_space<vmem>>, vector<1x1000x128xf32>,
    %slice3A_88 = vector.extract_strided_slice %dot_general3A_5 {offsets = [0, 1536], sizes = [1000, 128], strides = [1, 1]} : vector<1000x4096xf32> to vector<1000x128xf32>
    %swap3A_89 = arith.constant 12 : index
    %swap3A_90 = arith.constant 0 : index
    %swap3A_91 = arith.constant 0 : index
    %swap3A_92 = vector.load %arg3[%swap3A_89, %swap3A_90, %swap3A_91] : memref<32x1000x128xf32, #tpu.memory_space<vmem>>, vector<1x1000x128xf32>
    %swap3A_93 = vector.shape_cast %swap3A_92 : vector<1x1000x128xf32> to vector<1000x128xf32>
    %swap3A_94 = vector.shape_cast %slice3A_88 : vector<1000x128xf32> to vector<1x1000x128xf32>
    tpu.vector_store %arg3[%swap3A_89, %swap3A_90, %swap3A_91], %swap3A_94 {strides = array<i32>} : memref<32x1000x128xf32, #tpu.memory_space<vmem>>, vector<1x1000x128xf32>,
    %slice3A_95 = vector.extract_strided_slice %dot_general3A_5 {offsets = [0, 1664], sizes = [1000, 128], strides = [1, 1]} : vector<1000x4096xf32> to vector<1000x128xf32>
    %swap3A_96 = arith.constant 13 : index
    %swap3A_97 = arith.constant 0 : index
    %swap3A_98 = arith.constant 0 : index
    %swap3A_99 = vector.load %arg3[%swap3A_96, %swap3A_97, %swap3A_98] : memref<32x1000x128xf32, #tpu.memory_space<vmem>>, vector<1x1000x128xf32>
    %swap3A_100 = vector.shape_cast %swap3A_99 : vector<1x1000x128xf32> to vector<1000x128xf32>
    %swap3A_101 = vector.shape_cast %slice3A_95 : vector<1000x128xf32> to vector<1x1000x128xf32>
    tpu.vector_store %arg3[%swap3A_96, %swap3A_97, %swap3A_98], %swap3A_101 {strides = array<i32>} : memref<32x1000x128xf32, #tpu.memory_space<vmem>>, vector<1x1000x128xf32>,
    %slice3A_102 = vector.extract_strided_slice %dot_general3A_5 {offsets = [0, 1792], sizes = [1000, 128], strides = [1, 1]} : vector<1000x4096xf32> to vector<1000x128xf32>
    %swap3A_103 = arith.constant 14 : index
    %swap3A_104 = arith.constant 0 : index
    %swap3A_105 = arith.constant 0 : index
    %swap3A_106 = vector.load %arg3[%swap3A_103, %swap3A_104, %swap3A_105] : memref<32x1000x128xf32, #tpu.memory_space<vmem>>, vector<1x1000x128xf32>
    %swap3A_107 = vector.shape_cast %swap3A_106 : vector<1x1000x128xf32> to vector<1000x128xf32>
    %swap3A_108 = vector.shape_cast %slice3A_102 : vector<1000x128xf32> to vector<1x1000x128xf32>
    tpu.vector_store %arg3[%swap3A_103, %swap3A_104, %swap3A_105], %swap3A_108 {strides = array<i32>} : memref<32x1000x128xf32, #tpu.memory_space<vmem>>, vector<1x1000x128xf32>,
    %slice3A_109 = vector.extract_strided_slice %dot_general3A_5 {offsets = [0, 1920], sizes = [1000, 128], strides = [1, 1]} : vector<1000x4096xf32> to vector<1000x128xf32>
    %swap3A_110 = arith.constant 15 : index
    %swap3A_111 = arith.constant 0 : index
    %swap3A_112 = arith.constant 0 : index
    %swap3A_113 = vector.load %arg3[%swap3A_110, %swap3A_111, %swap3A_112] : memref<32x1000x128xf32, #tpu.memory_space<vmem>>, vector<1x1000x128xf32>
    %swap3A_114 = vector.shape_cast %swap3A_113 : vector<1x1000x128xf32> to vector<1000x128xf32>
    %swap3A_115 = vector.shape_cast %slice3A_109 : vector<1000x128xf32> to vector<1x1000x128xf32>
    tpu.vector_store %arg3[%swap3A_110, %swap3A_111, %swap3A_112], %swap3A_115 {strides = array<i32>} : memref<32x1000x128xf32, #tpu.memory_space<vmem>>, vector<1x1000x128xf32>,
    %slice3A_116 = vector.extract_strided_slice %dot_general3A_5 {offsets = [0, 2048], sizes = [1000, 128], strides = [1, 1]} : vector<1000x4096xf32> to vector<1000x128xf32>
    %swap3A_117 = arith.constant 16 : index
    %swap3A_118 = arith.constant 0 : index
    %swap3A_119 = arith.constant 0 : index
    %swap3A_120 = vector.load %arg3[%swap3A_117, %swap3A_118, %swap3A_119] : memref<32x1000x128xf32, #tpu.memory_space<vmem>>, vector<1x1000x128xf32>
    %swap3A_121 = vector.shape_cast %swap3A_120 : vector<1x1000x128xf32> to vector<1000x128xf32>
    %swap3A_122 = vector.shape_cast %slice3A_116 : vector<1000x128xf32> to vector<1x1000x128xf32>
    tpu.vector_store %arg3[%swap3A_117, %swap3A_118, %swap3A_119], %swap3A_122 {strides = array<i32>} : memref<32x1000x128xf32, #tpu.memory_space<vmem>>, vector<1x1000x128xf32>,
    %slice3A_123 = vector.extract_strided_slice %dot_general3A_5 {offsets = [0, 2176], sizes = [1000, 128], strides = [1, 1]} : vector<1000x4096xf32> to vector<1000x128xf32>
    %swap3A_124 = arith.constant 17 : index
    %swap3A_125 = arith.constant 0 : index
    %swap3A_126 = arith.constant 0 : index
    %swap3A_127 = vector.load %arg3[%swap3A_124, %swap3A_125, %swap3A_126] : memref<32x1000x128xf32, #tpu.memory_space<vmem>>, vector<1x1000x128xf32>
    %swap3A_128 = vector.shape_cast %swap3A_127 : vector<1x1000x128xf32> to vector<1000x128xf32>
    %swap3A_129 = vector.shape_cast %slice3A_123 : vector<1000x128xf32> to vector<1x1000x128xf32>
    tpu.vector_store %arg3[%swap3A_124, %swap3A_125, %swap3A_126], %swap3A_129 {strides = array<i32>} : memref<32x1000x128xf32, #tpu.memory_space<vmem>>, vector<1x1000x128xf32>,
    %slice3A_130 = vector.extract_strided_slice %dot_general3A_5 {offsets = [0, 2304], sizes = [1000, 128], strides = [1, 1]} : vector<1000x4096xf32> to vector<1000x128xf32>
    %swap3A_131 = arith.constant 18 : index
    %swap3A_132 = arith.constant 0 : index
    %swap3A_133 = arith.constant 0 : index
    %swap3A_134 = vector.load %arg3[%swap3A_131, %swap3A_132, %swap3A_133] : memref<32x1000x128xf32, #tpu.memory_space<vmem>>, vector<1x1000x128xf32>
    %swap3A_135 = vector.shape_cast %swap3A_134 : vector<1x1000x128xf32> to vector<1000x128xf32>
    %swap3A_136 = vector.shape_cast %slice3A_130 : vector<1000x128xf32> to vector<1x1000x128xf32>
    tpu.vector_store %arg3[%swap3A_131, %swap3A_132, %swap3A_133], %swap3A_136 {strides = array<i32>} : memref<32x1000x128xf32, #tpu.memory_space<vmem>>, vector<1x1000x128xf32>,
    %slice3A_137 = vector.extract_strided_slice %dot_general3A_5 {offsets = [0, 2432], sizes = [1000, 128], strides = [1, 1]} : vector<1000x4096xf32> to vector<1000x128xf32>
    %swap3A_138 = arith.constant 19 : index
    %swap3A_139 = arith.constant 0 : index
    %swap3A_140 = arith.constant 0 : index
    %swap3A_141 = vector.load %arg3[%swap3A_138, %swap3A_139, %swap3A_140] : memref<32x1000x128xf32, #tpu.memory_space<vmem>>, vector<1x1000x128xf32>
    %swap3A_142 = vector.shape_cast %swap3A_141 : vector<1x1000x128xf32> to vector<1000x128xf32>
    %swap3A_143 = vector.shape_cast %slice3A_137 : vector<1000x128xf32> to vector<1x1000x128xf32>
    tpu.vector_store %arg3[%swap3A_138, %swap3A_139, %swap3A_140], %swap3A_143 {strides = array<i32>} : memref<32x1000x128xf32, #tpu.memory_space<vmem>>, vector<1x1000x128xf32>,
    %slice3A_144 = vector.extract_strided_slice %dot_general3A_5 {offsets = [0, 2560], sizes = [1000, 128], strides = [1, 1]} : vector<1000x4096xf32> to vector<1000x128xf32>
    %swap3A_145 = arith.constant 20 : index
    %swap3A_146 = arith.constant 0 : index
    %swap3A_147 = arith.constant 0 : index
    %swap3A_148 = vector.load %arg3[%swap3A_145, %swap3A_146, %swap3A_147] : memref<32x1000x128xf32, #tpu.memory_space<vmem>>, vector<1x1000x128xf32>
    %swap3A_149 = vector.shape_cast %swap3A_148 : vector<1x1000x128xf32> to vector<1000x128xf32>
    %swap3A_150 = vector.shape_cast %slice3A_144 : vector<1000x128xf32> to vector<1x1000x128xf32>
    tpu.vector_store %arg3[%swap3A_145, %swap3A_146, %swap3A_147], %swap3A_150 {strides = array<i32>} : memref<32x1000x128xf32, #tpu.memory_space<vmem>>, vector<1x1000x128xf32>,
    %slice3A_151 = vector.extract_strided_slice %dot_general3A_5 {offsets = [0, 2688], sizes = [1000, 128], strides = [1, 1]} : vector<1000x4096xf32> to vector<1000x128xf32>
    %swap3A_152 = arith.constant 21 : index
    %swap3A_153 = arith.constant 0 : index
    %swap3A_154 = arith.constant 0 : index
    %swap3A_155 = vector.load %arg3[%swap3A_152, %swap3A_153, %swap3A_154] : memref<32x1000x128xf32, #tpu.memory_space<vmem>>, vector<1x1000x128xf32>
    %swap3A_156 = vector.shape_cast %swap3A_155 : vector<1x1000x128xf32> to vector<1000x128xf32>
    %swap3A_157 = vector.shape_cast %slice3A_151 : vector<1000x128xf32> to vector<1x1000x128xf32>
    tpu.vector_store %arg3[%swap3A_152, %swap3A_153, %swap3A_154], %swap3A_157 {strides = array<i32>} : memref<32x1000x128xf32, #tpu.memory_space<vmem>>, vector<1x1000x128xf32>,
    %slice3A_158 = vector.extract_strided_slice %dot_general3A_5 {offsets = [0, 2816], sizes = [1000, 128], strides = [1, 1]} : vector<1000x4096xf32> to vector<1000x128xf32>
    %swap3A_159 = arith.constant 22 : index
    %swap3A_160 = arith.constant 0 : index
    %swap3A_161 = arith.constant 0 : index
    %swap3A_162 = vector.load %arg3[%swap3A_159, %swap3A_160, %swap3A_161] : memref<32x1000x128xf32, #tpu.memory_space<vmem>>, vector<1x1000x128xf32>
    %swap3A_163 = vector.shape_cast %swap3A_162 : vector<1x1000x128xf32> to vector<1000x128xf32>
    %swap3A_164 = vector.shape_cast %slice3A_158 : vector<1000x128xf32> to vector<1x1000x128xf32>
    tpu.vector_store %arg3[%swap3A_159, %swap3A_160, %swap3A_161], %swap3A_164 {strides = array<i32>} : memref<32x1000x128xf32, #tpu.memory_space<vmem>>, vector<1x1000x128xf32>,
    %slice3A_165 = vector.extract_strided_slice %dot_general3A_5 {offsets = [0, 2944], sizes = [1000, 128], strides = [1, 1]} : vector<1000x4096xf32> to vector<1000x128xf32>
    %swap3A_166 = arith.constant 23 : index
    %swap3A_167 = arith.constant 0 : index
    %swap3A_168 = arith.constant 0 : index
    %swap3A_169 = vector.load %arg3[%swap3A_166, %swap3A_167, %swap3A_168] : memref<32x1000x128xf32, #tpu.memory_space<vmem>>, vector<1x1000x128xf32>
    %swap3A_170 = vector.shape_cast %swap3A_169 : vector<1x1000x128xf32> to vector<1000x128xf32>
    %swap3A_171 = vector.shape_cast %slice3A_165 : vector<1000x128xf32> to vector<1x1000x128xf32>
    tpu.vector_store %arg3[%swap3A_166, %swap3A_167, %swap3A_168], %swap3A_171 {strides = array<i32>} : memref<32x1000x128xf32, #tpu.memory_space<vmem>>, vector<1x1000x128xf32>,
    %slice3A_172 = vector.extract_strided_slice %dot_general3A_5 {offsets = [0, 3072], sizes = [1000, 128], strides = [1, 1]} : vector<1000x4096xf32> to vector<1000x128xf32>
    %swap3A_173 = arith.constant 24 : index
    %swap3A_174 = arith.constant 0 : index
    %swap3A_175 = arith.constant 0 : index
    %swap3A_176 = vector.load %arg3[%swap3A_173, %swap3A_174, %swap3A_175] : memref<32x1000x128xf32, #tpu.memory_space<vmem>>, vector<1x1000x128xf32>
    %swap3A_177 = vector.shape_cast %swap3A_176 : vector<1x1000x128xf32> to vector<1000x128xf32>
    %swap3A_178 = vector.shape_cast %slice3A_172 : vector<1000x128xf32> to vector<1x1000x128xf32>
    tpu.vector_store %arg3[%swap3A_173, %swap3A_174, %swap3A_175], %swap3A_178 {strides = array<i32>} : memref<32x1000x128xf32, #tpu.memory_space<vmem>>, vector<1x1000x128xf32>,
    %slice3A_179 = vector.extract_strided_slice %dot_general3A_5 {offsets = [0, 3200], sizes = [1000, 128], strides = [1, 1]} : vector<1000x4096xf32> to vector<1000x128xf32>
    %swap3A_180 = arith.constant 25 : index
    %swap3A_181 = arith.constant 0 : index
    %swap3A_182 = arith.constant 0 : index
    %swap3A_183 = vector.load %arg3[%swap3A_180, %swap3A_181, %swap3A_182] : memref<32x1000x128xf32, #tpu.memory_space<vmem>>, vector<1x1000x128xf32>
    %swap3A_184 = vector.shape_cast %swap3A_183 : vector<1x1000x128xf32> to vector<1000x128xf32>
    %swap3A_185 = vector.shape_cast %slice3A_179 : vector<1000x128xf32> to vector<1x1000x128xf32>
    tpu.vector_store %arg3[%swap3A_180, %swap3A_181, %swap3A_182], %swap3A_185 {strides = array<i32>} : memref<32x1000x128xf32, #tpu.memory_space<vmem>>, vector<1x1000x128xf32>,
    %slice3A_186 = vector.extract_strided_slice %dot_general3A_5 {offsets = [0, 3328], sizes = [1000, 128], strides = [1, 1]} : vector<1000x4096xf32> to vector<1000x128xf32>
    %swap3A_187 = arith.constant 26 : index
    %swap3A_188 = arith.constant 0 : index
    %swap3A_189 = arith.constant 0 : index
    %swap3A_190 = vector.load %arg3[%swap3A_187, %swap3A_188, %swap3A_189] : memref<32x1000x128xf32, #tpu.memory_space<vmem>>, vector<1x1000x128xf32>
    %swap3A_191 = vector.shape_cast %swap3A_190 : vector<1x1000x128xf32> to vector<1000x128xf32>
    %swap3A_192 = vector.shape_cast %slice3A_186 : vector<1000x128xf32> to vector<1x1000x128xf32>
    tpu.vector_store %arg3[%swap3A_187, %swap3A_188, %swap3A_189], %swap3A_192 {strides = array<i32>} : memref<32x1000x128xf32, #tpu.memory_space<vmem>>, vector<1x1000x128xf32>,
    %slice3A_193 = vector.extract_strided_slice %dot_general3A_5 {offsets = [0, 3456], sizes = [1000, 128], strides = [1, 1]} : vector<1000x4096xf32> to vector<1000x128xf32>
    %swap3A_194 = arith.constant 27 : index
    %swap3A_195 = arith.constant 0 : index
    %swap3A_196 = arith.constant 0 : index
    %swap3A_197 = vector.load %arg3[%swap3A_194, %swap3A_195, %swap3A_196] : memref<32x1000x128xf32, #tpu.memory_space<vmem>>, vector<1x1000x128xf32>
    %swap3A_198 = vector.shape_cast %swap3A_197 : vector<1x1000x128xf32> to vector<1000x128xf32>
    %swap3A_199 = vector.shape_cast %slice3A_193 : vector<1000x128xf32> to vector<1x1000x128xf32>
    tpu.vector_store %arg3[%swap3A_194, %swap3A_195, %swap3A_196], %swap3A_199 {strides = array<i32>} : memref<32x1000x128xf32, #tpu.memory_space<vmem>>, vector<1x1000x128xf32>,
    %slice3A_200 = vector.extract_strided_slice %dot_general3A_5 {offsets = [0, 3584], sizes = [1000, 128], strides = [1, 1]} : vector<1000x4096xf32> to vector<1000x128xf32>
    %swap3A_201 = arith.constant 28 : index
    %swap3A_202 = arith.constant 0 : index
    %swap3A_203 = arith.constant 0 : index
    %swap3A_204 = vector.load %arg3[%swap3A_201, %swap3A_202, %swap3A_203] : memref<32x1000x128xf32, #tpu.memory_space<vmem>>, vector<1x1000x128xf32>
    %swap3A_205 = vector.shape_cast %swap3A_204 : vector<1x1000x128xf32> to vector<1000x128xf32>
    %swap3A_206 = vector.shape_cast %slice3A_200 : vector<1000x128xf32> to vector<1x1000x128xf32>
    tpu.vector_store %arg3[%swap3A_201, %swap3A_202, %swap3A_203], %swap3A_206 {strides = array<i32>} : memref<32x1000x128xf32, #tpu.memory_space<vmem>>, vector<1x1000x128xf32>,
    %slice3A_207 = vector.extract_strided_slice %dot_general3A_5 {offsets = [0, 3712], sizes = [1000, 128], strides = [1, 1]} : vector<1000x4096xf32> to vector<1000x128xf32>
    %swap3A_208 = arith.constant 29 : index
    %swap3A_209 = arith.constant 0 : index
    %swap3A_210 = arith.constant 0 : index
    %swap3A_211 = vector.load %arg3[%swap3A_208, %swap3A_209, %swap3A_210] : memref<32x1000x128xf32, #tpu.memory_space<vmem>>, vector<1x1000x128xf32>
    %swap3A_212 = vector.shape_cast %swap3A_211 : vector<1x1000x128xf32> to vector<1000x128xf32>
    %swap3A_213 = vector.shape_cast %slice3A_207 : vector<1000x128xf32> to vector<1x1000x128xf32>
    tpu.vector_store %arg3[%swap3A_208, %swap3A_209, %swap3A_210], %swap3A_213 {strides = array<i32>} : memref<32x1000x128xf32, #tpu.memory_space<vmem>>, vector<1x1000x128xf32>,
    %slice3A_214 = vector.extract_strided_slice %dot_general3A_5 {offsets = [0, 3840], sizes = [1000, 128], strides = [1, 1]} : vector<1000x4096xf32> to vector<1000x128xf32>
    %swap3A_215 = arith.constant 30 : index
    %swap3A_216 = arith.constant 0 : index
    %swap3A_217 = arith.constant 0 : index
    %swap3A_218 = vector.load %arg3[%swap3A_215, %swap3A_216, %swap3A_217] : memref<32x1000x128xf32, #tpu.memory_space<vmem>>, vector<1x1000x128xf32>
    %swap3A_219 = vector.shape_cast %swap3A_218 : vector<1x1000x128xf32> to vector<1000x128xf32>
    %swap3A_220 = vector.shape_cast %slice3A_214 : vector<1000x128xf32> to vector<1x1000x128xf32>
    tpu.vector_store %arg3[%swap3A_215, %swap3A_216, %swap3A_217], %swap3A_220 {strides = array<i32>} : memref<32x1000x128xf32, #tpu.memory_space<vmem>>, vector<1x1000x128xf32>,
    %slice3A_221 = vector.extract_strided_slice %dot_general3A_5 {offsets = [0, 3968], sizes = [1000, 128], strides = [1, 1]} : vector<1000x4096xf32> to vector<1000x128xf32>
    %swap3A_222 = arith.constant 31 : index
    %swap3A_223 = arith.constant 0 : index
    %swap3A_224 = arith.constant 0 : index
    %swap3A_225 = vector.load %arg3[%swap3A_222, %swap3A_223, %swap3A_224] : memref<32x1000x128xf32, #tpu.memory_space<vmem>>, vector<1x1000x128xf32>
    %swap3A_226 = vector.shape_cast %swap3A_225 : vector<1x1000x128xf32> to vector<1000x128xf32>
    %swap3A_227 = vector.shape_cast %slice3A_221 : vector<1000x128xf32> to vector<1x1000x128xf32>
    tpu.vector_store %arg3[%swap3A_222, %swap3A_223, %swap3A_224], %swap3A_227 {strides = array<i32>} : memref<32x1000x128xf32, #tpu.memory_space<vmem>>, vector<1x1000x128xf32>,
    return
  }
  func.func @transform_0(%arg0: i32) -> (i32, i32) {
    %c0_i32 = arith.constant 0 : i32
    %c0_i32_0 = arith.constant 0 : i32
    return %arg0, %c0_i32 : i32, i32
  }
  func.func @transform_1(%arg0: i32) -> (i32, i32) {
    %c0_i32 = arith.constant 0 : i32
    %c0_i32_0 = arith.constant 0 : i32
    %c0_i32_1 = arith.constant 0 : i32
    return %c0_i32, %c0_i32_0 : i32, i32
  }
  func.func @transform_2(%arg0: i32) -> (i32, i32, i32) {
    %c0_i32 = arith.constant 0 : i32
    %c0_i32_0 = arith.constant 0 : i32
    %c0_i32_1 = arith.constant 0 : i32
    return %c0_i32, %arg0, %c0_i32_0 : i32, i32, i32
  }
}

module attributes {stable_mosaic.version = 14 : i64} {
  func.func @_fin_kernel(%arg0: i32, %arg1: memref<2x1000x128xf32, #tpu.memory_space<vmem>>, %arg2: memref<1000x128xf32, #tpu.memory_space<vmem>>, %arg3: memref<128x256xf32, #tpu.memory_space<vmem>>, %arg4: memref<1x256xf32, #tpu.memory_space<vmem>>, %arg5: memref<1000x256xf32, #tpu.memory_space<vmem>>) attributes {dimension_semantics = [#tpu.dimension_semantics<arbitrary>], iteration_bounds = array<i64: 10>, scalar_prefetch = 0 : i64, scratch_operands = 0 : i64, tpu.core_type = #tpu.core_type<tc>, window_params = [{transform_indices = @transform_0, window_bounds = array<i64: 2, 1000, 128>}, {transform_indices = @transform_1, window_bounds = array<i64: 1000, 128>}, {pipeline_mode = #tpu.pipeline_mode<synchronous>, transform_indices = @transform_2, window_bounds = array<i64: 128, 256>}, {pipeline_mode = #tpu.pipeline_mode<synchronous>, transform_indices = @transform_3, window_bounds = array<i64: 1, 256>}, {transform_indices = @transform_4, window_bounds = array<i64: 1000, 256>}]} {
    %get3A = arith.constant 0 : index
    %get3A_0 = arith.constant 0 : index
    %get3A_1 = arith.constant 0 : index
    %get3A_2 = vector.load %arg1[%get3A, %get3A_0, %get3A_1] : memref<2x1000x128xf32, #tpu.memory_space<vmem>>, vector<1x1000x128xf32>
    %get3A_3 = vector.shape_cast %get3A_2 : vector<1x1000x128xf32> to vector<1000x128xf32>
    %get3A_4 = arith.constant 1 : index
    %get3A_5 = arith.constant 0 : index
    %get3A_6 = arith.constant 0 : index
    %get3A_7 = vector.load %arg1[%get3A_4, %get3A_5, %get3A_6] : memref<2x1000x128xf32, #tpu.memory_space<vmem>>, vector<1x1000x128xf32>
    %get3A_8 = vector.shape_cast %get3A_7 : vector<1x1000x128xf32> to vector<1000x128xf32>
    %concatenate3A = tpu.concatenate %get3A_3, %get3A_8 in 1 : vector<1000x128xf32>, vector<1000x128xf32> -> vector<1000x256xf32>
    %get3A_9 = arith.constant 0 : index
    %get3A_10 = arith.constant 0 : index
    %get3A_11 = vector.load %arg2[%get3A_9, %get3A_10] : memref<1000x128xf32, #tpu.memory_space<vmem>>, vector<1000x128xf32>
    %get3A_12 = arith.constant 0 : index
    %get3A_13 = arith.constant 0 : index
    %get3A_14 = vector.load %arg3[%get3A_12, %get3A_13] : memref<128x256xf32, #tpu.memory_space<vmem>>, vector<128x256xf32>
    %dot_general3A = arith.constant dense<0.000000e+00> : vector<1000x256xf32>
    %dot_general3A_15 = tpu.matmul %get3A_11, %get3A_14, %dot_general3A {dimension_numbers = #tpu.dot_dimension_numbers<[1], [0], [0], [1], [0, 0, 1, 1], [], []>, transpose_lhs_hint = false} : vector<1000x128xf32>, vector<128x256xf32>, vector<1000x256xf32> -> vector<1000x256xf32>
    %add3A = arith.addf %concatenate3A, %dot_general3A_15 : vector<1000x256xf32>
    %get3A_16 = arith.constant 0 : index
    %get3A_17 = arith.constant 0 : index
    %get3A_18 = vector.load %arg4[%get3A_16, %get3A_17] : memref<1x256xf32, #tpu.memory_space<vmem>>, vector<1x256xf32>
    %add3A_19 = vector.broadcast %get3A_18 : vector<1x256xf32> to vector<1000x256xf32>
    %add3A_20 = arith.addf %add3A, %add3A_19 : vector<1000x256xf32>
    %max3A = arith.constant 0.000000e+00 : f32
    %max3A_21 = vector.broadcast %max3A : f32 to vector<1000x256xf32>
    %max3A_22 = arith.maximumf %add3A_20, %max3A_21 : vector<1000x256xf32>
    %swap3A = arith.constant 0 : index
    %swap3A_23 = arith.constant 0 : index
    %swap3A_24 = vector.load %arg5[%swap3A, %swap3A_23] : memref<1000x256xf32, #tpu.memory_space<vmem>>, vector<1000x256xf32>
    tpu.vector_store %arg5[%swap3A, %swap3A_23], %max3A_22 {strides = array<i32>} : memref<1000x256xf32, #tpu.memory_space<vmem>>, vector<1000x256xf32>,
    return
  }
  func.func @transform_0(%arg0: i32) -> (i32, i32, i32) {
    %c0_i32 = arith.constant 0 : i32
    %c0_i32_0 = arith.constant 0 : i32
    %c0_i32_1 = arith.constant 0 : i32
    return %c0_i32, %arg0, %c0_i32_0 : i32, i32, i32
  }
  func.func @transform_1(%arg0: i32) -> (i32, i32) {
    %c0_i32 = arith.constant 0 : i32
    %c0_i32_0 = arith.constant 0 : i32
    return %arg0, %c0_i32 : i32, i32
  }
  func.func @transform_2(%arg0: i32) -> (i32, i32) {
    %c0_i32 = arith.constant 0 : i32
    %c0_i32_0 = arith.constant 0 : i32
    %c0_i32_1 = arith.constant 0 : i32
    return %c0_i32, %c0_i32_0 : i32, i32
  }
  func.func @transform_3(%arg0: i32) -> (i32, i32) {
    %c0_i32 = arith.constant 0 : i32
    %c0_i32_0 = arith.constant 0 : i32
    %c0_i32_1 = arith.constant 0 : i32
    return %c0_i32, %c0_i32_0 : i32, i32
  }
  func.func @transform_4(%arg0: i32) -> (i32, i32) {
    %c0_i32 = arith.constant 0 : i32
    %c0_i32_0 = arith.constant 0 : i32
    return %arg0, %c0_i32 : i32, i32
  }
}

module attributes {stable_mosaic.version = 14 : i64} {
  func.func @_mm_kernel(%arg0: i32, %arg1: memref<1000x256xf32, #tpu.memory_space<vmem>>, %arg2: memref<256x4096xf32, #tpu.memory_space<vmem>>, %arg3: memref<32x1000x128xf32, #tpu.memory_space<vmem>>) attributes {dimension_semantics = [#tpu.dimension_semantics<arbitrary>], iteration_bounds = array<i64: 10>, scalar_prefetch = 0 : i64, scratch_operands = 0 : i64, tpu.core_type = #tpu.core_type<tc>, window_params = [{transform_indices = @transform_0, window_bounds = array<i64: 1000, 256>}, {pipeline_mode = #tpu.pipeline_mode<synchronous>, transform_indices = @transform_1, window_bounds = array<i64: 256, 4096>}, {transform_indices = @transform_2, window_bounds = array<i64: 32, 1000, 128>}]} {
    %get3A = arith.constant 0 : index
    %get3A_0 = arith.constant 0 : index
    %get3A_1 = vector.load %arg1[%get3A, %get3A_0] : memref<1000x256xf32, #tpu.memory_space<vmem>>, vector<1000x256xf32>
    %get3A_2 = arith.constant 0 : index
    %get3A_3 = arith.constant 0 : index
    %get3A_4 = vector.load %arg2[%get3A_2, %get3A_3] : memref<256x4096xf32, #tpu.memory_space<vmem>>, vector<256x4096xf32>
    %dot_general3A = arith.constant dense<0.000000e+00> : vector<1000x4096xf32>
    %dot_general3A_5 = tpu.matmul %get3A_1, %get3A_4, %dot_general3A {dimension_numbers = #tpu.dot_dimension_numbers<[1], [0], [0], [1], [0, 0, 1, 1], [], []>, transpose_lhs_hint = false} : vector<1000x256xf32>, vector<256x4096xf32>, vector<1000x4096xf32> -> vector<1000x4096xf32>
    %slice3A = vector.extract_strided_slice %dot_general3A_5 {offsets = [0, 0], sizes = [1000, 128], strides = [1, 1]} : vector<1000x4096xf32> to vector<1000x128xf32>
    %swap3A = arith.constant 0 : index
    %swap3A_6 = arith.constant 0 : index
    %swap3A_7 = arith.constant 0 : index
    %swap3A_8 = vector.load %arg3[%swap3A, %swap3A_6, %swap3A_7] : memref<32x1000x128xf32, #tpu.memory_space<vmem>>, vector<1x1000x128xf32>
    %swap3A_9 = vector.shape_cast %swap3A_8 : vector<1x1000x128xf32> to vector<1000x128xf32>
    %swap3A_10 = vector.shape_cast %slice3A : vector<1000x128xf32> to vector<1x1000x128xf32>
    tpu.vector_store %arg3[%swap3A, %swap3A_6, %swap3A_7], %swap3A_10 {strides = array<i32>} : memref<32x1000x128xf32, #tpu.memory_space<vmem>>, vector<1x1000x128xf32>,
    %slice3A_11 = vector.extract_strided_slice %dot_general3A_5 {offsets = [0, 128], sizes = [1000, 128], strides = [1, 1]} : vector<1000x4096xf32> to vector<1000x128xf32>
    %swap3A_12 = arith.constant 1 : index
    %swap3A_13 = arith.constant 0 : index
    %swap3A_14 = arith.constant 0 : index
    %swap3A_15 = vector.load %arg3[%swap3A_12, %swap3A_13, %swap3A_14] : memref<32x1000x128xf32, #tpu.memory_space<vmem>>, vector<1x1000x128xf32>
    %swap3A_16 = vector.shape_cast %swap3A_15 : vector<1x1000x128xf32> to vector<1000x128xf32>
    %swap3A_17 = vector.shape_cast %slice3A_11 : vector<1000x128xf32> to vector<1x1000x128xf32>
    tpu.vector_store %arg3[%swap3A_12, %swap3A_13, %swap3A_14], %swap3A_17 {strides = array<i32>} : memref<32x1000x128xf32, #tpu.memory_space<vmem>>, vector<1x1000x128xf32>,
    %slice3A_18 = vector.extract_strided_slice %dot_general3A_5 {offsets = [0, 256], sizes = [1000, 128], strides = [1, 1]} : vector<1000x4096xf32> to vector<1000x128xf32>
    %swap3A_19 = arith.constant 2 : index
    %swap3A_20 = arith.constant 0 : index
    %swap3A_21 = arith.constant 0 : index
    %swap3A_22 = vector.load %arg3[%swap3A_19, %swap3A_20, %swap3A_21] : memref<32x1000x128xf32, #tpu.memory_space<vmem>>, vector<1x1000x128xf32>
    %swap3A_23 = vector.shape_cast %swap3A_22 : vector<1x1000x128xf32> to vector<1000x128xf32>
    %swap3A_24 = vector.shape_cast %slice3A_18 : vector<1000x128xf32> to vector<1x1000x128xf32>
    tpu.vector_store %arg3[%swap3A_19, %swap3A_20, %swap3A_21], %swap3A_24 {strides = array<i32>} : memref<32x1000x128xf32, #tpu.memory_space<vmem>>, vector<1x1000x128xf32>,
    %slice3A_25 = vector.extract_strided_slice %dot_general3A_5 {offsets = [0, 384], sizes = [1000, 128], strides = [1, 1]} : vector<1000x4096xf32> to vector<1000x128xf32>
    %swap3A_26 = arith.constant 3 : index
    %swap3A_27 = arith.constant 0 : index
    %swap3A_28 = arith.constant 0 : index
    %swap3A_29 = vector.load %arg3[%swap3A_26, %swap3A_27, %swap3A_28] : memref<32x1000x128xf32, #tpu.memory_space<vmem>>, vector<1x1000x128xf32>
    %swap3A_30 = vector.shape_cast %swap3A_29 : vector<1x1000x128xf32> to vector<1000x128xf32>
    %swap3A_31 = vector.shape_cast %slice3A_25 : vector<1000x128xf32> to vector<1x1000x128xf32>
    tpu.vector_store %arg3[%swap3A_26, %swap3A_27, %swap3A_28], %swap3A_31 {strides = array<i32>} : memref<32x1000x128xf32, #tpu.memory_space<vmem>>, vector<1x1000x128xf32>,
    %slice3A_32 = vector.extract_strided_slice %dot_general3A_5 {offsets = [0, 512], sizes = [1000, 128], strides = [1, 1]} : vector<1000x4096xf32> to vector<1000x128xf32>
    %swap3A_33 = arith.constant 4 : index
    %swap3A_34 = arith.constant 0 : index
    %swap3A_35 = arith.constant 0 : index
    %swap3A_36 = vector.load %arg3[%swap3A_33, %swap3A_34, %swap3A_35] : memref<32x1000x128xf32, #tpu.memory_space<vmem>>, vector<1x1000x128xf32>
    %swap3A_37 = vector.shape_cast %swap3A_36 : vector<1x1000x128xf32> to vector<1000x128xf32>
    %swap3A_38 = vector.shape_cast %slice3A_32 : vector<1000x128xf32> to vector<1x1000x128xf32>
    tpu.vector_store %arg3[%swap3A_33, %swap3A_34, %swap3A_35], %swap3A_38 {strides = array<i32>} : memref<32x1000x128xf32, #tpu.memory_space<vmem>>, vector<1x1000x128xf32>,
    %slice3A_39 = vector.extract_strided_slice %dot_general3A_5 {offsets = [0, 640], sizes = [1000, 128], strides = [1, 1]} : vector<1000x4096xf32> to vector<1000x128xf32>
    %swap3A_40 = arith.constant 5 : index
    %swap3A_41 = arith.constant 0 : index
    %swap3A_42 = arith.constant 0 : index
    %swap3A_43 = vector.load %arg3[%swap3A_40, %swap3A_41, %swap3A_42] : memref<32x1000x128xf32, #tpu.memory_space<vmem>>, vector<1x1000x128xf32>
    %swap3A_44 = vector.shape_cast %swap3A_43 : vector<1x1000x128xf32> to vector<1000x128xf32>
    %swap3A_45 = vector.shape_cast %slice3A_39 : vector<1000x128xf32> to vector<1x1000x128xf32>
    tpu.vector_store %arg3[%swap3A_40, %swap3A_41, %swap3A_42], %swap3A_45 {strides = array<i32>} : memref<32x1000x128xf32, #tpu.memory_space<vmem>>, vector<1x1000x128xf32>,
    %slice3A_46 = vector.extract_strided_slice %dot_general3A_5 {offsets = [0, 768], sizes = [1000, 128], strides = [1, 1]} : vector<1000x4096xf32> to vector<1000x128xf32>
    %swap3A_47 = arith.constant 6 : index
    %swap3A_48 = arith.constant 0 : index
    %swap3A_49 = arith.constant 0 : index
    %swap3A_50 = vector.load %arg3[%swap3A_47, %swap3A_48, %swap3A_49] : memref<32x1000x128xf32, #tpu.memory_space<vmem>>, vector<1x1000x128xf32>
    %swap3A_51 = vector.shape_cast %swap3A_50 : vector<1x1000x128xf32> to vector<1000x128xf32>
    %swap3A_52 = vector.shape_cast %slice3A_46 : vector<1000x128xf32> to vector<1x1000x128xf32>
    tpu.vector_store %arg3[%swap3A_47, %swap3A_48, %swap3A_49], %swap3A_52 {strides = array<i32>} : memref<32x1000x128xf32, #tpu.memory_space<vmem>>, vector<1x1000x128xf32>,
    %slice3A_53 = vector.extract_strided_slice %dot_general3A_5 {offsets = [0, 896], sizes = [1000, 128], strides = [1, 1]} : vector<1000x4096xf32> to vector<1000x128xf32>
    %swap3A_54 = arith.constant 7 : index
    %swap3A_55 = arith.constant 0 : index
    %swap3A_56 = arith.constant 0 : index
    %swap3A_57 = vector.load %arg3[%swap3A_54, %swap3A_55, %swap3A_56] : memref<32x1000x128xf32, #tpu.memory_space<vmem>>, vector<1x1000x128xf32>
    %swap3A_58 = vector.shape_cast %swap3A_57 : vector<1x1000x128xf32> to vector<1000x128xf32>
    %swap3A_59 = vector.shape_cast %slice3A_53 : vector<1000x128xf32> to vector<1x1000x128xf32>
    tpu.vector_store %arg3[%swap3A_54, %swap3A_55, %swap3A_56], %swap3A_59 {strides = array<i32>} : memref<32x1000x128xf32, #tpu.memory_space<vmem>>, vector<1x1000x128xf32>,
    %slice3A_60 = vector.extract_strided_slice %dot_general3A_5 {offsets = [0, 1024], sizes = [1000, 128], strides = [1, 1]} : vector<1000x4096xf32> to vector<1000x128xf32>
    %swap3A_61 = arith.constant 8 : index
    %swap3A_62 = arith.constant 0 : index
    %swap3A_63 = arith.constant 0 : index
    %swap3A_64 = vector.load %arg3[%swap3A_61, %swap3A_62, %swap3A_63] : memref<32x1000x128xf32, #tpu.memory_space<vmem>>, vector<1x1000x128xf32>
    %swap3A_65 = vector.shape_cast %swap3A_64 : vector<1x1000x128xf32> to vector<1000x128xf32>
    %swap3A_66 = vector.shape_cast %slice3A_60 : vector<1000x128xf32> to vector<1x1000x128xf32>
    tpu.vector_store %arg3[%swap3A_61, %swap3A_62, %swap3A_63], %swap3A_66 {strides = array<i32>} : memref<32x1000x128xf32, #tpu.memory_space<vmem>>, vector<1x1000x128xf32>,
    %slice3A_67 = vector.extract_strided_slice %dot_general3A_5 {offsets = [0, 1152], sizes = [1000, 128], strides = [1, 1]} : vector<1000x4096xf32> to vector<1000x128xf32>
    %swap3A_68 = arith.constant 9 : index
    %swap3A_69 = arith.constant 0 : index
    %swap3A_70 = arith.constant 0 : index
    %swap3A_71 = vector.load %arg3[%swap3A_68, %swap3A_69, %swap3A_70] : memref<32x1000x128xf32, #tpu.memory_space<vmem>>, vector<1x1000x128xf32>
    %swap3A_72 = vector.shape_cast %swap3A_71 : vector<1x1000x128xf32> to vector<1000x128xf32>
    %swap3A_73 = vector.shape_cast %slice3A_67 : vector<1000x128xf32> to vector<1x1000x128xf32>
    tpu.vector_store %arg3[%swap3A_68, %swap3A_69, %swap3A_70], %swap3A_73 {strides = array<i32>} : memref<32x1000x128xf32, #tpu.memory_space<vmem>>, vector<1x1000x128xf32>,
    %slice3A_74 = vector.extract_strided_slice %dot_general3A_5 {offsets = [0, 1280], sizes = [1000, 128], strides = [1, 1]} : vector<1000x4096xf32> to vector<1000x128xf32>
    %swap3A_75 = arith.constant 10 : index
    %swap3A_76 = arith.constant 0 : index
    %swap3A_77 = arith.constant 0 : index
    %swap3A_78 = vector.load %arg3[%swap3A_75, %swap3A_76, %swap3A_77] : memref<32x1000x128xf32, #tpu.memory_space<vmem>>, vector<1x1000x128xf32>
    %swap3A_79 = vector.shape_cast %swap3A_78 : vector<1x1000x128xf32> to vector<1000x128xf32>
    %swap3A_80 = vector.shape_cast %slice3A_74 : vector<1000x128xf32> to vector<1x1000x128xf32>
    tpu.vector_store %arg3[%swap3A_75, %swap3A_76, %swap3A_77], %swap3A_80 {strides = array<i32>} : memref<32x1000x128xf32, #tpu.memory_space<vmem>>, vector<1x1000x128xf32>,
    %slice3A_81 = vector.extract_strided_slice %dot_general3A_5 {offsets = [0, 1408], sizes = [1000, 128], strides = [1, 1]} : vector<1000x4096xf32> to vector<1000x128xf32>
    %swap3A_82 = arith.constant 11 : index
    %swap3A_83 = arith.constant 0 : index
    %swap3A_84 = arith.constant 0 : index
    %swap3A_85 = vector.load %arg3[%swap3A_82, %swap3A_83, %swap3A_84] : memref<32x1000x128xf32, #tpu.memory_space<vmem>>, vector<1x1000x128xf32>
    %swap3A_86 = vector.shape_cast %swap3A_85 : vector<1x1000x128xf32> to vector<1000x128xf32>
    %swap3A_87 = vector.shape_cast %slice3A_81 : vector<1000x128xf32> to vector<1x1000x128xf32>
    tpu.vector_store %arg3[%swap3A_82, %swap3A_83, %swap3A_84], %swap3A_87 {strides = array<i32>} : memref<32x1000x128xf32, #tpu.memory_space<vmem>>, vector<1x1000x128xf32>,
    %slice3A_88 = vector.extract_strided_slice %dot_general3A_5 {offsets = [0, 1536], sizes = [1000, 128], strides = [1, 1]} : vector<1000x4096xf32> to vector<1000x128xf32>
    %swap3A_89 = arith.constant 12 : index
    %swap3A_90 = arith.constant 0 : index
    %swap3A_91 = arith.constant 0 : index
    %swap3A_92 = vector.load %arg3[%swap3A_89, %swap3A_90, %swap3A_91] : memref<32x1000x128xf32, #tpu.memory_space<vmem>>, vector<1x1000x128xf32>
    %swap3A_93 = vector.shape_cast %swap3A_92 : vector<1x1000x128xf32> to vector<1000x128xf32>
    %swap3A_94 = vector.shape_cast %slice3A_88 : vector<1000x128xf32> to vector<1x1000x128xf32>
    tpu.vector_store %arg3[%swap3A_89, %swap3A_90, %swap3A_91], %swap3A_94 {strides = array<i32>} : memref<32x1000x128xf32, #tpu.memory_space<vmem>>, vector<1x1000x128xf32>,
    %slice3A_95 = vector.extract_strided_slice %dot_general3A_5 {offsets = [0, 1664], sizes = [1000, 128], strides = [1, 1]} : vector<1000x4096xf32> to vector<1000x128xf32>
    %swap3A_96 = arith.constant 13 : index
    %swap3A_97 = arith.constant 0 : index
    %swap3A_98 = arith.constant 0 : index
    %swap3A_99 = vector.load %arg3[%swap3A_96, %swap3A_97, %swap3A_98] : memref<32x1000x128xf32, #tpu.memory_space<vmem>>, vector<1x1000x128xf32>
    %swap3A_100 = vector.shape_cast %swap3A_99 : vector<1x1000x128xf32> to vector<1000x128xf32>
    %swap3A_101 = vector.shape_cast %slice3A_95 : vector<1000x128xf32> to vector<1x1000x128xf32>
    tpu.vector_store %arg3[%swap3A_96, %swap3A_97, %swap3A_98], %swap3A_101 {strides = array<i32>} : memref<32x1000x128xf32, #tpu.memory_space<vmem>>, vector<1x1000x128xf32>,
    %slice3A_102 = vector.extract_strided_slice %dot_general3A_5 {offsets = [0, 1792], sizes = [1000, 128], strides = [1, 1]} : vector<1000x4096xf32> to vector<1000x128xf32>
    %swap3A_103 = arith.constant 14 : index
    %swap3A_104 = arith.constant 0 : index
    %swap3A_105 = arith.constant 0 : index
    %swap3A_106 = vector.load %arg3[%swap3A_103, %swap3A_104, %swap3A_105] : memref<32x1000x128xf32, #tpu.memory_space<vmem>>, vector<1x1000x128xf32>
    %swap3A_107 = vector.shape_cast %swap3A_106 : vector<1x1000x128xf32> to vector<1000x128xf32>
    %swap3A_108 = vector.shape_cast %slice3A_102 : vector<1000x128xf32> to vector<1x1000x128xf32>
    tpu.vector_store %arg3[%swap3A_103, %swap3A_104, %swap3A_105], %swap3A_108 {strides = array<i32>} : memref<32x1000x128xf32, #tpu.memory_space<vmem>>, vector<1x1000x128xf32>,
    %slice3A_109 = vector.extract_strided_slice %dot_general3A_5 {offsets = [0, 1920], sizes = [1000, 128], strides = [1, 1]} : vector<1000x4096xf32> to vector<1000x128xf32>
    %swap3A_110 = arith.constant 15 : index
    %swap3A_111 = arith.constant 0 : index
    %swap3A_112 = arith.constant 0 : index
    %swap3A_113 = vector.load %arg3[%swap3A_110, %swap3A_111, %swap3A_112] : memref<32x1000x128xf32, #tpu.memory_space<vmem>>, vector<1x1000x128xf32>
    %swap3A_114 = vector.shape_cast %swap3A_113 : vector<1x1000x128xf32> to vector<1000x128xf32>
    %swap3A_115 = vector.shape_cast %slice3A_109 : vector<1000x128xf32> to vector<1x1000x128xf32>
    tpu.vector_store %arg3[%swap3A_110, %swap3A_111, %swap3A_112], %swap3A_115 {strides = array<i32>} : memref<32x1000x128xf32, #tpu.memory_space<vmem>>, vector<1x1000x128xf32>,
    %slice3A_116 = vector.extract_strided_slice %dot_general3A_5 {offsets = [0, 2048], sizes = [1000, 128], strides = [1, 1]} : vector<1000x4096xf32> to vector<1000x128xf32>
    %swap3A_117 = arith.constant 16 : index
    %swap3A_118 = arith.constant 0 : index
    %swap3A_119 = arith.constant 0 : index
    %swap3A_120 = vector.load %arg3[%swap3A_117, %swap3A_118, %swap3A_119] : memref<32x1000x128xf32, #tpu.memory_space<vmem>>, vector<1x1000x128xf32>
    %swap3A_121 = vector.shape_cast %swap3A_120 : vector<1x1000x128xf32> to vector<1000x128xf32>
    %swap3A_122 = vector.shape_cast %slice3A_116 : vector<1000x128xf32> to vector<1x1000x128xf32>
    tpu.vector_store %arg3[%swap3A_117, %swap3A_118, %swap3A_119], %swap3A_122 {strides = array<i32>} : memref<32x1000x128xf32, #tpu.memory_space<vmem>>, vector<1x1000x128xf32>,
    %slice3A_123 = vector.extract_strided_slice %dot_general3A_5 {offsets = [0, 2176], sizes = [1000, 128], strides = [1, 1]} : vector<1000x4096xf32> to vector<1000x128xf32>
    %swap3A_124 = arith.constant 17 : index
    %swap3A_125 = arith.constant 0 : index
    %swap3A_126 = arith.constant 0 : index
    %swap3A_127 = vector.load %arg3[%swap3A_124, %swap3A_125, %swap3A_126] : memref<32x1000x128xf32, #tpu.memory_space<vmem>>, vector<1x1000x128xf32>
    %swap3A_128 = vector.shape_cast %swap3A_127 : vector<1x1000x128xf32> to vector<1000x128xf32>
    %swap3A_129 = vector.shape_cast %slice3A_123 : vector<1000x128xf32> to vector<1x1000x128xf32>
    tpu.vector_store %arg3[%swap3A_124, %swap3A_125, %swap3A_126], %swap3A_129 {strides = array<i32>} : memref<32x1000x128xf32, #tpu.memory_space<vmem>>, vector<1x1000x128xf32>,
    %slice3A_130 = vector.extract_strided_slice %dot_general3A_5 {offsets = [0, 2304], sizes = [1000, 128], strides = [1, 1]} : vector<1000x4096xf32> to vector<1000x128xf32>
    %swap3A_131 = arith.constant 18 : index
    %swap3A_132 = arith.constant 0 : index
    %swap3A_133 = arith.constant 0 : index
    %swap3A_134 = vector.load %arg3[%swap3A_131, %swap3A_132, %swap3A_133] : memref<32x1000x128xf32, #tpu.memory_space<vmem>>, vector<1x1000x128xf32>
    %swap3A_135 = vector.shape_cast %swap3A_134 : vector<1x1000x128xf32> to vector<1000x128xf32>
    %swap3A_136 = vector.shape_cast %slice3A_130 : vector<1000x128xf32> to vector<1x1000x128xf32>
    tpu.vector_store %arg3[%swap3A_131, %swap3A_132, %swap3A_133], %swap3A_136 {strides = array<i32>} : memref<32x1000x128xf32, #tpu.memory_space<vmem>>, vector<1x1000x128xf32>,
    %slice3A_137 = vector.extract_strided_slice %dot_general3A_5 {offsets = [0, 2432], sizes = [1000, 128], strides = [1, 1]} : vector<1000x4096xf32> to vector<1000x128xf32>
    %swap3A_138 = arith.constant 19 : index
    %swap3A_139 = arith.constant 0 : index
    %swap3A_140 = arith.constant 0 : index
    %swap3A_141 = vector.load %arg3[%swap3A_138, %swap3A_139, %swap3A_140] : memref<32x1000x128xf32, #tpu.memory_space<vmem>>, vector<1x1000x128xf32>
    %swap3A_142 = vector.shape_cast %swap3A_141 : vector<1x1000x128xf32> to vector<1000x128xf32>
    %swap3A_143 = vector.shape_cast %slice3A_137 : vector<1000x128xf32> to vector<1x1000x128xf32>
    tpu.vector_store %arg3[%swap3A_138, %swap3A_139, %swap3A_140], %swap3A_143 {strides = array<i32>} : memref<32x1000x128xf32, #tpu.memory_space<vmem>>, vector<1x1000x128xf32>,
    %slice3A_144 = vector.extract_strided_slice %dot_general3A_5 {offsets = [0, 2560], sizes = [1000, 128], strides = [1, 1]} : vector<1000x4096xf32> to vector<1000x128xf32>
    %swap3A_145 = arith.constant 20 : index
    %swap3A_146 = arith.constant 0 : index
    %swap3A_147 = arith.constant 0 : index
    %swap3A_148 = vector.load %arg3[%swap3A_145, %swap3A_146, %swap3A_147] : memref<32x1000x128xf32, #tpu.memory_space<vmem>>, vector<1x1000x128xf32>
    %swap3A_149 = vector.shape_cast %swap3A_148 : vector<1x1000x128xf32> to vector<1000x128xf32>
    %swap3A_150 = vector.shape_cast %slice3A_144 : vector<1000x128xf32> to vector<1x1000x128xf32>
    tpu.vector_store %arg3[%swap3A_145, %swap3A_146, %swap3A_147], %swap3A_150 {strides = array<i32>} : memref<32x1000x128xf32, #tpu.memory_space<vmem>>, vector<1x1000x128xf32>,
    %slice3A_151 = vector.extract_strided_slice %dot_general3A_5 {offsets = [0, 2688], sizes = [1000, 128], strides = [1, 1]} : vector<1000x4096xf32> to vector<1000x128xf32>
    %swap3A_152 = arith.constant 21 : index
    %swap3A_153 = arith.constant 0 : index
    %swap3A_154 = arith.constant 0 : index
    %swap3A_155 = vector.load %arg3[%swap3A_152, %swap3A_153, %swap3A_154] : memref<32x1000x128xf32, #tpu.memory_space<vmem>>, vector<1x1000x128xf32>
    %swap3A_156 = vector.shape_cast %swap3A_155 : vector<1x1000x128xf32> to vector<1000x128xf32>
    %swap3A_157 = vector.shape_cast %slice3A_151 : vector<1000x128xf32> to vector<1x1000x128xf32>
    tpu.vector_store %arg3[%swap3A_152, %swap3A_153, %swap3A_154], %swap3A_157 {strides = array<i32>} : memref<32x1000x128xf32, #tpu.memory_space<vmem>>, vector<1x1000x128xf32>,
    %slice3A_158 = vector.extract_strided_slice %dot_general3A_5 {offsets = [0, 2816], sizes = [1000, 128], strides = [1, 1]} : vector<1000x4096xf32> to vector<1000x128xf32>
    %swap3A_159 = arith.constant 22 : index
    %swap3A_160 = arith.constant 0 : index
    %swap3A_161 = arith.constant 0 : index
    %swap3A_162 = vector.load %arg3[%swap3A_159, %swap3A_160, %swap3A_161] : memref<32x1000x128xf32, #tpu.memory_space<vmem>>, vector<1x1000x128xf32>
    %swap3A_163 = vector.shape_cast %swap3A_162 : vector<1x1000x128xf32> to vector<1000x128xf32>
    %swap3A_164 = vector.shape_cast %slice3A_158 : vector<1000x128xf32> to vector<1x1000x128xf32>
    tpu.vector_store %arg3[%swap3A_159, %swap3A_160, %swap3A_161], %swap3A_164 {strides = array<i32>} : memref<32x1000x128xf32, #tpu.memory_space<vmem>>, vector<1x1000x128xf32>,
    %slice3A_165 = vector.extract_strided_slice %dot_general3A_5 {offsets = [0, 2944], sizes = [1000, 128], strides = [1, 1]} : vector<1000x4096xf32> to vector<1000x128xf32>
    %swap3A_166 = arith.constant 23 : index
    %swap3A_167 = arith.constant 0 : index
    %swap3A_168 = arith.constant 0 : index
    %swap3A_169 = vector.load %arg3[%swap3A_166, %swap3A_167, %swap3A_168] : memref<32x1000x128xf32, #tpu.memory_space<vmem>>, vector<1x1000x128xf32>
    %swap3A_170 = vector.shape_cast %swap3A_169 : vector<1x1000x128xf32> to vector<1000x128xf32>
    %swap3A_171 = vector.shape_cast %slice3A_165 : vector<1000x128xf32> to vector<1x1000x128xf32>
    tpu.vector_store %arg3[%swap3A_166, %swap3A_167, %swap3A_168], %swap3A_171 {strides = array<i32>} : memref<32x1000x128xf32, #tpu.memory_space<vmem>>, vector<1x1000x128xf32>,
    %slice3A_172 = vector.extract_strided_slice %dot_general3A_5 {offsets = [0, 3072], sizes = [1000, 128], strides = [1, 1]} : vector<1000x4096xf32> to vector<1000x128xf32>
    %swap3A_173 = arith.constant 24 : index
    %swap3A_174 = arith.constant 0 : index
    %swap3A_175 = arith.constant 0 : index
    %swap3A_176 = vector.load %arg3[%swap3A_173, %swap3A_174, %swap3A_175] : memref<32x1000x128xf32, #tpu.memory_space<vmem>>, vector<1x1000x128xf32>
    %swap3A_177 = vector.shape_cast %swap3A_176 : vector<1x1000x128xf32> to vector<1000x128xf32>
    %swap3A_178 = vector.shape_cast %slice3A_172 : vector<1000x128xf32> to vector<1x1000x128xf32>
    tpu.vector_store %arg3[%swap3A_173, %swap3A_174, %swap3A_175], %swap3A_178 {strides = array<i32>} : memref<32x1000x128xf32, #tpu.memory_space<vmem>>, vector<1x1000x128xf32>,
    %slice3A_179 = vector.extract_strided_slice %dot_general3A_5 {offsets = [0, 3200], sizes = [1000, 128], strides = [1, 1]} : vector<1000x4096xf32> to vector<1000x128xf32>
    %swap3A_180 = arith.constant 25 : index
    %swap3A_181 = arith.constant 0 : index
    %swap3A_182 = arith.constant 0 : index
    %swap3A_183 = vector.load %arg3[%swap3A_180, %swap3A_181, %swap3A_182] : memref<32x1000x128xf32, #tpu.memory_space<vmem>>, vector<1x1000x128xf32>
    %swap3A_184 = vector.shape_cast %swap3A_183 : vector<1x1000x128xf32> to vector<1000x128xf32>
    %swap3A_185 = vector.shape_cast %slice3A_179 : vector<1000x128xf32> to vector<1x1000x128xf32>
    tpu.vector_store %arg3[%swap3A_180, %swap3A_181, %swap3A_182], %swap3A_185 {strides = array<i32>} : memref<32x1000x128xf32, #tpu.memory_space<vmem>>, vector<1x1000x128xf32>,
    %slice3A_186 = vector.extract_strided_slice %dot_general3A_5 {offsets = [0, 3328], sizes = [1000, 128], strides = [1, 1]} : vector<1000x4096xf32> to vector<1000x128xf32>
    %swap3A_187 = arith.constant 26 : index
    %swap3A_188 = arith.constant 0 : index
    %swap3A_189 = arith.constant 0 : index
    %swap3A_190 = vector.load %arg3[%swap3A_187, %swap3A_188, %swap3A_189] : memref<32x1000x128xf32, #tpu.memory_space<vmem>>, vector<1x1000x128xf32>
    %swap3A_191 = vector.shape_cast %swap3A_190 : vector<1x1000x128xf32> to vector<1000x128xf32>
    %swap3A_192 = vector.shape_cast %slice3A_186 : vector<1000x128xf32> to vector<1x1000x128xf32>
    tpu.vector_store %arg3[%swap3A_187, %swap3A_188, %swap3A_189], %swap3A_192 {strides = array<i32>} : memref<32x1000x128xf32, #tpu.memory_space<vmem>>, vector<1x1000x128xf32>,
    %slice3A_193 = vector.extract_strided_slice %dot_general3A_5 {offsets = [0, 3456], sizes = [1000, 128], strides = [1, 1]} : vector<1000x4096xf32> to vector<1000x128xf32>
    %swap3A_194 = arith.constant 27 : index
    %swap3A_195 = arith.constant 0 : index
    %swap3A_196 = arith.constant 0 : index
    %swap3A_197 = vector.load %arg3[%swap3A_194, %swap3A_195, %swap3A_196] : memref<32x1000x128xf32, #tpu.memory_space<vmem>>, vector<1x1000x128xf32>
    %swap3A_198 = vector.shape_cast %swap3A_197 : vector<1x1000x128xf32> to vector<1000x128xf32>
    %swap3A_199 = vector.shape_cast %slice3A_193 : vector<1000x128xf32> to vector<1x1000x128xf32>
    tpu.vector_store %arg3[%swap3A_194, %swap3A_195, %swap3A_196], %swap3A_199 {strides = array<i32>} : memref<32x1000x128xf32, #tpu.memory_space<vmem>>, vector<1x1000x128xf32>,
    %slice3A_200 = vector.extract_strided_slice %dot_general3A_5 {offsets = [0, 3584], sizes = [1000, 128], strides = [1, 1]} : vector<1000x4096xf32> to vector<1000x128xf32>
    %swap3A_201 = arith.constant 28 : index
    %swap3A_202 = arith.constant 0 : index
    %swap3A_203 = arith.constant 0 : index
    %swap3A_204 = vector.load %arg3[%swap3A_201, %swap3A_202, %swap3A_203] : memref<32x1000x128xf32, #tpu.memory_space<vmem>>, vector<1x1000x128xf32>
    %swap3A_205 = vector.shape_cast %swap3A_204 : vector<1x1000x128xf32> to vector<1000x128xf32>
    %swap3A_206 = vector.shape_cast %slice3A_200 : vector<1000x128xf32> to vector<1x1000x128xf32>
    tpu.vector_store %arg3[%swap3A_201, %swap3A_202, %swap3A_203], %swap3A_206 {strides = array<i32>} : memref<32x1000x128xf32, #tpu.memory_space<vmem>>, vector<1x1000x128xf32>,
    %slice3A_207 = vector.extract_strided_slice %dot_general3A_5 {offsets = [0, 3712], sizes = [1000, 128], strides = [1, 1]} : vector<1000x4096xf32> to vector<1000x128xf32>
    %swap3A_208 = arith.constant 29 : index
    %swap3A_209 = arith.constant 0 : index
    %swap3A_210 = arith.constant 0 : index
    %swap3A_211 = vector.load %arg3[%swap3A_208, %swap3A_209, %swap3A_210] : memref<32x1000x128xf32, #tpu.memory_space<vmem>>, vector<1x1000x128xf32>
    %swap3A_212 = vector.shape_cast %swap3A_211 : vector<1x1000x128xf32> to vector<1000x128xf32>
    %swap3A_213 = vector.shape_cast %slice3A_207 : vector<1000x128xf32> to vector<1x1000x128xf32>
    tpu.vector_store %arg3[%swap3A_208, %swap3A_209, %swap3A_210], %swap3A_213 {strides = array<i32>} : memref<32x1000x128xf32, #tpu.memory_space<vmem>>, vector<1x1000x128xf32>,
    %slice3A_214 = vector.extract_strided_slice %dot_general3A_5 {offsets = [0, 3840], sizes = [1000, 128], strides = [1, 1]} : vector<1000x4096xf32> to vector<1000x128xf32>
    %swap3A_215 = arith.constant 30 : index
    %swap3A_216 = arith.constant 0 : index
    %swap3A_217 = arith.constant 0 : index
    %swap3A_218 = vector.load %arg3[%swap3A_215, %swap3A_216, %swap3A_217] : memref<32x1000x128xf32, #tpu.memory_space<vmem>>, vector<1x1000x128xf32>
    %swap3A_219 = vector.shape_cast %swap3A_218 : vector<1x1000x128xf32> to vector<1000x128xf32>
    %swap3A_220 = vector.shape_cast %slice3A_214 : vector<1000x128xf32> to vector<1x1000x128xf32>
    tpu.vector_store %arg3[%swap3A_215, %swap3A_216, %swap3A_217], %swap3A_220 {strides = array<i32>} : memref<32x1000x128xf32, #tpu.memory_space<vmem>>, vector<1x1000x128xf32>,
    %slice3A_221 = vector.extract_strided_slice %dot_general3A_5 {offsets = [0, 3968], sizes = [1000, 128], strides = [1, 1]} : vector<1000x4096xf32> to vector<1000x128xf32>
    %swap3A_222 = arith.constant 31 : index
    %swap3A_223 = arith.constant 0 : index
    %swap3A_224 = arith.constant 0 : index
    %swap3A_225 = vector.load %arg3[%swap3A_222, %swap3A_223, %swap3A_224] : memref<32x1000x128xf32, #tpu.memory_space<vmem>>, vector<1x1000x128xf32>
    %swap3A_226 = vector.shape_cast %swap3A_225 : vector<1x1000x128xf32> to vector<1000x128xf32>
    %swap3A_227 = vector.shape_cast %slice3A_221 : vector<1000x128xf32> to vector<1x1000x128xf32>
    tpu.vector_store %arg3[%swap3A_222, %swap3A_223, %swap3A_224], %swap3A_227 {strides = array<i32>} : memref<32x1000x128xf32, #tpu.memory_space<vmem>>, vector<1x1000x128xf32>,
    return
  }
  func.func @transform_0(%arg0: i32) -> (i32, i32) {
    %c0_i32 = arith.constant 0 : i32
    %c0_i32_0 = arith.constant 0 : i32
    return %arg0, %c0_i32 : i32, i32
  }
  func.func @transform_1(%arg0: i32) -> (i32, i32) {
    %c0_i32 = arith.constant 0 : i32
    %c0_i32_0 = arith.constant 0 : i32
    %c0_i32_1 = arith.constant 0 : i32
    return %c0_i32, %c0_i32_0 : i32, i32
  }
  func.func @transform_2(%arg0: i32) -> (i32, i32, i32) {
    %c0_i32 = arith.constant 0 : i32
    %c0_i32_0 = arith.constant 0 : i32
    %c0_i32_1 = arith.constant 0 : i32
    return %c0_i32, %arg0, %c0_i32_0 : i32, i32, i32
  }
}

module attributes {stable_mosaic.version = 14 : i64} {
  func.func @_fin_kernel(%arg0: i32, %arg1: memref<2x1000x128xf32, #tpu.memory_space<vmem>>, %arg2: memref<1000x256xf32, #tpu.memory_space<vmem>>, %arg3: memref<256x256xf32, #tpu.memory_space<vmem>>, %arg4: memref<1x256xf32, #tpu.memory_space<vmem>>, %arg5: memref<1000x256xf32, #tpu.memory_space<vmem>>) attributes {dimension_semantics = [#tpu.dimension_semantics<arbitrary>], iteration_bounds = array<i64: 10>, scalar_prefetch = 0 : i64, scratch_operands = 0 : i64, tpu.core_type = #tpu.core_type<tc>, window_params = [{transform_indices = @transform_0, window_bounds = array<i64: 2, 1000, 128>}, {transform_indices = @transform_1, window_bounds = array<i64: 1000, 256>}, {pipeline_mode = #tpu.pipeline_mode<synchronous>, transform_indices = @transform_2, window_bounds = array<i64: 256, 256>}, {pipeline_mode = #tpu.pipeline_mode<synchronous>, transform_indices = @transform_3, window_bounds = array<i64: 1, 256>}, {transform_indices = @transform_4, window_bounds = array<i64: 1000, 256>}]} {
    %get3A = arith.constant 0 : index
    %get3A_0 = arith.constant 0 : index
    %get3A_1 = arith.constant 0 : index
    %get3A_2 = vector.load %arg1[%get3A, %get3A_0, %get3A_1] : memref<2x1000x128xf32, #tpu.memory_space<vmem>>, vector<1x1000x128xf32>
    %get3A_3 = vector.shape_cast %get3A_2 : vector<1x1000x128xf32> to vector<1000x128xf32>
    %get3A_4 = arith.constant 1 : index
    %get3A_5 = arith.constant 0 : index
    %get3A_6 = arith.constant 0 : index
    %get3A_7 = vector.load %arg1[%get3A_4, %get3A_5, %get3A_6] : memref<2x1000x128xf32, #tpu.memory_space<vmem>>, vector<1x1000x128xf32>
    %get3A_8 = vector.shape_cast %get3A_7 : vector<1x1000x128xf32> to vector<1000x128xf32>
    %concatenate3A = tpu.concatenate %get3A_3, %get3A_8 in 1 : vector<1000x128xf32>, vector<1000x128xf32> -> vector<1000x256xf32>
    %get3A_9 = arith.constant 0 : index
    %get3A_10 = arith.constant 0 : index
    %get3A_11 = vector.load %arg2[%get3A_9, %get3A_10] : memref<1000x256xf32, #tpu.memory_space<vmem>>, vector<1000x256xf32>
    %get3A_12 = arith.constant 0 : index
    %get3A_13 = arith.constant 0 : index
    %get3A_14 = vector.load %arg3[%get3A_12, %get3A_13] : memref<256x256xf32, #tpu.memory_space<vmem>>, vector<256x256xf32>
    %dot_general3A = arith.constant dense<0.000000e+00> : vector<1000x256xf32>
    %dot_general3A_15 = tpu.matmul %get3A_11, %get3A_14, %dot_general3A {dimension_numbers = #tpu.dot_dimension_numbers<[1], [0], [0], [1], [0, 0, 1, 1], [], []>, transpose_lhs_hint = false} : vector<1000x256xf32>, vector<256x256xf32>, vector<1000x256xf32> -> vector<1000x256xf32>
    %add3A = arith.addf %concatenate3A, %dot_general3A_15 : vector<1000x256xf32>
    %get3A_16 = arith.constant 0 : index
    %get3A_17 = arith.constant 0 : index
    %get3A_18 = vector.load %arg4[%get3A_16, %get3A_17] : memref<1x256xf32, #tpu.memory_space<vmem>>, vector<1x256xf32>
    %add3A_19 = vector.broadcast %get3A_18 : vector<1x256xf32> to vector<1000x256xf32>
    %add3A_20 = arith.addf %add3A, %add3A_19 : vector<1000x256xf32>
    %max3A = arith.constant 0.000000e+00 : f32
    %max3A_21 = vector.broadcast %max3A : f32 to vector<1000x256xf32>
    %max3A_22 = arith.maximumf %add3A_20, %max3A_21 : vector<1000x256xf32>
    %get3A_23 = arith.constant 0 : index
    %get3A_24 = arith.constant 0 : index
    %get3A_25 = vector.load %arg2[%get3A_23, %get3A_24] : memref<1000x256xf32, #tpu.memory_space<vmem>>, vector<1000x256xf32>
    %add3A_26 = arith.addf %max3A_22, %get3A_25 : vector<1000x256xf32>
    %swap3A = arith.constant 0 : index
    %swap3A_27 = arith.constant 0 : index
    %swap3A_28 = vector.load %arg5[%swap3A, %swap3A_27] : memref<1000x256xf32, #tpu.memory_space<vmem>>, vector<1000x256xf32>
    tpu.vector_store %arg5[%swap3A, %swap3A_27], %add3A_26 {strides = array<i32>} : memref<1000x256xf32, #tpu.memory_space<vmem>>, vector<1000x256xf32>,
    return
  }
  func.func @transform_0(%arg0: i32) -> (i32, i32, i32) {
    %c0_i32 = arith.constant 0 : i32
    %c0_i32_0 = arith.constant 0 : i32
    %c0_i32_1 = arith.constant 0 : i32
    return %c0_i32, %arg0, %c0_i32_0 : i32, i32, i32
  }
  func.func @transform_1(%arg0: i32) -> (i32, i32) {
    %c0_i32 = arith.constant 0 : i32
    %c0_i32_0 = arith.constant 0 : i32
    return %arg0, %c0_i32 : i32, i32
  }
  func.func @transform_2(%arg0: i32) -> (i32, i32) {
    %c0_i32 = arith.constant 0 : i32
    %c0_i32_0 = arith.constant 0 : i32
    %c0_i32_1 = arith.constant 0 : i32
    return %c0_i32, %c0_i32_0 : i32, i32
  }
  func.func @transform_3(%arg0: i32) -> (i32, i32) {
    %c0_i32 = arith.constant 0 : i32
    %c0_i32_0 = arith.constant 0 : i32
    %c0_i32_1 = arith.constant 0 : i32
    return %c0_i32, %c0_i32_0 : i32, i32
  }
  func.func @transform_4(%arg0: i32) -> (i32, i32) {
    %c0_i32 = arith.constant 0 : i32
    %c0_i32_0 = arith.constant 0 : i32
    return %arg0, %c0_i32 : i32, i32
  }
}

module attributes {stable_mosaic.version = 14 : i64} {
  func.func @_head_kernel(%arg0: memref<4096x128xf32, #tpu.memory_space<vmem>>, %arg1: memref<4096x128xf32, #tpu.memory_space<vmem>>, %arg2: memref<4096x128xf32, #tpu.memory_space<vmem>>, %arg3: memref<4096x128xf32, #tpu.memory_space<vmem>>, %arg4: memref<4096x128xf32, #tpu.memory_space<vmem>>, %arg5: memref<128x512xf32, #tpu.memory_space<vmem>>, %arg6: memref<128x512xf32, #tpu.memory_space<vmem>>, %arg7: memref<128x512xf32, #tpu.memory_space<vmem>>, %arg8: memref<128x512xf32, #tpu.memory_space<vmem>>, %arg9: memref<128x512xf32, #tpu.memory_space<vmem>>, %arg10: memref<1x512xf32, #tpu.memory_space<vmem>>, %arg11: memref<1x512xf32, #tpu.memory_space<vmem>>, %arg12: memref<1x1xf32, #tpu.memory_space<vmem>>, %arg13: memref<4096x1xf32, #tpu.memory_space<vmem>>) attributes {dimension_semantics = [], scalar_prefetch = 0 : i64, scratch_operands = 0 : i64, tpu.core_type = #tpu.core_type<tc>} {
    %get3A = arith.constant 0 : index
    %get3A_0 = arith.constant 0 : index
    %get3A_1 = vector.load %arg0[%get3A, %get3A_0] : memref<4096x128xf32, #tpu.memory_space<vmem>>, vector<4096x128xf32>
    %get3A_2 = arith.constant 0 : index
    %get3A_3 = arith.constant 0 : index
    %get3A_4 = vector.load %arg5[%get3A_2, %get3A_3] : memref<128x512xf32, #tpu.memory_space<vmem>>, vector<128x512xf32>
    %dot_general3A = arith.constant dense<0.000000e+00> : vector<4096x512xf32>
    %dot_general3A_5 = tpu.matmul %get3A_1, %get3A_4, %dot_general3A {dimension_numbers = #tpu.dot_dimension_numbers<[1], [0], [0], [1], [0, 0, 1, 1], [], []>, transpose_lhs_hint = false} : vector<4096x128xf32>, vector<128x512xf32>, vector<4096x512xf32> -> vector<4096x512xf32>
    %get3A_6 = arith.constant 0 : index
    %get3A_7 = arith.constant 0 : index
    %get3A_8 = vector.load %arg1[%get3A_6, %get3A_7] : memref<4096x128xf32, #tpu.memory_space<vmem>>, vector<4096x128xf32>
    %get3A_9 = arith.constant 0 : index
    %get3A_10 = arith.constant 0 : index
    %get3A_11 = vector.load %arg6[%get3A_9, %get3A_10] : memref<128x512xf32, #tpu.memory_space<vmem>>, vector<128x512xf32>
    %dot_general3A_12 = arith.constant dense<0.000000e+00> : vector<4096x512xf32>
    %dot_general3A_13 = tpu.matmul %get3A_8, %get3A_11, %dot_general3A_12 {dimension_numbers = #tpu.dot_dimension_numbers<[1], [0], [0], [1], [0, 0, 1, 1], [], []>, transpose_lhs_hint = false} : vector<4096x128xf32>, vector<128x512xf32>, vector<4096x512xf32> -> vector<4096x512xf32>
    %add3A = arith.addf %dot_general3A_5, %dot_general3A_13 : vector<4096x512xf32>
    %get3A_14 = arith.constant 0 : index
    %get3A_15 = arith.constant 0 : index
    %get3A_16 = vector.load %arg2[%get3A_14, %get3A_15] : memref<4096x128xf32, #tpu.memory_space<vmem>>, vector<4096x128xf32>
    %get3A_17 = arith.constant 0 : index
    %get3A_18 = arith.constant 0 : index
    %get3A_19 = vector.load %arg7[%get3A_17, %get3A_18] : memref<128x512xf32, #tpu.memory_space<vmem>>, vector<128x512xf32>
    %dot_general3A_20 = arith.constant dense<0.000000e+00> : vector<4096x512xf32>
    %dot_general3A_21 = tpu.matmul %get3A_16, %get3A_19, %dot_general3A_20 {dimension_numbers = #tpu.dot_dimension_numbers<[1], [0], [0], [1], [0, 0, 1, 1], [], []>, transpose_lhs_hint = false} : vector<4096x128xf32>, vector<128x512xf32>, vector<4096x512xf32> -> vector<4096x512xf32>
    %add3A_22 = arith.addf %add3A, %dot_general3A_21 : vector<4096x512xf32>
    %get3A_23 = arith.constant 0 : index
    %get3A_24 = arith.constant 0 : index
    %get3A_25 = vector.load %arg3[%get3A_23, %get3A_24] : memref<4096x128xf32, #tpu.memory_space<vmem>>, vector<4096x128xf32>
    %get3A_26 = arith.constant 0 : index
    %get3A_27 = arith.constant 0 : index
    %get3A_28 = vector.load %arg8[%get3A_26, %get3A_27] : memref<128x512xf32, #tpu.memory_space<vmem>>, vector<128x512xf32>
    %dot_general3A_29 = arith.constant dense<0.000000e+00> : vector<4096x512xf32>
    %dot_general3A_30 = tpu.matmul %get3A_25, %get3A_28, %dot_general3A_29 {dimension_numbers = #tpu.dot_dimension_numbers<[1], [0], [0], [1], [0, 0, 1, 1], [], []>, transpose_lhs_hint = false} : vector<4096x128xf32>, vector<128x512xf32>, vector<4096x512xf32> -> vector<4096x512xf32>
    %add3A_31 = arith.addf %add3A_22, %dot_general3A_30 : vector<4096x512xf32>
    %get3A_32 = arith.constant 0 : index
    %get3A_33 = arith.constant 0 : index
    %get3A_34 = vector.load %arg4[%get3A_32, %get3A_33] : memref<4096x128xf32, #tpu.memory_space<vmem>>, vector<4096x128xf32>
    %get3A_35 = arith.constant 0 : index
    %get3A_36 = arith.constant 0 : index
    %get3A_37 = vector.load %arg9[%get3A_35, %get3A_36] : memref<128x512xf32, #tpu.memory_space<vmem>>, vector<128x512xf32>
    %dot_general3A_38 = arith.constant dense<0.000000e+00> : vector<4096x512xf32>
    %dot_general3A_39 = tpu.matmul %get3A_34, %get3A_37, %dot_general3A_38 {dimension_numbers = #tpu.dot_dimension_numbers<[1], [0], [0], [1], [0, 0, 1, 1], [], []>, transpose_lhs_hint = false} : vector<4096x128xf32>, vector<128x512xf32>, vector<4096x512xf32> -> vector<4096x512xf32>
    %add3A_40 = arith.addf %add3A_31, %dot_general3A_39 : vector<4096x512xf32>
    %get3A_41 = arith.constant 0 : index
    %get3A_42 = arith.constant 0 : index
    %get3A_43 = vector.load %arg10[%get3A_41, %get3A_42] : memref<1x512xf32, #tpu.memory_space<vmem>>, vector<1x512xf32>
    %add3A_44 = vector.broadcast %get3A_43 : vector<1x512xf32> to vector<4096x512xf32>
    %add3A_45 = arith.addf %add3A_40, %add3A_44 : vector<4096x512xf32>
    %max3A = arith.constant 0.000000e+00 : f32
    %max3A_46 = vector.broadcast %max3A : f32 to vector<4096x512xf32>
    %max3A_47 = arith.maximumf %add3A_45, %max3A_46 : vector<4096x512xf32>
    %get3A_48 = arith.constant 0 : index
    %get3A_49 = arith.constant 0 : index
    %get3A_50 = vector.load %arg11[%get3A_48, %get3A_49] : memref<1x512xf32, #tpu.memory_space<vmem>>, vector<1x512xf32>
    %mul3A = vector.broadcast %get3A_50 : vector<1x512xf32> to vector<4096x512xf32>
    %mul3A_51 = arith.mulf %max3A_47, %mul3A : vector<4096x512xf32>
    %reduce_sum3A = arith.constant dense<0.000000e+00> : vector<4096xf32>
    %reduce_sum3A_52 = vector.multi_reduction <add>, %mul3A_51, %reduce_sum3A [1] : vector<4096x512xf32> to vector<4096xf32>
    %broadcast_in_dim3A = vector.shape_cast %reduce_sum3A_52 : vector<4096xf32> to vector<4096x1xf32>
    %get3A_53 = arith.constant 0 : index
    %get3A_54 = arith.constant 0 : index
    %get3A_55 = vector.load %arg12[%get3A_53, %get3A_54] : memref<1x1xf32, #tpu.memory_space<vmem>>, vector<1x1xf32>
    %add3A_56 = vector.broadcast %get3A_55 : vector<1x1xf32> to vector<4096x1xf32>
    %add3A_57 = arith.addf %broadcast_in_dim3A, %add3A_56 : vector<4096x1xf32>
    %swap3A = arith.constant 0 : index
    %swap3A_58 = arith.constant 0 : index
    %swap3A_59 = vector.load %arg13[%swap3A, %swap3A_58] : memref<4096x1xf32, #tpu.memory_space<vmem>>, vector<4096x1xf32>
    tpu.vector_store %arg13[%swap3A, %swap3A_58], %add3A_57 {strides = array<i32>} : memref<4096x1xf32, #tpu.memory_space<vmem>>, vector<4096x1xf32>,
    return
  }
}

</mosaic_0001>

<sc_bundles>
// kernel: kernel.12.cloned.1.call-start
scs
__scs_entry_jumppad:
0x0: {  	(pc) =	sbr.rel $0x88, $3  }
0x1: {  	(tag) =	ssettag $0x0;
	lr =	simm.s32 $0x1  }
0x2: {  	[smem:$0x3F92] =	sst lr;
	_ =	strace $0xD0000000  }
0x3: {  	_ = 	snop  }
0x4: {  	_ = 	snop  }
0x5: {  	_ = 	snop  }
0x6: {  	_ = 	snop  }
0x7: {  	_ = 	snop  }
__scs_overlays_trampoline_lowered:
0x8: {  	[smem:$0x3FA1] =	sst s0  }
0x9: {  	[smem:$0x3FA2] =	sst s1  }
0xa: {  	[smem:$0x3FA3] =	sst s2  }
0xb: {  	[smem:$0x3FA4] =	sst s3  }
0xc: {  	[smem:$0x3FA5] =	sst s4  }
0xd: {  	[smem:$0x3FA6] =	sst s5  }
0xe: {  	[smem:$0x3FA7] =	sst s6  }
0xf: {  	[smem:$0x3FA8] =	sst s7  }
0x10: {  	[smem:$0x3FA9] =	sst s8  }
0x11: {  	[smem:$0x3FAA] =	sst s9;
	s0 =	simm.s32 @!p0 $0x0  }
0x12: {  	s1 =	sld [smem:$0x3F90];
	s0 =	simm.s32 @p0 $0x1  }
0x13: {  	[smem:$0x3FAB] =	sst s0;
	s0 =	simm.s32 @!p1 $0x0  }
0x14: {  	s2 =	sld [smem:$0x3F8F];
	s0 =	simm.s32 @p1 $0x1  }
0x15: {  	[smem:$0x3FAC] =	sst s0;
	s0 =	simm.s32 @!p2 $0x0  }
0x16: {  	s3 =	sld [smem:$0x3FDB];
	s0 =	simm.s32 @p2 $0x1  }
0x17: {  	s4 =	simm.s32 $0x1BF5;
	[smem:$0x3FAE] =	sst s0  }
0x18: {  	s0 =	sld [smem:$0x3F91];
	_ =	swait.ge [sflag:s4], $0x0  }
0x19: {  	s7 =	sld [smem:$0x3F92]  }
0x1a: {  	s8 =	sadd.s32 $0xFFFFE003, lr  }
0x1b: {  	s9 =	sadd.s32 $0xFFFFFEF7, lr;
	s5 =	simm.s32 $0xFFFFFFFF;
	p2 =	slt.u32 s8, $0xFFFFF086  }
0x1c: {  	p1 =	slt.u32 s9, $0xF7A;
	s5 =	simm.s32 @!p2 $0x0  }
0x1d: {  	s5 =	simm.s32 @p1 $0x1;
	p0 =	seq.s32 s7, s2  }
0x1e: {  	s7 =	smul.u32 @!p0 $0xF7A, s2;
	p2 =	seq.s32 @!p0 s5, $0x0  }
0x1f: {  	s9 =	smul.u32 $0xF7A, s1;
	s8 =	simm.s32 @!p0 $0x1BF5;
	p2 =	por !p2, p0  }
0x20: {  	[sflag:s8] =	ssyncset.s32 @!p0 $0xFFFFF086;
	s6 =	sadd.s32 @!p0 s3, s7;
	s7 =	simm.s32 @!p0 $0x108  }
0x21: {  	s3 =	sadd.s32 s3, s9;
	s6 =	sadd.s32 @!p0 $0x88, s6;
	s7 =	simm.s32 @p2 $0x1082  }
0x22: {  	[simem:s7], [sflag:s8] =	dma.local @!p0 [hbm:s6], $0xF7A  }
0x23: {  	s9 =	sor.u32 $0xD0000000, s2;
	s6 =	simm.s32 $0x108;
	_ =	swait.ge @!p0 [sflag:s8], $0x0  }
0x24: {  	s3 =	sadd.s32 $0x88, s3;
	s6 =	simm.s32 @!p1 $0x1082;
	[sflag:s4] =	ssyncset.s32 $0xFFFFF086  }
0x25: {  	[simem:s6], [sflag:s4] =	dma.local [hbm:s3], $0xF7A  }
0x26: {  	[smem:$0x3F92] =	sst s1;
	(tag) =	ssettag s2;
	_ =	strace s9  }
0x27: {  	s1 =	sld [smem:$0x3FA2]  }
0x28: {  	s2 =	sld [smem:$0x3FA3]  }
0x29: {  	s4 =	sld [smem:$0x3FA5]  }
0x2a: {  	p0 =	seq.s32 s5, $0x0;
	s5 =	sld [smem:$0x3FA6]  }
0x2b: {  	s6 =	sld [smem:$0x3FA7]  }
0x2c: {  	s7 =	sld [smem:$0x3FA8]  }
0x2d: {  	s3 =	simm.s32 $0x108;
	s8 =	sld [smem:$0x3FA9]  }
0x2e: {  	s3 =	simm.s32 @!p0 $0x1082;
	s9 =	sld [smem:$0x3FAA]  }
0x2f: {  	lr =	sadd.s32 s0, s3;
	s0 =	sld [smem:$0x3FA1]  }
0x30: {  	s3 =	sld [smem:$0x3FA4]  }
0x31: {  	[smem:$0x3FAD] =	sst s10  }
0x32: {  	s10 =	sld [smem:$0x3FAB];
	_ =	sdelay $0x3  }
0x33: {  	p0 =	seq.s32 s10, $0x1;
	s10 =	sld [smem:$0x3FAD];
	_ =	sdelay $0x3  }
0x34: {  	[smem:$0x3FAD] =	sst s10  }
0x35: {  	s10 =	sld [smem:$0x3FAC];
	_ =	sdelay $0x3  }
0x36: {  	p1 =	seq.s32 s10, $0x1;
	s10 =	sld [smem:$0x3FAD];
	_ =	sdelay $0x3  }
0x37: {  	[smem:$0x3FAD] =	sst s10  }
0x38: {  	s10 =	sld [smem:$0x3FAE]  }
0x39: {  	_ = 	snop;
	(pc) =	sbr.ind lr, $3  }
0x3a: {  	_ = 	snop  }
0x3b: {  	_ = 	snop  }
0x3c: {  	p2 =	seq.s32 s10, $0x1;
	s10 =	sld [smem:$0x3FAD]  }
0x3d: {  	_ =	shalt  }
0x3e: {  	_ =	shalt  }
0x3f: {  	_ =	shalt  }
0x40: {  	_ =	shalt  }
0x41: {  	_ =	shalt  }
0x42: {  	_ =	shalt  }
0x43: {  	_ =	shalt  }
0x44: {  	_ =	shalt  }
0x45: {  	_ =	shalt  }
0x46: {  	_ =	shalt  }
0x47: {  	_ =	shalt  }
0x48: {  	_ =	shalt  }
0x49: {  	_ =	shalt  }
0x4a: {  	_ =	shalt  }
0x4b: {  	_ =	shalt  }
0x4c: {  	_ =	shalt  }
0x4d: {  	_ =	shalt  }
0x4e: {  	_ =	shalt  }
0x4f: {  	_ =	shalt  }
0x50: {  	_ =	shalt  }
0x51: {  	_ =	shalt  }
0x52: {  	_ =	shalt  }
0x53: {  	_ =	shalt  }
0x54: {  	_ =	shalt  }
0x55: {  	_ =	shalt  }
0x56: {  	_ =	shalt  }
0x57: {  	_ =	shalt  }
0x58: {  	_ =	shalt  }
0x59: {  	_ =	shalt  }
0x5a: {  	_ =	shalt  }
0x5b: {  	_ =	shalt  }
0x5c: {  	_ =	shalt  }
0x5d: {  	_ =	shalt  }
0x5e: {  	_ =	shalt  }
0x5f: {  	_ =	shalt  }
0x60: {  	_ =	shalt  }
0x61: {  	_ =	shalt  }
0x62: {  	_ =	shalt  }
0x63: {  	_ =	shalt  }
0x64: {  	_ =	shalt  }
0x65: {  	_ =	shalt  }
0x66: {  	_ =	shalt  }
0x67: {  	_ =	shalt  }
0x68: {  	_ =	shalt  }
0x69: {  	_ =	shalt  }
0x6a: {  	_ =	shalt  }
0x6b: {  	_ =	shalt  }
0x6c: {  	_ =	shalt  }
0x6d: {  	_ =	shalt  }
0x6e: {  	_ =	shalt  }
0x6f: {  	_ =	shalt  }
0x70: {  	_ =	shalt  }
0x71: {  	_ =	shalt  }
0x72: {  	_ =	shalt  }
0x73: {  	_ =	shalt  }
0x74: {  	_ =	shalt  }
0x75: {  	_ =	shalt  }
0x76: {  	_ =	shalt  }
0x77: {  	_ =	shalt  }
0x78: {  	_ =	shalt  }
0x79: {  	_ =	shalt  }
0x7a: {  	_ =	shalt  }
0x7b: {  	_ =	shalt  }
0x7c: {  	_ =	shalt  }
0x7d: {  	_ =	shalt  }
0x7e: {  	_ =	shalt  }
0x7f: {  	_ =	shalt  }
0x80: {  	_ =	shalt  }
0x81: {  	_ =	shalt  }
0x82: {  	_ =	shalt  }
0x83: {  	_ =	shalt  }
0x84: {  	_ =	shalt  }
0x85: {  	_ =	shalt  }
0x86: {  	_ =	shalt  }
0x87: {  	_ =	shalt  }
.Lfunc_end0:
.L_simem_size_0:
called_computation_lowered:
.L_overlay_start_0:
0x88: {  	s2 =	sld [smem:$0x3FD9]  }
0x89: {  	s3 =	sld [smem:$0x3FFE];
	_ =	sdelay $0x1  }
0x8a: {  	s1 =	srdreg.scid  }
0x8b: {  	s0 =	sand.u32 $0x1, s1  }
0x8c: {  	s17 =	sshll.u32 s0, $0xA;
	s2 =	sadd.s32 s3, s2  }
0x8d: {  	s2 =	sadd.s32 s2, s17  }
0x8e: {  	[smem:$0x3FB9] =	sst s2  }
0x8f: {  	_ = 	snop  }
0x90: {  	s2 =	sld [smem:$0x3FC6];
	(tm) =	ssettm $0x1  }
0x91: {  	s18 =	sld [smem:$0x3FFB];
	_ =	sdelay $0x3  }
0x92: {  	_ =	strace s18  }
0x93: {  	s3 =	sld [smem:$0x3FFC];
	_ =	sdelay $0x3  }
0x94: {  	_ =	strace s3  }
0x95: {  	s3 =	sld [smem:$0x3FFD];
	_ =	sdelay $0x3  }
0x96: {  	_ =	strace s3  }
0x97: {  	_ =	strace $0x8FFFFFFF  }
0x98: {  	s19 =	sld [smem:$0x3FDB];
	_ =	sdelay $0x1  }
0x99: {  	s4 =	simm.s32 $_scs_section_size  }
0x9a: {  	s5 =	simm.s32 $_size__tile_overlayer_lowered;
	s6 =	simm.s32 $_tile_overlayer_lowered  }
0x9b: {  	s22 =	simm.s32 $0x1BFF;
	s21 =	sshll.u32 s6, $0x1;
	s3 =	sadd.s32 s4, s19  }
0x9c: {  	s7 =	simm.s32 $0x0;
	s20 =	sshll.u32 s5, $0x1;
	s5 =	sadd.s32 s21, s3  }
0x9d: {  	[timem:s7], [sflag:s22] =	dma.local [hbm:s5], s20  }
0x9e: {  	_ =	swait.ge [sflag:s22], s20  }
0x9f: {  	s4 =	ssub.s32 $0x0, s20;
	[sflag:s22] =	ssyncset.done $0x0  }
0xa0: {  	[sflag:s22] =	ssyncadd.s32 s4;
	_ =	sdelay $0x1  }
0xa1: {  	s23 =	simm.s32 $0x1B8B  }
0xa2: {  	_ =	swait.ge [sflag:s23], $0x1  }
0xa3: {  	[sflag:s23] =	ssyncset.done $0x0  }
0xa4: {  	s25 =	simm.s32 $0x1B8E;
	s24 =	sld [smem:$0x3FFE];
	[sflag:s23] =	ssyncadd.s32 $0xFFFFFFFF  }
0xa5: {  	s26 =	simm.s32 $execute0_lowered;
	[smem:$0x3FD2] =	sst s25  }
0xa6: {  	s5 =	sshll.u32 s26, $0x1;
	_ =	strace $0x80000046;
	[dreg:$0x1] =	wrdreg $0xFFFFFFFF  }
0xa7: {  	s28 =	simm.s32 $_size_execute0_lowered;
	s3 =	sadd.s32 s3, s5;
	[dreg:$0x0] =	wrdreg $0x0  }
0xa8: {  	s5 =	sshll.u32 s28, $0x1;
	[dreg:$0x2] =	wrdreg s3  }
0xa9: {  	[dreg:$0x3] =	wrdreg s5  }
0xaa: {  	[dreg:$0x4] =	wrdreg $0xC0  }
0xab: {  	_ =	task [dreg:s7], $0x5FFFF  }
0xac: {  	[dreg:$0x1] =	wrdreg $0xFFFFFFFF  }
0xad: {  	[dreg:$0x0] =	wrdreg $0x60  }
0xae: {  	[dreg:$0x2] =	wrdreg s24  }
0xaf: {  	[dreg:$0x3] =	wrdreg s2  }
0xb0: {  	[dreg:$0x4] =	wrdreg $0x77100  }
0xb1: {  	[dreg:$0x5] =	wrdreg $0x9  }
0xb2: {  	_ =	task.clear_ibuf [dreg:s7], $0x6FFFF;
	_ =	strace $0x90000046  }
0xb3: {  	s29 =	simm.s32 $0x9;
	_ =	strace $0x80000048  }
0xb4: {  	_ =	swait.ge [sflag:s29], $0x1  }
0xb5: {  	[sflag:s29] =	ssyncadd.s32 $0xFFFFFFFF  }
0xb6: {  	_ =	strace $0x90000048  }
0xb7: {  	_ =	sfence  }
0xb8: {  	s30 =	sld [smem:$0x0];
	_ =	sdelay $0x2  }
0xb9: {  	s31 =	sshll.u32 s1, $0xD;
	s1 =	sshrl.u32 s1, $0x2  }
0xba: {  	s3 =	sand.u32 $0x4000, s31;
	s1 =	sadd.s32 s1, s30  }
0xbb: {  	s0 =	sor.u32 s3, s0;
	s1 =	sshll.u32 s1, $0x11  }
0xbc: {  	s0 =	sor.u32 s1, s0  }
0xbd: {  	s0 =	sadd.s32 $0x8F2B, s0  }
0xbe: {  	[sflag:s0] =	ssyncadd.remote.s32 $0x1  }
0xbf: {  	_ =	sfence.sel $0xFFFF  }
0xc0: {  	[dreg:$0x0] =	wrdreg $0xFFFFFFFF;
	(pc) =	sbr.abs _section_cstart, $3  }
0xc1: {  	[dreg:$0x1] =	wrdreg $0xFFFFFFFF  }
0xc2: {  	_ =	task.clear_ibuf [dreg:s7], $0x2FFFF;
	_ =	strace $0x9FFFFFFF  }
0xc3: {  	(tm) =	ssettm $0x7FFFFFFF  }
tec
execute0_lowered:
.L_overlay_start_1:
0x0: {  	(tag) =	ssettag $0x1  }
0x1: {  	s7 =	rddreg [dreg:$0x0]  }
0x2: {  	s0 =	srdreg.scid;
	s6 =	rddreg [dreg:$0x1]  }
0x3: {  	s2 =	rddreg [dreg:$0x2];
	s1 =	stileid.u32  }
0x4: {  	s3 =	simm.s32 $0x0;
	s12 =	simm.s32 $0x1D000;
	s13 =	simm.s32 $0x4E20  }
0x5: {  	s14 =	simm.s32 $0x4FB0;
	s15 =	simm.s32 $0x4E70;
	s16 =	simm.s32 $0x4EC0  }
0x6: {  	s17 =	simm.s32 $0x4F10;
	s18 =	simm.s32 $0x4F60;
	s19 =	simm.s32 $0x1  }
0x7: {  	s20 =	simm.s32 $0x2;
	s21 =	simm.s32 $0x3;
	s22 =	simm.s32 $0x4  }
0x8: {  	s23 =	simm.s32 $0x5;
	s4 =	sand.u32 $0x1, s0;
	s0 =	rddreg [dreg:$0x3]  }
0x9: {  	s24 =	simm.s32 $0x0;
	[smem:$0x7FF] =	sst s3;
	s11 =	smul.u32 $0x2710, s1  }
0xa: {  	s5 =	sshll.u32 s4, $0x4;
	_ =	strace $0x80000047;
	s29 =	ssub.s32 $0x2, s4  }
0xb: {  	p0 =	seq.s32 s4, $0x1;
	s5 =	sor.u32 s1, s5;
	s10 =	sshrl.u32 s29, $0x1  }
0xc: {  	s4 =	sadd.s32 s11, s2;
	s12 =	simm.s32 @!p0 $0x18000;
	s8 =	smul.u32 $0x4E2, s5  }
0xd: {  	s30 =	sshrl.u32 s11, $0x3;
	s11 =	simm.s32 $0x2710;
	s10 =	ssub.s32 s29, s10  }
0xe: {  	s31 =	sadd.s32 s12, s7;
	s12 =	simm.s32 $0x50;
	s9 =	sadd.s32 s8, s7  }
0xf: {  	s6 =	sadd.s32 s6, s8;
	s7 =	smax.u32 s10, $0x1;
	s8 =	sadd.s32 s31, s30  }
0x10: {  	v0 =	vimm.f32 $0.0e+00;
	v1 =	vimm.f32 $1.000000000e+00;
	s10 =	simm.s32 $0x6;
	s5 =	sadd.s32 $0x4400, s9;
	s9 =	simm.s32 $0x5000  }
.LBB2_1:
0x11: {  	s25 =	simm.s32 $0x40;
	s26 =	simm.s32 $0x0  }
.LBB2_2:
0x12: {  	p0 =	sne.s32 s25, $0x9C00;
	[tilespmem:s26+$0x5000] =	vst v0;
	s26 =	smov.u32 s25;
	s25 =	sadd.s32 $0x40, s25  }
.Ltmp0:
0x13: {  	(pc) =	sbr.rel @p0 .LBB2_2-.Ltmp0, $2  }
0x14: {  	_ =	sdelay $0x2  }
0x15: {  	s26 =	sshra.s32 s26, $0x2  }
0x16: {  	[tilespmem:s26+$0x5000] =	vst v0  }
0x17: {  	[spmem:s4] =	stream.linear.scatter [tilespmem:s9], [sflag:$0x6], $0x2710, $0x38;
	[tilespmem:$0x9E20] =	vst v63  }
0x18: {  	_ =	swait.ge [sflag:s10], $0x2710  }
0x19: {  	[sflag:s10] =	ssyncset.done $0x0  }
0x1a: {  	[sflag:s10] =	ssyncadd.s32 $0xFFFFD8F0  }
0x1b: {  	[tilespmem:$0x4FB0] =	vst v1  }
0x1c: {  	[tilespmem:$0x4FC0] =	vst v1  }
0x1d: {  	[tilespmem:$0x4FD0] =	vst v1  }
0x1e: {  	[tilespmem:$0x4FE0] =	vst v1  }
0x1f: {  	[tilespmem:$0x4FF0] =	vst v1  }
0x20: {  	[tilespmem:s3], [sflag:$0x6] =	stream.linear.gather [hbm4b:s5+s3], $0x2710, $0x38;
	[tilespmem:$0x9E20] =	vst v63  }
0x21: {  	_ =	swait.ge [sflag:s10], $0x2710  }
0x22: {  	[sflag:s10] =	ssyncset.done $0x0  }
0x23: {  	[sflag:s10] =	ssyncadd.s32 $0xFFFFD8F0  }
0x24: {  	[tilespmem:s11], [sflag:$0x6] =	stream.linear.gather [hbm4b:s6+s3], $0x2710, $0x38;
	[tilespmem:$0x9E20] =	vst v63  }
0x25: {  	_ =	swait.ge [sflag:s10], $0x2710  }
0x26: {  	[sflag:s10] =	ssyncset.done $0x0  }
0x27: {  	[sflag:s10] =	ssyncadd.s32 $0xFFFFD8F0  }
0x28: {  	[bflag:$0x0] =	sbarrier.arrive $0xFFFF  }
0x29: {  	v2 =	vld [tilespmem:$0x0]  }
0x2a: {  	v3 =	vld [tilespmem:$0x2710]  }
0x2b: {  	v4 =	vld [tilespmem:$0x10]  }
0x2c: {  	v5 =	vld [tilespmem:$0x2720]  }
0x2d: {  	v6 =	vld [tilespmem:$0x20]  }
0x2e: {  	v7 =	vld [tilespmem:$0x2730]  }
0x2f: {  	v8 =	vld [tilespmem:$0x30]  }
0x30: {  	v9 =	vld [tilespmem:$0x2740]  }
0x31: {  	v10 =	vld [tilespmem:$0x40]  }
0x32: {  	v11 =	vld [tilespmem:$0x2750];
	v2 =	vshll.u32 v2, $0x4  }
0x33: {  	v2 =	vadd.s32 v3, v2;
	v3 =	vshll.u32 v4, $0x4  }
0x34: {  	[tilespmem:$0x4E20] =	vst v2;
	v2 =	vadd.s32 v5, v3;
	v3 =	vshll.u32 v6, $0x4  }
0x35: {  	[tilespmem:$0x4E30] =	vst v2;
	v2 =	vadd.s32 v7, v3;
	v3 =	vshll.u32 v8, $0x4  }
0x36: {  	[tilespmem:$0x4E40] =	vst v2;
	v2 =	vadd.s32 v9, v3;
	v3 =	vshll.u32 v10, $0x4  }
0x37: {  	[tilespmem:$0x4E50] =	vst v2;
	v2 =	vadd.s32 v11, v3  }
0x38: {  	[tilespmem:$0x4E60] =	vst v2  }
0x39: {  	[spmem:s2] =	stream.indirect.scatter.add.f32 [tilespmem:s14], [sflag:$0x1], $0x1, s13, s12, $0xb8;
	[tilespmem:$0x9E20] =	vst v63  }
0x3a: {  	v2 =	vld [tilespmem:$0x50]  }
0x3b: {  	v3 =	vld [tilespmem:$0x2760]  }
0x3c: {  	v32 =	vld [tilespmem:$0x60]  }
0x3d: {  	v33 =	vld [tilespmem:$0x2770]  }
0x3e: {  	v34 =	vld [tilespmem:$0x70]  }
0x3f: {  	v35 =	vld [tilespmem:$0x2780]  }
0x40: {  	v36 =	vld [tilespmem:$0x80]  }
0x41: {  	v37 =	vld [tilespmem:$0x2790]  }
0x42: {  	v38 =	vld [tilespmem:$0x90]  }
0x43: {  	v39 =	vld [tilespmem:$0x27A0];
	v2 =	vshll.u32 v2, $0x4  }
0x44: {  	v2 =	vadd.s32 v3, v2;
	v3 =	vshll.u32 v32, $0x4  }
0x45: {  	[tilespmem:$0x4E70] =	vst v2;
	v2 =	vadd.s32 v33, v3;
	v3 =	vshll.u32 v34, $0x4  }
0x46: {  	[tilespmem:$0x4E80] =	vst v2;
	v2 =	vadd.s32 v35, v3;
	v3 =	vshll.u32 v36, $0x4  }
0x47: {  	[tilespmem:$0x4E90] =	vst v2;
	v2 =	vadd.s32 v37, v3;
	v3 =	vshll.u32 v38, $0x4  }
0x48: {  	[tilespmem:$0x4EA0] =	vst v2;
	v2 =	vadd.s32 v39, v3  }
0x49: {  	[tilespmem:$0x4EB0] =	vst v2  }
0x4a: {  	[spmem:s2] =	stream.indirect.scatter.add.f32 [tilespmem:s14], [sflag:$0x2], $0x1, s15, s12, $0xb8;
	[tilespmem:$0x9E20] =	vst v63  }
0x4b: {  	v2 =	vld [tilespmem:$0xA0]  }
0x4c: {  	v3 =	vld [tilespmem:$0x27B0]  }
0x4d: {  	v40 =	vld [tilespmem:$0xB0]  }
0x4e: {  	v41 =	vld [tilespmem:$0x27C0]  }
0x4f: {  	v42 =	vld [tilespmem:$0xC0]  }
0x50: {  	v43 =	vld [tilespmem:$0x27D0]  }
0x51: {  	v44 =	vld [tilespmem:$0xD0]  }
0x52: {  	v45 =	vld [tilespmem:$0x27E0]  }
0x53: {  	v46 =	vld [tilespmem:$0xE0]  }
0x54: {  	v47 =	vld [tilespmem:$0x27F0];
	v2 =	vshll.u32 v2, $0x4  }
0x55: {  	v2 =	vadd.s32 v3, v2;
	v3 =	vshll.u32 v40, $0x4  }
0x56: {  	[tilespmem:$0x4EC0] =	vst v2;
	v2 =	vadd.s32 v41, v3;
	v3 =	vshll.u32 v42, $0x4  }
0x57: {  	[tilespmem:$0x4ED0] =	vst v2;
	v2 =	vadd.s32 v43, v3;
	v3 =	vshll.u32 v44, $0x4  }
0x58: {  	[tilespmem:$0x4EE0] =	vst v2;
	v2 =	vadd.s32 v45, v3;
	v3 =	vshll.u32 v46, $0x4  }
0x59: {  	[tilespmem:$0x4EF0] =	vst v2;
	v2 =	vadd.s32 v47, v3  }
0x5a: {  	[tilespmem:$0x4F00] =	vst v2  }
0x5b: {  	[spmem:s2] =	stream.indirect.scatter.add.f32 [tilespmem:s14], [sflag:$0x3], $0x1, s16, s12, $0xb8;
	[tilespmem:$0x9E20] =	vst v63  }
0x5c: {  	v2 =	vld [tilespmem:$0xF0]  }
0x5d: {  	v3 =	vld [tilespmem:$0x2800]  }
0x5e: {  	v48 =	vld [tilespmem:$0x100]  }
0x5f: {  	v49 =	vld [tilespmem:$0x2810]  }
0x60: {  	v50 =	vld [tilespmem:$0x110]  }
0x61: {  	v51 =	vld [tilespmem:$0x2820]  }
0x62: {  	v52 =	vld [tilespmem:$0x120]  }
0x63: {  	v53 =	vld [tilespmem:$0x2830]  }
0x64: {  	v54 =	vld [tilespmem:$0x130]  }
0x65: {  	v55 =	vld [tilespmem:$0x2840];
	v2 =	vshll.u32 v2, $0x4  }
0x66: {  	v2 =	vadd.s32 v3, v2;
	v3 =	vshll.u32 v48, $0x4  }
0x67: {  	[tilespmem:$0x4F10] =	vst v2;
	v2 =	vadd.s32 v49, v3;
	v3 =	vshll.u32 v50, $0x4  }
0x68: {  	[tilespmem:$0x4F20] =	vst v2;
	v2 =	vadd.s32 v51, v3;
	v3 =	vshll.u32 v52, $0x4  }
0x69: {  	[tilespmem:$0x4F30] =	vst v2;
	v2 =	vadd.s32 v53, v3;
	v3 =	vshll.u32 v54, $0x4  }
0x6a: {  	[tilespmem:$0x4F40] =	vst v2;
	v2 =	vadd.s32 v55, v3  }
0x6b: {  	[tilespmem:$0x4F50] =	vst v2  }
0x6c: {  	[spmem:s2] =	stream.indirect.scatter.add.f32 [tilespmem:s14], [sflag:$0x4], $0x1, s17, s12, $0xb8;
	[tilespmem:$0x9E20] =	vst v63  }
0x6d: {  	v2 =	vld [tilespmem:$0x140]  }
0x6e: {  	v3 =	vld [tilespmem:$0x2850]  }
0x6f: {  	v56 =	vld [tilespmem:$0x150]  }
0x70: {  	v57 =	vld [tilespmem:$0x2860]  }
0x71: {  	v58 =	vld [tilespmem:$0x160]  }
0x72: {  	v59 =	vld [tilespmem:$0x2870]  }
0x73: {  	v60 =	vld [tilespmem:$0x170]  }
0x74: {  	v61 =	vld [tilespmem:$0x2880]  }
0x75: {  	v62 =	vld [tilespmem:$0x180]  }
0x76: {  	v63 =	vld [tilespmem:$0x2890];
	v2 =	vshll.u32 v2, $0x4  }
0x77: {  	v2 =	vadd.s32 v3, v2;
	v3 =	vshll.u32 v56, $0x4  }
0x78: {  	[tilespmem:$0x4F60] =	vst v2;
	v2 =	vadd.s32 v57, v3;
	v3 =	vshll.u32 v58, $0x4  }
0x79: {  	[tilespmem:$0x4F70] =	vst v2;
	v2 =	vadd.s32 v59, v3;
	v3 =	vshll.u32 v60, $0x4  }
0x7a: {  	[tilespmem:$0x4F80] =	vst v2;
	v2 =	vadd.s32 v61, v3;
	v3 =	vshll.u32 v62, $0x4  }
0x7b: {  	[tilespmem:$0x4F90] =	vst v2;
	v2 =	vadd.s32 v63, v3  }
0x7c: {  	[tilespmem:$0x4FA0] =	vst v2  }
0x7d: {  	[spmem:s2] =	stream.indirect.scatter.add.f32 [tilespmem:s14], [sflag:$0x5], $0x1, s18, s12, $0xb8;
	[tilespmem:$0x9E20] =	vst v63  }
0x7e: {  	_ =	swait.ge [sflag:s19], $0x50  }
0x7f: {  	[sflag:s19] =	ssyncset.done $0x0  }
0x80: {  	s25 =	simm.s32 $0x310;
	[sflag:s19] =	ssyncadd.s32 $0xFFFFFFB0  }
0x81: {  	v2 =	vld [tilespmem:s25+$0xFFFFFE80]  }
0x82: {  	v3 =	vld [tilespmem:s25+$0x2590];
	_ =	sdelay $0x3  }
0x83: {  	v2 =	vshll.u32 v2, $0x4  }
0x84: {  	v2 =	vadd.s32 v3, v2  }
0x85: {  	[tilespmem:$0x4E20] =	vst v2  }
0x86: {  	v2 =	vld [tilespmem:s25+$0xFFFFFE90]  }
0x87: {  	v3 =	vld [tilespmem:s25+$0x25A0];
	_ =	sdelay $0x3  }
0x88: {  	v2 =	vshll.u32 v2, $0x4  }
0x89: {  	v2 =	vadd.s32 v3, v2  }
0x8a: {  	[tilespmem:$0x4E30] =	vst v2  }
0x8b: {  	v2 =	vld [tilespmem:s25+$0xFFFFFEA0]  }
0x8c: {  	v3 =	vld [tilespmem:s25+$0x25B0];
	_ =	sdelay $0x3  }
0x8d: {  	v2 =	vshll.u32 v2, $0x4  }
0x8e: {  	v2 =	vadd.s32 v3, v2  }
0x8f: {  	[tilespmem:$0x4E40] =	vst v2  }
0x90: {  	v2 =	vld [tilespmem:s25+$0xFFFFFEB0]  }
0x91: {  	v3 =	vld [tilespmem:s25+$0x25C0];
	_ =	sdelay $0x3  }
0x92: {  	v2 =	vshll.u32 v2, $0x4  }
0x93: {  	v2 =	vadd.s32 v3, v2  }
0x94: {  	[tilespmem:$0x4E50] =	vst v2  }
0x95: {  	v2 =	vld [tilespmem:s25+$0xFFFFFEC0]  }
0x96: {  	v3 =	vld [tilespmem:s25+$0x25D0];
	_ =	sdelay $0x3  }
0x97: {  	v2 =	vshll.u32 v2, $0x4  }
0x98: {  	v2 =	vadd.s32 v3, v2  }
0x99: {  	[tilespmem:$0x4E60] =	vst v2  }
0x9a: {  	[spmem:s2] =	stream.indirect.scatter.add.f32 [tilespmem:s14], [sflag:$0x1], $0x1, s13, s12, $0xb8;
	[tilespmem:$0x9E20] =	vst v63  }
0x9b: {  	_ =	swait.ge [sflag:s20], $0x50  }
0x9c: {  	[sflag:s20] =	ssyncset.done $0x0  }
0x9d: {  	[sflag:s20] =	ssyncadd.s32 $0xFFFFFFB0  }
0x9e: {  	v2 =	vld [tilespmem:s25+$0xFFFFFED0]  }
0x9f: {  	v3 =	vld [tilespmem:s25+$0x25E0];
	_ =	sdelay $0x3  }
0xa0: {  	v2 =	vshll.u32 v2, $0x4  }
0xa1: {  	v2 =	vadd.s32 v3, v2  }
0xa2: {  	[tilespmem:$0x4E70] =	vst v2  }
0xa3: {  	v2 =	vld [tilespmem:s25+$0xFFFFFEE0]  }
0xa4: {  	v3 =	vld [tilespmem:s25+$0x25F0];
	_ =	sdelay $0x3  }
0xa5: {  	v2 =	vshll.u32 v2, $0x4  }
0xa6: {  	v2 =	vadd.s32 v3, v2  }
0xa7: {  	[tilespmem:$0x4E80] =	vst v2  }
0xa8: {  	v2 =	vld [tilespmem:s25+$0xFFFFFEF0]  }
0xa9: {  	v3 =	vld [tilespmem:s25+$0x2600];
	_ =	sdelay $0x3  }
0xaa: {  	v2 =	vshll.u32 v2, $0x4  }
0xab: {  	v2 =	vadd.s32 v3, v2  }
0xac: {  	[tilespmem:$0x4E90] =	vst v2  }
0xad: {  	v2 =	vld [tilespmem:s25+$0xFFFFFF00]  }
0xae: {  	v3 =	vld [tilespmem:s25+$0x2610];
	_ =	sdelay $0x3  }
0xaf: {  	v2 =	vshll.u32 v2, $0x4  }
0xb0: {  	v2 =	vadd.s32 v3, v2  }
0xb1: {  	[tilespmem:$0x4EA0] =	vst v2  }
0xb2: {  	v2 =	vld [tilespmem:s25+$0xFFFFFF10]  }
0xb3: {  	v3 =	vld [tilespmem:s25+$0x2620];
	_ =	sdelay $0x3  }
0xb4: {  	v2 =	vshll.u32 v2, $0x4  }
0xb5: {  	v2 =	vadd.s32 v3, v2  }
0xb6: {  	[tilespmem:$0x4EB0] =	vst v2  }
0xb7: {  	[spmem:s2] =	stream.indirect.scatter.add.f32 [tilespmem:s14], [sflag:$0x2], $0x1, s15, s12, $0xb8;
	[tilespmem:$0x9E20] =	vst v63  }
0xb8: {  	_ =	swait.ge [sflag:s21], $0x50  }
0xb9: {  	[sflag:s21] =	ssyncset.done $0x0  }
0xba: {  	[sflag:s21] =	ssyncadd.s32 $0xFFFFFFB0  }
0xbb: {  	v2 =	vld [tilespmem:s25+$0xFFFFFF20]  }
0xbc: {  	v3 =	vld [tilespmem:s25+$0x2630];
	_ =	sdelay $0x3  }
0xbd: {  	v2 =	vshll.u32 v2, $0x4  }
0xbe: {  	v2 =	vadd.s32 v3, v2  }
0xbf: {  	[tilespmem:$0x4EC0] =	vst v2  }
0xc0: {  	v2 =	vld [tilespmem:s25+$0xFFFFFF30]  }
0xc1: {  	v3 =	vld [tilespmem:s25+$0x2640];
	_ =	sdelay $0x3  }
0xc2: {  	v2 =	vshll.u32 v2, $0x4  }
0xc3: {  	v2 =	vadd.s32 v3, v2  }
0xc4: {  	[tilespmem:$0x4ED0] =	vst v2  }
0xc5: {  	v2 =	vld [tilespmem:s25+$0xFFFFFF40]  }
0xc6: {  	v3 =	vld [tilespmem:s25+$0x2650];
	_ =	sdelay $0x3  }
0xc7: {  	v2 =	vshll.u32 v2, $0x4  }
0xc8: {  	v2 =	vadd.s32 v3, v2  }
0xc9: {  	[tilespmem:$0x4EE0] =	vst v2  }
0xca: {  	v2 =	vld [tilespmem:s25+$0xFFFFFF50]  }
0xcb: {  	v3 =	vld [tilespmem:s25+$0x2660];
	_ =	sdelay $0x3  }
0xcc: {  	v2 =	vshll.u32 v2, $0x4  }
0xcd: {  	v2 =	vadd.s32 v3, v2  }
0xce: {  	[tilespmem:$0x4EF0] =	vst v2  }
0xcf: {  	v2 =	vld [tilespmem:s25+$0xFFFFFF60]  }
0xd0: {  	v3 =	vld [tilespmem:s25+$0x2670];
	_ =	sdelay $0x3  }
0xd1: {  	v2 =	vshll.u32 v2, $0x4  }
0xd2: {  	v2 =	vadd.s32 v3, v2  }
0xd3: {  	[tilespmem:$0x4F00] =	vst v2  }
0xd4: {  	[spmem:s2] =	stream.indirect.scatter.add.f32 [tilespmem:s14], [sflag:$0x3], $0x1, s16, s12, $0xb8;
	[tilespmem:$0x9E20] =	vst v63  }
0xd5: {  	_ =	swait.ge [sflag:s22], $0x50  }
0xd6: {  	[sflag:s22] =	ssyncset.done $0x0  }
0xd7: {  	[sflag:s22] =	ssyncadd.s32 $0xFFFFFFB0  }
0xd8: {  	v2 =	vld [tilespmem:s25+$0xFFFFFF70]  }
0xd9: {  	v3 =	vld [tilespmem:s25+$0x2680];
	_ =	sdelay $0x3  }
0xda: {  	v2 =	vshll.u32 v2, $0x4  }
0xdb: {  	v2 =	vadd.s32 v3, v2  }
0xdc: {  	[tilespmem:$0x4F10] =	vst v2  }
0xdd: {  	v2 =	vld [tilespmem:s25+$0xFFFFFF80]  }
0xde: {  	v3 =	vld [tilespmem:s25+$0x2690];
	_ =	sdelay $0x3  }
0xdf: {  	v2 =	vshll.u32 v2, $0x4  }
0xe0: {  	v2 =	vadd.s32 v3, v2  }
0xe1: {  	[tilespmem:$0x4F20] =	vst v2  }
0xe2: {  	v2 =	vld [tilespmem:s25+$0xFFFFFF90]  }
0xe3: {  	v3 =	vld [tilespmem:s25+$0x26A0];
	_ =	sdelay $0x3  }
0xe4: {  	v2 =	vshll.u32 v2, $0x4  }
0xe5: {  	v2 =	vadd.s32 v3, v2  }
0xe6: {  	[tilespmem:$0x4F30] =	vst v2  }
0xe7: {  	v2 =	vld [tilespmem:s25+$0xFFFFFFA0]  }
0xe8: {  	v3 =	vld [tilespmem:s25+$0x26B0];
	_ =	sdelay $0x3  }
0xe9: {  	v2 =	vshll.u32 v2, $0x4  }
0xea: {  	v2 =	vadd.s32 v3, v2  }
0xeb: {  	[tilespmem:$0x4F40] =	vst v2  }
0xec: {  	v2 =	vld [tilespmem:s25+$0xFFFFFFB0]  }
0xed: {  	v3 =	vld [tilespmem:s25+$0x26C0];
	_ =	sdelay $0x3  }
0xee: {  	v2 =	vshll.u32 v2, $0x4  }
0xef: {  	v2 =	vadd.s32 v3, v2  }
0xf0: {  	[tilespmem:$0x4F50] =	vst v2  }
0xf1: {  	[spmem:s2] =	stream.indirect.scatter.add.f32 [tilespmem:s14], [sflag:$0x4], $0x1, s17, s12, $0xb8;
	[tilespmem:$0x9E20] =	vst v63  }
0xf2: {  	_ =	swait.ge [sflag:s23], $0x50  }
0xf3: {  	[sflag:s23] =	ssyncset.done $0x0  }
0xf4: {  	[sflag:s23] =	ssyncadd.s32 $0xFFFFFFB0  }
0xf5: {  	v2 =	vld [tilespmem:s25+$0xFFFFFFC0]  }
0xf6: {  	v3 =	vld [tilespmem:s25+$0x26D0];
	_ =	sdelay $0x3  }
0xf7: {  	v2 =	vshll.u32 v2, $0x4  }
0xf8: {  	v2 =	vadd.s32 v3, v2  }
0xf9: {  	[tilespmem:$0x4F60] =	vst v2  }
0xfa: {  	v2 =	vld [tilespmem:s25+$0xFFFFFFD0]  }
0xfb: {  	v3 =	vld [tilespmem:s25+$0x26E0];
	_ =	sdelay $0x3  }
0xfc: {  	v2 =	vshll.u32 v2, $0x4  }
0xfd: {  	v2 =	vadd.s32 v3, v2  }
0xfe: {  	[tilespmem:$0x4F70] =	vst v2  }
0xff: {  	v2 =	vld [tilespmem:s25+$0xFFFFFFE0]  }
0x100: {  	v3 =	vld [tilespmem:s25+$0x26F0];
	_ =	sdelay $0x3  }
0x101: {  	v2 =	vshll.u32 v2, $0x4  }
0x102: {  	v2 =	vadd.s32 v3, v2  }
0x103: {  	[tilespmem:$0x4F80] =	vst v2  }
0x104: {  	v2 =	vld [tilespmem:s25+$0xFFFFFFF0]  }
0x105: {  	v3 =	vld [tilespmem:s25+$0x2700];
	_ =	sdelay $0x3  }
0x106: {  	v2 =	vshll.u32 v2, $0x4  }
0x107: {  	v2 =	vadd.s32 v3, v2  }
0x108: {  	[tilespmem:$0x4F90] =	vst v2  }
0x109: {  	v2 =	vld [tilespmem:s25+$0x0]  }
0x10a: {  	v3 =	vld [tilespmem:s25+$0x2710];
	_ =	sdelay $0x3  }
0x10b: {  	v2 =	vshll.u32 v2, $0x4  }
0x10c: {  	v2 =	vadd.s32 v3, v2  }
0x10d: {  	s25 =	simm.s32 $0x1280;
	[tilespmem:$0x4FA0] =	vst v2  }
.LBB2_4:
0x10e: {  	[spmem:s2] =	stream.indirect.scatter.add.f32 [tilespmem:s14], [sflag:$0x5], $0x1, s18, s12, $0xb8;
	[tilespmem:$0x9E20] =	vst v63  }
0x10f: {  	s26 =	smov.u32 s25  }
0x110: {  	p0 =	sne.s32 s25, $0x9C00;
	s25 =	sadd.s32 $0x640, s25;
	_ =	swait.ge [sflag:s19], $0x50  }
0x111: {  	[sflag:s19] =	ssyncset.done $0x0  }
0x112: {  	s26 =	sshra.s32 s26, $0x2;
	[sflag:s19] =	ssyncadd.s32 $0xFFFFFFB0  }
0x113: {  	v2 =	vld [tilespmem:s26+$0xFFFFFE80]  }
0x114: {  	v3 =	vld [tilespmem:s26+$0x2590];
	_ =	sdelay $0x3  }
0x115: {  	v2 =	vshll.u32 v2, $0x4  }
0x116: {  	v2 =	vadd.s32 v3, v2  }
0x117: {  	[tilespmem:$0x4E20] =	vst v2  }
0x118: {  	v2 =	vld [tilespmem:s26+$0xFFFFFE90]  }
0x119: {  	v3 =	vld [tilespmem:s26+$0x25A0];
	_ =	sdelay $0x3  }
0x11a: {  	v2 =	vshll.u32 v2, $0x4  }
0x11b: {  	v2 =	vadd.s32 v3, v2  }
0x11c: {  	[tilespmem:$0x4E30] =	vst v2  }
0x11d: {  	v2 =	vld [tilespmem:s26+$0xFFFFFEA0]  }
0x11e: {  	v3 =	vld [tilespmem:s26+$0x25B0];
	_ =	sdelay $0x3  }
0x11f: {  	v2 =	vshll.u32 v2, $0x4  }
0x120: {  	v2 =	vadd.s32 v3, v2  }
0x121: {  	[tilespmem:$0x4E40] =	vst v2  }
0x122: {  	v2 =	vld [tilespmem:s26+$0xFFFFFEB0]  }
0x123: {  	v3 =	vld [tilespmem:s26+$0x25C0];
	_ =	sdelay $0x3  }
0x124: {  	v2 =	vshll.u32 v2, $0x4  }
0x125: {  	v2 =	vadd.s32 v3, v2  }
0x126: {  	[tilespmem:$0x4E50] =	vst v2  }
0x127: {  	v2 =	vld [tilespmem:s26+$0xFFFFFEC0]  }
0x128: {  	v3 =	vld [tilespmem:s26+$0x25D0];
	_ =	sdelay $0x3  }
0x129: {  	v2 =	vshll.u32 v2, $0x4  }
0x12a: {  	v2 =	vadd.s32 v3, v2  }
0x12b: {  	[tilespmem:$0x4E60] =	vst v2  }
0x12c: {  	[spmem:s2] =	stream.indirect.scatter.add.f32 [tilespmem:s14], [sflag:$0x1], $0x1, s13, s12, $0xb8;
	[tilespmem:$0x9E20] =	vst v63  }
0x12d: {  	_ =	swait.ge [sflag:s20], $0x50  }
0x12e: {  	[sflag:s20] =	ssyncset.done $0x0  }
0x12f: {  	[sflag:s20] =	ssyncadd.s32 $0xFFFFFFB0  }
0x130: {  	v2 =	vld [tilespmem:s26+$0xFFFFFED0]  }
0x131: {  	v3 =	vld [tilespmem:s26+$0x25E0];
	_ =	sdelay $0x3  }
0x132: {  	v2 =	vshll.u32 v2, $0x4  }
0x133: {  	v2 =	vadd.s32 v3, v2  }
0x134: {  	[tilespmem:$0x4E70] =	vst v2  }
0x135: {  	v2 =	vld [tilespmem:s26+$0xFFFFFEE0]  }
0x136: {  	v3 =	vld [tilespmem:s26+$0x25F0];
	_ =	sdelay $0x3  }
0x137: {  	v2 =	vshll.u32 v2, $0x4  }
0x138: {  	v2 =	vadd.s32 v3, v2  }
0x139: {  	[tilespmem:$0x4E80] =	vst v2  }
0x13a: {  	v2 =	vld [tilespmem:s26+$0xFFFFFEF0]  }
0x13b: {  	v3 =	vld [tilespmem:s26+$0x2600];
	_ =	sdelay $0x3  }
0x13c: {  	v2 =	vshll.u32 v2, $0x4  }
0x13d: {  	v2 =	vadd.s32 v3, v2  }
0x13e: {  	[tilespmem:$0x4E90] =	vst v2  }
0x13f: {  	v2 =	vld [tilespmem:s26+$0xFFFFFF00]  }
0x140: {  	v3 =	vld [tilespmem:s26+$0x2610];
	_ =	sdelay $0x3  }
0x141: {  	v2 =	vshll.u32 v2, $0x4  }
0x142: {  	v2 =	vadd.s32 v3, v2  }
0x143: {  	[tilespmem:$0x4EA0] =	vst v2  }
0x144: {  	v2 =	vld [tilespmem:s26+$0xFFFFFF10]  }
0x145: {  	v3 =	vld [tilespmem:s26+$0x2620];
	_ =	sdelay $0x3  }
0x146: {  	v2 =	vshll.u32 v2, $0x4  }
0x147: {  	v2 =	vadd.s32 v3, v2  }
0x148: {  	[tilespmem:$0x4EB0] =	vst v2  }
0x149: {  	[spmem:s2] =	stream.indirect.scatter.add.f32 [tilespmem:s14], [sflag:$0x2], $0x1, s15, s12, $0xb8;
	[tilespmem:$0x9E20] =	vst v63  }
0x14a: {  	_ =	swait.ge [sflag:s21], $0x50  }
0x14b: {  	[sflag:s21] =	ssyncset.done $0x0  }
0x14c: {  	[sflag:s21] =	ssyncadd.s32 $0xFFFFFFB0  }
0x14d: {  	v2 =	vld [tilespmem:s26+$0xFFFFFF20]  }
0x14e: {  	v3 =	vld [tilespmem:s26+$0x2630];
	_ =	sdelay $0x3  }
0x14f: {  	v2 =	vshll.u32 v2, $0x4  }
0x150: {  	v2 =	vadd.s32 v3, v2  }
0x151: {  	[tilespmem:$0x4EC0] =	vst v2  }
0x152: {  	v2 =	vld [tilespmem:s26+$0xFFFFFF30]  }
0x153: {  	v3 =	vld [tilespmem:s26+$0x2640];
	_ =	sdelay $0x3  }
0x154: {  	v2 =	vshll.u32 v2, $0x4  }
0x155: {  	v2 =	vadd.s32 v3, v2  }
0x156: {  	[tilespmem:$0x4ED0] =	vst v2  }
0x157: {  	v2 =	vld [tilespmem:s26+$0xFFFFFF40]  }
0x158: {  	v3 =	vld [tilespmem:s26+$0x2650];
	_ =	sdelay $0x3  }
0x159: {  	v2 =	vshll.u32 v2, $0x4  }
0x15a: {  	v2 =	vadd.s32 v3, v2  }
0x15b: {  	[tilespmem:$0x4EE0] =	vst v2  }
0x15c: {  	v2 =	vld [tilespmem:s26+$0xFFFFFF50]  }
0x15d: {  	v3 =	vld [tilespmem:s26+$0x2660];
	_ =	sdelay $0x3  }
0x15e: {  	v2 =	vshll.u32 v2, $0x4  }
0x15f: {  	v2 =	vadd.s32 v3, v2  }
0x160: {  	[tilespmem:$0x4EF0] =	vst v2  }
0x161: {  	v2 =	vld [tilespmem:s26+$0xFFFFFF60]  }
0x162: {  	v3 =	vld [tilespmem:s26+$0x2670];
	_ =	sdelay $0x3  }
0x163: {  	v2 =	vshll.u32 v2, $0x4  }
0x164: {  	v2 =	vadd.s32 v3, v2  }
0x165: {  	[tilespmem:$0x4F00] =	vst v2  }
0x166: {  	[spmem:s2] =	stream.indirect.scatter.add.f32 [tilespmem:s14], [sflag:$0x3], $0x1, s16, s12, $0xb8;
	[tilespmem:$0x9E20] =	vst v63  }
0x167: {  	_ =	swait.ge [sflag:s22], $0x50  }
0x168: {  	[sflag:s22] =	ssyncset.done $0x0  }
0x169: {  	[sflag:s22] =	ssyncadd.s32 $0xFFFFFFB0  }
0x16a: {  	v2 =	vld [tilespmem:s26+$0xFFFFFF70]  }
0x16b: {  	v3 =	vld [tilespmem:s26+$0x2680];
	_ =	sdelay $0x3  }
0x16c: {  	v2 =	vshll.u32 v2, $0x4  }
0x16d: {  	v2 =	vadd.s32 v3, v2  }
0x16e: {  	[tilespmem:$0x4F10] =	vst v2  }
0x16f: {  	v2 =	vld [tilespmem:s26+$0xFFFFFF80]  }
0x170: {  	v3 =	vld [tilespmem:s26+$0x2690];
	_ =	sdelay $0x3  }
0x171: {  	v2 =	vshll.u32 v2, $0x4  }
0x172: {  	v2 =	vadd.s32 v3, v2  }
0x173: {  	[tilespmem:$0x4F20] =	vst v2  }
0x174: {  	v2 =	vld [tilespmem:s26+$0xFFFFFF90]  }
0x175: {  	v3 =	vld [tilespmem:s26+$0x26A0];
	_ =	sdelay $0x3  }
0x176: {  	v2 =	vshll.u32 v2, $0x4  }
0x177: {  	v2 =	vadd.s32 v3, v2  }
0x178: {  	[tilespmem:$0x4F30] =	vst v2  }
0x179: {  	v2 =	vld [tilespmem:s26+$0xFFFFFFA0]  }
0x17a: {  	v3 =	vld [tilespmem:s26+$0x26B0];
	_ =	sdelay $0x3  }
0x17b: {  	v2 =	vshll.u32 v2, $0x4  }
0x17c: {  	v2 =	vadd.s32 v3, v2  }
0x17d: {  	[tilespmem:$0x4F40] =	vst v2  }
0x17e: {  	v2 =	vld [tilespmem:s26+$0xFFFFFFB0]  }
0x17f: {  	v3 =	vld [tilespmem:s26+$0x26C0];
	_ =	sdelay $0x3  }
0x180: {  	v2 =	vshll.u32 v2, $0x4  }
0x181: {  	v2 =	vadd.s32 v3, v2  }
0x182: {  	[tilespmem:$0x4F50] =	vst v2  }
0x183: {  	[spmem:s2] =	stream.indirect.scatter.add.f32 [tilespmem:s14], [sflag:$0x4], $0x1, s17, s12, $0xb8;
	[tilespmem:$0x9E20] =	vst v63  }
0x184: {  	_ =	swait.ge [sflag:s23], $0x50  }
0x185: {  	[sflag:s23] =	ssyncset.done $0x0  }
0x186: {  	[sflag:s23] =	ssyncadd.s32 $0xFFFFFFB0  }
0x187: {  	v2 =	vld [tilespmem:s26+$0xFFFFFFC0]  }
0x188: {  	v3 =	vld [tilespmem:s26+$0x26D0];
	_ =	sdelay $0x3  }
0x189: {  	v2 =	vshll.u32 v2, $0x4  }
0x18a: {  	v2 =	vadd.s32 v3, v2  }
0x18b: {  	[tilespmem:$0x4F60] =	vst v2  }
0x18c: {  	v2 =	vld [tilespmem:s26+$0xFFFFFFD0]  }
0x18d: {  	v3 =	vld [tilespmem:s26+$0x26E0];
	_ =	sdelay $0x3  }
0x18e: {  	v2 =	vshll.u32 v2, $0x4  }
0x18f: {  	v2 =	vadd.s32 v3, v2  }
0x190: {  	[tilespmem:$0x4F70] =	vst v2  }
0x191: {  	v2 =	vld [tilespmem:s26+$0xFFFFFFE0]  }
0x192: {  	v3 =	vld [tilespmem:s26+$0x26F0];
	_ =	sdelay $0x3  }
0x193: {  	v2 =	vshll.u32 v2, $0x4  }
0x194: {  	v2 =	vadd.s32 v3, v2  }
0x195: {  	[tilespmem:$0x4F80] =	vst v2  }
0x196: {  	v2 =	vld [tilespmem:s26+$0xFFFFFFF0]  }
0x197: {  	v3 =	vld [tilespmem:s26+$0x2700];
	_ =	sdelay $0x3  }
0x198: {  	v2 =	vshll.u32 v2, $0x4  }
0x199: {  	v2 =	vadd.s32 v3, v2  }
0x19a: {  	[tilespmem:$0x4F90] =	vst v2  }
0x19b: {  	v2 =	vld [tilespmem:s26+$0x0]  }
0x19c: {  	v3 =	vld [tilespmem:s26+$0x2710];
	_ =	sdelay $0x1  }
.Ltmp1:
0x19d: {  	(pc) =	sbr.rel @p0 .LBB2_4-.Ltmp1, $4  }
0x19e: {  	_ = 	snop  }
0x19f: {  	v2 =	vshll.u32 v2, $0x4  }
0x1a0: {  	v2 =	vadd.s32 v3, v2  }
0x1a1: {  	[tilespmem:$0x4FA0] =	vst v2  }
0x1a2: {  	[spmem:s2] =	stream.indirect.scatter.add.f32 [tilespmem:s14], [sflag:$0x5], $0x1, s18, s12, $0xb8;
	[tilespmem:$0x9E20] =	vst v63  }
0x1a3: {  	_ =	swait.ge [sflag:s19], $0x50  }
0x1a4: {  	[sflag:s19] =	ssyncset.done $0x0  }
0x1a5: {  	[sflag:s19] =	ssyncadd.s32 $0xFFFFFFB0  }
0x1a6: {  	_ =	swait.ge [sflag:s20], $0x50  }
0x1a7: {  	[sflag:s20] =	ssyncset.done $0x0  }
0x1a8: {  	[sflag:s20] =	ssyncadd.s32 $0xFFFFFFB0  }
0x1a9: {  	_ =	swait.ge [sflag:s21], $0x50  }
0x1aa: {  	[sflag:s21] =	ssyncset.done $0x0  }
0x1ab: {  	[sflag:s21] =	ssyncadd.s32 $0xFFFFFFB0  }
0x1ac: {  	_ =	swait.ge [sflag:s22], $0x50  }
0x1ad: {  	[sflag:s22] =	ssyncset.done $0x0  }
0x1ae: {  	[sflag:s22] =	ssyncadd.s32 $0xFFFFFFB0  }
0x1af: {  	_ =	swait.ge [sflag:s23], $0x50  }
0x1b0: {  	s25 =	sshll.u32 s1, $0x6;
	s24 =	sadd.s32 $0x1, s24;
	[sflag:s23] =	ssyncset.done $0x0  }
0x1b1: {  	s26 =	sshrl.u32 s4, $0x3;
	p0 =	sne.s32 s24, s7;
	[sflag:s23] =	ssyncadd.s32 $0xFFFFFFB0  }
.Ltmp2:
0x1b2: {  	s25 =	sor.u32 $0x1C06, s25;
	[bflag:$0x0] =	sbarrier.arrive $0xFFFF;
	(pc) =	sbr.rel @p0 .LBB2_1-.Ltmp2, $4  }
0x1b3: {  	[hbm:s8], [sflag:s25] =	dma.local [spmem:s26], $0x4E2  }
0x1b4: {  	_ =	swait.ge [sflag:s10], $0x4E2  }
0x1b5: {  	[sflag:s10] =	ssyncset.done $0x0  }
0x1b6: {  	[sflag:s10] =	ssyncadd.s32 $0xFFFFFB1E  }
0x1b7: {  	_ =	sfence.sel $0x180000  }
0x1b8: {  	[bflag:$0x0] =	sbarrier.arrive $0xFFFF  }
0x1b9: {  	p0 =	sne.s32 s1, $0x0;
	_ =	strace $0x90000047  }
0x1ba: {  	s0 =	sadd.s32 @!p0 $0x100000, s0;
	[bflag:$0x2] =	sbarrier.arrive $0xFFFF  }
0x1bb: {  	[sflag:s0] =	ssyncadd.tile.s32 @!p0 $0x1;
	_ =	shalt  }
.Lfunc_end2:
_tile_overlayer_lowered:
.L_overlay_start_2:
0x1bc: {  	(tag) =	ssettag $0x2  }
0x1bd: {  	s0 =	rddreg [dreg:$0x0];
	s2 =	stileid.u32  }
0x1be: {  	s1 =	rddreg [dreg:$0x1];
	p0 =	sne.s32 s2, $0x0  }
0x1bf: {  	s3 =	rddreg [dreg:$0x2];
	[bflag:$0x3] =	sbarrier.arrive $0xFFFF;
	s2 =	simm.s32 @!p0 $0x1C06  }
0x1c0: {  	[timem:s3], [sflag:s2] =	dma.local @!p0 [hbm:s0], s1  }
0x1c1: {  	s0 =	simm.s32 @!p0 $0x6  }
0x1c2: {  	_ =	swait.ge @!p0 [sflag:s0], s1  }
0x1c3: {  	s1 =	ssub.s32 @!p0 $0x0, s1;
	[sflag:s0] =	ssyncset.done @!p0 $0x0  }
0x1c4: {  	[sflag:s0] =	ssyncadd.s32 @!p0 s1  }
0x1c5: {  	[bflag:$0x3] =	sbarrier.arrive $0xFFFF  }
0x1c6: {  	_ =	shalt  }

// kernel: kernel.15.cloned.1.call-start
scs
__scs_entry_jumppad:
0x0: {  	(pc) =	sbr.rel $0x88, $3  }
0x1: {  	(tag) =	ssettag $0x0;
	lr =	simm.s32 $0x1  }
0x2: {  	[smem:$0x3F92] =	sst lr;
	_ =	strace $0xD0000000  }
0x3: {  	_ = 	snop  }
0x4: {  	_ = 	snop  }
0x5: {  	_ = 	snop  }
0x6: {  	_ = 	snop  }
0x7: {  	_ = 	snop  }
__scs_overlays_trampoline_lowered:
0x8: {  	[smem:$0x3FA1] =	sst s0  }
0x9: {  	[smem:$0x3FA2] =	sst s1  }
0xa: {  	[smem:$0x3FA3] =	sst s2  }
0xb: {  	[smem:$0x3FA4] =	sst s3  }
0xc: {  	[smem:$0x3FA5] =	sst s4  }
0xd: {  	[smem:$0x3FA6] =	sst s5  }
0xe: {  	[smem:$0x3FA7] =	sst s6  }
0xf: {  	[smem:$0x3FA8] =	sst s7  }
0x10: {  	[smem:$0x3FA9] =	sst s8  }
0x11: {  	[smem:$0x3FAA] =	sst s9;
	s0 =	simm.s32 @!p0 $0x0  }
0x12: {  	s1 =	sld [smem:$0x3F90];
	s0 =	simm.s32 @p0 $0x1  }
0x13: {  	[smem:$0x3FAB] =	sst s0;
	s0 =	simm.s32 @!p1 $0x0  }
0x14: {  	s2 =	sld [smem:$0x3F8F];
	s0 =	simm.s32 @p1 $0x1  }
0x15: {  	[smem:$0x3FAC] =	sst s0;
	s0 =	simm.s32 @!p2 $0x0  }
0x16: {  	s3 =	sld [smem:$0x3FDB];
	s0 =	simm.s32 @p2 $0x1  }
0x17: {  	s4 =	simm.s32 $0x1BF5;
	[smem:$0x3FAE] =	sst s0  }
0x18: {  	s0 =	sld [smem:$0x3F91];
	_ =	swait.ge [sflag:s4], $0x0  }
0x19: {  	s7 =	sld [smem:$0x3F92]  }
0x1a: {  	s8 =	sadd.s32 $0xFFFFE003, lr  }
0x1b: {  	s9 =	sadd.s32 $0xFFFFFEF7, lr;
	s5 =	simm.s32 $0xFFFFFFFF;
	p2 =	slt.u32 s8, $0xFFFFF086  }
0x1c: {  	p1 =	slt.u32 s9, $0xF7A;
	s5 =	simm.s32 @!p2 $0x0  }
0x1d: {  	s5 =	simm.s32 @p1 $0x1;
	p0 =	seq.s32 s7, s2  }
0x1e: {  	s7 =	smul.u32 @!p0 $0xF7A, s2;
	p2 =	seq.s32 @!p0 s5, $0x0  }
0x1f: {  	s9 =	smul.u32 $0xF7A, s1;
	s8 =	simm.s32 @!p0 $0x1BF5;
	p2 =	por !p2, p0  }
0x20: {  	[sflag:s8] =	ssyncset.s32 @!p0 $0xFFFFF086;
	s6 =	sadd.s32 @!p0 s3, s7;
	s7 =	simm.s32 @!p0 $0x108  }
0x21: {  	s3 =	sadd.s32 s3, s9;
	s6 =	sadd.s32 @!p0 $0x88, s6;
	s7 =	simm.s32 @p2 $0x1082  }
0x22: {  	[simem:s7], [sflag:s8] =	dma.local @!p0 [hbm:s6], $0xF7A  }
0x23: {  	s9 =	sor.u32 $0xD0000000, s2;
	s6 =	simm.s32 $0x108;
	_ =	swait.ge @!p0 [sflag:s8], $0x0  }
0x24: {  	s3 =	sadd.s32 $0x88, s3;
	s6 =	simm.s32 @!p1 $0x1082;
	[sflag:s4] =	ssyncset.s32 $0xFFFFF086  }
0x25: {  	[simem:s6], [sflag:s4] =	dma.local [hbm:s3], $0xF7A  }
0x26: {  	[smem:$0x3F92] =	sst s1;
	(tag) =	ssettag s2;
	_ =	strace s9  }
0x27: {  	s1 =	sld [smem:$0x3FA2]  }
0x28: {  	s2 =	sld [smem:$0x3FA3]  }
0x29: {  	s4 =	sld [smem:$0x3FA5]  }
0x2a: {  	p0 =	seq.s32 s5, $0x0;
	s5 =	sld [smem:$0x3FA6]  }
0x2b: {  	s6 =	sld [smem:$0x3FA7]  }
0x2c: {  	s7 =	sld [smem:$0x3FA8]  }
0x2d: {  	s3 =	simm.s32 $0x108;
	s8 =	sld [smem:$0x3FA9]  }
0x2e: {  	s3 =	simm.s32 @!p0 $0x1082;
	s9 =	sld [smem:$0x3FAA]  }
0x2f: {  	lr =	sadd.s32 s0, s3;
	s0 =	sld [smem:$0x3FA1]  }
0x30: {  	s3 =	sld [smem:$0x3FA4]  }
0x31: {  	[smem:$0x3FAD] =	sst s10  }
0x32: {  	s10 =	sld [smem:$0x3FAB];
	_ =	sdelay $0x3  }
0x33: {  	p0 =	seq.s32 s10, $0x1;
	s10 =	sld [smem:$0x3FAD];
	_ =	sdelay $0x3  }
0x34: {  	[smem:$0x3FAD] =	sst s10  }
0x35: {  	s10 =	sld [smem:$0x3FAC];
	_ =	sdelay $0x3  }
0x36: {  	p1 =	seq.s32 s10, $0x1;
	s10 =	sld [smem:$0x3FAD];
	_ =	sdelay $0x3  }
0x37: {  	[smem:$0x3FAD] =	sst s10  }
0x38: {  	s10 =	sld [smem:$0x3FAE]  }
0x39: {  	_ = 	snop;
	(pc) =	sbr.ind lr, $3  }
0x3a: {  	_ = 	snop  }
0x3b: {  	_ = 	snop  }
0x3c: {  	p2 =	seq.s32 s10, $0x1;
	s10 =	sld [smem:$0x3FAD]  }
0x3d: {  	_ =	shalt  }
0x3e: {  	_ =	shalt  }
0x3f: {  	_ =	shalt  }
0x40: {  	_ =	shalt  }
0x41: {  	_ =	shalt  }
0x42: {  	_ =	shalt  }
0x43: {  	_ =	shalt  }
0x44: {  	_ =	shalt  }
0x45: {  	_ =	shalt  }
0x46: {  	_ =	shalt  }
0x47: {  	_ =	shalt  }
0x48: {  	_ =	shalt  }
0x49: {  	_ =	shalt  }
0x4a: {  	_ =	shalt  }
0x4b: {  	_ =	shalt  }
0x4c: {  	_ =	shalt  }
0x4d: {  	_ =	shalt  }
0x4e: {  	_ =	shalt  }
0x4f: {  	_ =	shalt  }
0x50: {  	_ =	shalt  }
0x51: {  	_ =	shalt  }
0x52: {  	_ =	shalt  }
0x53: {  	_ =	shalt  }
0x54: {  	_ =	shalt  }
0x55: {  	_ =	shalt  }
0x56: {  	_ =	shalt  }
0x57: {  	_ =	shalt  }
0x58: {  	_ =	shalt  }
0x59: {  	_ =	shalt  }
0x5a: {  	_ =	shalt  }
0x5b: {  	_ =	shalt  }
0x5c: {  	_ =	shalt  }
0x5d: {  	_ =	shalt  }
0x5e: {  	_ =	shalt  }
0x5f: {  	_ =	shalt  }
0x60: {  	_ =	shalt  }
0x61: {  	_ =	shalt  }
0x62: {  	_ =	shalt  }
0x63: {  	_ =	shalt  }
0x64: {  	_ =	shalt  }
0x65: {  	_ =	shalt  }
0x66: {  	_ =	shalt  }
0x67: {  	_ =	shalt  }
0x68: {  	_ =	shalt  }
0x69: {  	_ =	shalt  }
0x6a: {  	_ =	shalt  }
0x6b: {  	_ =	shalt  }
0x6c: {  	_ =	shalt  }
0x6d: {  	_ =	shalt  }
0x6e: {  	_ =	shalt  }
0x6f: {  	_ =	shalt  }
0x70: {  	_ =	shalt  }
0x71: {  	_ =	shalt  }
0x72: {  	_ =	shalt  }
0x73: {  	_ =	shalt  }
0x74: {  	_ =	shalt  }
0x75: {  	_ =	shalt  }
0x76: {  	_ =	shalt  }
0x77: {  	_ =	shalt  }
0x78: {  	_ =	shalt  }
0x79: {  	_ =	shalt  }
0x7a: {  	_ =	shalt  }
0x7b: {  	_ =	shalt  }
0x7c: {  	_ =	shalt  }
0x7d: {  	_ =	shalt  }
0x7e: {  	_ =	shalt  }
0x7f: {  	_ =	shalt  }
0x80: {  	_ =	shalt  }
0x81: {  	_ =	shalt  }
0x82: {  	_ =	shalt  }
0x83: {  	_ =	shalt  }
0x84: {  	_ =	shalt  }
0x85: {  	_ =	shalt  }
0x86: {  	_ =	shalt  }
0x87: {  	_ =	shalt  }
.Lfunc_end0:
.L_simem_size_0:
called_computation.1_lowered:
.L_overlay_start_0:
0x88: {  	s2 =	sld [smem:$0x3FD9]  }
0x89: {  	s3 =	sld [smem:$0x3FFE];
	_ =	sdelay $0x1  }
0x8a: {  	s1 =	srdreg.scid  }
0x8b: {  	s0 =	sand.u32 $0x1, s1  }
0x8c: {  	s17 =	sshll.u32 s0, $0xA;
	s2 =	sadd.s32 s3, s2  }
0x8d: {  	s2 =	sadd.s32 s2, s17  }
0x8e: {  	[smem:$0x3FB9] =	sst s2  }
0x8f: {  	_ = 	snop  }
0x90: {  	s2 =	sld [smem:$0x3FC6];
	(tm) =	ssettm $0x1  }
0x91: {  	s18 =	sld [smem:$0x3FFB];
	_ =	sdelay $0x3  }
0x92: {  	_ =	strace s18  }
0x93: {  	s3 =	sld [smem:$0x3FFC];
	_ =	sdelay $0x3  }
0x94: {  	_ =	strace s3  }
0x95: {  	s3 =	sld [smem:$0x3FFD];
	_ =	sdelay $0x3  }
0x96: {  	_ =	strace s3  }
0x97: {  	_ =	strace $0x8FFFFFFF  }
0x98: {  	s19 =	sld [smem:$0x3FDB];
	_ =	sdelay $0x1  }
0x99: {  	s4 =	simm.s32 $_scs_section_size  }
0x9a: {  	s5 =	simm.s32 $_size__tile_overlayer_lowered;
	s6 =	simm.s32 $_tile_overlayer_lowered  }
0x9b: {  	s22 =	simm.s32 $0x1BFF;
	s21 =	sshll.u32 s6, $0x1;
	s3 =	sadd.s32 s4, s19  }
0x9c: {  	s7 =	simm.s32 $0x0;
	s20 =	sshll.u32 s5, $0x1;
	s5 =	sadd.s32 s21, s3  }
0x9d: {  	[timem:s7], [sflag:s22] =	dma.local [hbm:s5], s20  }
0x9e: {  	_ =	swait.ge [sflag:s22], s20  }
0x9f: {  	s4 =	ssub.s32 $0x0, s20;
	[sflag:s22] =	ssyncset.done $0x0  }
0xa0: {  	[sflag:s22] =	ssyncadd.s32 s4;
	_ =	sdelay $0x1  }
0xa1: {  	s23 =	simm.s32 $0x1B8B  }
0xa2: {  	_ =	swait.ge [sflag:s23], $0x1  }
0xa3: {  	[sflag:s23] =	ssyncset.done $0x0  }
0xa4: {  	s25 =	simm.s32 $0x1B8E;
	s24 =	sld [smem:$0x3FFE];
	[sflag:s23] =	ssyncadd.s32 $0xFFFFFFFF  }
0xa5: {  	s26 =	simm.s32 $execute0_lowered;
	[smem:$0x3FD2] =	sst s25  }
0xa6: {  	s5 =	sshll.u32 s26, $0x1;
	_ =	strace $0x80000049;
	[dreg:$0x1] =	wrdreg $0xFFFFFFFF  }
0xa7: {  	s28 =	simm.s32 $_size_execute0_lowered;
	s3 =	sadd.s32 s3, s5;
	[dreg:$0x0] =	wrdreg $0x0  }
0xa8: {  	s5 =	sshll.u32 s28, $0x1;
	[dreg:$0x2] =	wrdreg s3  }
0xa9: {  	[dreg:$0x3] =	wrdreg s5  }
0xaa: {  	[dreg:$0x4] =	wrdreg $0xC0  }
0xab: {  	_ =	task [dreg:s7], $0x5FFFF  }
0xac: {  	[dreg:$0x1] =	wrdreg $0xFFFFFFFF  }
0xad: {  	[dreg:$0x0] =	wrdreg $0x60  }
0xae: {  	[dreg:$0x2] =	wrdreg s24  }
0xaf: {  	[dreg:$0x3] =	wrdreg s2  }
0xb0: {  	[dreg:$0x4] =	wrdreg $0x54600  }
0xb1: {  	[dreg:$0x5] =	wrdreg $0x9  }
0xb2: {  	_ =	task.clear_ibuf [dreg:s7], $0x6FFFF;
	_ =	strace $0x90000049  }
0xb3: {  	s29 =	simm.s32 $0x9;
	_ =	strace $0x8000004B  }
0xb4: {  	_ =	swait.ge [sflag:s29], $0x1  }
0xb5: {  	[sflag:s29] =	ssyncadd.s32 $0xFFFFFFFF  }
0xb6: {  	_ =	strace $0x9000004B  }
0xb7: {  	_ =	sfence  }
0xb8: {  	s30 =	sld [smem:$0x0];
	_ =	sdelay $0x2  }
0xb9: {  	s31 =	sshll.u32 s1, $0xD;
	s1 =	sshrl.u32 s1, $0x2  }
0xba: {  	s3 =	sand.u32 $0x4000, s31;
	s1 =	sadd.s32 s1, s30  }
0xbb: {  	s0 =	sor.u32 s3, s0;
	s1 =	sshll.u32 s1, $0x11  }
0xbc: {  	s0 =	sor.u32 s1, s0  }
0xbd: {  	s0 =	sadd.s32 $0x8F2B, s0  }
0xbe: {  	[sflag:s0] =	ssyncadd.remote.s32 $0x1  }
0xbf: {  	_ =	sfence.sel $0xFFFF  }
0xc0: {  	[dreg:$0x0] =	wrdreg $0xFFFFFFFF;
	(pc) =	sbr.abs _section_cstart, $3  }
0xc1: {  	[dreg:$0x1] =	wrdreg $0xFFFFFFFF  }
0xc2: {  	_ =	task.clear_ibuf [dreg:s7], $0x2FFFF;
	_ =	strace $0x9FFFFFFF  }
0xc3: {  	(tm) =	ssettm $0x7FFFFFFF  }
tec
execute0_lowered:
.L_overlay_start_1:
0x0: {  	(tag) =	ssettag $0x1  }
0x1: {  	s0 =	rddreg [dreg:$0x0]  }
0x2: {  	s1 =	rddreg [dreg:$0x1]  }
0x3: {  	s2 =	rddreg [dreg:$0x2]  }
0x4: {  	s4 =	srdreg.scid;
	s14 =	stileid.u32;
	s3 =	simm.s32 $0x0  }
0x5: {  	s28 =	simm.s32 $0x9;
	s30 =	simm.s32 $0x50;
	s7 =	smul.u32 $0x13880, s14  }
0x6: {  	s6 =	sand.u32 $0x1, s4;
	[smem:$0x7FF] =	sst s3;
	s10 =	smul.u32 $0x4E200, s14  }
0x7: {  	s4 =	sadd.s32 $0x22000, s0;
	s8 =	sadd.s32 $0xE200, s0;
	s13 =	smul.u32 $0x4E20, s14  }
0x8: {  	s11 =	sadd.s32 $0x4400, s0;
	s22 =	smul.u32 $0x9C4, s14;
	s14 =	simm.s32 $0x410  }
0x9: {  	s5 =	smul.u32 $0x138800, s6;
	_ =	strace $0x8000004A;
	s29 =	ssub.s32 $0x2, s6  }
0xa: {  	s10 =	sshrl.u32 s10, $0x2;
	s12 =	sshrl.u32 s29, $0x1;
	s16 =	sshrl.u32 s13, $0x3  }
0xb: {  	s13 =	simm.s32 $0x2D0;
	s9 =	sadd.s32 s7, s5;
	s5 =	sadd.s32 $0x18000, s0  }
0xc: {  	s10 =	sadd.s32 s10, s2;
	s7 =	sadd.s32 s7, s2;
	s19 =	sadd.s32 s8, s16  }
0xd: {  	s20 =	sadd.s32 s11, s16;
	s21 =	sadd.s32 $0xA, s16;
	[dreg:$0x4] =	wrdreg s7  }
0xe: {  	s9 =	sshrl.u32 s9, $0x3;
	s31 =	sadd.s32 $0x2800, s10;
	[dreg:$0xa] =	wrdreg s19  }
0xf: {  	s15 =	sadd.s32 $0x7800, s10;
	s17 =	sadd.s32 $0xA000, s10;
	[dreg:$0xb] =	wrdreg s20  }
0x10: {  	s18 =	sadd.s32 $0xC800, s10;
	s7 =	sadd.s32 s1, s16;
	[dreg:$0x5] =	wrdreg s31  }
0x11: {  	s23 =	sadd.s32 s8, s21;
	s24 =	sadd.s32 s11, s21;
	[dreg:$0x7] =	wrdreg s15  }
0x12: {  	s25 =	sadd.s32 s1, s21;
	s19 =	sadd.s32 s22, s11;
	[dreg:$0x8] =	wrdreg s17  }
0x13: {  	s20 =	sadd.s32 s22, s8;
	s26 =	sadd.s32 $0xF000, s10;
	[dreg:$0x9] =	wrdreg s18  }
0x14: {  	s8 =	simm.s32 $0x280;
	s11 =	simm.s32 $0x230;
	[dreg:$0xc] =	wrdreg s7  }
0x15: {  	s16 =	simm.s32 $0x5;
	s21 =	simm.s32 $0x4;
	[dreg:$0xd] =	wrdreg s23  }
0x16: {  	s0 =	sadd.s32 s9, s0;
	s9 =	ssub.s32 s29, s12;
	[dreg:$0xe] =	wrdreg s24  }
0x17: {  	s12 =	sadd.s32 $0x5000, s10;
	[dreg:$0xf] =	wrdreg s25;
	s18 =	sadd.s32 s22, s1  }
0x18: {  	[dreg:$0x10] =	wrdreg s26;
	s29 =	sadd.s32 $0x11800, s10;
	s25 =	simm.s32 $0x460  }
0x19: {  	s1 =	simm.s32 $0x1;
	s7 =	simm.s32 $0x1E0;
	s10 =	simm.s32 $0x2  }
.Ltmp0:
0x1a: {  	s15 =	simm.s32 $0x3;
	s17 =	simm.s32 $0x320;
	(pc) =	sbr.rel .LBB2_1-.Ltmp0, $4  }
0x1b: {  	s22 =	simm.s32 $0x6;
	s23 =	simm.s32 $0x370;
	[dreg:$0x6] =	wrdreg s12  }
0x1c: {  	s24 =	simm.s32 $0x7;
	[dreg:$0x11] =	wrdreg s29;
	s0 =	sadd.s32 $0x504000, s0  }
0x1d: {  	s31 =	smax.u32 s9, $0x1;
	s9 =	simm.s32 $0x3C0;
	[dreg:$0x12] =	wrdreg s0  }
0x1e: {  	v1 =	vimm.f32 $0.0e+00;
	v0 =	vmov s6;
	s12 =	simm.s32 $0x2C60;
	[dreg:$0x13] =	wrdreg s31;
	s0 =	simm.s32 $0x0  }
.LBB2_6:
0x1f: {  	_ =	swait.ge [sflag:s21], $0x2800  }
0x20: {  	[sflag:s21] =	ssyncset.done $0x0  }
0x21: {  	[sflag:s21] =	ssyncadd.s32 $0xFFFFD800  }
0x22: {  	_ =	swait.ge [sflag:s22], $0x50  }
0x23: {  	[sflag:s22] =	ssyncset.done $0x0  }
0x24: {  	[sflag:s22] =	ssyncadd.s32 $0xFFFFFFB0  }
0x25: {  	[spmem:s2] =	stream.indirect.scatter.add.f32 [tilespmem:s12], [sflag:$0x8], $0x80, s23, s30, $0xb8;
	[tilespmem:$0x18CE0] =	vst v63  }
0x26: {  	_ =	swait.ge [sflag:s24], $0x2800  }
0x27: {  	[sflag:s24] =	ssyncset.done $0x0  }
0x28: {  	s0 =	simm.s32 $0x8;
	[sflag:s24] =	ssyncadd.s32 $0xFFFFD800  }
0x29: {  	_ =	swait.ge [sflag:s0], $0x2800  }
0x2a: {  	[sflag:s0] =	ssyncset.done $0x0  }
0x2b: {  	[sflag:s0] =	ssyncadd.s32 $0xFFFFD800  }
0x2c: {  	s6 =	stileid.u32;
	[bflag:$0x0] =	sbarrier.arrive $0xFFFF  }
0x2d: {  	s6 =	sshll.u32 s6, $0x6;
	s26 =	rddreg [dreg:$0x4]  }
0x2e: {  	s6 =	sor.u32 $0x1C09, s6;
	s28 =	rddreg [dreg:$0x12];
	s26 =	sshrl.u32 s26, $0x3  }
0x2f: {  	[hbm:s28], [sflag:s6] =	dma.local [spmem:s26], $0x2710  }
0x30: {  	s28 =	simm.s32 $0x9  }
0x31: {  	_ =	swait.ge [sflag:s28], $0x2710  }
0x32: {  	s29 =	rddreg [dreg:$0x14]  }
0x33: {  	s31 =	rddreg [dreg:$0x13];
	s0 =	sadd.s32 $0x1, s29  }
0x34: {  	p0 =	sne.s32 s0, s31  }
.Ltmp1:
0x35: {  	_ = 	snop;
	(pc) =	sbr.rel @!p0 .LBB2_7-.Ltmp1, $3  }
0x36: {  	_ =	sdelay $0x1  }
0x37: {  	[sflag:s28] =	ssyncset.done $0x0  }
0x38: {  	[sflag:s28] =	ssyncadd.s32 $0xFFFFD8F0  }
.LBB2_1:
0x39: {  	[dreg:$0x14] =	wrdreg s0;
	s6 =	simm.s32 $0x0;
	s26 =	simm.s32 $0x200  }
.LBB2_2:
0x3a: {  	p0 =	sne.s32 s26, $0x9E00;
	[tilespmem:s6+$0x4D0] =	vst v1  }
0x3b: {  	[tilespmem:s6+$0x460] =	vst v1  }
0x3c: {  	[tilespmem:s6+$0x470] =	vst v1  }
.Ltmp2:
0x3d: {  	[tilespmem:s6+$0x480] =	vst v1;
	(pc) =	sbr.rel @p0 .LBB2_2-.Ltmp2, $4  }
0x3e: {  	[tilespmem:s6+$0x490] =	vst v1  }
0x3f: {  	[tilespmem:s6+$0x4A0] =	vst v1  }
0x40: {  	[tilespmem:s6+$0x4B0] =	vst v1  }
0x41: {  	[tilespmem:s6+$0x4C0] =	vst v1;
	s6 =	sshra.s32 s26, $0x2;
	s26 =	sadd.s32 $0x200, s26  }
0x42: {  	[tilespmem:s6+$0x4D0] =	vst v1  }
0x43: {  	[tilespmem:s6+$0x460] =	vst v1  }
0x44: {  	[tilespmem:s6+$0x470] =	vst v1  }
0x45: {  	[tilespmem:s6+$0x480] =	vst v1  }
0x46: {  	[tilespmem:s6+$0x490] =	vst v1  }
0x47: {  	[tilespmem:s6+$0x4A0] =	vst v1  }
0x48: {  	[tilespmem:s6+$0x4B0] =	vst v1  }
0x49: {  	[tilespmem:s6+$0x4C0] =	vst v1;
	s31 =	rddreg [dreg:$0x4]  }
0x4a: {  	[spmem:s31] =	stream.linear.scatter [tilespmem:s25], [sflag:$0x9], $0x2800, $0x38;
	[tilespmem:$0x18CE0] =	vst v63  }
0x4b: {  	_ =	swait.ge [sflag:s28], $0x2800  }
0x4c: {  	[sflag:s28] =	ssyncset.done $0x0  }
0x4d: {  	s0 =	rddreg [dreg:$0x5];
	[sflag:s28] =	ssyncadd.s32 $0xFFFFD800  }
0x4e: {  	[spmem:s0] =	stream.linear.scatter [tilespmem:s25], [sflag:$0x9], $0x2800, $0x38;
	[tilespmem:$0x18CE0] =	vst v63  }
0x4f: {  	_ =	swait.ge [sflag:s28], $0x2800  }
0x50: {  	[sflag:s28] =	ssyncset.done $0x0  }
0x51: {  	s26 =	rddreg [dreg:$0x6];
	[sflag:s28] =	ssyncadd.s32 $0xFFFFD800  }
0x52: {  	[spmem:s26] =	stream.linear.scatter [tilespmem:s25], [sflag:$0x9], $0x2800, $0x38;
	[tilespmem:$0x18CE0] =	vst v63  }
0x53: {  	_ =	swait.ge [sflag:s28], $0x2800  }
0x54: {  	[sflag:s28] =	ssyncset.done $0x0  }
0x55: {  	s29 =	rddreg [dreg:$0x7];
	[sflag:s28] =	ssyncadd.s32 $0xFFFFD800  }
0x56: {  	[spmem:s29] =	stream.linear.scatter [tilespmem:s25], [sflag:$0x9], $0x2800, $0x38;
	[tilespmem:$0x18CE0] =	vst v63  }
0x57: {  	_ =	swait.ge [sflag:s28], $0x2800  }
0x58: {  	[sflag:s28] =	ssyncset.done $0x0  }
0x59: {  	s31 =	rddreg [dreg:$0x8];
	[sflag:s28] =	ssyncadd.s32 $0xFFFFD800  }
0x5a: {  	[spmem:s31] =	stream.linear.scatter [tilespmem:s25], [sflag:$0x9], $0x2800, $0x38;
	[tilespmem:$0x18CE0] =	vst v63  }
0x5b: {  	_ =	swait.ge [sflag:s28], $0x2800  }
0x5c: {  	[sflag:s28] =	ssyncset.done $0x0  }
0x5d: {  	s0 =	rddreg [dreg:$0x9];
	[sflag:s28] =	ssyncadd.s32 $0xFFFFD800  }
0x5e: {  	[spmem:s0] =	stream.linear.scatter [tilespmem:s25], [sflag:$0x9], $0x2800, $0x38;
	[tilespmem:$0x18CE0] =	vst v63  }
0x5f: {  	_ =	swait.ge [sflag:s28], $0x2800  }
0x60: {  	[sflag:s28] =	ssyncset.done $0x0  }
0x61: {  	s26 =	rddreg [dreg:$0x10];
	[sflag:s28] =	ssyncadd.s32 $0xFFFFD800  }
0x62: {  	[spmem:s26] =	stream.linear.scatter [tilespmem:s25], [sflag:$0x9], $0x2800, $0x38;
	[tilespmem:$0x18CE0] =	vst v63  }
0x63: {  	_ =	swait.ge [sflag:s28], $0x2800  }
0x64: {  	[sflag:s28] =	ssyncset.done $0x0  }
0x65: {  	s29 =	rddreg [dreg:$0x11];
	[sflag:s28] =	ssyncadd.s32 $0xFFFFD800  }
0x66: {  	[spmem:s29] =	stream.linear.scatter [tilespmem:s25], [sflag:$0x9], $0x2080, $0x38;
	[tilespmem:$0x18CE0] =	vst v63  }
0x67: {  	_ =	swait.ge [sflag:s28], $0x2080  }
0x68: {  	[sflag:s28] =	ssyncset.done $0x0  }
0x69: {  	[sflag:s28] =	ssyncadd.s32 $0xFFFFDF80  }
0x6a: {  	[bflag:$0x0] =	sbarrier.arrive $0xFFFF  }
0x6b: {  	s6 =	simm.s32 $0x0;
	s26 =	rddreg [dreg:$0xa]  }
0x6c: {  	[tilespmem:s6], [sflag:$0x1] =	stream.linear.gather [hbm4b:s26+s6], $0x50, $0x38;
	[tilespmem:$0x18CE0] =	vst v63  }
0x6d: {  	s0 =	simm.s32 $0xA0;
	s31 =	rddreg [dreg:$0xb]  }
0x6e: {  	[tilespmem:s0], [sflag:$0x1] =	stream.linear.gather [hbm4b:s31+s6], $0x50, $0x38;
	[tilespmem:$0x18CE0] =	vst v63  }
0x6f: {  	s29 =	rddreg [dreg:$0xc];
	s0 =	simm.s32 $0x140  }
0x70: {  	[tilespmem:s0], [sflag:$0x1] =	stream.linear.gather [hbm4b:s29+s6], $0x50, $0x38;
	[tilespmem:$0x18CE0] =	vst v63  }
0x71: {  	s31 =	rddreg [dreg:$0xd]  }
0x72: {  	[tilespmem:s30], [sflag:$0x2] =	stream.linear.gather [hbm4b:s31+s6], $0x50, $0x38;
	[tilespmem:$0x18CE0] =	vst v63  }
0x73: {  	s28 =	simm.s32 $0xF0;
	s0 =	rddreg [dreg:$0xe]  }
0x74: {  	[tilespmem:s28], [sflag:$0x2] =	stream.linear.gather [hbm4b:s0+s6], $0x50, $0x38;
	[tilespmem:$0x18CE0] =	vst v63  }
0x75: {  	s29 =	rddreg [dreg:$0xf];
	s31 =	simm.s32 $0x190  }
0x76: {  	[tilespmem:s31], [sflag:$0x2] =	stream.linear.gather [hbm4b:s29+s6], $0x50, $0x38;
	[tilespmem:$0x18CE0] =	vst v63  }
0x77: {  	_ =	swait.ge [sflag:s1], $0x50  }
0x78: {  	[sflag:s1] =	ssyncset.done $0x0  }
0x79: {  	[sflag:s1] =	ssyncadd.s32 $0xFFFFFFB0  }
0x7a: {  	_ =	swait.ge [sflag:s1], $0x50  }
0x7b: {  	[sflag:s1] =	ssyncset.done $0x0  }
0x7c: {  	[sflag:s1] =	ssyncadd.s32 $0xFFFFFFB0  }
0x7d: {  	_ =	swait.ge [sflag:s1], $0x50  }
0x7e: {  	[sflag:s1] =	ssyncset.done $0x0  }
0x7f: {  	[sflag:s1] =	ssyncadd.s32 $0xFFFFFFB0  }
0x80: {  	v2 =	vld [tilespmem:$0x140]  }
0x81: {  	v3 =	vld [tilespmem:$0x0]  }
0x82: {  	v5 =	vld [tilespmem:$0xA0]  }
0x83: {  	v4 =	vld [tilespmem:$0x150]  }
0x84: {  	v7 =	vld [tilespmem:$0x10]  }
0x85: {  	v8 =	vld [tilespmem:$0x160];
	v6 =	vshll.u32 v2, $0x1  }
0x86: {  	v9 =	vld [tilespmem:$0xB0];
	v6 =	vor.u32 v0, v6  }
0x87: {  	v55 =	vld [tilespmem:$0xC0];
	v54 =	vshll.u32 v5, $0x4;
	v6 =	vmul.u32 $0x2710, v6  }
0x88: {  	v11 =	vld [tilespmem:$0x20];
	v10 =	vshll.u32 v4, $0x1;
	[tilespmem:$0x320] =	vst v5;
	v2 =	vadd.s32 v2, v54  }
0x89: {  	v12 =	vld [tilespmem:$0x170];
	v10 =	vor.u32 v0, v10;
	[tilespmem:$0x280] =	vst v2;
	v3 =	vadd.s32 v3, v6  }
0x8a: {  	v56 =	vld [tilespmem:$0x30];
	v2 =	vshll.u32 v8, $0x1;
	[tilespmem:$0x1E0] =	vst v3;
	v3 =	vmul.u32 $0x2710, v10  }
0x8b: {  	v58 =	vld [tilespmem:$0x180];
	[tilespmem:$0x330] =	vst v9;
	v2 =	vor.u32 v0, v2  }
0x8c: {  	v59 =	vld [tilespmem:$0xD0];
	v57 =	vshll.u32 v9, $0x4;
	[tilespmem:$0x340] =	vst v55;
	v2 =	vmul.u32 $0x2710, v2;
	v3 =	vadd.s32 v7, v3  }
0x8d: {  	v62 =	vld [tilespmem:$0xE0];
	[tilespmem:$0x1F0] =	vst v3;
	v3 =	vadd.s32 v4, v57  }
0x8e: {  	v60 =	vshll.u32 v55, $0x4;
	v2 =	vadd.s32 v11, v2;
	[tilespmem:$0x290] =	vst v3;
	v3 =	vshll.u32 v12, $0x1  }
0x8f: {  	v61 =	vld [tilespmem:$0x40];
	[tilespmem:$0x200] =	vst v2;
	v2 =	vadd.s32 v8, v60;
	v3 =	vor.u32 v0, v3  }
0x90: {  	[tilespmem:$0x2A0] =	vst v2;
	v2 =	vshll.u32 v58, $0x1;
	v3 =	vmul.u32 $0x2710, v3  }
0x91: {  	[tilespmem:$0x350] =	vst v59;
	v2 =	vor.u32 v0, v2  }
0x92: {  	v63 =	vshll.u32 v59, $0x4;
	[tilespmem:$0x360] =	vst v62;
	v2 =	vmul.u32 $0x2710, v2;
	v3 =	vadd.s32 v56, v3  }
0x93: {  	[tilespmem:$0x210] =	vst v3;
	v3 =	vadd.s32 v12, v63  }
0x94: {  	v2 =	vadd.s32 v61, v2;
	[tilespmem:$0x2B0] =	vst v3;
	v3 =	vshll.u32 v62, $0x4  }
0x95: {  	[tilespmem:$0x220] =	vst v2;
	v2 =	vadd.s32 v58, v3  }
0x96: {  	[tilespmem:$0x2C0] =	vst v2  }
0x97: {  	[tilespmem:s25], [sflag:$0x3] =	stream.indirect.gather [hbm4b:s4+s30], $0x80, s7, s30, $0xb8;
	[tilespmem:$0x18CE0] =	vst v63  }
0x98: {  	_ = 	snop  }
0x99: {  	[tilespmem:s9], [sflag:$0x5] =	stream.indirect.gather [hbm4b:s5+s30], $0x1, s8, s30, $0xb8;
	[tilespmem:$0x18CE0] =	vst v63  }
.LBB2_4:
0x9a: {  	_ =	swait.ge [sflag:s10], $0x50  }
0x9b: {  	[sflag:s10] =	ssyncset.done $0x0  }
0x9c: {  	[sflag:s10] =	ssyncadd.s32 $0xFFFFFFB0  }
0x9d: {  	_ =	swait.ge [sflag:s10], $0x50  }
0x9e: {  	[sflag:s10] =	ssyncset.done $0x0  }
0x9f: {  	[sflag:s10] =	ssyncadd.s32 $0xFFFFFFB0  }
0xa0: {  	_ =	swait.ge [sflag:s10], $0x50  }
0xa1: {  	p0 =	seq.s32 s6, $0x0;
	[sflag:s10] =	ssyncset.done $0x0  }
0xa2: {  	s26 =	simm.s32 @!p0 $0x8;
	[sflag:s10] =	ssyncadd.s32 $0xFFFFFFB0  }
0xa3: {  	_ =	swait.ge @!p0 [sflag:s26], $0x2800  }
0xa4: {  	[sflag:s26] =	ssyncset.done @!p0 $0x0  }
0xa5: {  	[sflag:s26] =	ssyncadd.s32 @!p0 $0xFFFFD800  }
0xa6: {  	v2 =	vld [tilespmem:$0x190]  }
0xa7: {  	v3 =	vld [tilespmem:$0x50]  }
0xa8: {  	v5 =	vld [tilespmem:$0xF0]  }
0xa9: {  	v4 =	vld [tilespmem:$0x1A0]  }
0xaa: {  	v7 =	vld [tilespmem:$0x60]  }
0xab: {  	v8 =	vld [tilespmem:$0x1B0];
	v6 =	vshll.u32 v2, $0x1  }
0xac: {  	v9 =	vld [tilespmem:$0x100];
	v6 =	vor.u32 v0, v6  }
0xad: {  	v55 =	vld [tilespmem:$0x110];
	v54 =	vshll.u32 v5, $0x4;
	v6 =	vmul.u32 $0x2710, v6  }
0xae: {  	v11 =	vld [tilespmem:$0x70];
	v10 =	vshll.u32 v4, $0x1;
	[tilespmem:$0x370] =	vst v5;
	v2 =	vadd.s32 v2, v54  }
0xaf: {  	v12 =	vld [tilespmem:$0x1C0];
	v10 =	vor.u32 v0, v10;
	[tilespmem:$0x2D0] =	vst v2;
	v3 =	vadd.s32 v3, v6  }
0xb0: {  	v56 =	vld [tilespmem:$0x80];
	v2 =	vshll.u32 v8, $0x1;
	[tilespmem:$0x230] =	vst v3;
	v3 =	vmul.u32 $0x2710, v10  }
0xb1: {  	v58 =	vld [tilespmem:$0x1D0];
	[tilespmem:$0x380] =	vst v9;
	v2 =	vor.u32 v0, v2  }
0xb2: {  	v59 =	vld [tilespmem:$0x120];
	v57 =	vshll.u32 v9, $0x4;
	[tilespmem:$0x390] =	vst v55;
	v2 =	vmul.u32 $0x2710, v2;
	v3 =	vadd.s32 v7, v3  }
0xb3: {  	v62 =	vld [tilespmem:$0x130];
	[tilespmem:$0x240] =	vst v3;
	v3 =	vadd.s32 v4, v57  }
0xb4: {  	v60 =	vshll.u32 v55, $0x4;
	v2 =	vadd.s32 v11, v2;
	[tilespmem:$0x2E0] =	vst v3;
	v3 =	vshll.u32 v12, $0x1  }
0xb5: {  	v61 =	vld [tilespmem:$0x90];
	[tilespmem:$0x250] =	vst v2;
	v2 =	vadd.s32 v8, v60;
	v3 =	vor.u32 v0, v3  }
0xb6: {  	[tilespmem:$0x2F0] =	vst v2;
	v2 =	vshll.u32 v58, $0x1;
	v3 =	vmul.u32 $0x2710, v3  }
0xb7: {  	[tilespmem:$0x3A0] =	vst v59;
	v2 =	vor.u32 v0, v2  }
0xb8: {  	v63 =	vshll.u32 v59, $0x4;
	[tilespmem:$0x3B0] =	vst v62;
	v2 =	vmul.u32 $0x2710, v2;
	v3 =	vadd.s32 v56, v3  }
0xb9: {  	[tilespmem:$0x260] =	vst v3;
	v3 =	vadd.s32 v12, v63  }
0xba: {  	v2 =	vadd.s32 v61, v2;
	[tilespmem:$0x300] =	vst v3;
	v3 =	vshll.u32 v62, $0x4  }
0xbb: {  	[tilespmem:$0x270] =	vst v2;
	v2 =	vadd.s32 v58, v3  }
0xbc: {  	[tilespmem:$0x310] =	vst v2  }
0xbd: {  	[tilespmem:s12], [sflag:$0x4] =	stream.indirect.gather [hbm4b:s4+s30], $0x80, s11, s30, $0xb8;
	[tilespmem:$0x18CE0] =	vst v63  }
0xbe: {  	_ = 	snop  }
0xbf: {  	[tilespmem:s14], [sflag:$0x6] =	stream.indirect.gather [hbm4b:s5+s30], $0x1, s13, s30, $0xb8;
	[tilespmem:$0x18CE0] =	vst v63  }
0xc0: {  	_ =	swait.ge [sflag:s15], $0x2800  }
0xc1: {  	p0 =	seq.s32 s6, $0x9B0;
	[sflag:s15] =	ssyncset.done $0x0  }
.Ltmp3:
0xc2: {  	[sflag:s15] =	ssyncadd.s32 $0xFFFFD800;
	(pc) =	sbr.rel @p0 .LBB2_6-.Ltmp3, $4  }
0xc3: {  	_ =	swait.ge [sflag:s16], $0x50  }
0xc4: {  	[sflag:s16] =	ssyncset.done $0x0  }
0xc5: {  	[sflag:s16] =	ssyncadd.s32 $0xFFFFFFB0  }
0xc6: {  	[spmem:s2] =	stream.indirect.scatter.add.f32 [tilespmem:s25], [sflag:$0x7], $0x80, s17, s30, $0xb8;
	[tilespmem:$0x18CE0] =	vst v63  }
0xc7: {  	s26 =	sadd.s32 s6, s20  }
0xc8: {  	s28 =	sadd.s32 $0x14, s26  }
0xc9: {  	[tilespmem:s3], [sflag:$0x1] =	stream.linear.gather [hbm4b:s28+s3], $0x50, $0x38;
	[tilespmem:$0x18CE0] =	vst v63  }
0xca: {  	s28 =	sadd.s32 s6, s19  }
0xcb: {  	s31 =	simm.s32 $0xA0;
	s29 =	sadd.s32 $0x14, s28  }
0xcc: {  	[tilespmem:s31], [sflag:$0x1] =	stream.linear.gather [hbm4b:s29+s3], $0x50, $0x38;
	[tilespmem:$0x18CE0] =	vst v63  }
0xcd: {  	s29 =	sadd.s32 s6, s18  }
0xce: {  	s0 =	simm.s32 $0x140;
	s31 =	sadd.s32 $0x14, s29  }
0xcf: {  	[tilespmem:s0], [sflag:$0x1] =	stream.linear.gather [hbm4b:s31+s3], $0x50, $0x38;
	[tilespmem:$0x18CE0] =	vst v63  }
0xd0: {  	_ =	swait.ge [sflag:s1], $0x50  }
0xd1: {  	[sflag:s1] =	ssyncset.done $0x0  }
0xd2: {  	[sflag:s1] =	ssyncadd.s32 $0xFFFFFFB0  }
0xd3: {  	_ =	swait.ge [sflag:s1], $0x50  }
0xd4: {  	[sflag:s1] =	ssyncset.done $0x0  }
0xd5: {  	[sflag:s1] =	ssyncadd.s32 $0xFFFFFFB0  }
0xd6: {  	_ =	swait.ge [sflag:s1], $0x50  }
0xd7: {  	[sflag:s1] =	ssyncset.done $0x0  }
0xd8: {  	[sflag:s1] =	ssyncadd.s32 $0xFFFFFFB0  }
0xd9: {  	_ =	swait.ge [sflag:s24], $0x2800  }
0xda: {  	[sflag:s24] =	ssyncset.done $0x0  }
0xdb: {  	[sflag:s24] =	ssyncadd.s32 $0xFFFFD800  }
0xdc: {  	v2 =	vld [tilespmem:$0x140]  }
0xdd: {  	v3 =	vld [tilespmem:$0x0]  }
0xde: {  	v5 =	vld [tilespmem:$0xA0]  }
0xdf: {  	v4 =	vld [tilespmem:$0x150]  }
0xe0: {  	v7 =	vld [tilespmem:$0x10]  }
0xe1: {  	v8 =	vld [tilespmem:$0x160];
	v6 =	vshll.u32 v2, $0x1  }
0xe2: {  	v9 =	vld [tilespmem:$0xB0];
	v6 =	vor.u32 v0, v6  }
0xe3: {  	v55 =	vld [tilespmem:$0xC0];
	v54 =	vshll.u32 v5, $0x4;
	v6 =	vmul.u32 $0x2710, v6  }
0xe4: {  	v11 =	vld [tilespmem:$0x20];
	v10 =	vshll.u32 v4, $0x1;
	[tilespmem:$0x320] =	vst v5;
	v2 =	vadd.s32 v2, v54  }
0xe5: {  	v12 =	vld [tilespmem:$0x170];
	v10 =	vor.u32 v0, v10;
	[tilespmem:$0x280] =	vst v2;
	v3 =	vadd.s32 v3, v6  }
0xe6: {  	v56 =	vld [tilespmem:$0x30];
	v2 =	vshll.u32 v8, $0x1;
	[tilespmem:$0x1E0] =	vst v3;
	v3 =	vmul.u32 $0x2710, v10  }
0xe7: {  	v58 =	vld [tilespmem:$0x180];
	[tilespmem:$0x330] =	vst v9;
	v2 =	vor.u32 v0, v2  }
0xe8: {  	v59 =	vld [tilespmem:$0xD0];
	v57 =	vshll.u32 v9, $0x4;
	[tilespmem:$0x340] =	vst v55;
	v2 =	vmul.u32 $0x2710, v2;
	v3 =	vadd.s32 v7, v3  }
0xe9: {  	v62 =	vld [tilespmem:$0xE0];
	[tilespmem:$0x1F0] =	vst v3;
	v3 =	vadd.s32 v4, v57  }
0xea: {  	v60 =	vshll.u32 v55, $0x4;
	v2 =	vadd.s32 v11, v2;
	[tilespmem:$0x290] =	vst v3;
	v3 =	vshll.u32 v12, $0x1  }
0xeb: {  	v61 =	vld [tilespmem:$0x40];
	[tilespmem:$0x200] =	vst v2;
	v2 =	vadd.s32 v8, v60;
	v3 =	vor.u32 v0, v3  }
0xec: {  	[tilespmem:$0x2A0] =	vst v2;
	v2 =	vshll.u32 v58, $0x1;
	v3 =	vmul.u32 $0x2710, v3  }
0xed: {  	[tilespmem:$0x350] =	vst v59;
	v2 =	vor.u32 v0, v2  }
0xee: {  	v63 =	vshll.u32 v59, $0x4;
	[tilespmem:$0x360] =	vst v62;
	v2 =	vmul.u32 $0x2710, v2;
	v3 =	vadd.s32 v56, v3  }
0xef: {  	[tilespmem:$0x210] =	vst v3;
	v3 =	vadd.s32 v12, v63  }
0xf0: {  	v2 =	vadd.s32 v61, v2;
	[tilespmem:$0x2B0] =	vst v3;
	v3 =	vshll.u32 v62, $0x4  }
0xf1: {  	[tilespmem:$0x220] =	vst v2;
	v2 =	vadd.s32 v58, v3  }
0xf2: {  	[tilespmem:$0x2C0] =	vst v2  }
0xf3: {  	[tilespmem:s25], [sflag:$0x3] =	stream.indirect.gather [hbm4b:s4+s30], $0x80, s7, s30, $0xb8;
	[tilespmem:$0x18CE0] =	vst v63  }
0xf4: {  	_ = 	snop  }
0xf5: {  	[tilespmem:s9], [sflag:$0x5] =	stream.indirect.gather [hbm4b:s5+s30], $0x1, s8, s30, $0xb8;
	[tilespmem:$0x18CE0] =	vst v63  }
0xf6: {  	_ =	swait.ge [sflag:s21], $0x2800  }
0xf7: {  	[sflag:s21] =	ssyncset.done $0x0  }
0xf8: {  	[sflag:s21] =	ssyncadd.s32 $0xFFFFD800  }
0xf9: {  	_ =	swait.ge [sflag:s22], $0x50  }
0xfa: {  	[sflag:s22] =	ssyncset.done $0x0  }
0xfb: {  	[sflag:s22] =	ssyncadd.s32 $0xFFFFFFB0  }
0xfc: {  	[spmem:s2] =	stream.indirect.scatter.add.f32 [tilespmem:s12], [sflag:$0x8], $0x80, s23, s30, $0xb8;
	[tilespmem:$0x18CE0] =	vst v63  }
0xfd: {  	s26 =	sadd.s32 $0x1E, s26  }
0xfe: {  	[tilespmem:s30], [sflag:$0x2] =	stream.linear.gather [hbm4b:s26+s3], $0x50, $0x38;
	[tilespmem:$0x18CE0] =	vst v63  }
.Ltmp4:
0xff: {  	_ = 	snop;
	(pc) =	sbr.rel .LBB2_4-.Ltmp4, $4  }
0x100: {  	s0 =	sadd.s32 $0x1E, s28;
	s28 =	simm.s32 $0xF0  }
0x101: {  	[tilespmem:s28], [sflag:$0x2] =	stream.linear.gather [hbm4b:s0+s3], $0x50, $0x38;
	[tilespmem:$0x18CE0] =	vst v63  }
0x102: {  	s6 =	sadd.s32 $0x14, s6;
	s29 =	sadd.s32 $0x1E, s29;
	s31 =	simm.s32 $0x190  }
0x103: {  	[tilespmem:s31], [sflag:$0x2] =	stream.linear.gather [hbm4b:s29+s3], $0x50, $0x38;
	[tilespmem:$0x18CE0] =	vst v63  }
.LBB2_7:
0x104: {  	_ =	sfence.sel $0x180000  }
0x105: {  	[bflag:$0x0] =	sbarrier.arrive $0xFFFF  }
0x106: {  	_ =	strace $0x9000004A  }
0x107: {  	s0 =	stileid.u32;
	[bflag:$0x2] =	sbarrier.arrive $0xFFFF  }
0x108: {  	p0 =	sne.s32 s0, $0x0;
	s0 =	rddreg [dreg:$0x3]  }
0x109: {  	s0 =	sadd.s32 @!p0 $0x100000, s0  }
0x10a: {  	[sflag:s0] =	ssyncadd.tile.s32 @!p0 $0x1;
	_ =	shalt  }
.Lfunc_end2:
_tile_overlayer_lowered:
.L_overlay_start_2:
0x10b: {  	(tag) =	ssettag $0x2  }
0x10c: {  	s0 =	rddreg [dreg:$0x0];
	s2 =	stileid.u32  }
0x10d: {  	s1 =	rddreg [dreg:$0x1];
	p0 =	sne.s32 s2, $0x0  }
0x10e: {  	s3 =	rddreg [dreg:$0x2];
	[bflag:$0x3] =	sbarrier.arrive $0xFFFF;
	s2 =	simm.s32 @!p0 $0x1C09  }
0x10f: {  	[timem:s3], [sflag:s2] =	dma.local @!p0 [hbm:s0], s1  }
0x110: {  	s0 =	simm.s32 @!p0 $0x9  }
0x111: {  	_ =	swait.ge @!p0 [sflag:s0], s1  }
0x112: {  	s1 =	ssub.s32 @!p0 $0x0, s1;
	[sflag:s0] =	ssyncset.done @!p0 $0x0  }
0x113: {  	[sflag:s0] =	ssyncadd.s32 @!p0 s1  }
0x114: {  	[bflag:$0x3] =	sbarrier.arrive $0xFFFF  }
0x115: {  	_ =	shalt  }

// kernel: kernel.18.cloned.1.call-start
scs
__scs_entry_jumppad:
0x0: {  	(pc) =	sbr.rel $0x88, $3  }
0x1: {  	(tag) =	ssettag $0x0;
	lr =	simm.s32 $0x1  }
0x2: {  	[smem:$0x3F92] =	sst lr;
	_ =	strace $0xD0000000  }
0x3: {  	_ = 	snop  }
0x4: {  	_ = 	snop  }
0x5: {  	_ = 	snop  }
0x6: {  	_ = 	snop  }
0x7: {  	_ = 	snop  }
__scs_overlays_trampoline_lowered:
0x8: {  	[smem:$0x3FA1] =	sst s0  }
0x9: {  	[smem:$0x3FA2] =	sst s1  }
0xa: {  	[smem:$0x3FA3] =	sst s2  }
0xb: {  	[smem:$0x3FA4] =	sst s3  }
0xc: {  	[smem:$0x3FA5] =	sst s4  }
0xd: {  	[smem:$0x3FA6] =	sst s5  }
0xe: {  	[smem:$0x3FA7] =	sst s6  }
0xf: {  	[smem:$0x3FA8] =	sst s7  }
0x10: {  	[smem:$0x3FA9] =	sst s8  }
0x11: {  	[smem:$0x3FAA] =	sst s9;
	s0 =	simm.s32 @!p0 $0x0  }
0x12: {  	s1 =	sld [smem:$0x3F90];
	s0 =	simm.s32 @p0 $0x1  }
0x13: {  	[smem:$0x3FAB] =	sst s0;
	s0 =	simm.s32 @!p1 $0x0  }
0x14: {  	s2 =	sld [smem:$0x3F8F];
	s0 =	simm.s32 @p1 $0x1  }
0x15: {  	[smem:$0x3FAC] =	sst s0;
	s0 =	simm.s32 @!p2 $0x0  }
0x16: {  	s3 =	sld [smem:$0x3FDB];
	s0 =	simm.s32 @p2 $0x1  }
0x17: {  	s4 =	simm.s32 $0x1BF5;
	[smem:$0x3FAE] =	sst s0  }
0x18: {  	s0 =	sld [smem:$0x3F91];
	_ =	swait.ge [sflag:s4], $0x0  }
0x19: {  	s7 =	sld [smem:$0x3F92]  }
0x1a: {  	s8 =	sadd.s32 $0xFFFFE003, lr  }
0x1b: {  	s9 =	sadd.s32 $0xFFFFFEF7, lr;
	s5 =	simm.s32 $0xFFFFFFFF;
	p2 =	slt.u32 s8, $0xFFFFF086  }
0x1c: {  	p1 =	slt.u32 s9, $0xF7A;
	s5 =	simm.s32 @!p2 $0x0  }
0x1d: {  	s5 =	simm.s32 @p1 $0x1;
	p0 =	seq.s32 s7, s2  }
0x1e: {  	s7 =	smul.u32 @!p0 $0xF7A, s2;
	p2 =	seq.s32 @!p0 s5, $0x0  }
0x1f: {  	s9 =	smul.u32 $0xF7A, s1;
	s8 =	simm.s32 @!p0 $0x1BF5;
	p2 =	por !p2, p0  }
0x20: {  	[sflag:s8] =	ssyncset.s32 @!p0 $0xFFFFF086;
	s6 =	sadd.s32 @!p0 s3, s7;
	s7 =	simm.s32 @!p0 $0x108  }
0x21: {  	s3 =	sadd.s32 s3, s9;
	s6 =	sadd.s32 @!p0 $0x88, s6;
	s7 =	simm.s32 @p2 $0x1082  }
0x22: {  	[simem:s7], [sflag:s8] =	dma.local @!p0 [hbm:s6], $0xF7A  }
0x23: {  	s9 =	sor.u32 $0xD0000000, s2;
	s6 =	simm.s32 $0x108;
	_ =	swait.ge @!p0 [sflag:s8], $0x0  }
0x24: {  	s3 =	sadd.s32 $0x88, s3;
	s6 =	simm.s32 @!p1 $0x1082;
	[sflag:s4] =	ssyncset.s32 $0xFFFFF086  }
0x25: {  	[simem:s6], [sflag:s4] =	dma.local [hbm:s3], $0xF7A  }
0x26: {  	[smem:$0x3F92] =	sst s1;
	(tag) =	ssettag s2;
	_ =	strace s9  }
0x27: {  	s1 =	sld [smem:$0x3FA2]  }
0x28: {  	s2 =	sld [smem:$0x3FA3]  }
0x29: {  	s4 =	sld [smem:$0x3FA5]  }
0x2a: {  	p0 =	seq.s32 s5, $0x0;
	s5 =	sld [smem:$0x3FA6]  }
0x2b: {  	s6 =	sld [smem:$0x3FA7]  }
0x2c: {  	s7 =	sld [smem:$0x3FA8]  }
0x2d: {  	s3 =	simm.s32 $0x108;
	s8 =	sld [smem:$0x3FA9]  }
0x2e: {  	s3 =	simm.s32 @!p0 $0x1082;
	s9 =	sld [smem:$0x3FAA]  }
0x2f: {  	lr =	sadd.s32 s0, s3;
	s0 =	sld [smem:$0x3FA1]  }
0x30: {  	s3 =	sld [smem:$0x3FA4]  }
0x31: {  	[smem:$0x3FAD] =	sst s10  }
0x32: {  	s10 =	sld [smem:$0x3FAB];
	_ =	sdelay $0x3  }
0x33: {  	p0 =	seq.s32 s10, $0x1;
	s10 =	sld [smem:$0x3FAD];
	_ =	sdelay $0x3  }
0x34: {  	[smem:$0x3FAD] =	sst s10  }
0x35: {  	s10 =	sld [smem:$0x3FAC];
	_ =	sdelay $0x3  }
0x36: {  	p1 =	seq.s32 s10, $0x1;
	s10 =	sld [smem:$0x3FAD];
	_ =	sdelay $0x3  }
0x37: {  	[smem:$0x3FAD] =	sst s10  }
0x38: {  	s10 =	sld [smem:$0x3FAE]  }
0x39: {  	_ = 	snop;
	(pc) =	sbr.ind lr, $3  }
0x3a: {  	_ = 	snop  }
0x3b: {  	_ = 	snop  }
0x3c: {  	p2 =	seq.s32 s10, $0x1;
	s10 =	sld [smem:$0x3FAD]  }
0x3d: {  	_ =	shalt  }
0x3e: {  	_ =	shalt  }
0x3f: {  	_ =	shalt  }
0x40: {  	_ =	shalt  }
0x41: {  	_ =	shalt  }
0x42: {  	_ =	shalt  }
0x43: {  	_ =	shalt  }
0x44: {  	_ =	shalt  }
0x45: {  	_ =	shalt  }
0x46: {  	_ =	shalt  }
0x47: {  	_ =	shalt  }
0x48: {  	_ =	shalt  }
0x49: {  	_ =	shalt  }
0x4a: {  	_ =	shalt  }
0x4b: {  	_ =	shalt  }
0x4c: {  	_ =	shalt  }
0x4d: {  	_ =	shalt  }
0x4e: {  	_ =	shalt  }
0x4f: {  	_ =	shalt  }
0x50: {  	_ =	shalt  }
0x51: {  	_ =	shalt  }
0x52: {  	_ =	shalt  }
0x53: {  	_ =	shalt  }
0x54: {  	_ =	shalt  }
0x55: {  	_ =	shalt  }
0x56: {  	_ =	shalt  }
0x57: {  	_ =	shalt  }
0x58: {  	_ =	shalt  }
0x59: {  	_ =	shalt  }
0x5a: {  	_ =	shalt  }
0x5b: {  	_ =	shalt  }
0x5c: {  	_ =	shalt  }
0x5d: {  	_ =	shalt  }
0x5e: {  	_ =	shalt  }
0x5f: {  	_ =	shalt  }
0x60: {  	_ =	shalt  }
0x61: {  	_ =	shalt  }
0x62: {  	_ =	shalt  }
0x63: {  	_ =	shalt  }
0x64: {  	_ =	shalt  }
0x65: {  	_ =	shalt  }
0x66: {  	_ =	shalt  }
0x67: {  	_ =	shalt  }
0x68: {  	_ =	shalt  }
0x69: {  	_ =	shalt  }
0x6a: {  	_ =	shalt  }
0x6b: {  	_ =	shalt  }
0x6c: {  	_ =	shalt  }
0x6d: {  	_ =	shalt  }
0x6e: {  	_ =	shalt  }
0x6f: {  	_ =	shalt  }
0x70: {  	_ =	shalt  }
0x71: {  	_ =	shalt  }
0x72: {  	_ =	shalt  }
0x73: {  	_ =	shalt  }
0x74: {  	_ =	shalt  }
0x75: {  	_ =	shalt  }
0x76: {  	_ =	shalt  }
0x77: {  	_ =	shalt  }
0x78: {  	_ =	shalt  }
0x79: {  	_ =	shalt  }
0x7a: {  	_ =	shalt  }
0x7b: {  	_ =	shalt  }
0x7c: {  	_ =	shalt  }
0x7d: {  	_ =	shalt  }
0x7e: {  	_ =	shalt  }
0x7f: {  	_ =	shalt  }
0x80: {  	_ =	shalt  }
0x81: {  	_ =	shalt  }
0x82: {  	_ =	shalt  }
0x83: {  	_ =	shalt  }
0x84: {  	_ =	shalt  }
0x85: {  	_ =	shalt  }
0x86: {  	_ =	shalt  }
0x87: {  	_ =	shalt  }
.Lfunc_end0:
.L_simem_size_0:
called_computation.2_lowered:
.L_overlay_start_0:
0x88: {  	s2 =	sld [smem:$0x3FD9]  }
0x89: {  	s3 =	sld [smem:$0x3FFE];
	_ =	sdelay $0x1  }
0x8a: {  	s1 =	srdreg.scid  }
0x8b: {  	s0 =	sand.u32 $0x1, s1  }
0x8c: {  	s17 =	sshll.u32 s0, $0xA;
	s2 =	sadd.s32 s3, s2  }
0x8d: {  	s2 =	sadd.s32 s2, s17  }
0x8e: {  	[smem:$0x3FB9] =	sst s2  }
0x8f: {  	_ = 	snop  }
0x90: {  	s2 =	sld [smem:$0x3FC6];
	(tm) =	ssettm $0x1  }
0x91: {  	s18 =	sld [smem:$0x3FFB];
	_ =	sdelay $0x3  }
0x92: {  	_ =	strace s18  }
0x93: {  	s3 =	sld [smem:$0x3FFC];
	_ =	sdelay $0x3  }
0x94: {  	_ =	strace s3  }
0x95: {  	s3 =	sld [smem:$0x3FFD];
	_ =	sdelay $0x3  }
0x96: {  	_ =	strace s3  }
0x97: {  	_ =	strace $0x8FFFFFFF  }
0x98: {  	s19 =	sld [smem:$0x3FDB];
	_ =	sdelay $0x1  }
0x99: {  	s4 =	simm.s32 $_scs_section_size  }
0x9a: {  	s5 =	simm.s32 $_size__tile_overlayer_lowered;
	s6 =	simm.s32 $_tile_overlayer_lowered  }
0x9b: {  	s22 =	simm.s32 $0x1BFF;
	s21 =	sshll.u32 s6, $0x1;
	s3 =	sadd.s32 s4, s19  }
0x9c: {  	s7 =	simm.s32 $0x0;
	s20 =	sshll.u32 s5, $0x1;
	s5 =	sadd.s32 s21, s3  }
0x9d: {  	[timem:s7], [sflag:s22] =	dma.local [hbm:s5], s20  }
0x9e: {  	_ =	swait.ge [sflag:s22], s20  }
0x9f: {  	s4 =	ssub.s32 $0x0, s20;
	[sflag:s22] =	ssyncset.done $0x0  }
0xa0: {  	[sflag:s22] =	ssyncadd.s32 s4;
	_ =	sdelay $0x1  }
0xa1: {  	s23 =	simm.s32 $0x1B8B  }
0xa2: {  	_ =	swait.ge [sflag:s23], $0x1  }
0xa3: {  	[sflag:s23] =	ssyncset.done $0x0  }
0xa4: {  	s25 =	simm.s32 $0x1B8E;
	s24 =	sld [smem:$0x3FFE];
	[sflag:s23] =	ssyncadd.s32 $0xFFFFFFFF  }
0xa5: {  	s26 =	simm.s32 $execute0_lowered;
	[smem:$0x3FD2] =	sst s25  }
0xa6: {  	s5 =	sshll.u32 s26, $0x1;
	_ =	strace $0x8000004C;
	[dreg:$0x1] =	wrdreg $0xFFFFFFFF  }
0xa7: {  	s28 =	simm.s32 $_size_execute0_lowered;
	s3 =	sadd.s32 s3, s5;
	[dreg:$0x0] =	wrdreg $0x0  }
0xa8: {  	s5 =	sshll.u32 s28, $0x1;
	[dreg:$0x2] =	wrdreg s3  }
0xa9: {  	[dreg:$0x3] =	wrdreg s5  }
0xaa: {  	[dreg:$0x4] =	wrdreg $0xC0  }
0xab: {  	_ =	task [dreg:s7], $0x5FFFF  }
0xac: {  	[dreg:$0x1] =	wrdreg $0xFFFFFFFF  }
0xad: {  	[dreg:$0x0] =	wrdreg $0x60  }
0xae: {  	[dreg:$0x2] =	wrdreg s24  }
0xaf: {  	[dreg:$0x3] =	wrdreg s2  }
0xb0: {  	[dreg:$0x4] =	wrdreg $0x54600  }
0xb1: {  	[dreg:$0x5] =	wrdreg $0x9  }
0xb2: {  	_ =	task.clear_ibuf [dreg:s7], $0x6FFFF;
	_ =	strace $0x9000004C  }
0xb3: {  	s29 =	simm.s32 $0x9;
	_ =	strace $0x8000004E  }
0xb4: {  	_ =	swait.ge [sflag:s29], $0x1  }
0xb5: {  	[sflag:s29] =	ssyncadd.s32 $0xFFFFFFFF  }
0xb6: {  	_ =	strace $0x9000004E  }
0xb7: {  	_ =	sfence  }
0xb8: {  	s30 =	sld [smem:$0x0];
	_ =	sdelay $0x2  }
0xb9: {  	s31 =	sshll.u32 s1, $0xD;
	s1 =	sshrl.u32 s1, $0x2  }
0xba: {  	s3 =	sand.u32 $0x4000, s31;
	s1 =	sadd.s32 s1, s30  }
0xbb: {  	s0 =	sor.u32 s3, s0;
	s1 =	sshll.u32 s1, $0x11  }
0xbc: {  	s0 =	sor.u32 s1, s0  }
0xbd: {  	s0 =	sadd.s32 $0x8F2B, s0  }
0xbe: {  	[sflag:s0] =	ssyncadd.remote.s32 $0x1  }
0xbf: {  	_ =	sfence.sel $0xFFFF  }
0xc0: {  	[dreg:$0x0] =	wrdreg $0xFFFFFFFF;
	(pc) =	sbr.abs _section_cstart, $3  }
0xc1: {  	[dreg:$0x1] =	wrdreg $0xFFFFFFFF  }
0xc2: {  	_ =	task.clear_ibuf [dreg:s7], $0x2FFFF;
	_ =	strace $0x9FFFFFFF  }
0xc3: {  	(tm) =	ssettm $0x7FFFFFFF  }
tec
execute0_lowered:
.L_overlay_start_1:
0x0: {  	(tag) =	ssettag $0x1  }
0x1: {  	s0 =	rddreg [dreg:$0x0]  }
0x2: {  	s1 =	rddreg [dreg:$0x1]  }
0x3: {  	s2 =	rddreg [dreg:$0x2]  }
0x4: {  	s4 =	srdreg.scid;
	s14 =	stileid.u32;
	s3 =	simm.s32 $0x0  }
0x5: {  	s28 =	simm.s32 $0x9;
	s30 =	simm.s32 $0x50;
	s7 =	smul.u32 $0x13880, s14  }
0x6: {  	s6 =	sand.u32 $0x1, s4;
	[smem:$0x7FF] =	sst s3;
	s10 =	smul.u32 $0x4E200, s14  }
0x7: {  	s4 =	sadd.s32 $0x6B200, s0;
	s8 =	sadd.s32 $0xE200, s0;
	s13 =	smul.u32 $0x4E20, s14  }
0x8: {  	s11 =	sadd.s32 $0x4400, s0;
	s22 =	smul.u32 $0x9C4, s14;
	s14 =	simm.s32 $0x410  }
0x9: {  	s5 =	smul.u32 $0x138800, s6;
	_ =	strace $0x8000004D;
	s29 =	ssub.s32 $0x2, s6  }
0xa: {  	s10 =	sshrl.u32 s10, $0x2;
	s12 =	sshrl.u32 s29, $0x1;
	s16 =	sshrl.u32 s13, $0x3  }
0xb: {  	s13 =	simm.s32 $0x2D0;
	s9 =	sadd.s32 s7, s5;
	s5 =	sadd.s32 $0x18000, s0  }
0xc: {  	s10 =	sadd.s32 s10, s2;
	s7 =	sadd.s32 s7, s2;
	s19 =	sadd.s32 s8, s16  }
0xd: {  	s20 =	sadd.s32 s11, s16;
	s21 =	sadd.s32 $0xA, s16;
	[dreg:$0x4] =	wrdreg s7  }
0xe: {  	s9 =	sshrl.u32 s9, $0x3;
	s31 =	sadd.s32 $0x2800, s10;
	[dreg:$0xa] =	wrdreg s19  }
0xf: {  	s15 =	sadd.s32 $0x7800, s10;
	s17 =	sadd.s32 $0xA000, s10;
	[dreg:$0xb] =	wrdreg s20  }
0x10: {  	s18 =	sadd.s32 $0xC800, s10;
	s7 =	sadd.s32 s1, s16;
	[dreg:$0x5] =	wrdreg s31  }
0x11: {  	s23 =	sadd.s32 s8, s21;
	s24 =	sadd.s32 s11, s21;
	[dreg:$0x7] =	wrdreg s15  }
0x12: {  	s25 =	sadd.s32 s1, s21;
	s19 =	sadd.s32 s22, s11;
	[dreg:$0x8] =	wrdreg s17  }
0x13: {  	s20 =	sadd.s32 s22, s8;
	s26 =	sadd.s32 $0xF000, s10;
	[dreg:$0x9] =	wrdreg s18  }
0x14: {  	s8 =	simm.s32 $0x280;
	s11 =	simm.s32 $0x230;
	[dreg:$0xc] =	wrdreg s7  }
0x15: {  	s16 =	simm.s32 $0x5;
	s21 =	simm.s32 $0x4;
	[dreg:$0xd] =	wrdreg s23  }
0x16: {  	s0 =	sadd.s32 s9, s0;
	s9 =	ssub.s32 s29, s12;
	[dreg:$0xe] =	wrdreg s24  }
0x17: {  	s12 =	sadd.s32 $0x5000, s10;
	[dreg:$0xf] =	wrdreg s25;
	s18 =	sadd.s32 s22, s1  }
0x18: {  	[dreg:$0x10] =	wrdreg s26;
	s29 =	sadd.s32 $0x11800, s10;
	s25 =	simm.s32 $0x460  }
0x19: {  	s1 =	simm.s32 $0x1;
	s7 =	simm.s32 $0x1E0;
	s10 =	simm.s32 $0x2  }
.Ltmp0:
0x1a: {  	s15 =	simm.s32 $0x3;
	s17 =	simm.s32 $0x320;
	(pc) =	sbr.rel .LBB2_1-.Ltmp0, $4  }
0x1b: {  	s22 =	simm.s32 $0x6;
	s23 =	simm.s32 $0x370;
	[dreg:$0x6] =	wrdreg s12  }
0x1c: {  	s24 =	simm.s32 $0x7;
	[dreg:$0x11] =	wrdreg s29;
	s0 =	sadd.s32 $0x54D200, s0  }
0x1d: {  	s31 =	smax.u32 s9, $0x1;
	s9 =	simm.s32 $0x3C0;
	[dreg:$0x12] =	wrdreg s0  }
0x1e: {  	v1 =	vimm.f32 $0.0e+00;
	v0 =	vmov s6;
	s12 =	simm.s32 $0x2C60;
	[dreg:$0x13] =	wrdreg s31;
	s0 =	simm.s32 $0x0  }
.LBB2_6:
0x1f: {  	_ =	swait.ge [sflag:s21], $0x2800  }
0x20: {  	[sflag:s21] =	ssyncset.done $0x0  }
0x21: {  	[sflag:s21] =	ssyncadd.s32 $0xFFFFD800  }
0x22: {  	_ =	swait.ge [sflag:s22], $0x50  }
0x23: {  	[sflag:s22] =	ssyncset.done $0x0  }
0x24: {  	[sflag:s22] =	ssyncadd.s32 $0xFFFFFFB0  }
0x25: {  	[spmem:s2] =	stream.indirect.scatter.add.f32 [tilespmem:s12], [sflag:$0x8], $0x80, s23, s30, $0xb8;
	[tilespmem:$0x18CE0] =	vst v63  }
0x26: {  	_ =	swait.ge [sflag:s24], $0x2800  }
0x27: {  	[sflag:s24] =	ssyncset.done $0x0  }
0x28: {  	s0 =	simm.s32 $0x8;
	[sflag:s24] =	ssyncadd.s32 $0xFFFFD800  }
0x29: {  	_ =	swait.ge [sflag:s0], $0x2800  }
0x2a: {  	[sflag:s0] =	ssyncset.done $0x0  }
0x2b: {  	[sflag:s0] =	ssyncadd.s32 $0xFFFFD800  }
0x2c: {  	s6 =	stileid.u32;
	[bflag:$0x0] =	sbarrier.arrive $0xFFFF  }
0x2d: {  	s6 =	sshll.u32 s6, $0x6;
	s26 =	rddreg [dreg:$0x4]  }
0x2e: {  	s6 =	sor.u32 $0x1C09, s6;
	s28 =	rddreg [dreg:$0x12];
	s26 =	sshrl.u32 s26, $0x3  }
0x2f: {  	[hbm:s28], [sflag:s6] =	dma.local [spmem:s26], $0x2710  }
0x30: {  	s28 =	simm.s32 $0x9  }
0x31: {  	_ =	swait.ge [sflag:s28], $0x2710  }
0x32: {  	s29 =	rddreg [dreg:$0x14]  }
0x33: {  	s31 =	rddreg [dreg:$0x13];
	s0 =	sadd.s32 $0x1, s29  }
0x34: {  	p0 =	sne.s32 s0, s31  }
.Ltmp1:
0x35: {  	_ = 	snop;
	(pc) =	sbr.rel @!p0 .LBB2_7-.Ltmp1, $3  }
0x36: {  	_ =	sdelay $0x1  }
0x37: {  	[sflag:s28] =	ssyncset.done $0x0  }
0x38: {  	[sflag:s28] =	ssyncadd.s32 $0xFFFFD8F0  }
.LBB2_1:
0x39: {  	[dreg:$0x14] =	wrdreg s0;
	s6 =	simm.s32 $0x0;
	s26 =	simm.s32 $0x200  }
.LBB2_2:
0x3a: {  	p0 =	sne.s32 s26, $0x9E00;
	[tilespmem:s6+$0x4D0] =	vst v1  }
0x3b: {  	[tilespmem:s6+$0x460] =	vst v1  }
0x3c: {  	[tilespmem:s6+$0x470] =	vst v1  }
.Ltmp2:
0x3d: {  	[tilespmem:s6+$0x480] =	vst v1;
	(pc) =	sbr.rel @p0 .LBB2_2-.Ltmp2, $4  }
0x3e: {  	[tilespmem:s6+$0x490] =	vst v1  }
0x3f: {  	[tilespmem:s6+$0x4A0] =	vst v1  }
0x40: {  	[tilespmem:s6+$0x4B0] =	vst v1  }
0x41: {  	[tilespmem:s6+$0x4C0] =	vst v1;
	s6 =	sshra.s32 s26, $0x2;
	s26 =	sadd.s32 $0x200, s26  }
0x42: {  	[tilespmem:s6+$0x4D0] =	vst v1  }
0x43: {  	[tilespmem:s6+$0x460] =	vst v1  }
0x44: {  	[tilespmem:s6+$0x470] =	vst v1  }
0x45: {  	[tilespmem:s6+$0x480] =	vst v1  }
0x46: {  	[tilespmem:s6+$0x490] =	vst v1  }
0x47: {  	[tilespmem:s6+$0x4A0] =	vst v1  }
0x48: {  	[tilespmem:s6+$0x4B0] =	vst v1  }
0x49: {  	[tilespmem:s6+$0x4C0] =	vst v1;
	s31 =	rddreg [dreg:$0x4]  }
0x4a: {  	[spmem:s31] =	stream.linear.scatter [tilespmem:s25], [sflag:$0x9], $0x2800, $0x38;
	[tilespmem:$0x18CE0] =	vst v63  }
0x4b: {  	_ =	swait.ge [sflag:s28], $0x2800  }
0x4c: {  	[sflag:s28] =	ssyncset.done $0x0  }
0x4d: {  	s0 =	rddreg [dreg:$0x5];
	[sflag:s28] =	ssyncadd.s32 $0xFFFFD800  }
0x4e: {  	[spmem:s0] =	stream.linear.scatter [tilespmem:s25], [sflag:$0x9], $0x2800, $0x38;
	[tilespmem:$0x18CE0] =	vst v63  }
0x4f: {  	_ =	swait.ge [sflag:s28], $0x2800  }
0x50: {  	[sflag:s28] =	ssyncset.done $0x0  }
0x51: {  	s26 =	rddreg [dreg:$0x6];
	[sflag:s28] =	ssyncadd.s32 $0xFFFFD800  }
0x52: {  	[spmem:s26] =	stream.linear.scatter [tilespmem:s25], [sflag:$0x9], $0x2800, $0x38;
	[tilespmem:$0x18CE0] =	vst v63  }
0x53: {  	_ =	swait.ge [sflag:s28], $0x2800  }
0x54: {  	[sflag:s28] =	ssyncset.done $0x0  }
0x55: {  	s29 =	rddreg [dreg:$0x7];
	[sflag:s28] =	ssyncadd.s32 $0xFFFFD800  }
0x56: {  	[spmem:s29] =	stream.linear.scatter [tilespmem:s25], [sflag:$0x9], $0x2800, $0x38;
	[tilespmem:$0x18CE0] =	vst v63  }
0x57: {  	_ =	swait.ge [sflag:s28], $0x2800  }
0x58: {  	[sflag:s28] =	ssyncset.done $0x0  }
0x59: {  	s31 =	rddreg [dreg:$0x8];
	[sflag:s28] =	ssyncadd.s32 $0xFFFFD800  }
0x5a: {  	[spmem:s31] =	stream.linear.scatter [tilespmem:s25], [sflag:$0x9], $0x2800, $0x38;
	[tilespmem:$0x18CE0] =	vst v63  }
0x5b: {  	_ =	swait.ge [sflag:s28], $0x2800  }
0x5c: {  	[sflag:s28] =	ssyncset.done $0x0  }
0x5d: {  	s0 =	rddreg [dreg:$0x9];
	[sflag:s28] =	ssyncadd.s32 $0xFFFFD800  }
0x5e: {  	[spmem:s0] =	stream.linear.scatter [tilespmem:s25], [sflag:$0x9], $0x2800, $0x38;
	[tilespmem:$0x18CE0] =	vst v63  }
0x5f: {  	_ =	swait.ge [sflag:s28], $0x2800  }
0x60: {  	[sflag:s28] =	ssyncset.done $0x0  }
0x61: {  	s26 =	rddreg [dreg:$0x10];
	[sflag:s28] =	ssyncadd.s32 $0xFFFFD800  }
0x62: {  	[spmem:s26] =	stream.linear.scatter [tilespmem:s25], [sflag:$0x9], $0x2800, $0x38;
	[tilespmem:$0x18CE0] =	vst v63  }
0x63: {  	_ =	swait.ge [sflag:s28], $0x2800  }
0x64: {  	[sflag:s28] =	ssyncset.done $0x0  }
0x65: {  	s29 =	rddreg [dreg:$0x11];
	[sflag:s28] =	ssyncadd.s32 $0xFFFFD800  }
0x66: {  	[spmem:s29] =	stream.linear.scatter [tilespmem:s25], [sflag:$0x9], $0x2080, $0x38;
	[tilespmem:$0x18CE0] =	vst v63  }
0x67: {  	_ =	swait.ge [sflag:s28], $0x2080  }
0x68: {  	[sflag:s28] =	ssyncset.done $0x0  }
0x69: {  	[sflag:s28] =	ssyncadd.s32 $0xFFFFDF80  }
0x6a: {  	[bflag:$0x0] =	sbarrier.arrive $0xFFFF  }
0x6b: {  	s6 =	simm.s32 $0x0;
	s26 =	rddreg [dreg:$0xa]  }
0x6c: {  	[tilespmem:s6], [sflag:$0x1] =	stream.linear.gather [hbm4b:s26+s6], $0x50, $0x38;
	[tilespmem:$0x18CE0] =	vst v63  }
0x6d: {  	s0 =	simm.s32 $0xA0;
	s31 =	rddreg [dreg:$0xb]  }
0x6e: {  	[tilespmem:s0], [sflag:$0x1] =	stream.linear.gather [hbm4b:s31+s6], $0x50, $0x38;
	[tilespmem:$0x18CE0] =	vst v63  }
0x6f: {  	s29 =	rddreg [dreg:$0xc];
	s0 =	simm.s32 $0x140  }
0x70: {  	[tilespmem:s0], [sflag:$0x1] =	stream.linear.gather [hbm4b:s29+s6], $0x50, $0x38;
	[tilespmem:$0x18CE0] =	vst v63  }
0x71: {  	s31 =	rddreg [dreg:$0xd]  }
0x72: {  	[tilespmem:s30], [sflag:$0x2] =	stream.linear.gather [hbm4b:s31+s6], $0x50, $0x38;
	[tilespmem:$0x18CE0] =	vst v63  }
0x73: {  	s28 =	simm.s32 $0xF0;
	s0 =	rddreg [dreg:$0xe]  }
0x74: {  	[tilespmem:s28], [sflag:$0x2] =	stream.linear.gather [hbm4b:s0+s6], $0x50, $0x38;
	[tilespmem:$0x18CE0] =	vst v63  }
0x75: {  	s29 =	rddreg [dreg:$0xf];
	s31 =	simm.s32 $0x190  }
0x76: {  	[tilespmem:s31], [sflag:$0x2] =	stream.linear.gather [hbm4b:s29+s6], $0x50, $0x38;
	[tilespmem:$0x18CE0] =	vst v63  }
0x77: {  	_ =	swait.ge [sflag:s1], $0x50  }
0x78: {  	[sflag:s1] =	ssyncset.done $0x0  }
0x79: {  	[sflag:s1] =	ssyncadd.s32 $0xFFFFFFB0  }
0x7a: {  	_ =	swait.ge [sflag:s1], $0x50  }
0x7b: {  	[sflag:s1] =	ssyncset.done $0x0  }
0x7c: {  	[sflag:s1] =	ssyncadd.s32 $0xFFFFFFB0  }
0x7d: {  	_ =	swait.ge [sflag:s1], $0x50  }
0x7e: {  	[sflag:s1] =	ssyncset.done $0x0  }
0x7f: {  	[sflag:s1] =	ssyncadd.s32 $0xFFFFFFB0  }
0x80: {  	v2 =	vld [tilespmem:$0x140]  }
0x81: {  	v3 =	vld [tilespmem:$0x0]  }
0x82: {  	v5 =	vld [tilespmem:$0xA0]  }
0x83: {  	v4 =	vld [tilespmem:$0x150]  }
0x84: {  	v7 =	vld [tilespmem:$0x10]  }
0x85: {  	v8 =	vld [tilespmem:$0x160];
	v6 =	vshll.u32 v2, $0x1  }
0x86: {  	v9 =	vld [tilespmem:$0xB0];
	v6 =	vor.u32 v0, v6  }
0x87: {  	v55 =	vld [tilespmem:$0xC0];
	v54 =	vshll.u32 v5, $0x4;
	v6 =	vmul.u32 $0x2710, v6  }
0x88: {  	v11 =	vld [tilespmem:$0x20];
	v10 =	vshll.u32 v4, $0x1;
	[tilespmem:$0x320] =	vst v5;
	v2 =	vadd.s32 v2, v54  }
0x89: {  	v12 =	vld [tilespmem:$0x170];
	v10 =	vor.u32 v0, v10;
	[tilespmem:$0x280] =	vst v2;
	v3 =	vadd.s32 v3, v6  }
0x8a: {  	v56 =	vld [tilespmem:$0x30];
	v2 =	vshll.u32 v8, $0x1;
	[tilespmem:$0x1E0] =	vst v3;
	v3 =	vmul.u32 $0x2710, v10  }
0x8b: {  	v58 =	vld [tilespmem:$0x180];
	[tilespmem:$0x330] =	vst v9;
	v2 =	vor.u32 v0, v2  }
0x8c: {  	v59 =	vld [tilespmem:$0xD0];
	v57 =	vshll.u32 v9, $0x4;
	[tilespmem:$0x340] =	vst v55;
	v2 =	vmul.u32 $0x2710, v2;
	v3 =	vadd.s32 v7, v3  }
0x8d: {  	v62 =	vld [tilespmem:$0xE0];
	[tilespmem:$0x1F0] =	vst v3;
	v3 =	vadd.s32 v4, v57  }
0x8e: {  	v60 =	vshll.u32 v55, $0x4;
	v2 =	vadd.s32 v11, v2;
	[tilespmem:$0x290] =	vst v3;
	v3 =	vshll.u32 v12, $0x1  }
0x8f: {  	v61 =	vld [tilespmem:$0x40];
	[tilespmem:$0x200] =	vst v2;
	v2 =	vadd.s32 v8, v60;
	v3 =	vor.u32 v0, v3  }
0x90: {  	[tilespmem:$0x2A0] =	vst v2;
	v2 =	vshll.u32 v58, $0x1;
	v3 =	vmul.u32 $0x2710, v3  }
0x91: {  	[tilespmem:$0x350] =	vst v59;
	v2 =	vor.u32 v0, v2  }
0x92: {  	v63 =	vshll.u32 v59, $0x4;
	[tilespmem:$0x360] =	vst v62;
	v2 =	vmul.u32 $0x2710, v2;
	v3 =	vadd.s32 v56, v3  }
0x93: {  	[tilespmem:$0x210] =	vst v3;
	v3 =	vadd.s32 v12, v63  }
0x94: {  	v2 =	vadd.s32 v61, v2;
	[tilespmem:$0x2B0] =	vst v3;
	v3 =	vshll.u32 v62, $0x4  }
0x95: {  	[tilespmem:$0x220] =	vst v2;
	v2 =	vadd.s32 v58, v3  }
0x96: {  	[tilespmem:$0x2C0] =	vst v2  }
0x97: {  	[tilespmem:s25], [sflag:$0x3] =	stream.indirect.gather [hbm4b:s4+s30], $0x80, s7, s30, $0xb8;
	[tilespmem:$0x18CE0] =	vst v63  }
0x98: {  	_ = 	snop  }
0x99: {  	[tilespmem:s9], [sflag:$0x5] =	stream.indirect.gather [hbm4b:s5+s30], $0x1, s8, s30, $0xb8;
	[tilespmem:$0x18CE0] =	vst v63  }
.LBB2_4:
0x9a: {  	_ =	swait.ge [sflag:s10], $0x50  }
0x9b: {  	[sflag:s10] =	ssyncset.done $0x0  }
0x9c: {  	[sflag:s10] =	ssyncadd.s32 $0xFFFFFFB0  }
0x9d: {  	_ =	swait.ge [sflag:s10], $0x50  }
0x9e: {  	[sflag:s10] =	ssyncset.done $0x0  }
0x9f: {  	[sflag:s10] =	ssyncadd.s32 $0xFFFFFFB0  }
0xa0: {  	_ =	swait.ge [sflag:s10], $0x50  }
0xa1: {  	p0 =	seq.s32 s6, $0x0;
	[sflag:s10] =	ssyncset.done $0x0  }
0xa2: {  	s26 =	simm.s32 @!p0 $0x8;
	[sflag:s10] =	ssyncadd.s32 $0xFFFFFFB0  }
0xa3: {  	_ =	swait.ge @!p0 [sflag:s26], $0x2800  }
0xa4: {  	[sflag:s26] =	ssyncset.done @!p0 $0x0  }
0xa5: {  	[sflag:s26] =	ssyncadd.s32 @!p0 $0xFFFFD800  }
0xa6: {  	v2 =	vld [tilespmem:$0x190]  }
0xa7: {  	v3 =	vld [tilespmem:$0x50]  }
0xa8: {  	v5 =	vld [tilespmem:$0xF0]  }
0xa9: {  	v4 =	vld [tilespmem:$0x1A0]  }
0xaa: {  	v7 =	vld [tilespmem:$0x60]  }
0xab: {  	v8 =	vld [tilespmem:$0x1B0];
	v6 =	vshll.u32 v2, $0x1  }
0xac: {  	v9 =	vld [tilespmem:$0x100];
	v6 =	vor.u32 v0, v6  }
0xad: {  	v55 =	vld [tilespmem:$0x110];
	v54 =	vshll.u32 v5, $0x4;
	v6 =	vmul.u32 $0x2710, v6  }
0xae: {  	v11 =	vld [tilespmem:$0x70];
	v10 =	vshll.u32 v4, $0x1;
	[tilespmem:$0x370] =	vst v5;
	v2 =	vadd.s32 v2, v54  }
0xaf: {  	v12 =	vld [tilespmem:$0x1C0];
	v10 =	vor.u32 v0, v10;
	[tilespmem:$0x2D0] =	vst v2;
	v3 =	vadd.s32 v3, v6  }
0xb0: {  	v56 =	vld [tilespmem:$0x80];
	v2 =	vshll.u32 v8, $0x1;
	[tilespmem:$0x230] =	vst v3;
	v3 =	vmul.u32 $0x2710, v10  }
0xb1: {  	v58 =	vld [tilespmem:$0x1D0];
	[tilespmem:$0x380] =	vst v9;
	v2 =	vor.u32 v0, v2  }
0xb2: {  	v59 =	vld [tilespmem:$0x120];
	v57 =	vshll.u32 v9, $0x4;
	[tilespmem:$0x390] =	vst v55;
	v2 =	vmul.u32 $0x2710, v2;
	v3 =	vadd.s32 v7, v3  }
0xb3: {  	v62 =	vld [tilespmem:$0x130];
	[tilespmem:$0x240] =	vst v3;
	v3 =	vadd.s32 v4, v57  }
0xb4: {  	v60 =	vshll.u32 v55, $0x4;
	v2 =	vadd.s32 v11, v2;
	[tilespmem:$0x2E0] =	vst v3;
	v3 =	vshll.u32 v12, $0x1  }
0xb5: {  	v61 =	vld [tilespmem:$0x90];
	[tilespmem:$0x250] =	vst v2;
	v2 =	vadd.s32 v8, v60;
	v3 =	vor.u32 v0, v3  }
0xb6: {  	[tilespmem:$0x2F0] =	vst v2;
	v2 =	vshll.u32 v58, $0x1;
	v3 =	vmul.u32 $0x2710, v3  }
0xb7: {  	[tilespmem:$0x3A0] =	vst v59;
	v2 =	vor.u32 v0, v2  }
0xb8: {  	v63 =	vshll.u32 v59, $0x4;
	[tilespmem:$0x3B0] =	vst v62;
	v2 =	vmul.u32 $0x2710, v2;
	v3 =	vadd.s32 v56, v3  }
0xb9: {  	[tilespmem:$0x260] =	vst v3;
	v3 =	vadd.s32 v12, v63  }
0xba: {  	v2 =	vadd.s32 v61, v2;
	[tilespmem:$0x300] =	vst v3;
	v3 =	vshll.u32 v62, $0x4  }
0xbb: {  	[tilespmem:$0x270] =	vst v2;
	v2 =	vadd.s32 v58, v3  }
0xbc: {  	[tilespmem:$0x310] =	vst v2  }
0xbd: {  	[tilespmem:s12], [sflag:$0x4] =	stream.indirect.gather [hbm4b:s4+s30], $0x80, s11, s30, $0xb8;
	[tilespmem:$0x18CE0] =	vst v63  }
0xbe: {  	_ = 	snop  }
0xbf: {  	[tilespmem:s14], [sflag:$0x6] =	stream.indirect.gather [hbm4b:s5+s30], $0x1, s13, s30, $0xb8;
	[tilespmem:$0x18CE0] =	vst v63  }
0xc0: {  	_ =	swait.ge [sflag:s15], $0x2800  }
0xc1: {  	p0 =	seq.s32 s6, $0x9B0;
	[sflag:s15] =	ssyncset.done $0x0  }
.Ltmp3:
0xc2: {  	[sflag:s15] =	ssyncadd.s32 $0xFFFFD800;
	(pc) =	sbr.rel @p0 .LBB2_6-.Ltmp3, $4  }
0xc3: {  	_ =	swait.ge [sflag:s16], $0x50  }
0xc4: {  	[sflag:s16] =	ssyncset.done $0x0  }
0xc5: {  	[sflag:s16] =	ssyncadd.s32 $0xFFFFFFB0  }
0xc6: {  	[spmem:s2] =	stream.indirect.scatter.add.f32 [tilespmem:s25], [sflag:$0x7], $0x80, s17, s30, $0xb8;
	[tilespmem:$0x18CE0] =	vst v63  }
0xc7: {  	s26 =	sadd.s32 s6, s20  }
0xc8: {  	s28 =	sadd.s32 $0x14, s26  }
0xc9: {  	[tilespmem:s3], [sflag:$0x1] =	stream.linear.gather [hbm4b:s28+s3], $0x50, $0x38;
	[tilespmem:$0x18CE0] =	vst v63  }
0xca: {  	s28 =	sadd.s32 s6, s19  }
0xcb: {  	s31 =	simm.s32 $0xA0;
	s29 =	sadd.s32 $0x14, s28  }
0xcc: {  	[tilespmem:s31], [sflag:$0x1] =	stream.linear.gather [hbm4b:s29+s3], $0x50, $0x38;
	[tilespmem:$0x18CE0] =	vst v63  }
0xcd: {  	s29 =	sadd.s32 s6, s18  }
0xce: {  	s0 =	simm.s32 $0x140;
	s31 =	sadd.s32 $0x14, s29  }
0xcf: {  	[tilespmem:s0], [sflag:$0x1] =	stream.linear.gather [hbm4b:s31+s3], $0x50, $0x38;
	[tilespmem:$0x18CE0] =	vst v63  }
0xd0: {  	_ =	swait.ge [sflag:s1], $0x50  }
0xd1: {  	[sflag:s1] =	ssyncset.done $0x0  }
0xd2: {  	[sflag:s1] =	ssyncadd.s32 $0xFFFFFFB0  }
0xd3: {  	_ =	swait.ge [sflag:s1], $0x50  }
0xd4: {  	[sflag:s1] =	ssyncset.done $0x0  }
0xd5: {  	[sflag:s1] =	ssyncadd.s32 $0xFFFFFFB0  }
0xd6: {  	_ =	swait.ge [sflag:s1], $0x50  }
0xd7: {  	[sflag:s1] =	ssyncset.done $0x0  }
0xd8: {  	[sflag:s1] =	ssyncadd.s32 $0xFFFFFFB0  }
0xd9: {  	_ =	swait.ge [sflag:s24], $0x2800  }
0xda: {  	[sflag:s24] =	ssyncset.done $0x0  }
0xdb: {  	[sflag:s24] =	ssyncadd.s32 $0xFFFFD800  }
0xdc: {  	v2 =	vld [tilespmem:$0x140]  }
0xdd: {  	v3 =	vld [tilespmem:$0x0]  }
0xde: {  	v5 =	vld [tilespmem:$0xA0]  }
0xdf: {  	v4 =	vld [tilespmem:$0x150]  }
0xe0: {  	v7 =	vld [tilespmem:$0x10]  }
0xe1: {  	v8 =	vld [tilespmem:$0x160];
	v6 =	vshll.u32 v2, $0x1  }
0xe2: {  	v9 =	vld [tilespmem:$0xB0];
	v6 =	vor.u32 v0, v6  }
0xe3: {  	v55 =	vld [tilespmem:$0xC0];
	v54 =	vshll.u32 v5, $0x4;
	v6 =	vmul.u32 $0x2710, v6  }
0xe4: {  	v11 =	vld [tilespmem:$0x20];
	v10 =	vshll.u32 v4, $0x1;
	[tilespmem:$0x320] =	vst v5;
	v2 =	vadd.s32 v2, v54  }
0xe5: {  	v12 =	vld [tilespmem:$0x170];
	v10 =	vor.u32 v0, v10;
	[tilespmem:$0x280] =	vst v2;
	v3 =	vadd.s32 v3, v6  }
0xe6: {  	v56 =	vld [tilespmem:$0x30];
	v2 =	vshll.u32 v8, $0x1;
	[tilespmem:$0x1E0] =	vst v3;
	v3 =	vmul.u32 $0x2710, v10  }
0xe7: {  	v58 =	vld [tilespmem:$0x180];
	[tilespmem:$0x330] =	vst v9;
	v2 =	vor.u32 v0, v2  }
0xe8: {  	v59 =	vld [tilespmem:$0xD0];
	v57 =	vshll.u32 v9, $0x4;
	[tilespmem:$0x340] =	vst v55;
	v2 =	vmul.u32 $0x2710, v2;
	v3 =	vadd.s32 v7, v3  }
0xe9: {  	v62 =	vld [tilespmem:$0xE0];
	[tilespmem:$0x1F0] =	vst v3;
	v3 =	vadd.s32 v4, v57  }
0xea: {  	v60 =	vshll.u32 v55, $0x4;
	v2 =	vadd.s32 v11, v2;
	[tilespmem:$0x290] =	vst v3;
	v3 =	vshll.u32 v12, $0x1  }
0xeb: {  	v61 =	vld [tilespmem:$0x40];
	[tilespmem:$0x200] =	vst v2;
	v2 =	vadd.s32 v8, v60;
	v3 =	vor.u32 v0, v3  }
0xec: {  	[tilespmem:$0x2A0] =	vst v2;
	v2 =	vshll.u32 v58, $0x1;
	v3 =	vmul.u32 $0x2710, v3  }
0xed: {  	[tilespmem:$0x350] =	vst v59;
	v2 =	vor.u32 v0, v2  }
0xee: {  	v63 =	vshll.u32 v59, $0x4;
	[tilespmem:$0x360] =	vst v62;
	v2 =	vmul.u32 $0x2710, v2;
	v3 =	vadd.s32 v56, v3  }
0xef: {  	[tilespmem:$0x210] =	vst v3;
	v3 =	vadd.s32 v12, v63  }
0xf0: {  	v2 =	vadd.s32 v61, v2;
	[tilespmem:$0x2B0] =	vst v3;
	v3 =	vshll.u32 v62, $0x4  }
0xf1: {  	[tilespmem:$0x220] =	vst v2;
	v2 =	vadd.s32 v58, v3  }
0xf2: {  	[tilespmem:$0x2C0] =	vst v2  }
0xf3: {  	[tilespmem:s25], [sflag:$0x3] =	stream.indirect.gather [hbm4b:s4+s30], $0x80, s7, s30, $0xb8;
	[tilespmem:$0x18CE0] =	vst v63  }
0xf4: {  	_ = 	snop  }
0xf5: {  	[tilespmem:s9], [sflag:$0x5] =	stream.indirect.gather [hbm4b:s5+s30], $0x1, s8, s30, $0xb8;
	[tilespmem:$0x18CE0] =	vst v63  }
0xf6: {  	_ =	swait.ge [sflag:s21], $0x2800  }
0xf7: {  	[sflag:s21] =	ssyncset.done $0x0  }
0xf8: {  	[sflag:s21] =	ssyncadd.s32 $0xFFFFD800  }
0xf9: {  	_ =	swait.ge [sflag:s22], $0x50  }
0xfa: {  	[sflag:s22] =	ssyncset.done $0x0  }
0xfb: {  	[sflag:s22] =	ssyncadd.s32 $0xFFFFFFB0  }
0xfc: {  	[spmem:s2] =	stream.indirect.scatter.add.f32 [tilespmem:s12], [sflag:$0x8], $0x80, s23, s30, $0xb8;
	[tilespmem:$0x18CE0] =	vst v63  }
0xfd: {  	s26 =	sadd.s32 $0x1E, s26  }
0xfe: {  	[tilespmem:s30], [sflag:$0x2] =	stream.linear.gather [hbm4b:s26+s3], $0x50, $0x38;
	[tilespmem:$0x18CE0] =	vst v63  }
.Ltmp4:
0xff: {  	_ = 	snop;
	(pc) =	sbr.rel .LBB2_4-.Ltmp4, $4  }
0x100: {  	s0 =	sadd.s32 $0x1E, s28;
	s28 =	simm.s32 $0xF0  }
0x101: {  	[tilespmem:s28], [sflag:$0x2] =	stream.linear.gather [hbm4b:s0+s3], $0x50, $0x38;
	[tilespmem:$0x18CE0] =	vst v63  }
0x102: {  	s6 =	sadd.s32 $0x14, s6;
	s29 =	sadd.s32 $0x1E, s29;
	s31 =	simm.s32 $0x190  }
0x103: {  	[tilespmem:s31], [sflag:$0x2] =	stream.linear.gather [hbm4b:s29+s3], $0x50, $0x38;
	[tilespmem:$0x18CE0] =	vst v63  }
.LBB2_7:
0x104: {  	_ =	sfence.sel $0x180000  }
0x105: {  	[bflag:$0x0] =	sbarrier.arrive $0xFFFF  }
0x106: {  	_ =	strace $0x9000004D  }
0x107: {  	s0 =	stileid.u32;
	[bflag:$0x2] =	sbarrier.arrive $0xFFFF  }
0x108: {  	p0 =	sne.s32 s0, $0x0;
	s0 =	rddreg [dreg:$0x3]  }
0x109: {  	s0 =	sadd.s32 @!p0 $0x100000, s0  }
0x10a: {  	[sflag:s0] =	ssyncadd.tile.s32 @!p0 $0x1;
	_ =	shalt  }
.Lfunc_end2:
_tile_overlayer_lowered:
.L_overlay_start_2:
0x10b: {  	(tag) =	ssettag $0x2  }
0x10c: {  	s0 =	rddreg [dreg:$0x0];
	s2 =	stileid.u32  }
0x10d: {  	s1 =	rddreg [dreg:$0x1];
	p0 =	sne.s32 s2, $0x0  }
0x10e: {  	s3 =	rddreg [dreg:$0x2];
	[bflag:$0x3] =	sbarrier.arrive $0xFFFF;
	s2 =	simm.s32 @!p0 $0x1C09  }
0x10f: {  	[timem:s3], [sflag:s2] =	dma.local @!p0 [hbm:s0], s1  }
0x110: {  	s0 =	simm.s32 @!p0 $0x9  }
0x111: {  	_ =	swait.ge @!p0 [sflag:s0], s1  }
0x112: {  	s1 =	ssub.s32 @!p0 $0x0, s1;
	[sflag:s0] =	ssyncset.done @!p0 $0x0  }
0x113: {  	[sflag:s0] =	ssyncadd.s32 @!p0 s1  }
0x114: {  	[bflag:$0x3] =	sbarrier.arrive $0xFFFF  }
0x115: {  	_ =	shalt  }

// kernel: kernel.21.cloned.1.call-start
scs
__scs_entry_jumppad:
0x0: {  	(pc) =	sbr.rel $0x88, $3  }
0x1: {  	(tag) =	ssettag $0x0;
	lr =	simm.s32 $0x1  }
0x2: {  	[smem:$0x3F92] =	sst lr;
	_ =	strace $0xD0000000  }
0x3: {  	_ = 	snop  }
0x4: {  	_ = 	snop  }
0x5: {  	_ = 	snop  }
0x6: {  	_ = 	snop  }
0x7: {  	_ = 	snop  }
__scs_overlays_trampoline_lowered:
0x8: {  	[smem:$0x3FA1] =	sst s0  }
0x9: {  	[smem:$0x3FA2] =	sst s1  }
0xa: {  	[smem:$0x3FA3] =	sst s2  }
0xb: {  	[smem:$0x3FA4] =	sst s3  }
0xc: {  	[smem:$0x3FA5] =	sst s4  }
0xd: {  	[smem:$0x3FA6] =	sst s5  }
0xe: {  	[smem:$0x3FA7] =	sst s6  }
0xf: {  	[smem:$0x3FA8] =	sst s7  }
0x10: {  	[smem:$0x3FA9] =	sst s8  }
0x11: {  	[smem:$0x3FAA] =	sst s9;
	s0 =	simm.s32 @!p0 $0x0  }
0x12: {  	s1 =	sld [smem:$0x3F90];
	s0 =	simm.s32 @p0 $0x1  }
0x13: {  	[smem:$0x3FAB] =	sst s0;
	s0 =	simm.s32 @!p1 $0x0  }
0x14: {  	s2 =	sld [smem:$0x3F8F];
	s0 =	simm.s32 @p1 $0x1  }
0x15: {  	[smem:$0x3FAC] =	sst s0;
	s0 =	simm.s32 @!p2 $0x0  }
0x16: {  	s3 =	sld [smem:$0x3FDB];
	s0 =	simm.s32 @p2 $0x1  }
0x17: {  	s4 =	simm.s32 $0x1BF5;
	[smem:$0x3FAE] =	sst s0  }
0x18: {  	s0 =	sld [smem:$0x3F91];
	_ =	swait.ge [sflag:s4], $0x0  }
0x19: {  	s7 =	sld [smem:$0x3F92]  }
0x1a: {  	s8 =	sadd.s32 $0xFFFFE003, lr  }
0x1b: {  	s9 =	sadd.s32 $0xFFFFFEF7, lr;
	s5 =	simm.s32 $0xFFFFFFFF;
	p2 =	slt.u32 s8, $0xFFFFF086  }
0x1c: {  	p1 =	slt.u32 s9, $0xF7A;
	s5 =	simm.s32 @!p2 $0x0  }
0x1d: {  	s5 =	simm.s32 @p1 $0x1;
	p0 =	seq.s32 s7, s2  }
0x1e: {  	s7 =	smul.u32 @!p0 $0xF7A, s2;
	p2 =	seq.s32 @!p0 s5, $0x0  }
0x1f: {  	s9 =	smul.u32 $0xF7A, s1;
	s8 =	simm.s32 @!p0 $0x1BF5;
	p2 =	por !p2, p0  }
0x20: {  	[sflag:s8] =	ssyncset.s32 @!p0 $0xFFFFF086;
	s6 =	sadd.s32 @!p0 s3, s7;
	s7 =	simm.s32 @!p0 $0x108  }
0x21: {  	s3 =	sadd.s32 s3, s9;
	s6 =	sadd.s32 @!p0 $0x88, s6;
	s7 =	simm.s32 @p2 $0x1082  }
0x22: {  	[simem:s7], [sflag:s8] =	dma.local @!p0 [hbm:s6], $0xF7A  }
0x23: {  	s9 =	sor.u32 $0xD0000000, s2;
	s6 =	simm.s32 $0x108;
	_ =	swait.ge @!p0 [sflag:s8], $0x0  }
0x24: {  	s3 =	sadd.s32 $0x88, s3;
	s6 =	simm.s32 @!p1 $0x1082;
	[sflag:s4] =	ssyncset.s32 $0xFFFFF086  }
0x25: {  	[simem:s6], [sflag:s4] =	dma.local [hbm:s3], $0xF7A  }
0x26: {  	[smem:$0x3F92] =	sst s1;
	(tag) =	ssettag s2;
	_ =	strace s9  }
0x27: {  	s1 =	sld [smem:$0x3FA2]  }
0x28: {  	s2 =	sld [smem:$0x3FA3]  }
0x29: {  	s4 =	sld [smem:$0x3FA5]  }
0x2a: {  	p0 =	seq.s32 s5, $0x0;
	s5 =	sld [smem:$0x3FA6]  }
0x2b: {  	s6 =	sld [smem:$0x3FA7]  }
0x2c: {  	s7 =	sld [smem:$0x3FA8]  }
0x2d: {  	s3 =	simm.s32 $0x108;
	s8 =	sld [smem:$0x3FA9]  }
0x2e: {  	s3 =	simm.s32 @!p0 $0x1082;
	s9 =	sld [smem:$0x3FAA]  }
0x2f: {  	lr =	sadd.s32 s0, s3;
	s0 =	sld [smem:$0x3FA1]  }
0x30: {  	s3 =	sld [smem:$0x3FA4]  }
0x31: {  	[smem:$0x3FAD] =	sst s10  }
0x32: {  	s10 =	sld [smem:$0x3FAB];
	_ =	sdelay $0x3  }
0x33: {  	p0 =	seq.s32 s10, $0x1;
	s10 =	sld [smem:$0x3FAD];
	_ =	sdelay $0x3  }
0x34: {  	[smem:$0x3FAD] =	sst s10  }
0x35: {  	s10 =	sld [smem:$0x3FAC];
	_ =	sdelay $0x3  }
0x36: {  	p1 =	seq.s32 s10, $0x1;
	s10 =	sld [smem:$0x3FAD];
	_ =	sdelay $0x3  }
0x37: {  	[smem:$0x3FAD] =	sst s10  }
0x38: {  	s10 =	sld [smem:$0x3FAE]  }
0x39: {  	_ = 	snop;
	(pc) =	sbr.ind lr, $3  }
0x3a: {  	_ = 	snop  }
0x3b: {  	_ = 	snop  }
0x3c: {  	p2 =	seq.s32 s10, $0x1;
	s10 =	sld [smem:$0x3FAD]  }
0x3d: {  	_ =	shalt  }
0x3e: {  	_ =	shalt  }
0x3f: {  	_ =	shalt  }
0x40: {  	_ =	shalt  }
0x41: {  	_ =	shalt  }
0x42: {  	_ =	shalt  }
0x43: {  	_ =	shalt  }
0x44: {  	_ =	shalt  }
0x45: {  	_ =	shalt  }
0x46: {  	_ =	shalt  }
0x47: {  	_ =	shalt  }
0x48: {  	_ =	shalt  }
0x49: {  	_ =	shalt  }
0x4a: {  	_ =	shalt  }
0x4b: {  	_ =	shalt  }
0x4c: {  	_ =	shalt  }
0x4d: {  	_ =	shalt  }
0x4e: {  	_ =	shalt  }
0x4f: {  	_ =	shalt  }
0x50: {  	_ =	shalt  }
0x51: {  	_ =	shalt  }
0x52: {  	_ =	shalt  }
0x53: {  	_ =	shalt  }
0x54: {  	_ =	shalt  }
0x55: {  	_ =	shalt  }
0x56: {  	_ =	shalt  }
0x57: {  	_ =	shalt  }
0x58: {  	_ =	shalt  }
0x59: {  	_ =	shalt  }
0x5a: {  	_ =	shalt  }
0x5b: {  	_ =	shalt  }
0x5c: {  	_ =	shalt  }
0x5d: {  	_ =	shalt  }
0x5e: {  	_ =	shalt  }
0x5f: {  	_ =	shalt  }
0x60: {  	_ =	shalt  }
0x61: {  	_ =	shalt  }
0x62: {  	_ =	shalt  }
0x63: {  	_ =	shalt  }
0x64: {  	_ =	shalt  }
0x65: {  	_ =	shalt  }
0x66: {  	_ =	shalt  }
0x67: {  	_ =	shalt  }
0x68: {  	_ =	shalt  }
0x69: {  	_ =	shalt  }
0x6a: {  	_ =	shalt  }
0x6b: {  	_ =	shalt  }
0x6c: {  	_ =	shalt  }
0x6d: {  	_ =	shalt  }
0x6e: {  	_ =	shalt  }
0x6f: {  	_ =	shalt  }
0x70: {  	_ =	shalt  }
0x71: {  	_ =	shalt  }
0x72: {  	_ =	shalt  }
0x73: {  	_ =	shalt  }
0x74: {  	_ =	shalt  }
0x75: {  	_ =	shalt  }
0x76: {  	_ =	shalt  }
0x77: {  	_ =	shalt  }
0x78: {  	_ =	shalt  }
0x79: {  	_ =	shalt  }
0x7a: {  	_ =	shalt  }
0x7b: {  	_ =	shalt  }
0x7c: {  	_ =	shalt  }
0x7d: {  	_ =	shalt  }
0x7e: {  	_ =	shalt  }
0x7f: {  	_ =	shalt  }
0x80: {  	_ =	shalt  }
0x81: {  	_ =	shalt  }
0x82: {  	_ =	shalt  }
0x83: {  	_ =	shalt  }
0x84: {  	_ =	shalt  }
0x85: {  	_ =	shalt  }
0x86: {  	_ =	shalt  }
0x87: {  	_ =	shalt  }
.Lfunc_end0:
.L_simem_size_0:
called_computation.3_lowered:
.L_overlay_start_0:
0x88: {  	s2 =	sld [smem:$0x3FD9]  }
0x89: {  	s3 =	sld [smem:$0x3FFE];
	_ =	sdelay $0x1  }
0x8a: {  	s1 =	srdreg.scid  }
0x8b: {  	s0 =	sand.u32 $0x1, s1  }
0x8c: {  	s17 =	sshll.u32 s0, $0xA;
	s2 =	sadd.s32 s3, s2  }
0x8d: {  	s2 =	sadd.s32 s2, s17  }
0x8e: {  	[smem:$0x3FB9] =	sst s2  }
0x8f: {  	_ = 	snop  }
0x90: {  	s2 =	sld [smem:$0x3FD0];
	(tm) =	ssettm $0x1  }
0x91: {  	s18 =	sld [smem:$0x3FFB];
	_ =	sdelay $0x3  }
0x92: {  	_ =	strace s18  }
0x93: {  	s3 =	sld [smem:$0x3FFC];
	_ =	sdelay $0x3  }
0x94: {  	_ =	strace s3  }
0x95: {  	s3 =	sld [smem:$0x3FFD];
	_ =	sdelay $0x3  }
0x96: {  	_ =	strace s3  }
0x97: {  	_ =	strace $0x8FFFFFFF  }
0x98: {  	s19 =	sld [smem:$0x3FDB];
	_ =	sdelay $0x1  }
0x99: {  	s4 =	simm.s32 $_scs_section_size  }
0x9a: {  	s5 =	simm.s32 $_size__tile_overlayer_lowered;
	s6 =	simm.s32 $_tile_overlayer_lowered  }
0x9b: {  	s22 =	simm.s32 $0x1BFF;
	s21 =	sshll.u32 s6, $0x1;
	s3 =	sadd.s32 s4, s19  }
0x9c: {  	s7 =	simm.s32 $0x0;
	s20 =	sshll.u32 s5, $0x1;
	s5 =	sadd.s32 s21, s3  }
0x9d: {  	[timem:s7], [sflag:s22] =	dma.local [hbm:s5], s20  }
0x9e: {  	_ =	swait.ge [sflag:s22], s20  }
0x9f: {  	s4 =	ssub.s32 $0x0, s20;
	[sflag:s22] =	ssyncset.done $0x0  }
0xa0: {  	[sflag:s22] =	ssyncadd.s32 s4;
	_ =	sdelay $0x1  }
0xa1: {  	s23 =	simm.s32 $0x1B8B  }
0xa2: {  	_ =	swait.ge [sflag:s23], $0x1  }
0xa3: {  	[sflag:s23] =	ssyncset.done $0x0  }
0xa4: {  	s25 =	simm.s32 $0x1B8E;
	s24 =	sld [smem:$0x3FFE];
	[sflag:s23] =	ssyncadd.s32 $0xFFFFFFFF  }
0xa5: {  	s26 =	simm.s32 $execute0_lowered;
	[smem:$0x3FD2] =	sst s25  }
0xa6: {  	s5 =	sshll.u32 s26, $0x1;
	_ =	strace $0x8000004F;
	[dreg:$0x1] =	wrdreg $0xFFFFFFFF  }
0xa7: {  	s28 =	simm.s32 $_size_execute0_lowered;
	s3 =	sadd.s32 s3, s5;
	[dreg:$0x0] =	wrdreg $0x0  }
0xa8: {  	s5 =	sshll.u32 s28, $0x1;
	[dreg:$0x2] =	wrdreg s3  }
0xa9: {  	[dreg:$0x3] =	wrdreg s5  }
0xaa: {  	[dreg:$0x4] =	wrdreg $0xC0  }
0xab: {  	_ =	task [dreg:s7], $0x5FFFF  }
0xac: {  	[dreg:$0x1] =	wrdreg $0xFFFFFFFF  }
0xad: {  	[dreg:$0x0] =	wrdreg $0x60  }
0xae: {  	[dreg:$0x2] =	wrdreg s24  }
0xaf: {  	[dreg:$0x3] =	wrdreg s2  }
0xb0: {  	[dreg:$0x4] =	wrdreg $0x9  }
0xb1: {  	_ =	task.clear_ibuf [dreg:s7], $0x5FFFF;
	_ =	strace $0x9000004F  }
0xb2: {  	s29 =	simm.s32 $0x9;
	_ =	strace $0x80000051  }
0xb3: {  	_ =	swait.ge [sflag:s29], $0x1  }
0xb4: {  	[sflag:s29] =	ssyncadd.s32 $0xFFFFFFFF  }
0xb5: {  	_ =	strace $0x90000051  }
0xb6: {  	_ =	sfence  }
0xb7: {  	s30 =	sld [smem:$0x0];
	_ =	sdelay $0x2  }
0xb8: {  	s31 =	sshll.u32 s1, $0xD;
	s1 =	sshrl.u32 s1, $0x2  }
0xb9: {  	s3 =	sand.u32 $0x4000, s31;
	s1 =	sadd.s32 s1, s30  }
0xba: {  	s0 =	sor.u32 s3, s0;
	s1 =	sshll.u32 s1, $0x11  }
0xbb: {  	s0 =	sor.u32 s1, s0  }
0xbc: {  	s0 =	sadd.s32 $0x8F2B, s0  }
0xbd: {  	[sflag:s0] =	ssyncadd.remote.s32 $0x1  }
0xbe: {  	_ =	sfence.sel $0xFFFF  }
0xbf: {  	[dreg:$0x0] =	wrdreg $0xFFFFFFFF;
	(pc) =	sbr.abs _section_cstart, $3  }
0xc0: {  	[dreg:$0x1] =	wrdreg $0xFFFFFFFF  }
0xc1: {  	_ =	task.clear_ibuf [dreg:s7], $0x2FFFF;
	_ =	strace $0x9FFFFFFF  }
0xc2: {  	(tm) =	ssettm $0x7FFFFFFF  }
0xc3: {  	_ =	shalt  }
tec
execute0_lowered:
.L_overlay_start_1:
0x0: {  	(tag) =	ssettag $0x1  }
0x1: {  	s1 =	srdreg.scid  }
0x2: {  	s0 =	stileid.u32;
	s15 =	sand.u32 $0x1, s1  }
0x3: {  	s2 =	sshll.u32 s0, $0x7;
	s1 =	sshll.u32 s15, $0xB  }
0x4: {  	s12 =	rddreg [dreg:$0x0];
	s9 =	sor.u32 s2, s1  }
0x5: {  	s13 =	rddreg [dreg:$0x1];
	s2 =	simm.s32 $0x0;
	s14 =	sshrl.u32 s9, $0x3  }
0x6: {  	s3 =	simm.s32 $0x2;
	[smem:$0x7FF] =	sst s2;
	s11 =	sadd.s32 s14, s12  }
0x7: {  	s1 =	rddreg [dreg:$0x2];
	_ =	strace $0x80000050;
	s8 =	sadd.s32 $0x59BE00, s11  }
0x8: {  	[tilespmem:s2], [sflag:$0x2] =	stream.linear.gather [hbm4b:s8+s2], $0x80, $0x38;
	[tilespmem:$0x4100] =	vst v63  }
0x9: {  	_ =	swait.ge [sflag:s3], $0x80  }
0xa: {  	[sflag:s3] =	ssyncset.done $0x0  }
0xb: {  	[sflag:s3] =	ssyncadd.s32 $0xFFFFFF80  }
0xc: {  	v0 =	vld [tilespmem:$0x70]  }
0xd: {  	v1 =	vld [tilespmem:$0x30]  }
0xe: {  	v2 =	vld [tilespmem:$0x20]  }
0xf: {  	v5 =	vld [tilespmem:$0x10]  }
0x10: {  	v3 =	vld [tilespmem:$0x50]  }
0x11: {  	v4 =	vld [tilespmem:$0x60];
	v0 =	vshll.u32 v0, $0x1  }
0x12: {  	v6 =	vld [tilespmem:$0x0];
	v1 =	vshll.u32 v1, $0x1;
	[tilespmem:$0xF0] =	vst v0  }
0x13: {  	v0 =	vshll.u32 v2, $0x1;
	[tilespmem:$0xB0] =	vst v1;
	v1 =	vld [tilespmem:$0x40]  }
0x14: {  	v2 =	vshll.u32 v5, $0x1;
	[tilespmem:$0xA0] =	vst v0  }
0x15: {  	v0 =	vshll.u32 v3, $0x1;
	[tilespmem:$0x90] =	vst v2  }
0x16: {  	[tilespmem:$0xD0] =	vst v0;
	v0 =	vshll.u32 v4, $0x1  }
0x17: {  	[tilespmem:$0xE0] =	vst v0;
	v0 =	vshll.u32 v6, $0x1  }
0x18: {  	s6 =	simm.s32 $0x80;
	[tilespmem:$0x80] =	vst v0;
	v0 =	vshll.u32 v1, $0x1  }
0x19: {  	s4 =	simm.s32 $0x100;
	s5 =	simm.s32 $0x1;
	s7 =	sadd.s32 $0x4400, s12;
	[tilespmem:$0xC0] =	vst v0  }
0x1a: {  	[tilespmem:s4], [sflag:$0x1] =	stream.indirect.gather [hbm4b:s7+s6], $0x80, s6, s6, $0xb8;
	[tilespmem:$0x4100] =	vst v63  }
0x1b: {  	s9 =	sshll.u32 s9, $0x4;
	_ =	swait.ge [sflag:s5], $0x4000  }
0x1c: {  	s17 =	sadd.s32 s9, s12;
	[sflag:s5] =	ssyncset.done $0x0  }
0x1d: {  	s9 =	sadd.s32 $0x52600, s17;
	[sflag:s5] =	ssyncadd.s32 $0xFFFFC000  }
0x1e: {  	[hbm4b:s9+s2] =	stream.linear.scatter [tilespmem:s4], [sflag:$0x2], $0x4000, $0x38;
	[tilespmem:$0x4100] =	vst v63  }
0x1f: {  	_ =	swait.ge [sflag:s3], $0x4000  }
0x20: {  	[sflag:s3] =	ssyncset.done $0x0  }
0x21: {  	[sflag:s3] =	ssyncadd.s32 $0xFFFFC000  }
0x22: {  	[tilespmem:s2], [sflag:$0x2] =	stream.linear.gather [hbm4b:s8+s2], $0x80, $0x38;
	[tilespmem:$0x4100] =	vst v63  }
0x23: {  	_ =	swait.ge [sflag:s3], $0x80  }
0x24: {  	[sflag:s3] =	ssyncset.done $0x0  }
0x25: {  	[sflag:s3] =	ssyncadd.s32 $0xFFFFFF80  }
0x26: {  	v0 =	vld [tilespmem:$0x70]  }
0x27: {  	v1 =	vld [tilespmem:$0x50]  }
0x28: {  	v2 =	vld [tilespmem:$0x60]  }
0x29: {  	v3 =	vld [tilespmem:$0x30]  }
0x2a: {  	v59 =	vld [tilespmem:$0x10]  }
0x2b: {  	v60 =	vld [tilespmem:$0x20];
	v0 =	vshll.u32 v0, $0x1  }
0x2c: {  	v61 =	vld [tilespmem:$0x40];
	v1 =	vshll.u32 v1, $0x1;
	v0 =	vor.u32 $0x1, v0  }
0x2d: {  	v7 =	vld [tilespmem:$0x0];
	v2 =	vshll.u32 v2, $0x1;
	v1 =	vor.u32 $0x1, v1;
	[tilespmem:$0xF0] =	vst v0  }
0x2e: {  	v0 =	vshll.u32 v3, $0x1;
	[tilespmem:$0xD0] =	vst v1;
	v1 =	vor.u32 $0x1, v2  }
0x2f: {  	v2 =	vshll.u32 v59, $0x1;
	v0 =	vor.u32 $0x1, v0;
	[tilespmem:$0xE0] =	vst v1  }
0x30: {  	v1 =	vor.u32 $0x1, v2;
	v2 =	vshll.u32 v60, $0x1;
	[tilespmem:$0xB0] =	vst v0  }
0x31: {  	v0 =	vshll.u32 v61, $0x1;
	[tilespmem:$0x90] =	vst v1;
	v1 =	vor.u32 $0x1, v2  }
0x32: {  	v2 =	vshll.u32 v7, $0x1;
	v0 =	vor.u32 $0x1, v0;
	[tilespmem:$0xA0] =	vst v1  }
0x33: {  	v1 =	vor.u32 $0x1, v2;
	[tilespmem:$0xC0] =	vst v0  }
0x34: {  	[tilespmem:$0x80] =	vst v1  }
0x35: {  	[tilespmem:s4], [sflag:$0x1] =	stream.indirect.gather [hbm4b:s7+s6], $0x80, s6, s6, $0xb8;
	[tilespmem:$0x4100] =	vst v63  }
0x36: {  	_ =	swait.ge [sflag:s5], $0x4000  }
0x37: {  	[sflag:s5] =	ssyncset.done $0x0  }
0x38: {  	s10 =	sadd.s32 $0x62600, s17;
	[sflag:s5] =	ssyncadd.s32 $0xFFFFC000  }
0x39: {  	[hbm4b:s10+s2] =	stream.linear.scatter [tilespmem:s4], [sflag:$0x2], $0x4000, $0x38;
	[tilespmem:$0x4100] =	vst v63  }
0x3a: {  	_ =	swait.ge [sflag:s3], $0x4000  }
0x3b: {  	[sflag:s3] =	ssyncset.done $0x0  }
0x3c: {  	s11 =	sadd.s32 $0x59BC00, s11;
	[sflag:s3] =	ssyncadd.s32 $0xFFFFC000  }
0x3d: {  	[tilespmem:s2], [sflag:$0x2] =	stream.linear.gather [hbm4b:s11+s2], $0x80, $0x38;
	[tilespmem:$0x4100] =	vst v63  }
0x3e: {  	_ =	swait.ge [sflag:s3], $0x80  }
0x3f: {  	[sflag:s3] =	ssyncset.done $0x0  }
0x40: {  	[sflag:s3] =	ssyncadd.s32 $0xFFFFFF80  }
0x41: {  	v0 =	vld [tilespmem:$0x0]  }
0x42: {  	v1 =	vld [tilespmem:$0x10]  }
0x43: {  	v2 =	vld [tilespmem:$0x20]  }
0x44: {  	v3 =	vld [tilespmem:$0x30]  }
0x45: {  	v63 =	vld [tilespmem:$0x40]  }
0x46: {  	v62 =	vld [tilespmem:$0x60];
	v0 =	vshll.u32 v0, $0x1  }
0x47: {  	[tilespmem:$0x80] =	vst v0;
	v0 =	vshll.u32 v1, $0x1;
	v1 =	vld [tilespmem:$0x70]  }
0x48: {  	[tilespmem:$0x90] =	vst v0;
	v0 =	vshll.u32 v2, $0x1;
	v2 =	vld [tilespmem:$0x50]  }
0x49: {  	[tilespmem:$0xA0] =	vst v0;
	v0 =	vshll.u32 v3, $0x1  }
0x4a: {  	v3 =	vshll.u32 v63, $0x1;
	[tilespmem:$0xB0] =	vst v0  }
0x4b: {  	v0 =	vshll.u32 v62, $0x1;
	[tilespmem:$0xC0] =	vst v3  }
0x4c: {  	[tilespmem:$0xE0] =	vst v0;
	v0 =	vshll.u32 v1, $0x1  }
0x4d: {  	v1 =	vshll.u32 v2, $0x1;
	[tilespmem:$0xF0] =	vst v0  }
0x4e: {  	[tilespmem:$0xD0] =	vst v1  }
0x4f: {  	[tilespmem:s4], [sflag:$0x1] =	stream.indirect.gather [hbm4b:s7+s6], $0x80, s6, s6, $0xb8;
	[tilespmem:$0x4100] =	vst v63  }
0x50: {  	_ =	swait.ge [sflag:s5], $0x4000  }
0x51: {  	s15 =	ssub.s32 $0x2, s15;
	[sflag:s5] =	ssyncset.done $0x0  }
0x52: {  	s18 =	sshrl.u32 s15, $0x1;
	s16 =	sadd.s32 $0x72600, s17;
	[sflag:s5] =	ssyncadd.s32 $0xFFFFC000  }
0x53: {  	[hbm4b:s16+s2] =	stream.linear.scatter [tilespmem:s4], [sflag:$0x2], $0x4000, $0x38;
	[tilespmem:$0x4100] =	vst v63  }
0x54: {  	s15 =	ssub.s32 s15, s18;
	_ =	swait.ge [sflag:s3], $0x4000  }
0x55: {  	s18 =	smax.u32 s15, $0x1;
	[sflag:s3] =	ssyncset.done $0x0  }
0x56: {  	p0 =	sne.s32 s18, $0x1;
	[sflag:s3] =	ssyncadd.s32 $0xFFFFC000  }
0x57: {  	[tilespmem:s2], [sflag:$0x2] =	stream.linear.gather [hbm4b:s11+s2], $0x80, $0x38;
	[tilespmem:$0x4100] =	vst v63  }
.Ltmp0:
0x58: {  	_ =	swait.ge [sflag:s3], $0x80;
	(pc) =	sbr.rel @!p0 .LBB2_2-.Ltmp0, $4  }
0x59: {  	[sflag:s3] =	ssyncset.done $0x0  }
0x5a: {  	[sflag:s3] =	ssyncadd.s32 $0xFFFFFF80  }
0x5b: {  	s12 =	sadd.s32 $0x59B400, s12;
	s14 =	sadd.s32 s13, s14;
	v1 =	vld [tilespmem:$0x0]  }
0x5c: {  	s15 =	sadd.s32 $0x82600, s17;
	s13 =	sadd.s32 $0x92600, s17;
	s17 =	sadd.s32 $0xFFFFFFFF, s18;
	v0 =	vld [tilespmem:$0x60]  }
.LBB2_1:
0x5d: {  	p0 =	sne.s32 s17, $0x1;
	s17 =	sadd.s32 $0xFFFFFFFF, s17;
	v2 =	vld [tilespmem:$0x20]  }
0x5e: {  	v3 =	vld [tilespmem:$0x30]  }
0x5f: {  	v4 =	vld [tilespmem:$0x50]  }
0x60: {  	v1 =	vshll.u32 v1, $0x1;
	v5 =	vld [tilespmem:$0x40]  }
0x61: {  	v1 =	vor.u32 $0x1, v1;
	v0 =	vshll.u32 v0, $0x1;
	v6 =	vld [tilespmem:$0x70]  }
0x62: {  	[tilespmem:$0x80] =	vst v1;
	v1 =	vld [tilespmem:$0x10];
	v2 =	vshll.u32 v2, $0x1;
	v0 =	vor.u32 $0x1, v0  }
0x63: {  	v2 =	vor.u32 $0x1, v2;
	v3 =	vshll.u32 v3, $0x1;
	[tilespmem:$0xE0] =	vst v0  }
0x64: {  	[tilespmem:$0xA0] =	vst v2;
	v0 =	vor.u32 $0x1, v3;
	v2 =	vshll.u32 v4, $0x1  }
0x65: {  	[tilespmem:$0xB0] =	vst v0;
	v0 =	vshll.u32 v5, $0x1;
	v2 =	vor.u32 $0x1, v2  }
0x66: {  	v0 =	vor.u32 $0x1, v0;
	[tilespmem:$0xD0] =	vst v2;
	v2 =	vshll.u32 v6, $0x1  }
0x67: {  	v1 =	vshll.u32 v1, $0x1;
	[tilespmem:$0xC0] =	vst v0;
	v0 =	vor.u32 $0x1, v2  }
0x68: {  	v1 =	vor.u32 $0x1, v1;
	[tilespmem:$0xF0] =	vst v0  }
0x69: {  	[tilespmem:$0x90] =	vst v1  }
0x6a: {  	[tilespmem:s4], [sflag:$0x1] =	stream.indirect.gather [hbm4b:s7+s6], $0x80, s6, s6, $0xb8;
	[tilespmem:$0x4100] =	vst v63  }
0x6b: {  	_ =	swait.ge [sflag:s5], $0x4000  }
0x6c: {  	[sflag:s5] =	ssyncset.done $0x0  }
0x6d: {  	[sflag:s5] =	ssyncadd.s32 $0xFFFFC000  }
0x6e: {  	[hbm4b:s15+s2] =	stream.linear.scatter [tilespmem:s4], [sflag:$0x2], $0x4000, $0x38;
	[tilespmem:$0x4100] =	vst v63  }
0x6f: {  	_ =	swait.ge [sflag:s3], $0x4000  }
0x70: {  	[sflag:s3] =	ssyncset.done $0x0  }
0x71: {  	[sflag:s3] =	ssyncadd.s32 $0xFFFFC000  }
0x72: {  	[tilespmem:s2], [sflag:$0x2] =	stream.linear.gather [hbm4b:s14+s2], $0x80, $0x38;
	[tilespmem:$0x4100] =	vst v63  }
0x73: {  	_ =	swait.ge [sflag:s3], $0x80  }
0x74: {  	[sflag:s3] =	ssyncset.done $0x0  }
0x75: {  	[sflag:s3] =	ssyncadd.s32 $0xFFFFFF80  }
0x76: {  	[tilespmem:s4], [sflag:$0x1] =	stream.indirect.gather [hbm4b:s12+s6], $0x80, s2, s6, $0xb8;
	[tilespmem:$0x4100] =	vst v63  }
0x77: {  	_ =	swait.ge [sflag:s5], $0x4000  }
0x78: {  	[sflag:s5] =	ssyncset.done $0x0  }
0x79: {  	[sflag:s5] =	ssyncadd.s32 $0xFFFFC000  }
0x7a: {  	[hbm4b:s13+s2] =	stream.linear.scatter [tilespmem:s4], [sflag:$0x2], $0x4000, $0x38;
	[tilespmem:$0x4100] =	vst v63  }
0x7b: {  	_ =	swait.ge [sflag:s3], $0x4000  }
0x7c: {  	[sflag:s3] =	ssyncset.done $0x0  }
0x7d: {  	[sflag:s3] =	ssyncadd.s32 $0xFFFFC000  }
0x7e: {  	[tilespmem:s2], [sflag:$0x2] =	stream.linear.gather [hbm4b:s8+s2], $0x80, $0x38;
	[tilespmem:$0x4100] =	vst v63  }
0x7f: {  	_ =	swait.ge [sflag:s3], $0x80  }
0x80: {  	[sflag:s3] =	ssyncset.done $0x0  }
0x81: {  	[sflag:s3] =	ssyncadd.s32 $0xFFFFFF80  }
0x82: {  	v0 =	vld [tilespmem:$0x70]  }
0x83: {  	v1 =	vld [tilespmem:$0x30]  }
0x84: {  	v2 =	vld [tilespmem:$0x20]  }
0x85: {  	v3 =	vld [tilespmem:$0x50]  }
0x86: {  	v4 =	vld [tilespmem:$0x60]  }
0x87: {  	v5 =	vld [tilespmem:$0x10];
	v0 =	vshll.u32 v0, $0x1  }
0x88: {  	v6 =	vld [tilespmem:$0x0];
	v1 =	vshll.u32 v1, $0x1;
	[tilespmem:$0xF0] =	vst v0  }
0x89: {  	v0 =	vshll.u32 v2, $0x1;
	[tilespmem:$0xB0] =	vst v1;
	v1 =	vld [tilespmem:$0x40]  }
0x8a: {  	[tilespmem:$0xA0] =	vst v0;
	v0 =	vshll.u32 v3, $0x1  }
0x8b: {  	[tilespmem:$0xD0] =	vst v0;
	v0 =	vshll.u32 v4, $0x1  }
0x8c: {  	v2 =	vshll.u32 v5, $0x1;
	[tilespmem:$0xE0] =	vst v0  }
0x8d: {  	v0 =	vshll.u32 v6, $0x1;
	[tilespmem:$0x90] =	vst v2  }
0x8e: {  	[tilespmem:$0x80] =	vst v0;
	v0 =	vshll.u32 v1, $0x1  }
0x8f: {  	[tilespmem:$0xC0] =	vst v0  }
0x90: {  	[tilespmem:s4], [sflag:$0x1] =	stream.indirect.gather [hbm4b:s7+s6], $0x80, s6, s6, $0xb8;
	[tilespmem:$0x4100] =	vst v63  }
0x91: {  	_ =	swait.ge [sflag:s5], $0x4000  }
0x92: {  	[sflag:s5] =	ssyncset.done $0x0  }
0x93: {  	[sflag:s5] =	ssyncadd.s32 $0xFFFFC000  }
0x94: {  	[hbm4b:s9+s2] =	stream.linear.scatter [tilespmem:s4], [sflag:$0x2], $0x4000, $0x38;
	[tilespmem:$0x4100] =	vst v63  }
0x95: {  	_ =	swait.ge [sflag:s3], $0x4000  }
0x96: {  	[sflag:s3] =	ssyncset.done $0x0  }
0x97: {  	[sflag:s3] =	ssyncadd.s32 $0xFFFFC000  }
0x98: {  	[tilespmem:s2], [sflag:$0x2] =	stream.linear.gather [hbm4b:s8+s2], $0x80, $0x38;
	[tilespmem:$0x4100] =	vst v63  }
0x99: {  	_ =	swait.ge [sflag:s3], $0x80  }
0x9a: {  	[sflag:s3] =	ssyncset.done $0x0  }
0x9b: {  	[sflag:s3] =	ssyncadd.s32 $0xFFFFFF80  }
0x9c: {  	v0 =	vld [tilespmem:$0x60]  }
0x9d: {  	v1 =	vld [tilespmem:$0x70]  }
0x9e: {  	v2 =	vld [tilespmem:$0x50]  }
0x9f: {  	v3 =	vld [tilespmem:$0x40]  }
0xa0: {  	v4 =	vld [tilespmem:$0x30]  }
0xa1: {  	v5 =	vld [tilespmem:$0x10]  }
0xa2: {  	v6 =	vld [tilespmem:$0x20];
	v1 =	vshll.u32 v1, $0x1  }
0xa3: {  	v7 =	vld [tilespmem:$0x0];
	v2 =	vshll.u32 v2, $0x1;
	v1 =	vor.u32 $0x1, v1  }
0xa4: {  	v0 =	vshll.u32 v0, $0x1;
	v3 =	vshll.u32 v3, $0x1;
	v2 =	vor.u32 $0x1, v2;
	[tilespmem:$0xF0] =	vst v1  }
0xa5: {  	v0 =	vor.u32 $0x1, v0;
	v1 =	vshll.u32 v4, $0x1;
	v3 =	vor.u32 $0x1, v3;
	[tilespmem:$0xD0] =	vst v2  }
0xa6: {  	v2 =	vshll.u32 v5, $0x1;
	v1 =	vor.u32 $0x1, v1;
	[tilespmem:$0xE0] =	vst v0  }
0xa7: {  	v0 =	vor.u32 $0x1, v2;
	v2 =	vshll.u32 v6, $0x1;
	[tilespmem:$0xB0] =	vst v1  }
0xa8: {  	v1 =	vshll.u32 v7, $0x1;
	[tilespmem:$0x90] =	vst v0;
	v0 =	vor.u32 $0x1, v2  }
0xa9: {  	v1 =	vor.u32 $0x1, v1;
	[tilespmem:$0xA0] =	vst v0  }
0xaa: {  	[tilespmem:$0xC0] =	vst v3  }
0xab: {  	[tilespmem:$0x80] =	vst v1  }
0xac: {  	[tilespmem:s4], [sflag:$0x1] =	stream.indirect.gather [hbm4b:s7+s6], $0x80, s6, s6, $0xb8;
	[tilespmem:$0x4100] =	vst v63  }
0xad: {  	_ =	swait.ge [sflag:s5], $0x4000  }
0xae: {  	[sflag:s5] =	ssyncset.done $0x0  }
0xaf: {  	[sflag:s5] =	ssyncadd.s32 $0xFFFFC000  }
0xb0: {  	[hbm4b:s10+s2] =	stream.linear.scatter [tilespmem:s4], [sflag:$0x2], $0x4000, $0x38;
	[tilespmem:$0x4100] =	vst v63  }
0xb1: {  	_ =	swait.ge [sflag:s3], $0x4000  }
0xb2: {  	[sflag:s3] =	ssyncset.done $0x0  }
0xb3: {  	[sflag:s3] =	ssyncadd.s32 $0xFFFFC000  }
0xb4: {  	[tilespmem:s2], [sflag:$0x2] =	stream.linear.gather [hbm4b:s11+s2], $0x80, $0x38;
	[tilespmem:$0x4100] =	vst v63  }
0xb5: {  	_ =	swait.ge [sflag:s3], $0x80  }
0xb6: {  	[sflag:s3] =	ssyncset.done $0x0  }
0xb7: {  	[sflag:s3] =	ssyncadd.s32 $0xFFFFFF80  }
0xb8: {  	v0 =	vld [tilespmem:$0x0]  }
0xb9: {  	v1 =	vld [tilespmem:$0x10]  }
0xba: {  	v2 =	vld [tilespmem:$0x20]  }
0xbb: {  	v3 =	vld [tilespmem:$0x30]  }
0xbc: {  	v4 =	vld [tilespmem:$0x60]  }
0xbd: {  	v0 =	vshll.u32 v0, $0x1;
	v5 =	vld [tilespmem:$0x40]  }
0xbe: {  	[tilespmem:$0x80] =	vst v0;
	v0 =	vshll.u32 v1, $0x1;
	v1 =	vld [tilespmem:$0x70]  }
0xbf: {  	[tilespmem:$0x90] =	vst v0;
	v0 =	vshll.u32 v2, $0x1;
	v2 =	vld [tilespmem:$0x50]  }
0xc0: {  	[tilespmem:$0xA0] =	vst v0;
	v0 =	vshll.u32 v3, $0x1  }
0xc1: {  	[tilespmem:$0xB0] =	vst v0;
	v0 =	vshll.u32 v4, $0x1  }
0xc2: {  	v3 =	vshll.u32 v5, $0x1;
	[tilespmem:$0xE0] =	vst v0  }
0xc3: {  	[tilespmem:$0xC0] =	vst v3;
	v0 =	vshll.u32 v1, $0x1  }
0xc4: {  	v1 =	vshll.u32 v2, $0x1;
	[tilespmem:$0xF0] =	vst v0  }
0xc5: {  	[tilespmem:$0xD0] =	vst v1  }
0xc6: {  	[tilespmem:s4], [sflag:$0x1] =	stream.indirect.gather [hbm4b:s7+s6], $0x80, s6, s6, $0xb8;
	[tilespmem:$0x4100] =	vst v63  }
0xc7: {  	_ =	swait.ge [sflag:s5], $0x4000  }
0xc8: {  	[sflag:s5] =	ssyncset.done $0x0  }
0xc9: {  	[sflag:s5] =	ssyncadd.s32 $0xFFFFC000  }
0xca: {  	[hbm4b:s16+s2] =	stream.linear.scatter [tilespmem:s4], [sflag:$0x2], $0x4000, $0x38;
	[tilespmem:$0x4100] =	vst v63  }
0xcb: {  	_ =	swait.ge [sflag:s3], $0x4000  }
0xcc: {  	[sflag:s3] =	ssyncset.done $0x0  }
0xcd: {  	[sflag:s3] =	ssyncadd.s32 $0xFFFFC000  }
0xce: {  	[tilespmem:s2], [sflag:$0x2] =	stream.linear.gather [hbm4b:s11+s2], $0x80, $0x38;
	[tilespmem:$0x4100] =	vst v63  }
.Ltmp1:
0xcf: {  	_ =	swait.ge [sflag:s3], $0x80;
	(pc) =	sbr.rel @p0 .LBB2_1-.Ltmp1, $4  }
0xd0: {  	[sflag:s3] =	ssyncset.done $0x0  }
0xd1: {  	[sflag:s3] =	ssyncadd.s32 $0xFFFFFF80  }
0xd2: {  	v1 =	vld [tilespmem:$0x0]  }
0xd3: {  	v0 =	vld [tilespmem:$0x60]  }
.LBB2_2:
0xd4: {  	v2 =	vld [tilespmem:$0x20]  }
0xd5: {  	v3 =	vld [tilespmem:$0x30]  }
0xd6: {  	v5 =	vld [tilespmem:$0x40]  }
0xd7: {  	v6 =	vld [tilespmem:$0x70];
	v1 =	vshll.u32 v1, $0x1  }
0xd8: {  	v58 =	vld [tilespmem:$0x10];
	v1 =	vor.u32 $0x1, v1;
	v0 =	vshll.u32 v0, $0x1  }
0xd9: {  	v4 =	vld [tilespmem:$0x50];
	[tilespmem:$0x80] =	vst v1;
	v2 =	vshll.u32 v2, $0x1;
	v0 =	vor.u32 $0x1, v0  }
0xda: {  	v3 =	vshll.u32 v3, $0x1;
	v2 =	vor.u32 $0x1, v2;
	[tilespmem:$0xE0] =	vst v0  }
0xdb: {  	v61 =	vshll.u32 v5, $0x1;
	v59 =	vor.u32 $0x1, v3;
	[tilespmem:$0xA0] =	vst v2  }
0xdc: {  	v62 =	vshll.u32 v6, $0x1;
	v0 =	vor.u32 $0x1, v61;
	[tilespmem:$0xB0] =	vst v59  }
0xdd: {  	v1 =	vshll.u32 v58, $0x1;
	v63 =	vor.u32 $0x1, v62;
	[tilespmem:$0xC0] =	vst v0  }
0xde: {  	v60 =	vshll.u32 v4, $0x1;
	v1 =	vor.u32 $0x1, v1;
	[tilespmem:$0xF0] =	vst v63  }
0xdf: {  	v2 =	vor.u32 $0x1, v60;
	[tilespmem:$0x90] =	vst v1  }
0xe0: {  	[tilespmem:$0xD0] =	vst v2  }
0xe1: {  	[tilespmem:s4], [sflag:$0x1] =	stream.indirect.gather [hbm4b:s7+s6], $0x80, s6, s6, $0xb8;
	[tilespmem:$0x4100] =	vst v63  }
0xe2: {  	_ =	swait.ge [sflag:s5], $0x4000  }
0xe3: {  	[sflag:s5] =	ssyncset.done $0x0  }
0xe4: {  	[sflag:s5] =	ssyncadd.s32 $0xFFFFC000  }
0xe5: {  	[hbm4b:s15+s2] =	stream.linear.scatter [tilespmem:s4], [sflag:$0x2], $0x4000, $0x38;
	[tilespmem:$0x4100] =	vst v63  }
0xe6: {  	_ =	swait.ge [sflag:s3], $0x4000  }
0xe7: {  	[sflag:s3] =	ssyncset.done $0x0  }
0xe8: {  	[sflag:s3] =	ssyncadd.s32 $0xFFFFC000  }
0xe9: {  	[tilespmem:s2], [sflag:$0x2] =	stream.linear.gather [hbm4b:s14+s2], $0x80, $0x38;
	[tilespmem:$0x4100] =	vst v63  }
0xea: {  	_ =	swait.ge [sflag:s3], $0x80  }
0xeb: {  	[sflag:s3] =	ssyncset.done $0x0  }
0xec: {  	[sflag:s3] =	ssyncadd.s32 $0xFFFFFF80  }
0xed: {  	[tilespmem:s4], [sflag:$0x1] =	stream.indirect.gather [hbm4b:s12+s6], $0x80, s2, s6, $0xb8;
	[tilespmem:$0x4100] =	vst v63  }
0xee: {  	_ =	swait.ge [sflag:s5], $0x4000  }
0xef: {  	[sflag:s5] =	ssyncset.done $0x0  }
0xf0: {  	[sflag:s5] =	ssyncadd.s32 $0xFFFFC000  }
0xf1: {  	[hbm4b:s13+s2] =	stream.linear.scatter [tilespmem:s4], [sflag:$0x2], $0x4000, $0x38;
	[tilespmem:$0x4100] =	vst v63  }
0xf2: {  	_ =	swait.ge [sflag:s3], $0x4000  }
0xf3: {  	[sflag:s3] =	ssyncset.done $0x0  }
0xf4: {  	[sflag:s3] =	ssyncadd.s32 $0xFFFFC000  }
0xf5: {  	_ =	sfence.sel $0x180000  }
0xf6: {  	[bflag:$0x0] =	sbarrier.arrive $0xFFFF  }
0xf7: {  	p0 =	sne.s32 s0, $0x0;
	_ =	strace $0x90000050  }
0xf8: {  	s0 =	sadd.s32 @!p0 $0x100000, s1;
	[bflag:$0x2] =	sbarrier.arrive $0xFFFF  }
0xf9: {  	[sflag:s0] =	ssyncadd.tile.s32 @!p0 $0x1;
	_ =	shalt  }
.Lfunc_end2:
_tile_overlayer_lowered:
.L_overlay_start_2:
0xfa: {  	(tag) =	ssettag $0x2  }
0xfb: {  	s0 =	rddreg [dreg:$0x0];
	s2 =	stileid.u32  }
0xfc: {  	s1 =	rddreg [dreg:$0x1];
	p0 =	sne.s32 s2, $0x0  }
0xfd: {  	s3 =	rddreg [dreg:$0x2];
	[bflag:$0x3] =	sbarrier.arrive $0xFFFF;
	s2 =	simm.s32 @!p0 $0x1C02  }
0xfe: {  	[timem:s3], [sflag:s2] =	dma.local @!p0 [hbm:s0], s1  }
0xff: {  	s0 =	simm.s32 @!p0 $0x2  }
0x100: {  	_ =	swait.ge @!p0 [sflag:s0], s1  }
0x101: {  	s1 =	ssub.s32 @!p0 $0x0, s1;
	[sflag:s0] =	ssyncset.done @!p0 $0x0  }
0x102: {  	[sflag:s0] =	ssyncadd.s32 @!p0 s1  }
0x103: {  	[bflag:$0x3] =	sbarrier.arrive $0xFFFF  }
0x104: {  	_ =	shalt  }

</sc_bundles>
